<compile_context>
chip_gen: v7x
topology: tpu7x:2x2x1
jax: 0.10.2.dev20260603
libtpu: 0.0.44.dev20260713+nightly
codegen_flags: <defaults>
</compile_context>

<pallas_src>
import functools

import jax
import jax.numpy as jnp
from jax import lax
from jax.experimental import pallas as pl
from jax.experimental.pallas import tpu as pltpu
from jax.experimental.pallas import tpu_sc as plsc

NC, NS = 2, 16
NW = NC * NS
CH = 128


def _mesh():
    return plsc.VectorSubcoreMesh(
        core_axis_name="c", subcore_axis_name="s",
        num_cores=NC, num_subcores=NS)


def _sc_scatter_add(edges, dst, n_nodes):
    E, D = edges.shape
    n_chunks = E // CH
    assert n_chunks * CH == E
    rows_per_tile = -(-n_nodes // (NS * 8)) * 8
    n_pad = rows_per_tile * NS
    NB = 3

    @functools.partial(
        pl.kernel,
        out_type=jax.ShapeDtypeStruct((NC, n_pad, D), jnp.float32),
        mesh=_mesh(),
        scratch_types=[
            pltpu.VMEM((NB, CH), jnp.int32),
            pltpu.VMEM((NB, CH, D), jnp.float32),
            pltpu.VMEM_SHARED((n_pad, D), jnp.float32),
            pltpu.SemaphoreType.DMA((NB,)),
            pltpu.SemaphoreType.DMA((NB,)),
        ],
    )
    def body(edges_hbm, dst_hbm, out_hbm, idx_v, rows_v, acc_sh,
             sem_i, sem_r):
        c = lax.axis_index("c")
        s = lax.axis_index("s")
        w = s * NC + c

        def zf(i, carry):
            for j in range(D // 16):
                rows_v[0, i, pl.ds(16 * j, 16)] = jnp.zeros((16,), jnp.float32)
            return carry
        lax.fori_loop(0, CH, zf, 0)
        for j in range(rows_per_tile // CH):
            pltpu.sync_copy(
                rows_v.at[0],
                acc_sh.at[pl.ds(s * rows_per_tile + j * CH, CH)])
        rem = rows_per_tile % CH
        if rem:
            pltpu.sync_copy(
                rows_v.at[0, pl.ds(0, rem)],
                acc_sh.at[pl.ds(
                    s * rows_per_tile + (rows_per_tile // CH) * CH, rem)])
        plsc.subcore_barrier()

        cnt = n_chunks // NW + jnp.where(w < (n_chunks % NW), 1, 0)

        def base_of(t):
            return (w + NW * t) * CH

        def start_load(t, b):
            pltpu.async_copy(dst_hbm.at[pl.ds(base_of(t), CH)],
                             idx_v.at[b], sem_i.at[b])
            pltpu.async_copy(edges_hbm.at[pl.ds(base_of(t), CH)],
                             rows_v.at[b], sem_r.at[b])

        def wait_load(t, b):
            pltpu.make_async_copy(dst_hbm.at[pl.ds(base_of(t), CH)],
                                  idx_v.at[b], sem_i.at[b]).wait()
            pltpu.make_async_copy(edges_hbm.at[pl.ds(base_of(t), CH)],
                                  rows_v.at[b], sem_r.at[b]).wait()

        start_load(0, 0)

        @pl.when(cnt > 1)
        def _():
            start_load(1, 1)

        def step_b(t, b):
            wait_load(t, b)

            @pl.when(t + 2 < cnt)
            def _():
                start_load(t + 2, (b + 2) % NB)

            pltpu.sync_copy(rows_v.at[b], acc_sh.at[idx_v.at[b]], add=True)

        def step(t, carry):
            for bb in range(NB):
                @pl.when(t % NB == bb)
                def _(bb=bb):
                    step_b(t, bb)
            return carry
        lax.fori_loop(0, cnt, step, 0)
        plsc.subcore_barrier()

        pltpu.sync_copy(
            acc_sh.at[pl.ds(s * rows_per_tile, rows_per_tile)],
            out_hbm.at[c, pl.ds(s * rows_per_tile, rows_per_tile)])

    return body(edges, dst)


def _sc_gather_sum(a_tab, b_tab, src, dst):
    _, D = a_tab.shape
    E = src.shape[0]
    n_chunks = E // CH
    NB = 3

    @functools.partial(
        pl.kernel,
        out_type=jax.ShapeDtypeStruct((E, D), jnp.float32),
        mesh=_mesh(),
        scratch_types=[
            pltpu.VMEM((NB, CH), jnp.int32),
            pltpu.VMEM((NB, CH), jnp.int32),
            pltpu.VMEM((NB, CH, D), jnp.float32),
            pltpu.VMEM((NB, CH, D), jnp.float32),
            pltpu.SemaphoreType.DMA((NB,)),
            pltpu.SemaphoreType.DMA((NB,)),
            pltpu.SemaphoreType.DMA((NB,)),
            pltpu.SemaphoreType.DMA((NB,)),
        ],
    )
    def body(a_hbm, b_hbm, src_hbm, dst_hbm, out_hbm,
             si_v, di_v, buf_a, buf_b, sem_i, sem_j, sem_g, sem_o):
        c = lax.axis_index("c")
        s = lax.axis_index("s")
        w = s * NC + c

        cnt = n_chunks // NW + jnp.where(w < (n_chunks % NW), 1, 0)

        def base_of(t):
            return (w + NW * t) * CH

        def start_idx(t, b):
            pltpu.async_copy(src_hbm.at[pl.ds(base_of(t), CH)],
                             si_v.at[b], sem_i.at[b])
            pltpu.async_copy(dst_hbm.at[pl.ds(base_of(t), CH)],
                             di_v.at[b], sem_j.at[b])

        def wait_idx(t, b):
            pltpu.make_async_copy(src_hbm.at[pl.ds(base_of(t), CH)],
                                  si_v.at[b], sem_i.at[b]).wait()
            pltpu.make_async_copy(dst_hbm.at[pl.ds(base_of(t), CH)],
                                  di_v.at[b], sem_j.at[b]).wait()

        def start_gathers(b):
            pltpu.async_copy(a_hbm.at[si_v.at[b]], buf_a.at[b], sem_g.at[b])
            pltpu.async_copy(b_hbm.at[di_v.at[b]], buf_b.at[b], sem_g.at[b])

        def wait_gathers(b):
            pltpu.make_async_copy(a_hbm.at[si_v.at[b]], buf_a.at[b],
                                  sem_g.at[b]).wait()
            pltpu.make_async_copy(b_hbm.at[di_v.at[b]], buf_b.at[b],
                                  sem_g.at[b]).wait()

        def start_out(t, b):
            pltpu.async_copy(buf_a.at[b], out_hbm.at[pl.ds(base_of(t), CH)],
                             sem_o.at[b])

        def wait_out(t, b):
            pltpu.make_async_copy(buf_a.at[b],
                                  out_hbm.at[pl.ds(base_of(t), CH)],
                                  sem_o.at[b]).wait()

        def add_and_out(t, b):
            def add_row(i, cc):
                for j in range(D // 16):
                    sl = pl.ds(16 * j, 16)
                    buf_a[b, i, sl] = buf_a[b, i, sl] + buf_b[b, i, sl]
                return cc
            lax.fori_loop(0, CH, add_row, 0)
            start_out(t, b)

        start_idx(0, 0)

        def step_b(t, b):
            wait_idx(t, b)

            @pl.when(t >= NB)
            def _():
                wait_out(t - NB, b)
            start_gathers(b)

            @pl.when(t + 1 < cnt)
            def _():
                start_idx(t + 1, (b + 1) % NB)

            @pl.when(t >= 1)
            def _():
                wait_gathers((b + NB - 1) % NB)
                add_and_out(t - 1, (b + NB - 1) % NB)

        def step(t, carry):
            for bb in range(NB):
                @pl.when(t % NB == bb)
                def _(bb=bb):
                    step_b(t, bb)
            return carry
        lax.fori_loop(0, cnt, step, 0)

        def tail_b(bl):
            wait_gathers(bl)
            add_and_out(cnt - 1, bl)
            wait_out(cnt - 3, (bl + 1) % NB)
            wait_out(cnt - 2, (bl + 2) % NB)
            wait_out(cnt - 1, bl)

        for bb in range(NB):
            @pl.when((cnt - 1) % NB == bb)
            def _(bb=bb):
                tail_b(bb)

    return body(a_tab, b_tab, src, dst)


def _ln(h, g, b, eps=1e-5):
    m = jnp.mean(h, axis=-1, keepdims=True)
    v = jnp.mean((h - m) ** 2, axis=-1, keepdims=True)
    return (h - m) * lax.rsqrt(v + eps) * g + b


def _tc_node(nodes, msg_parts, nW0x, nW0m, nb0, ng0, nbe0,
             nW1, nb1, ng1, nbe1, eW0a, eW0b):
    N, D = nodes.shape
    BN = 2000
    assert N % BN == 0
    grid = (N // BN,)

    def body(x_ref, m_ref, w0x_ref, w0m_ref, b0_ref, g0_ref, be0_ref,
             w1_ref, b1_ref, g1_ref, be1_ref, wa_ref, wb_ref,
             nn_ref, a_ref, b_ref):
        x = x_ref[...]
        m = m_ref[0] + m_ref[1]
        h = (jnp.dot(x, w0x_ref[...], preferred_element_type=jnp.float32)
             + jnp.dot(m, w0m_ref[...], preferred_element_type=jnp.float32)
             + b0_ref[...])
        h = jnp.maximum(_ln(h, g0_ref[...], be0_ref[...]), 0.0)
        h = jnp.dot(h, w1_ref[...], preferred_element_type=jnp.float32) + b1_ref[...]
        h = jnp.maximum(_ln(h, g1_ref[...], be1_ref[...]), 0.0)
        nn = h + x
        nn_ref[...] = nn
        a_ref[...] = jnp.dot(nn, wa_ref[...], preferred_element_type=jnp.float32)
        b_ref[...] = jnp.dot(nn, wb_ref[...], preferred_element_type=jnp.float32)

    blk = pl.BlockSpec((BN, D), lambda i: (i, 0))
    wspec = pl.BlockSpec((D, D), lambda i: (0, 0))
    vspec = pl.BlockSpec((1, D), lambda i: (0, 0))
    return pl.pallas_call(
        body,
        grid=grid,
        in_specs=[blk, pl.BlockSpec((2, BN, D), lambda i: (0, i, 0)),
                  wspec, wspec, vspec, vspec, vspec,
                  wspec, vspec, vspec, vspec, wspec, wspec],
        out_specs=[blk, blk, blk],
        out_shape=[jax.ShapeDtypeStruct((N, D), jnp.float32)] * 3,
    )(nodes, msg_parts, nW0x, nW0m, nb0, ng0, nbe0,
      nW1, nb1, ng1, nbe1, eW0a, eW0b)


def _tc_edge(edges, gsum, eW0e, eb0, eg0, ebe0, eW1, eb1, eg1, ebe1):
    E, D = edges.shape
    BE = 8000
    assert E % BE == 0
    grid = (E // BE,)

    def body(x_ref, g_ref, w0_ref, b0_ref, g0_ref, be0_ref,
             w1_ref, b1_ref, g1_ref, be1_ref, out_ref):
        x = x_ref[...]
        h = (jnp.dot(x.astype(jnp.bfloat16), w0_ref[...],
                     preferred_element_type=jnp.float32)
             + g_ref[...] + b0_ref[...])
        h = jnp.maximum(_ln(h, g0_ref[...], be0_ref[...]), 0.0)
        h = jnp.dot(h.astype(jnp.bfloat16), w1_ref[...],
                    preferred_element_type=jnp.float32) + b1_ref[...]
        h = jnp.tanh(_ln(h, g1_ref[...], be1_ref[...]))
        out_ref[...] = h + x

    blk = pl.BlockSpec((BE, D), lambda i: (i, 0))
    wspec = pl.BlockSpec((D, D), lambda i: (0, 0))
    vspec = pl.BlockSpec((1, D), lambda i: (0, 0))
    return pl.pallas_call(
        body,
        grid=grid,
        in_specs=[blk, blk, wspec, vspec, vspec, vspec,
                  wspec, vspec, vspec, vspec],
        out_specs=blk,
        out_shape=jax.ShapeDtypeStruct((E, D), jnp.float32),
    )(edges, gsum, eW0e.astype(jnp.bfloat16), eb0, eg0, ebe0,
      eW1.astype(jnp.bfloat16), eb1, eg1, ebe1)


def kernel(nodes, edges, graph,
           eW0, eb0, eg0, ebe0, eW1, eb1, eg1, ebe1,
           nW0, nb0, ng0, nbe0, nW1, nb1, ng1, nbe1):
    N, D = nodes.shape
    E_sz = edges.shape[0]
    src = graph[0]
    dst = graph[1]

    msg_parts = _sc_scatter_add(edges, dst, N)

    r = lambda v: v.reshape(1, D)
    nodes_new, a_tab, b_tab = _tc_node(
        nodes, msg_parts,
        nW0[:D], nW0[D:], r(nb0), r(ng0), r(nbe0),
        nW1, r(nb1), r(ng1), r(nbe1),
        eW0[:D], eW0[D:2 * D])

    gsum = _sc_gather_sum(a_tab, b_tab, src, dst)

    edges_new = _tc_edge(
        edges, gsum, eW0[2 * D:], r(eb0), r(eg0), r(ebe0),
        eW1, r(eb1), r(eg1), r(ebe1))
    return (nodes_new, edges_new)

# --- scband reference (transcript-rebuilt; emitter-appended) ---
"""Pipeline reference for scband-interaction-gnnblock-43568148250790 (READ-ONLY COPY).

The authoritative reference and input builder live on the scoring server;
editing this copy changes nothing except your own understanding.
"""

import jax, jax.numpy as jnp
import numpy as np

N, E, D = 10000, 320000, 128


def layer_norm(x, g, b, eps=1e-5):
    m = jnp.mean(x, axis=-1, keepdims=True)
    v = jnp.var(x, axis=-1, keepdims=True)
    return (x - m) / jnp.sqrt(v + eps) * g + b


def mlp(x, W0, b0, g0, be0, W1, b1, g1, be1, out_act):
    # make_mlp: Linear -> LayerNorm -> hidden_activation (ReLU), then
    # Linear -> LayerNorm -> output_activation
    h = x @ W0 + b0
    h = layer_norm(h, g0, be0)
    h = jax.nn.relu(h)
    h = h @ W1 + b1
    h = layer_norm(h, g1, be1)
    return out_act(h)


def setup_inputs(seed: int = 0):
    key = jax.random.key(seed)
    ks = jax.random.split(key, 8)
    nodes = jax.random.normal(ks[0], (N, D), dtype=jnp.float32)
    edges = jax.random.normal(ks[1], (E, D), dtype=jnp.float32)
    graph = jax.random.randint(ks[2], (2, E), 0, N, dtype=jnp.int32)

    def lin(k, fi, fo):
        return jax.random.normal(k, (fi, fo), dtype=jnp.float32) / np.sqrt(fi)

    inp = {"nodes": nodes, "edges": edges, "graph": graph}
    # edge_network: input 3*latent = 384
    inp["eW0"] = lin(ks[3], 3 * D, D); inp["eb0"] = jnp.zeros((D,), jnp.float32)
    inp["eg0"] = jnp.ones((D,), jnp.float32); inp["ebe0"] = jnp.zeros((D,), jnp.float32)
    inp["eW1"] = lin(ks[4], D, D); inp["eb1"] = jnp.zeros((D,), jnp.float32)
    inp["eg1"] = jnp.ones((D,), jnp.float32); inp["ebe1"] = jnp.zeros((D,), jnp.float32)
    # node_network: input 2*latent = 256
    inp["nW0"] = lin(ks[5], 2 * D, D); inp["nb0"] = jnp.zeros((D,), jnp.float32)
    inp["ng0"] = jnp.ones((D,), jnp.float32); inp["nbe0"] = jnp.zeros((D,), jnp.float32)
    inp["nW1"] = lin(ks[6], D, D); inp["nb1"] = jnp.zeros((D,), jnp.float32)
    inp["ng1"] = jnp.ones((D,), jnp.float32); inp["nbe1"] = jnp.zeros((D,), jnp.float32)
    return inp


def reference(nodes, edges, graph,
              eW0, eb0, eg0, ebe0, eW1, eb1, eg1, ebe1,
              nW0, nb0, ng0, nbe0, nW1, nb1, ng1, nbe1):
    nodes_res = nodes
    edges_res = edges
    # scatter_add of edge features onto destination nodes (graph[1])
    edge_messages = jnp.zeros((nodes.shape[0], edges.shape[1]), dtype=edges.dtype).at[graph[1]].add(edges)
    node_inputs = jnp.concatenate([nodes, edge_messages], axis=-1)
    nodes_new = mlp(node_inputs, nW0, nb0, ng0, nbe0, nW1, nb1, ng1, nbe1, jax.nn.relu) + nodes_res
    edge_input = jnp.concatenate([nodes_new[graph[0]], nodes_new[graph[1]], edges], axis=-1)
    edges_new = mlp(edge_input, eW0, eb0, eg0, ebe0, eW1, eb1, eg1, ebe1, jnp.tanh) + edges_res
    return (nodes_new, edges_new)

if __name__ == "__main__":
    import jax
    _d = setup_inputs()
    print(jax.jit(kernel)(*tuple(_d.values())))

</pallas_src>

<mosaic_0001>
#map = affine_map<(d0, d1) -> (0, 0)>
#map1 = affine_map<(d0, d1) -> (0)>
module attributes {stable_mosaic.version = 14 : i64} {
  func.func @body(%arg0: i32, %arg1: i32, %arg2: memref<10000x128xf32, #tpu.memory_space<hbm>>, %arg3: memref<10000x128xf32, #tpu.memory_space<hbm>>, %arg4: memref<320000xi32, #tpu.memory_space<hbm>>, %arg5: memref<320000xi32, #tpu.memory_space<hbm>>, %arg6: memref<320000x128xf32, #tpu.memory_space<hbm>>, %arg7: memref<3x128xi32, #tpu.memory_space<vmem>>, %arg8: memref<3x128xi32, #tpu.memory_space<vmem>>, %arg9: memref<3x128x128xf32, #tpu.memory_space<vmem>>, %arg10: memref<3x128x128xf32, #tpu.memory_space<vmem>>, %arg11: memref<3x!tpu.dma_semaphore, #tpu.memory_space<semaphore_mem>>, %arg12: memref<3x!tpu.dma_semaphore, #tpu.memory_space<semaphore_mem>>, %arg13: memref<3x!tpu.dma_semaphore, #tpu.memory_space<semaphore_mem>>, %arg14: memref<3x!tpu.dma_semaphore, #tpu.memory_space<semaphore_mem>>) attributes {dimension_semantics = [#tpu.dimension_semantics<core_parallel>, #tpu.dimension_semantics<subcore_parallel>], iteration_bounds = array<i64: 2, 16>, scalar_prefetch = 0 : i64, scratch_operands = 8 : i64, tpu.core_type = #tpu.core_type<sc_vector_subcore>, window_params = [{transform_indices = #map}, {transform_indices = #map}, {transform_indices = #map1}, {transform_indices = #map1}, {transform_indices = #map}]} {
    %mul3A = arith.constant 2 : i32
    %mul3A_0 = arith.muli %arg1, %mul3A : i32
    %add3A = arith.addi %mul3A_0, %arg0 : i32
    %lt3A = arith.constant 4 : i32
    %lt3A_1 = arith.cmpi slt, %add3A, %lt3A : i32
    %jit3A = arith.constant 1 : i32
    %jit3A_2 = arith.constant 0 : i32
    %select_n3A = arith.select %lt3A_1, %jit3A, %jit3A_2 : i32
    %add3A_3 = arith.constant 78 : i32
    %add3A_4 = arith.addi %add3A_3, %select_n3A : i32
    %add3A_5 = arith.constant 0 : i32
    %add3A_6 = arith.addi %add3A, %add3A_5 : i32
    %mul3A_7 = arith.constant 128 : i32
    %mul3A_8 = arith.muli %add3A_6, %mul3A_7 : i32
    %dma_start3A = arith.constant 0 : i32
    %dma_start3A_9 = arith.constant 0 : i32
    %dma_start3A_10 = arith.constant 0 : i32
    %dma_start3A_11 = tpu.memref_slice %arg7[%dma_start3A, %dma_start3A_10] : memref<3x128xi32, #tpu.memory_space<vmem>> -> memref<1x128xi32, #tpu.memory_space<vmem>>
    %dma_start3A_12 = tpu.memref_squeeze %dma_start3A_11 : memref<1x128xi32, #tpu.memory_space<vmem>> -> memref<128xi32, #tpu.memory_space<vmem>>
    %dma_start3A_13 = tpu.memref_slice %arg4[%mul3A_8] : memref<320000xi32, #tpu.memory_space<hbm>> -> memref<128xi32, #tpu.memory_space<hbm>>
    %dma_start3A_14 = tpu.memref_slice %arg11[%dma_start3A_9] : memref<3x!tpu.dma_semaphore, #tpu.memory_space<semaphore_mem>> -> memref<1x!tpu.dma_semaphore, #tpu.memory_space<semaphore_mem>>
    %dma_start3A_15 = tpu.memref_squeeze %dma_start3A_14 : memref<1x!tpu.dma_semaphore, #tpu.memory_space<semaphore_mem>> -> memref<!tpu.dma_semaphore, #tpu.memory_space<semaphore_mem>>
    %dma_start3A_16 = arith.constant 0 : i32
    %dma_start3A_17 = tpu.memref_slice %arg7[%dma_start3A, %dma_start3A_16] : memref<3x128xi32, #tpu.memory_space<vmem>> -> memref<1x128xi32, #tpu.memory_space<vmem>>
    %dma_start3A_18 = tpu.memref_squeeze %dma_start3A_17 : memref<1x128xi32, #tpu.memory_space<vmem>> -> memref<128xi32, #tpu.memory_space<vmem>>
    %dma_start3A_19 = tpu.memref_slice %arg4[%mul3A_8] : memref<320000xi32, #tpu.memory_space<hbm>> -> memref<128xi32, #tpu.memory_space<hbm>>
    tpu.enqueue_dma source(%dma_start3A_19 : memref<128xi32, #tpu.memory_space<hbm>>) target(%dma_start3A_18 : memref<128xi32, #tpu.memory_space<vmem>>) target_semaphore(%dma_start3A_15 : memref<!tpu.dma_semaphore, #tpu.memory_space<semaphore_mem>>)
    %add3A_20 = arith.constant 0 : i32
    %add3A_21 = arith.addi %add3A, %add3A_20 : i32
    %mul3A_22 = arith.constant 128 : i32
    %mul3A_23 = arith.muli %add3A_21, %mul3A_22 : i32
    %dma_start3A_24 = arith.constant 0 : i32
    %dma_start3A_25 = arith.constant 0 : i32
    %dma_start3A_26 = arith.constant 0 : i32
    %dma_start3A_27 = tpu.memref_slice %arg8[%dma_start3A_24, %dma_start3A_26] : memref<3x128xi32, #tpu.memory_space<vmem>> -> memref<1x128xi32, #tpu.memory_space<vmem>>
    %dma_start3A_28 = tpu.memref_squeeze %dma_start3A_27 : memref<1x128xi32, #tpu.memory_space<vmem>> -> memref<128xi32, #tpu.memory_space<vmem>>
    %dma_start3A_29 = tpu.memref_slice %arg5[%mul3A_23] : memref<320000xi32, #tpu.memory_space<hbm>> -> memref<128xi32, #tpu.memory_space<hbm>>
    %dma_start3A_30 = tpu.memref_slice %arg12[%dma_start3A_25] : memref<3x!tpu.dma_semaphore, #tpu.memory_space<semaphore_mem>> -> memref<1x!tpu.dma_semaphore, #tpu.memory_space<semaphore_mem>>
    %dma_start3A_31 = tpu.memref_squeeze %dma_start3A_30 : memref<1x!tpu.dma_semaphore, #tpu.memory_space<semaphore_mem>> -> memref<!tpu.dma_semaphore, #tpu.memory_space<semaphore_mem>>
    %dma_start3A_32 = arith.constant 0 : i32
    %dma_start3A_33 = tpu.memref_slice %arg8[%dma_start3A_24, %dma_start3A_32] : memref<3x128xi32, #tpu.memory_space<vmem>> -> memref<1x128xi32, #tpu.memory_space<vmem>>
    %dma_start3A_34 = tpu.memref_squeeze %dma_start3A_33 : memref<1x128xi32, #tpu.memory_space<vmem>> -> memref<128xi32, #tpu.memory_space<vmem>>
    %dma_start3A_35 = tpu.memref_slice %arg5[%mul3A_23] : memref<320000xi32, #tpu.memory_space<hbm>> -> memref<128xi32, #tpu.memory_space<hbm>>
    tpu.enqueue_dma source(%dma_start3A_35 : memref<128xi32, #tpu.memory_space<hbm>>) target(%dma_start3A_34 : memref<128xi32, #tpu.memory_space<vmem>>) target_semaphore(%dma_start3A_31 : memref<!tpu.dma_semaphore, #tpu.memory_space<semaphore_mem>>)
    %while3A = arith.constant 0 : i32
    %while3A_36 = arith.constant 0 : i32
    %while3A_37 = arith.subi %add3A_4, %while3A_36 : i32
    %while3A_38 = arith.addi %while3A_36, %while3A_37 : i32
    %while3A_39 = arith.constant 1 : i32
    %while3A_40 = arith.divsi %while3A_37, %while3A_39 : i32
    %while3A_41 = arith.muli %while3A_40, %while3A_39 : i32
    %while3A_42 = arith.addi %while3A_36, %while3A_41 : i32
    %while3A_43 = arith.constant 1 : i32
    scf.for %while3A_107 = %while3A_36 to %while3A_42 step %while3A_43  : i32 {
      %jit3A_108 = arith.constant 3 : i32
      %eq3A_109 = arith.constant 0 : i32
      %eq3A_110 = arith.cmpi eq, %jit3A_108, %eq3A_109 : i32
      %jit3A_111 = arith.constant 1 : i32
      %select_n3A_112 = arith.select %eq3A_110, %jit3A_111, %jit3A_108 : i32
      %rem3A_113 = arith.remsi %while3A_107, %select_n3A_112 : i32
      %ne3A_114 = arith.constant 0 : i32
      %ne3A_115 = arith.cmpi ne, %rem3A_113, %ne3A_114 : i32
      %lt3A_116 = arith.constant 0 : i32
      %lt3A_117 = arith.cmpi slt, %rem3A_113, %lt3A_116 : i32
      %lt3A_118 = arith.constant 0 : i32
      %lt3A_119 = arith.cmpi slt, %select_n3A_112, %lt3A_118 : i32
      %ne3A_120 = arith.xori %lt3A_117, %lt3A_119 : i1
      %and3A_121 = arith.andi %ne3A_120, %ne3A_115 : i1
      %add3A_122 = arith.addi %rem3A_113, %select_n3A_112 : i32
      %select_n3A_123 = arith.select %and3A_121, %add3A_122, %rem3A_113 : i32
      %eq3A_124 = arith.constant 0 : i32
      %eq3A_125 = arith.cmpi eq, %select_n3A_123, %eq3A_124 : i32
      %convert_element_type3A_126 = arith.extui %eq3A_125 : i1 to i32
      %cond3A_127 = arith.constant 0 : i32
      %cond3A_128 = arith.cmpi ne, %convert_element_type3A_126, %cond3A_127 : i32
      scf.if %cond3A_128 {
        %mul3A_171 = arith.constant 32 : i32
        %mul3A_172 = arith.muli %mul3A_171, %while3A_107 : i32
        %add3A_173 = arith.addi %add3A, %mul3A_172 : i32
        %mul3A_174 = arith.constant 128 : i32
        %mul3A_175 = arith.muli %add3A_173, %mul3A_174 : i32
        %dma_wait3A = arith.constant 0 : i32
        %dma_wait3A_176 = arith.constant 0 : i32
        %dma_wait3A_177 = arith.constant 0 : i32
        %dma_wait3A_178 = tpu.memref_slice %arg7[%dma_wait3A, %dma_wait3A_177] : memref<3x128xi32, #tpu.memory_space<vmem>> -> memref<1x128xi32, #tpu.memory_space<vmem>>
        %dma_wait3A_179 = tpu.memref_squeeze %dma_wait3A_178 : memref<1x128xi32, #tpu.memory_space<vmem>> -> memref<128xi32, #tpu.memory_space<vmem>>
        %dma_wait3A_180 = tpu.memref_slice %arg4[%mul3A_175] : memref<320000xi32, #tpu.memory_space<hbm>> -> memref<128xi32, #tpu.memory_space<hbm>>
        %dma_wait3A_181 = tpu.memref_slice %arg11[%dma_wait3A_176] : memref<3x!tpu.dma_semaphore, #tpu.memory_space<semaphore_mem>> -> memref<1x!tpu.dma_semaphore, #tpu.memory_space<semaphore_mem>>
        %dma_wait3A_182 = tpu.memref_squeeze %dma_wait3A_181 : memref<1x!tpu.dma_semaphore, #tpu.memory_space<semaphore_mem>> -> memref<!tpu.dma_semaphore, #tpu.memory_space<semaphore_mem>>
        %dma_wait3A_183 = arith.constant 0 : i32
        %dma_wait3A_184 = tpu.memref_slice %arg7[%dma_wait3A, %dma_wait3A_183] : memref<3x128xi32, #tpu.memory_space<vmem>> -> memref<1x128xi32, #tpu.memory_space<vmem>>
        %dma_wait3A_185 = tpu.memref_squeeze %dma_wait3A_184 : memref<1x128xi32, #tpu.memory_space<vmem>> -> memref<128xi32, #tpu.memory_space<vmem>>
        %dma_wait3A_186 = tpu.memref_slice %arg4[%mul3A_175] : memref<320000xi32, #tpu.memory_space<hbm>> -> memref<128xi32, #tpu.memory_space<hbm>>
        tpu.wait_dma2 semaphore(%dma_wait3A_182 : memref<!tpu.dma_semaphore, #tpu.memory_space<semaphore_mem>>) src(%dma_wait3A_186 : memref<128xi32, #tpu.memory_space<hbm>>) dst(%dma_wait3A_185 : memref<128xi32, #tpu.memory_space<vmem>>)
        %mul3A_187 = arith.constant 32 : i32
        %mul3A_188 = arith.muli %mul3A_187, %while3A_107 : i32
        %add3A_189 = arith.addi %add3A, %mul3A_188 : i32
        %mul3A_190 = arith.constant 128 : i32
        %mul3A_191 = arith.muli %add3A_189, %mul3A_190 : i32
        %dma_wait3A_192 = arith.constant 0 : i32
        %dma_wait3A_193 = arith.constant 0 : i32
        %dma_wait3A_194 = arith.constant 0 : i32
        %dma_wait3A_195 = tpu.memref_slice %arg8[%dma_wait3A_192, %dma_wait3A_194] : memref<3x128xi32, #tpu.memory_space<vmem>> -> memref<1x128xi32, #tpu.memory_space<vmem>>
        %dma_wait3A_196 = tpu.memref_squeeze %dma_wait3A_195 : memref<1x128xi32, #tpu.memory_space<vmem>> -> memref<128xi32, #tpu.memory_space<vmem>>
        %dma_wait3A_197 = tpu.memref_slice %arg5[%mul3A_191] : memref<320000xi32, #tpu.memory_space<hbm>> -> memref<128xi32, #tpu.memory_space<hbm>>
        %dma_wait3A_198 = tpu.memref_slice %arg12[%dma_wait3A_193] : memref<3x!tpu.dma_semaphore, #tpu.memory_space<semaphore_mem>> -> memref<1x!tpu.dma_semaphore, #tpu.memory_space<semaphore_mem>>
        %dma_wait3A_199 = tpu.memref_squeeze %dma_wait3A_198 : memref<1x!tpu.dma_semaphore, #tpu.memory_space<semaphore_mem>> -> memref<!tpu.dma_semaphore, #tpu.memory_space<semaphore_mem>>
        %dma_wait3A_200 = arith.constant 0 : i32
        %dma_wait3A_201 = tpu.memref_slice %arg8[%dma_wait3A_192, %dma_wait3A_200] : memref<3x128xi32, #tpu.memory_space<vmem>> -> memref<1x128xi32, #tpu.memory_space<vmem>>
        %dma_wait3A_202 = tpu.memref_squeeze %dma_wait3A_201 : memref<1x128xi32, #tpu.memory_space<vmem>> -> memref<128xi32, #tpu.memory_space<vmem>>
        %dma_wait3A_203 = tpu.memref_slice %arg5[%mul3A_191] : memref<320000xi32, #tpu.memory_space<hbm>> -> memref<128xi32, #tpu.memory_space<hbm>>
        tpu.wait_dma2 semaphore(%dma_wait3A_199 : memref<!tpu.dma_semaphore, #tpu.memory_space<semaphore_mem>>) src(%dma_wait3A_203 : memref<128xi32, #tpu.memory_space<hbm>>) dst(%dma_wait3A_202 : memref<128xi32, #tpu.memory_space<vmem>>)
        %ge3A = arith.constant 3 : i32
        %ge3A_204 = arith.cmpi sge, %while3A_107, %ge3A : i32
        %convert_element_type3A_205 = arith.extui %ge3A_204 : i1 to i32
        %cond3A_206 = arith.constant 0 : i32
        %cond3A_207 = arith.cmpi ne, %convert_element_type3A_205, %cond3A_206 : i32
        scf.if %cond3A_207 {
          %sub3A_249 = arith.constant 3 : i32
          %sub3A_250 = arith.subi %while3A_107, %sub3A_249 : i32
          %mul3A_251 = arith.constant 32 : i32
          %mul3A_252 = arith.muli %mul3A_251, %sub3A_250 : i32
          %add3A_253 = arith.addi %add3A, %mul3A_252 : i32
          %mul3A_254 = arith.constant 128 : i32
          %mul3A_255 = arith.muli %add3A_253, %mul3A_254 : i32
          %dma_wait3A_256 = arith.constant 0 : i32
          %dma_wait3A_257 = arith.constant 0 : i32
          %dma_wait3A_258 = arith.constant 0 : i32
          %dma_wait3A_259 = arith.constant 0 : i32
          %dma_wait3A_260 = tpu.memref_slice %arg9[%dma_wait3A_256, %dma_wait3A_258, %dma_wait3A_259] : memref<3x128x128xf32, #tpu.memory_space<vmem>> -> memref<1x128x128xf32, #tpu.memory_space<vmem>>
          %dma_wait3A_261 = tpu.memref_squeeze %dma_wait3A_260 : memref<1x128x128xf32, #tpu.memory_space<vmem>> -> memref<128x128xf32, #tpu.memory_space<vmem>>
          %dma_wait3A_262 = arith.constant 0 : i32
          %dma_wait3A_263 = tpu.memref_slice %arg6[%mul3A_255, %dma_wait3A_262] : memref<320000x128xf32, #tpu.memory_space<hbm>> -> memref<128x128xf32, #tpu.memory_space<hbm>>
          %dma_wait3A_264 = tpu.memref_slice %arg14[%dma_wait3A_257] : memref<3x!tpu.dma_semaphore, #tpu.memory_space<semaphore_mem>> -> memref<1x!tpu.dma_semaphore, #tpu.memory_space<semaphore_mem>>
          %dma_wait3A_265 = tpu.memref_squeeze %dma_wait3A_264 : memref<1x!tpu.dma_semaphore, #tpu.memory_space<semaphore_mem>> -> memref<!tpu.dma_semaphore, #tpu.memory_space<semaphore_mem>>
          %dma_wait3A_266 = arith.constant 0 : i32
          %dma_wait3A_267 = tpu.memref_slice %arg6[%mul3A_255, %dma_wait3A_266] : memref<320000x128xf32, #tpu.memory_space<hbm>> -> memref<128x128xf32, #tpu.memory_space<hbm>>
          %dma_wait3A_268 = arith.constant 0 : i32
          %dma_wait3A_269 = arith.constant 0 : i32
          %dma_wait3A_270 = tpu.memref_slice %arg9[%dma_wait3A_256, %dma_wait3A_268, %dma_wait3A_269] : memref<3x128x128xf32, #tpu.memory_space<vmem>> -> memref<1x128x128xf32, #tpu.memory_space<vmem>>
          %dma_wait3A_271 = tpu.memref_squeeze %dma_wait3A_270 : memref<1x128x128xf32, #tpu.memory_space<vmem>> -> memref<128x128xf32, #tpu.memory_space<vmem>>
          tpu.wait_dma2 semaphore(%dma_wait3A_265 : memref<!tpu.dma_semaphore, #tpu.memory_space<semaphore_mem>>) src(%dma_wait3A_271 : memref<128x128xf32, #tpu.memory_space<vmem>>) dst(%dma_wait3A_267 : memref<128x128xf32, #tpu.memory_space<hbm>>)
        } else {
        }
        %dma_start3A_208 = arith.constant 0 : i32
        %dma_start3A_209 = arith.constant 0 : i32
        %dma_start3A_210 = arith.constant 0 : i32
        %dma_start3A_211 = arith.constant 0 : i32
        %dma_start3A_212 = arith.constant 0 : i32
        %dma_start3A_213 = tpu.memref_slice %arg9[%dma_start3A_209, %dma_start3A_211, %dma_start3A_212] : memref<3x128x128xf32, #tpu.memory_space<vmem>> -> memref<1x128x128xf32, #tpu.memory_space<vmem>>
        %dma_start3A_214 = tpu.memref_squeeze %dma_start3A_213 : memref<1x128x128xf32, #tpu.memory_space<vmem>> -> memref<128x128xf32, #tpu.memory_space<vmem>>
        %dma_start3A_215 = arith.constant 0 : i32
        %dma_start3A_216 = tpu.memref_slice %arg7[%dma_start3A_208, %dma_start3A_215] : memref<3x128xi32, #tpu.memory_space<vmem>> -> memref<1x128xi32, #tpu.memory_space<vmem>>
        %dma_start3A_217 = tpu.memref_squeeze %dma_start3A_216 : memref<1x128xi32, #tpu.memory_space<vmem>> -> memref<128xi32, #tpu.memory_space<vmem>>
        %dma_start3A_218 = arith.constant 0 : i32
        %dma_start3A_219 = arith.constant 0 : i32
        %dma_start3A_220 = tpu.memref_slice %arg2[%dma_start3A_218, %dma_start3A_219] : memref<10000x128xf32, #tpu.memory_space<hbm>> -> memref<10000x128xf32, #tpu.memory_space<hbm>>
        %dma_start3A_221 = tpu.memref_slice %arg13[%dma_start3A_210] : memref<3x!tpu.dma_semaphore, #tpu.memory_space<semaphore_mem>> -> memref<1x!tpu.dma_semaphore, #tpu.memory_space<semaphore_mem>>
        %dma_start3A_222 = tpu.memref_squeeze %dma_start3A_221 : memref<1x!tpu.dma_semaphore, #tpu.memory_space<semaphore_mem>> -> memref<!tpu.dma_semaphore, #tpu.memory_space<semaphore_mem>>
        tpu.enqueue_indirect_dma source(%dma_start3A_220 : memref<10000x128xf32, #tpu.memory_space<hbm>>) target(%dma_start3A_214 : memref<128x128xf32, #tpu.memory_space<vmem>>) offsets(%dma_start3A_217 : memref<128xi32, #tpu.memory_space<vmem>>) semaphore(%dma_start3A_222 : memref<!tpu.dma_semaphore, #tpu.memory_space<semaphore_mem>>)
        %dma_start3A_223 = arith.constant 0 : i32
        %dma_start3A_224 = arith.constant 0 : i32
        %dma_start3A_225 = arith.constant 0 : i32
        %dma_start3A_226 = arith.constant 0 : i32
        %dma_start3A_227 = arith.constant 0 : i32
        %dma_start3A_228 = tpu.memref_slice %arg10[%dma_start3A_224, %dma_start3A_226, %dma_start3A_227] : memref<3x128x128xf32, #tpu.memory_space<vmem>> -> memref<1x128x128xf32, #tpu.memory_space<vmem>>
        %dma_start3A_229 = tpu.memref_squeeze %dma_start3A_228 : memref<1x128x128xf32, #tpu.memory_space<vmem>> -> memref<128x128xf32, #tpu.memory_space<vmem>>
        %dma_start3A_230 = arith.constant 0 : i32
        %dma_start3A_231 = tpu.memref_slice %arg8[%dma_start3A_223, %dma_start3A_230] : memref<3x128xi32, #tpu.memory_space<vmem>> -> memref<1x128xi32, #tpu.memory_space<vmem>>
        %dma_start3A_232 = tpu.memref_squeeze %dma_start3A_231 : memref<1x128xi32, #tpu.memory_space<vmem>> -> memref<128xi32, #tpu.memory_space<vmem>>
        %dma_start3A_233 = arith.constant 0 : i32
        %dma_start3A_234 = arith.constant 0 : i32
        %dma_start3A_235 = tpu.memref_slice %arg3[%dma_start3A_233, %dma_start3A_234] : memref<10000x128xf32, #tpu.memory_space<hbm>> -> memref<10000x128xf32, #tpu.memory_space<hbm>>
        %dma_start3A_236 = tpu.memref_slice %arg13[%dma_start3A_225] : memref<3x!tpu.dma_semaphore, #tpu.memory_space<semaphore_mem>> -> memref<1x!tpu.dma_semaphore, #tpu.memory_space<semaphore_mem>>
        %dma_start3A_237 = tpu.memref_squeeze %dma_start3A_236 : memref<1x!tpu.dma_semaphore, #tpu.memory_space<semaphore_mem>> -> memref<!tpu.dma_semaphore, #tpu.memory_space<semaphore_mem>>
        tpu.enqueue_indirect_dma source(%dma_start3A_235 : memref<10000x128xf32, #tpu.memory_space<hbm>>) target(%dma_start3A_229 : memref<128x128xf32, #tpu.memory_space<vmem>>) offsets(%dma_start3A_232 : memref<128xi32, #tpu.memory_space<vmem>>) semaphore(%dma_start3A_237 : memref<!tpu.dma_semaphore, #tpu.memory_space<semaphore_mem>>)
        %add3A_238 = arith.constant 1 : i32
        %add3A_239 = arith.addi %while3A_107, %add3A_238 : i32
        %lt3A_240 = arith.cmpi slt, %add3A_239, %add3A_4 : i32
        %convert_element_type3A_241 = arith.extui %lt3A_240 : i1 to i32
        %cond3A_242 = arith.constant 0 : i32
        %cond3A_243 = arith.cmpi ne, %convert_element_type3A_241, %cond3A_242 : i32
        scf.if %cond3A_243 {
          %add3A_249 = arith.constant 1 : i32
          %add3A_250 = arith.addi %while3A_107, %add3A_249 : i32
          %mul3A_251 = arith.constant 32 : i32
          %mul3A_252 = arith.muli %mul3A_251, %add3A_250 : i32
          %add3A_253 = arith.addi %add3A, %mul3A_252 : i32
          %mul3A_254 = arith.constant 128 : i32
          %mul3A_255 = arith.muli %add3A_253, %mul3A_254 : i32
          %dma_start3A_256 = arith.constant 1 : i32
          %dma_start3A_257 = arith.constant 1 : i32
          %dma_start3A_258 = arith.constant 0 : i32
          %dma_start3A_259 = tpu.memref_slice %arg7[%dma_start3A_256, %dma_start3A_258] : memref<3x128xi32, #tpu.memory_space<vmem>> -> memref<1x128xi32, #tpu.memory_space<vmem>>
          %dma_start3A_260 = tpu.memref_squeeze %dma_start3A_259 : memref<1x128xi32, #tpu.memory_space<vmem>> -> memref<128xi32, #tpu.memory_space<vmem>>
          %dma_start3A_261 = tpu.memref_slice %arg4[%mul3A_255] : memref<320000xi32, #tpu.memory_space<hbm>> -> memref<128xi32, #tpu.memory_space<hbm>>
          %dma_start3A_262 = tpu.memref_slice %arg11[%dma_start3A_257] : memref<3x!tpu.dma_semaphore, #tpu.memory_space<semaphore_mem>> -> memref<1x!tpu.dma_semaphore, #tpu.memory_space<semaphore_mem>>
          %dma_start3A_263 = tpu.memref_squeeze %dma_start3A_262 : memref<1x!tpu.dma_semaphore, #tpu.memory_space<semaphore_mem>> -> memref<!tpu.dma_semaphore, #tpu.memory_space<semaphore_mem>>
          %dma_start3A_264 = arith.constant 0 : i32
          %dma_start3A_265 = tpu.memref_slice %arg7[%dma_start3A_256, %dma_start3A_264] : memref<3x128xi32, #tpu.memory_space<vmem>> -> memref<1x128xi32, #tpu.memory_space<vmem>>
          %dma_start3A_266 = tpu.memref_squeeze %dma_start3A_265 : memref<1x128xi32, #tpu.memory_space<vmem>> -> memref<128xi32, #tpu.memory_space<vmem>>
          %dma_start3A_267 = tpu.memref_slice %arg4[%mul3A_255] : memref<320000xi32, #tpu.memory_space<hbm>> -> memref<128xi32, #tpu.memory_space<hbm>>
          tpu.enqueue_dma source(%dma_start3A_267 : memref<128xi32, #tpu.memory_space<hbm>>) target(%dma_start3A_266 : memref<128xi32, #tpu.memory_space<vmem>>) target_semaphore(%dma_start3A_263 : memref<!tpu.dma_semaphore, #tpu.memory_space<semaphore_mem>>)
          %mul3A_268 = arith.constant 32 : i32
          %mul3A_269 = arith.muli %mul3A_268, %add3A_250 : i32
          %add3A_270 = arith.addi %add3A, %mul3A_269 : i32
          %mul3A_271 = arith.constant 128 : i32
          %mul3A_272 = arith.muli %add3A_270, %mul3A_271 : i32
          %dma_start3A_273 = arith.constant 1 : i32
          %dma_start3A_274 = arith.constant 1 : i32
          %dma_start3A_275 = arith.constant 0 : i32
          %dma_start3A_276 = tpu.memref_slice %arg8[%dma_start3A_273, %dma_start3A_275] : memref<3x128xi32, #tpu.memory_space<vmem>> -> memref<1x128xi32, #tpu.memory_space<vmem>>
          %dma_start3A_277 = tpu.memref_squeeze %dma_start3A_276 : memref<1x128xi32, #tpu.memory_space<vmem>> -> memref<128xi32, #tpu.memory_space<vmem>>
          %dma_start3A_278 = tpu.memref_slice %arg5[%mul3A_272] : memref<320000xi32, #tpu.memory_space<hbm>> -> memref<128xi32, #tpu.memory_space<hbm>>
          %dma_start3A_279 = tpu.memref_slice %arg12[%dma_start3A_274] : memref<3x!tpu.dma_semaphore, #tpu.memory_space<semaphore_mem>> -> memref<1x!tpu.dma_semaphore, #tpu.memory_space<semaphore_mem>>
          %dma_start3A_280 = tpu.memref_squeeze %dma_start3A_279 : memref<1x!tpu.dma_semaphore, #tpu.memory_space<semaphore_mem>> -> memref<!tpu.dma_semaphore, #tpu.memory_space<semaphore_mem>>
          %dma_start3A_281 = arith.constant 0 : i32
          %dma_start3A_282 = tpu.memref_slice %arg8[%dma_start3A_273, %dma_start3A_281] : memref<3x128xi32, #tpu.memory_space<vmem>> -> memref<1x128xi32, #tpu.memory_space<vmem>>
          %dma_start3A_283 = tpu.memref_squeeze %dma_start3A_282 : memref<1x128xi32, #tpu.memory_space<vmem>> -> memref<128xi32, #tpu.memory_space<vmem>>
          %dma_start3A_284 = tpu.memref_slice %arg5[%mul3A_272] : memref<320000xi32, #tpu.memory_space<hbm>> -> memref<128xi32, #tpu.memory_space<hbm>>
          tpu.enqueue_dma source(%dma_start3A_284 : memref<128xi32, #tpu.memory_space<hbm>>) target(%dma_start3A_283 : memref<128xi32, #tpu.memory_space<vmem>>) target_semaphore(%dma_start3A_280 : memref<!tpu.dma_semaphore, #tpu.memory_space<semaphore_mem>>)
        } else {
        }
        %ge3A_244 = arith.constant 1 : i32
        %ge3A_245 = arith.cmpi sge, %while3A_107, %ge3A_244 : i32
        %convert_element_type3A_246 = arith.extui %ge3A_245 : i1 to i32
        %cond3A_247 = arith.constant 0 : i32
        %cond3A_248 = arith.cmpi ne, %convert_element_type3A_246, %cond3A_247 : i32
        scf.if %cond3A_248 {
          %dma_wait3A_249 = arith.constant 2 : i32
          %dma_wait3A_250 = arith.constant 2 : i32
          %dma_wait3A_251 = arith.constant 2 : i32
          %dma_wait3A_252 = arith.constant 0 : i32
          %dma_wait3A_253 = arith.constant 0 : i32
          %dma_wait3A_254 = tpu.memref_slice %arg9[%dma_wait3A_250, %dma_wait3A_252, %dma_wait3A_253] : memref<3x128x128xf32, #tpu.memory_space<vmem>> -> memref<1x128x128xf32, #tpu.memory_space<vmem>>
          %dma_wait3A_255 = tpu.memref_squeeze %dma_wait3A_254 : memref<1x128x128xf32, #tpu.memory_space<vmem>> -> memref<128x128xf32, #tpu.memory_space<vmem>>
          %dma_wait3A_256 = arith.constant 0 : i32
          %dma_wait3A_257 = tpu.memref_slice %arg7[%dma_wait3A_249, %dma_wait3A_256] : memref<3x128xi32, #tpu.memory_space<vmem>> -> memref<1x128xi32, #tpu.memory_space<vmem>>
          %dma_wait3A_258 = tpu.memref_squeeze %dma_wait3A_257 : memref<1x128xi32, #tpu.memory_space<vmem>> -> memref<128xi32, #tpu.memory_space<vmem>>
          %dma_wait3A_259 = arith.constant 0 : i32
          %dma_wait3A_260 = arith.constant 0 : i32
          %dma_wait3A_261 = tpu.memref_slice %arg2[%dma_wait3A_259, %dma_wait3A_260] : memref<10000x128xf32, #tpu.memory_space<hbm>> -> memref<10000x128xf32, #tpu.memory_space<hbm>>
          %dma_wait3A_262 = tpu.memref_slice %arg13[%dma_wait3A_251] : memref<3x!tpu.dma_semaphore, #tpu.memory_space<semaphore_mem>> -> memref<1x!tpu.dma_semaphore, #tpu.memory_space<semaphore_mem>>
          %dma_wait3A_263 = tpu.memref_squeeze %dma_wait3A_262 : memref<1x!tpu.dma_semaphore, #tpu.memory_space<semaphore_mem>> -> memref<!tpu.dma_semaphore, #tpu.memory_space<semaphore_mem>>
          tpu.wait_indirect_dma semaphore(%dma_wait3A_263 : memref<!tpu.dma_semaphore, #tpu.memory_space<semaphore_mem>>) src(%dma_wait3A_261 : memref<10000x128xf32, #tpu.memory_space<hbm>>) dst(%dma_wait3A_255 : memref<128x128xf32, #tpu.memory_space<vmem>>)
          %dma_wait3A_264 = arith.constant 2 : i32
          %dma_wait3A_265 = arith.constant 2 : i32
          %dma_wait3A_266 = arith.constant 2 : i32
          %dma_wait3A_267 = arith.constant 0 : i32
          %dma_wait3A_268 = arith.constant 0 : i32
          %dma_wait3A_269 = tpu.memref_slice %arg10[%dma_wait3A_265, %dma_wait3A_267, %dma_wait3A_268] : memref<3x128x128xf32, #tpu.memory_space<vmem>> -> memref<1x128x128xf32, #tpu.memory_space<vmem>>
          %dma_wait3A_270 = tpu.memref_squeeze %dma_wait3A_269 : memref<1x128x128xf32, #tpu.memory_space<vmem>> -> memref<128x128xf32, #tpu.memory_space<vmem>>
          %dma_wait3A_271 = arith.constant 0 : i32
          %dma_wait3A_272 = tpu.memref_slice %arg8[%dma_wait3A_264, %dma_wait3A_271] : memref<3x128xi32, #tpu.memory_space<vmem>> -> memref<1x128xi32, #tpu.memory_space<vmem>>
          %dma_wait3A_273 = tpu.memref_squeeze %dma_wait3A_272 : memref<1x128xi32, #tpu.memory_space<vmem>> -> memref<128xi32, #tpu.memory_space<vmem>>
          %dma_wait3A_274 = arith.constant 0 : i32
          %dma_wait3A_275 = arith.constant 0 : i32
          %dma_wait3A_276 = tpu.memref_slice %arg3[%dma_wait3A_274, %dma_wait3A_275] : memref<10000x128xf32, #tpu.memory_space<hbm>> -> memref<10000x128xf32, #tpu.memory_space<hbm>>
          %dma_wait3A_277 = tpu.memref_slice %arg13[%dma_wait3A_266] : memref<3x!tpu.dma_semaphore, #tpu.memory_space<semaphore_mem>> -> memref<1x!tpu.dma_semaphore, #tpu.memory_space<semaphore_mem>>
          %dma_wait3A_278 = tpu.memref_squeeze %dma_wait3A_277 : memref<1x!tpu.dma_semaphore, #tpu.memory_space<semaphore_mem>> -> memref<!tpu.dma_semaphore, #tpu.memory_space<semaphore_mem>>
          tpu.wait_indirect_dma semaphore(%dma_wait3A_278 : memref<!tpu.dma_semaphore, #tpu.memory_space<semaphore_mem>>) src(%dma_wait3A_276 : memref<10000x128xf32, #tpu.memory_space<hbm>>) dst(%dma_wait3A_270 : memref<128x128xf32, #tpu.memory_space<vmem>>)
          %sub3A_279 = arith.constant 1 : i32
          %sub3A_280 = arith.subi %while3A_107, %sub3A_279 : i32
          %scan3A = arith.constant 0 : i32
          %scan3A_281 = arith.constant 0 : i32
          %scan3A_282 = arith.constant 128 : i32
          %scan3A_283 = arith.addi %scan3A_281, %scan3A_282 : i32
          %scan3A_284 = arith.constant 1 : i32
          scf.for %scan3A_307 = %scan3A_281 to %scan3A_283 step %scan3A_284  : i32 {
            %get3A = arith.constant 2 : i32
            %get3A_308 = arith.index_cast %get3A : i32 to index
            %get3A_309 = arith.index_cast %scan3A_307 : i32 to index
            %get3A_310 = arith.constant 0 : index
            %get3A_311 = tpu.vector_load %arg9[%get3A_308, %get3A_309, %get3A_310] {strides = array<i32>} : memref<3x128x128xf32, #tpu.memory_space<vmem>>, vector<1x1x16xf32>,
            %get3A_312 = vector.shape_cast %get3A_311 : vector<1x1x16xf32> to vector<16xf32>
            %get3A_313 = arith.constant 2 : i32
            %get3A_314 = arith.index_cast %get3A_313 : i32 to index
            %get3A_315 = arith.index_cast %scan3A_307 : i32 to index
            %get3A_316 = arith.constant 0 : index
            %get3A_317 = tpu.vector_load %arg10[%get3A_314, %get3A_315, %get3A_316] {strides = array<i32>} : memref<3x128x128xf32, #tpu.memory_space<vmem>>, vector<1x1x16xf32>,
            %get3A_318 = vector.shape_cast %get3A_317 : vector<1x1x16xf32> to vector<16xf32>
            %add3A_319 = arith.addf %get3A_312, %get3A_318 : vector<16xf32>
            %swap3A = arith.constant 2 : i32
            %swap3A_320 = arith.index_cast %swap3A : i32 to index
            %swap3A_321 = arith.index_cast %scan3A_307 : i32 to index
            %swap3A_322 = arith.constant 0 : index
            %swap3A_323 = tpu.vector_load %arg9[%swap3A_320, %swap3A_321, %swap3A_322] {strides = array<i32>} : memref<3x128x128xf32, #tpu.memory_space<vmem>>, vector<1x1x16xf32>,
            %swap3A_324 = vector.shape_cast %swap3A_323 : vector<1x1x16xf32> to vector<16xf32>
            %swap3A_325 = vector.shape_cast %add3A_319 : vector<16xf32> to vector<1x1x16xf32>
            tpu.vector_store %arg9[%swap3A_320, %swap3A_321, %swap3A_322], %swap3A_325 {strides = array<i32>} : memref<3x128x128xf32, #tpu.memory_space<vmem>>, vector<1x1x16xf32>,
            %get3A_326 = arith.constant 2 : i32
            %get3A_327 = arith.index_cast %get3A_326 : i32 to index
            %get3A_328 = arith.index_cast %scan3A_307 : i32 to index
            %get3A_329 = arith.constant 16 : index
            %get3A_330 = tpu.vector_load %arg9[%get3A_327, %get3A_328, %get3A_329] {strides = array<i32>} : memref<3x128x128xf32, #tpu.memory_space<vmem>>, vector<1x1x16xf32>,
            %get3A_331 = vector.shape_cast %get3A_330 : vector<1x1x16xf32> to vector<16xf32>
            %get3A_332 = arith.constant 2 : i32
            %get3A_333 = arith.index_cast %get3A_332 : i32 to index
            %get3A_334 = arith.index_cast %scan3A_307 : i32 to index
            %get3A_335 = arith.constant 16 : index
            %get3A_336 = tpu.vector_load %arg10[%get3A_333, %get3A_334, %get3A_335] {strides = array<i32>} : memref<3x128x128xf32, #tpu.memory_space<vmem>>, vector<1x1x16xf32>,
            %get3A_337 = vector.shape_cast %get3A_336 : vector<1x1x16xf32> to vector<16xf32>
            %add3A_338 = arith.addf %get3A_331, %get3A_337 : vector<16xf32>
            %swap3A_339 = arith.constant 2 : i32
            %swap3A_340 = arith.index_cast %swap3A_339 : i32 to index
            %swap3A_341 = arith.index_cast %scan3A_307 : i32 to index
            %swap3A_342 = arith.constant 16 : index
            %swap3A_343 = tpu.vector_load %arg9[%swap3A_340, %swap3A_341, %swap3A_342] {strides = array<i32>} : memref<3x128x128xf32, #tpu.memory_space<vmem>>, vector<1x1x16xf32>,
            %swap3A_344 = vector.shape_cast %swap3A_343 : vector<1x1x16xf32> to vector<16xf32>
            %swap3A_345 = vector.shape_cast %add3A_338 : vector<16xf32> to vector<1x1x16xf32>
            tpu.vector_store %arg9[%swap3A_340, %swap3A_341, %swap3A_342], %swap3A_345 {strides = array<i32>} : memref<3x128x128xf32, #tpu.memory_space<vmem>>, vector<1x1x16xf32>,
            %get3A_346 = arith.constant 2 : i32
            %get3A_347 = arith.index_cast %get3A_346 : i32 to index
            %get3A_348 = arith.index_cast %scan3A_307 : i32 to index
            %get3A_349 = arith.constant 32 : index
            %get3A_350 = tpu.vector_load %arg9[%get3A_347, %get3A_348, %get3A_349] {strides = array<i32>} : memref<3x128x128xf32, #tpu.memory_space<vmem>>, vector<1x1x16xf32>,
            %get3A_351 = vector.shape_cast %get3A_350 : vector<1x1x16xf32> to vector<16xf32>
            %get3A_352 = arith.constant 2 : i32
            %get3A_353 = arith.index_cast %get3A_352 : i32 to index
            %get3A_354 = arith.index_cast %scan3A_307 : i32 to index
            %get3A_355 = arith.constant 32 : index
            %get3A_356 = tpu.vector_load %arg10[%get3A_353, %get3A_354, %get3A_355] {strides = array<i32>} : memref<3x128x128xf32, #tpu.memory_space<vmem>>, vector<1x1x16xf32>,
            %get3A_357 = vector.shape_cast %get3A_356 : vector<1x1x16xf32> to vector<16xf32>
            %add3A_358 = arith.addf %get3A_351, %get3A_357 : vector<16xf32>
            %swap3A_359 = arith.constant 2 : i32
            %swap3A_360 = arith.index_cast %swap3A_359 : i32 to index
            %swap3A_361 = arith.index_cast %scan3A_307 : i32 to index
            %swap3A_362 = arith.constant 32 : index
            %swap3A_363 = tpu.vector_load %arg9[%swap3A_360, %swap3A_361, %swap3A_362] {strides = array<i32>} : memref<3x128x128xf32, #tpu.memory_space<vmem>>, vector<1x1x16xf32>,
            %swap3A_364 = vector.shape_cast %swap3A_363 : vector<1x1x16xf32> to vector<16xf32>
            %swap3A_365 = vector.shape_cast %add3A_358 : vector<16xf32> to vector<1x1x16xf32>
            tpu.vector_store %arg9[%swap3A_360, %swap3A_361, %swap3A_362], %swap3A_365 {strides = array<i32>} : memref<3x128x128xf32, #tpu.memory_space<vmem>>, vector<1x1x16xf32>,
            %get3A_366 = arith.constant 2 : i32
            %get3A_367 = arith.index_cast %get3A_366 : i32 to index
            %get3A_368 = arith.index_cast %scan3A_307 : i32 to index
            %get3A_369 = arith.constant 48 : index
            %get3A_370 = tpu.vector_load %arg9[%get3A_367, %get3A_368, %get3A_369] {strides = array<i32>} : memref<3x128x128xf32, #tpu.memory_space<vmem>>, vector<1x1x16xf32>,
            %get3A_371 = vector.shape_cast %get3A_370 : vector<1x1x16xf32> to vector<16xf32>
            %get3A_372 = arith.constant 2 : i32
            %get3A_373 = arith.index_cast %get3A_372 : i32 to index
            %get3A_374 = arith.index_cast %scan3A_307 : i32 to index
            %get3A_375 = arith.constant 48 : index
            %get3A_376 = tpu.vector_load %arg10[%get3A_373, %get3A_374, %get3A_375] {strides = array<i32>} : memref<3x128x128xf32, #tpu.memory_space<vmem>>, vector<1x1x16xf32>,
            %get3A_377 = vector.shape_cast %get3A_376 : vector<1x1x16xf32> to vector<16xf32>
            %add3A_378 = arith.addf %get3A_371, %get3A_377 : vector<16xf32>
            %swap3A_379 = arith.constant 2 : i32
            %swap3A_380 = arith.index_cast %swap3A_379 : i32 to index
            %swap3A_381 = arith.index_cast %scan3A_307 : i32 to index
            %swap3A_382 = arith.constant 48 : index
            %swap3A_383 = tpu.vector_load %arg9[%swap3A_380, %swap3A_381, %swap3A_382] {strides = array<i32>} : memref<3x128x128xf32, #tpu.memory_space<vmem>>, vector<1x1x16xf32>,
            %swap3A_384 = vector.shape_cast %swap3A_383 : vector<1x1x16xf32> to vector<16xf32>
            %swap3A_385 = vector.shape_cast %add3A_378 : vector<16xf32> to vector<1x1x16xf32>
            tpu.vector_store %arg9[%swap3A_380, %swap3A_381, %swap3A_382], %swap3A_385 {strides = array<i32>} : memref<3x128x128xf32, #tpu.memory_space<vmem>>, vector<1x1x16xf32>,
            %get3A_386 = arith.constant 2 : i32
            %get3A_387 = arith.index_cast %get3A_386 : i32 to index
            %get3A_388 = arith.index_cast %scan3A_307 : i32 to index
            %get3A_389 = arith.constant 64 : index
            %get3A_390 = tpu.vector_load %arg9[%get3A_387, %get3A_388, %get3A_389] {strides = array<i32>} : memref<3x128x128xf32, #tpu.memory_space<vmem>>, vector<1x1x16xf32>,
            %get3A_391 = vector.shape_cast %get3A_390 : vector<1x1x16xf32> to vector<16xf32>
            %get3A_392 = arith.constant 2 : i32
            %get3A_393 = arith.index_cast %get3A_392 : i32 to index
            %get3A_394 = arith.index_cast %scan3A_307 : i32 to index
            %get3A_395 = arith.constant 64 : index
            %get3A_396 = tpu.vector_load %arg10[%get3A_393, %get3A_394, %get3A_395] {strides = array<i32>} : memref<3x128x128xf32, #tpu.memory_space<vmem>>, vector<1x1x16xf32>,
            %get3A_397 = vector.shape_cast %get3A_396 : vector<1x1x16xf32> to vector<16xf32>
            %add3A_398 = arith.addf %get3A_391, %get3A_397 : vector<16xf32>
            %swap3A_399 = arith.constant 2 : i32
            %swap3A_400 = arith.index_cast %swap3A_399 : i32 to index
            %swap3A_401 = arith.index_cast %scan3A_307 : i32 to index
            %swap3A_402 = arith.constant 64 : index
            %swap3A_403 = tpu.vector_load %arg9[%swap3A_400, %swap3A_401, %swap3A_402] {strides = array<i32>} : memref<3x128x128xf32, #tpu.memory_space<vmem>>, vector<1x1x16xf32>,
            %swap3A_404 = vector.shape_cast %swap3A_403 : vector<1x1x16xf32> to vector<16xf32>
            %swap3A_405 = vector.shape_cast %add3A_398 : vector<16xf32> to vector<1x1x16xf32>
            tpu.vector_store %arg9[%swap3A_400, %swap3A_401, %swap3A_402], %swap3A_405 {strides = array<i32>} : memref<3x128x128xf32, #tpu.memory_space<vmem>>, vector<1x1x16xf32>,
            %get3A_406 = arith.constant 2 : i32
            %get3A_407 = arith.index_cast %get3A_406 : i32 to index
            %get3A_408 = arith.index_cast %scan3A_307 : i32 to index
            %get3A_409 = arith.constant 80 : index
            %get3A_410 = tpu.vector_load %arg9[%get3A_407, %get3A_408, %get3A_409] {strides = array<i32>} : memref<3x128x128xf32, #tpu.memory_space<vmem>>, vector<1x1x16xf32>,
            %get3A_411 = vector.shape_cast %get3A_410 : vector<1x1x16xf32> to vector<16xf32>
            %get3A_412 = arith.constant 2 : i32
            %get3A_413 = arith.index_cast %get3A_412 : i32 to index
            %get3A_414 = arith.index_cast %scan3A_307 : i32 to index
            %get3A_415 = arith.constant 80 : index
            %get3A_416 = tpu.vector_load %arg10[%get3A_413, %get3A_414, %get3A_415] {strides = array<i32>} : memref<3x128x128xf32, #tpu.memory_space<vmem>>, vector<1x1x16xf32>,
            %get3A_417 = vector.shape_cast %get3A_416 : vector<1x1x16xf32> to vector<16xf32>
            %add3A_418 = arith.addf %get3A_411, %get3A_417 : vector<16xf32>
            %swap3A_419 = arith.constant 2 : i32
            %swap3A_420 = arith.index_cast %swap3A_419 : i32 to index
            %swap3A_421 = arith.index_cast %scan3A_307 : i32 to index
            %swap3A_422 = arith.constant 80 : index
            %swap3A_423 = tpu.vector_load %arg9[%swap3A_420, %swap3A_421, %swap3A_422] {strides = array<i32>} : memref<3x128x128xf32, #tpu.memory_space<vmem>>, vector<1x1x16xf32>,
            %swap3A_424 = vector.shape_cast %swap3A_423 : vector<1x1x16xf32> to vector<16xf32>
            %swap3A_425 = vector.shape_cast %add3A_418 : vector<16xf32> to vector<1x1x16xf32>
            tpu.vector_store %arg9[%swap3A_420, %swap3A_421, %swap3A_422], %swap3A_425 {strides = array<i32>} : memref<3x128x128xf32, #tpu.memory_space<vmem>>, vector<1x1x16xf32>,
            %get3A_426 = arith.constant 2 : i32
            %get3A_427 = arith.index_cast %get3A_426 : i32 to index
            %get3A_428 = arith.index_cast %scan3A_307 : i32 to index
            %get3A_429 = arith.constant 96 : index
            %get3A_430 = tpu.vector_load %arg9[%get3A_427, %get3A_428, %get3A_429] {strides = array<i32>} : memref<3x128x128xf32, #tpu.memory_space<vmem>>, vector<1x1x16xf32>,
            %get3A_431 = vector.shape_cast %get3A_430 : vector<1x1x16xf32> to vector<16xf32>
            %get3A_432 = arith.constant 2 : i32
            %get3A_433 = arith.index_cast %get3A_432 : i32 to index
            %get3A_434 = arith.index_cast %scan3A_307 : i32 to index
            %get3A_435 = arith.constant 96 : index
            %get3A_436 = tpu.vector_load %arg10[%get3A_433, %get3A_434, %get3A_435] {strides = array<i32>} : memref<3x128x128xf32, #tpu.memory_space<vmem>>, vector<1x1x16xf32>,
            %get3A_437 = vector.shape_cast %get3A_436 : vector<1x1x16xf32> to vector<16xf32>
            %add3A_438 = arith.addf %get3A_431, %get3A_437 : vector<16xf32>
            %swap3A_439 = arith.constant 2 : i32
            %swap3A_440 = arith.index_cast %swap3A_439 : i32 to index
            %swap3A_441 = arith.index_cast %scan3A_307 : i32 to index
            %swap3A_442 = arith.constant 96 : index
            %swap3A_443 = tpu.vector_load %arg9[%swap3A_440, %swap3A_441, %swap3A_442] {strides = array<i32>} : memref<3x128x128xf32, #tpu.memory_space<vmem>>, vector<1x1x16xf32>,
            %swap3A_444 = vector.shape_cast %swap3A_443 : vector<1x1x16xf32> to vector<16xf32>
            %swap3A_445 = vector.shape_cast %add3A_438 : vector<16xf32> to vector<1x1x16xf32>
            tpu.vector_store %arg9[%swap3A_440, %swap3A_441, %swap3A_442], %swap3A_445 {strides = array<i32>} : memref<3x128x128xf32, #tpu.memory_space<vmem>>, vector<1x1x16xf32>,
            %get3A_446 = arith.constant 2 : i32
            %get3A_447 = arith.index_cast %get3A_446 : i32 to index
            %get3A_448 = arith.index_cast %scan3A_307 : i32 to index
            %get3A_449 = arith.constant 112 : index
            %get3A_450 = tpu.vector_load %arg9[%get3A_447, %get3A_448, %get3A_449] {strides = array<i32>} : memref<3x128x128xf32, #tpu.memory_space<vmem>>, vector<1x1x16xf32>,
            %get3A_451 = vector.shape_cast %get3A_450 : vector<1x1x16xf32> to vector<16xf32>
            %get3A_452 = arith.constant 2 : i32
            %get3A_453 = arith.index_cast %get3A_452 : i32 to index
            %get3A_454 = arith.index_cast %scan3A_307 : i32 to index
            %get3A_455 = arith.constant 112 : index
            %get3A_456 = tpu.vector_load %arg10[%get3A_453, %get3A_454, %get3A_455] {strides = array<i32>} : memref<3x128x128xf32, #tpu.memory_space<vmem>>, vector<1x1x16xf32>,
            %get3A_457 = vector.shape_cast %get3A_456 : vector<1x1x16xf32> to vector<16xf32>
            %add3A_458 = arith.addf %get3A_451, %get3A_457 : vector<16xf32>
            %swap3A_459 = arith.constant 2 : i32
            %swap3A_460 = arith.index_cast %swap3A_459 : i32 to index
            %swap3A_461 = arith.index_cast %scan3A_307 : i32 to index
            %swap3A_462 = arith.constant 112 : index
            %swap3A_463 = tpu.vector_load %arg9[%swap3A_460, %swap3A_461, %swap3A_462] {strides = array<i32>} : memref<3x128x128xf32, #tpu.memory_space<vmem>>, vector<1x1x16xf32>,
            %swap3A_464 = vector.shape_cast %swap3A_463 : vector<1x1x16xf32> to vector<16xf32>
            %swap3A_465 = vector.shape_cast %add3A_458 : vector<16xf32> to vector<1x1x16xf32>
            tpu.vector_store %arg9[%swap3A_460, %swap3A_461, %swap3A_462], %swap3A_465 {strides = array<i32>} : memref<3x128x128xf32, #tpu.memory_space<vmem>>, vector<1x1x16xf32>,
          }
          %scan3A_285 = arith.constant 128 : i32
          %mul3A_286 = arith.constant 32 : i32
          %mul3A_287 = arith.muli %mul3A_286, %sub3A_280 : i32
          %add3A_288 = arith.addi %add3A, %mul3A_287 : i32
          %mul3A_289 = arith.constant 128 : i32
          %mul3A_290 = arith.muli %add3A_288, %mul3A_289 : i32
          %dma_start3A_291 = arith.constant 2 : i32
          %dma_start3A_292 = arith.constant 2 : i32
          %dma_start3A_293 = arith.constant 0 : i32
          %dma_start3A_294 = arith.constant 0 : i32
          %dma_start3A_295 = tpu.memref_slice %arg9[%dma_start3A_291, %dma_start3A_293, %dma_start3A_294] : memref<3x128x128xf32, #tpu.memory_space<vmem>> -> memref<1x128x128xf32, #tpu.memory_space<vmem>>
          %dma_start3A_296 = tpu.memref_squeeze %dma_start3A_295 : memref<1x128x128xf32, #tpu.memory_space<vmem>> -> memref<128x128xf32, #tpu.memory_space<vmem>>
          %dma_start3A_297 = arith.constant 0 : i32
          %dma_start3A_298 = tpu.memref_slice %arg6[%mul3A_290, %dma_start3A_297] : memref<320000x128xf32, #tpu.memory_space<hbm>> -> memref<128x128xf32, #tpu.memory_space<hbm>>
          %dma_start3A_299 = tpu.memref_slice %arg14[%dma_start3A_292] : memref<3x!tpu.dma_semaphore, #tpu.memory_space<semaphore_mem>> -> memref<1x!tpu.dma_semaphore, #tpu.memory_space<semaphore_mem>>
          %dma_start3A_300 = tpu.memref_squeeze %dma_start3A_299 : memref<1x!tpu.dma_semaphore, #tpu.memory_space<semaphore_mem>> -> memref<!tpu.dma_semaphore, #tpu.memory_space<semaphore_mem>>
          %dma_start3A_301 = arith.constant 0 : i32
          %dma_start3A_302 = tpu.memref_slice %arg6[%mul3A_290, %dma_start3A_301] : memref<320000x128xf32, #tpu.memory_space<hbm>> -> memref<128x128xf32, #tpu.memory_space<hbm>>
          %dma_start3A_303 = arith.constant 0 : i32
          %dma_start3A_304 = arith.constant 0 : i32
          %dma_start3A_305 = tpu.memref_slice %arg9[%dma_start3A_291, %dma_start3A_303, %dma_start3A_304] : memref<3x128x128xf32, #tpu.memory_space<vmem>> -> memref<1x128x128xf32, #tpu.memory_space<vmem>>
          %dma_start3A_306 = tpu.memref_squeeze %dma_start3A_305 : memref<1x128x128xf32, #tpu.memory_space<vmem>> -> memref<128x128xf32, #tpu.memory_space<vmem>>
          tpu.enqueue_dma source(%dma_start3A_306 : memref<128x128xf32, #tpu.memory_space<vmem>>) target(%dma_start3A_302 : memref<128x128xf32, #tpu.memory_space<hbm>>) target_semaphore(%dma_start3A_300 : memref<!tpu.dma_semaphore, #tpu.memory_space<semaphore_mem>>)
        } else {
        }
      } else {
      }
      %jit3A_129 = arith.constant 3 : i32
      %eq3A_130 = arith.constant 0 : i32
      %eq3A_131 = arith.cmpi eq, %jit3A_129, %eq3A_130 : i32
      %jit3A_132 = arith.constant 1 : i32
      %select_n3A_133 = arith.select %eq3A_131, %jit3A_132, %jit3A_129 : i32
      %rem3A_134 = arith.remsi %while3A_107, %select_n3A_133 : i32
      %ne3A_135 = arith.constant 0 : i32
      %ne3A_136 = arith.cmpi ne, %rem3A_134, %ne3A_135 : i32
      %lt3A_137 = arith.constant 0 : i32
      %lt3A_138 = arith.cmpi slt, %rem3A_134, %lt3A_137 : i32
      %lt3A_139 = arith.constant 0 : i32
      %lt3A_140 = arith.cmpi slt, %select_n3A_133, %lt3A_139 : i32
      %ne3A_141 = arith.xori %lt3A_138, %lt3A_140 : i1
      %and3A_142 = arith.andi %ne3A_141, %ne3A_136 : i1
      %add3A_143 = arith.addi %rem3A_134, %select_n3A_133 : i32
      %select_n3A_144 = arith.select %and3A_142, %add3A_143, %rem3A_134 : i32
      %eq3A_145 = arith.constant 1 : i32
      %eq3A_146 = arith.cmpi eq, %select_n3A_144, %eq3A_145 : i32
      %convert_element_type3A_147 = arith.extui %eq3A_146 : i1 to i32
      %cond3A_148 = arith.constant 0 : i32
      %cond3A_149 = arith.cmpi ne, %convert_element_type3A_147, %cond3A_148 : i32
      scf.if %cond3A_149 {
        %mul3A_171 = arith.constant 32 : i32
        %mul3A_172 = arith.muli %mul3A_171, %while3A_107 : i32
        %add3A_173 = arith.addi %add3A, %mul3A_172 : i32
        %mul3A_174 = arith.constant 128 : i32
        %mul3A_175 = arith.muli %add3A_173, %mul3A_174 : i32
        %dma_wait3A = arith.constant 1 : i32
        %dma_wait3A_176 = arith.constant 1 : i32
        %dma_wait3A_177 = arith.constant 0 : i32
        %dma_wait3A_178 = tpu.memref_slice %arg7[%dma_wait3A, %dma_wait3A_177] : memref<3x128xi32, #tpu.memory_space<vmem>> -> memref<1x128xi32, #tpu.memory_space<vmem>>
        %dma_wait3A_179 = tpu.memref_squeeze %dma_wait3A_178 : memref<1x128xi32, #tpu.memory_space<vmem>> -> memref<128xi32, #tpu.memory_space<vmem>>
        %dma_wait3A_180 = tpu.memref_slice %arg4[%mul3A_175] : memref<320000xi32, #tpu.memory_space<hbm>> -> memref<128xi32, #tpu.memory_space<hbm>>
        %dma_wait3A_181 = tpu.memref_slice %arg11[%dma_wait3A_176] : memref<3x!tpu.dma_semaphore, #tpu.memory_space<semaphore_mem>> -> memref<1x!tpu.dma_semaphore, #tpu.memory_space<semaphore_mem>>
        %dma_wait3A_182 = tpu.memref_squeeze %dma_wait3A_181 : memref<1x!tpu.dma_semaphore, #tpu.memory_space<semaphore_mem>> -> memref<!tpu.dma_semaphore, #tpu.memory_space<semaphore_mem>>
        %dma_wait3A_183 = arith.constant 0 : i32
        %dma_wait3A_184 = tpu.memref_slice %arg7[%dma_wait3A, %dma_wait3A_183] : memref<3x128xi32, #tpu.memory_space<vmem>> -> memref<1x128xi32, #tpu.memory_space<vmem>>
        %dma_wait3A_185 = tpu.memref_squeeze %dma_wait3A_184 : memref<1x128xi32, #tpu.memory_space<vmem>> -> memref<128xi32, #tpu.memory_space<vmem>>
        %dma_wait3A_186 = tpu.memref_slice %arg4[%mul3A_175] : memref<320000xi32, #tpu.memory_space<hbm>> -> memref<128xi32, #tpu.memory_space<hbm>>
        tpu.wait_dma2 semaphore(%dma_wait3A_182 : memref<!tpu.dma_semaphore, #tpu.memory_space<semaphore_mem>>) src(%dma_wait3A_186 : memref<128xi32, #tpu.memory_space<hbm>>) dst(%dma_wait3A_185 : memref<128xi32, #tpu.memory_space<vmem>>)
        %mul3A_187 = arith.constant 32 : i32
        %mul3A_188 = arith.muli %mul3A_187, %while3A_107 : i32
        %add3A_189 = arith.addi %add3A, %mul3A_188 : i32
        %mul3A_190 = arith.constant 128 : i32
        %mul3A_191 = arith.muli %add3A_189, %mul3A_190 : i32
        %dma_wait3A_192 = arith.constant 1 : i32
        %dma_wait3A_193 = arith.constant 1 : i32
        %dma_wait3A_194 = arith.constant 0 : i32
        %dma_wait3A_195 = tpu.memref_slice %arg8[%dma_wait3A_192, %dma_wait3A_194] : memref<3x128xi32, #tpu.memory_space<vmem>> -> memref<1x128xi32, #tpu.memory_space<vmem>>
        %dma_wait3A_196 = tpu.memref_squeeze %dma_wait3A_195 : memref<1x128xi32, #tpu.memory_space<vmem>> -> memref<128xi32, #tpu.memory_space<vmem>>
        %dma_wait3A_197 = tpu.memref_slice %arg5[%mul3A_191] : memref<320000xi32, #tpu.memory_space<hbm>> -> memref<128xi32, #tpu.memory_space<hbm>>
        %dma_wait3A_198 = tpu.memref_slice %arg12[%dma_wait3A_193] : memref<3x!tpu.dma_semaphore, #tpu.memory_space<semaphore_mem>> -> memref<1x!tpu.dma_semaphore, #tpu.memory_space<semaphore_mem>>
        %dma_wait3A_199 = tpu.memref_squeeze %dma_wait3A_198 : memref<1x!tpu.dma_semaphore, #tpu.memory_space<semaphore_mem>> -> memref<!tpu.dma_semaphore, #tpu.memory_space<semaphore_mem>>
        %dma_wait3A_200 = arith.constant 0 : i32
        %dma_wait3A_201 = tpu.memref_slice %arg8[%dma_wait3A_192, %dma_wait3A_200] : memref<3x128xi32, #tpu.memory_space<vmem>> -> memref<1x128xi32, #tpu.memory_space<vmem>>
        %dma_wait3A_202 = tpu.memref_squeeze %dma_wait3A_201 : memref<1x128xi32, #tpu.memory_space<vmem>> -> memref<128xi32, #tpu.memory_space<vmem>>
        %dma_wait3A_203 = tpu.memref_slice %arg5[%mul3A_191] : memref<320000xi32, #tpu.memory_space<hbm>> -> memref<128xi32, #tpu.memory_space<hbm>>
        tpu.wait_dma2 semaphore(%dma_wait3A_199 : memref<!tpu.dma_semaphore, #tpu.memory_space<semaphore_mem>>) src(%dma_wait3A_203 : memref<128xi32, #tpu.memory_space<hbm>>) dst(%dma_wait3A_202 : memref<128xi32, #tpu.memory_space<vmem>>)
        %ge3A = arith.constant 3 : i32
        %ge3A_204 = arith.cmpi sge, %while3A_107, %ge3A : i32
        %convert_element_type3A_205 = arith.extui %ge3A_204 : i1 to i32
        %cond3A_206 = arith.constant 0 : i32
        %cond3A_207 = arith.cmpi ne, %convert_element_type3A_205, %cond3A_206 : i32
        scf.if %cond3A_207 {
          %sub3A_249 = arith.constant 3 : i32
          %sub3A_250 = arith.subi %while3A_107, %sub3A_249 : i32
          %mul3A_251 = arith.constant 32 : i32
          %mul3A_252 = arith.muli %mul3A_251, %sub3A_250 : i32
          %add3A_253 = arith.addi %add3A, %mul3A_252 : i32
          %mul3A_254 = arith.constant 128 : i32
          %mul3A_255 = arith.muli %add3A_253, %mul3A_254 : i32
          %dma_wait3A_256 = arith.constant 1 : i32
          %dma_wait3A_257 = arith.constant 1 : i32
          %dma_wait3A_258 = arith.constant 0 : i32
          %dma_wait3A_259 = arith.constant 0 : i32
          %dma_wait3A_260 = tpu.memref_slice %arg9[%dma_wait3A_256, %dma_wait3A_258, %dma_wait3A_259] : memref<3x128x128xf32, #tpu.memory_space<vmem>> -> memref<1x128x128xf32, #tpu.memory_space<vmem>>
          %dma_wait3A_261 = tpu.memref_squeeze %dma_wait3A_260 : memref<1x128x128xf32, #tpu.memory_space<vmem>> -> memref<128x128xf32, #tpu.memory_space<vmem>>
          %dma_wait3A_262 = arith.constant 0 : i32
          %dma_wait3A_263 = tpu.memref_slice %arg6[%mul3A_255, %dma_wait3A_262] : memref<320000x128xf32, #tpu.memory_space<hbm>> -> memref<128x128xf32, #tpu.memory_space<hbm>>
          %dma_wait3A_264 = tpu.memref_slice %arg14[%dma_wait3A_257] : memref<3x!tpu.dma_semaphore, #tpu.memory_space<semaphore_mem>> -> memref<1x!tpu.dma_semaphore, #tpu.memory_space<semaphore_mem>>
          %dma_wait3A_265 = tpu.memref_squeeze %dma_wait3A_264 : memref<1x!tpu.dma_semaphore, #tpu.memory_space<semaphore_mem>> -> memref<!tpu.dma_semaphore, #tpu.memory_space<semaphore_mem>>
          %dma_wait3A_266 = arith.constant 0 : i32
          %dma_wait3A_267 = tpu.memref_slice %arg6[%mul3A_255, %dma_wait3A_266] : memref<320000x128xf32, #tpu.memory_space<hbm>> -> memref<128x128xf32, #tpu.memory_space<hbm>>
          %dma_wait3A_268 = arith.constant 0 : i32
          %dma_wait3A_269 = arith.constant 0 : i32
          %dma_wait3A_270 = tpu.memref_slice %arg9[%dma_wait3A_256, %dma_wait3A_268, %dma_wait3A_269] : memref<3x128x128xf32, #tpu.memory_space<vmem>> -> memref<1x128x128xf32, #tpu.memory_space<vmem>>
          %dma_wait3A_271 = tpu.memref_squeeze %dma_wait3A_270 : memref<1x128x128xf32, #tpu.memory_space<vmem>> -> memref<128x128xf32, #tpu.memory_space<vmem>>
          tpu.wait_dma2 semaphore(%dma_wait3A_265 : memref<!tpu.dma_semaphore, #tpu.memory_space<semaphore_mem>>) src(%dma_wait3A_271 : memref<128x128xf32, #tpu.memory_space<vmem>>) dst(%dma_wait3A_267 : memref<128x128xf32, #tpu.memory_space<hbm>>)
        } else {
        }
        %dma_start3A_208 = arith.constant 1 : i32
        %dma_start3A_209 = arith.constant 1 : i32
        %dma_start3A_210 = arith.constant 1 : i32
        %dma_start3A_211 = arith.constant 0 : i32
        %dma_start3A_212 = arith.constant 0 : i32
        %dma_start3A_213 = tpu.memref_slice %arg9[%dma_start3A_209, %dma_start3A_211, %dma_start3A_212] : memref<3x128x128xf32, #tpu.memory_space<vmem>> -> memref<1x128x128xf32, #tpu.memory_space<vmem>>
        %dma_start3A_214 = tpu.memref_squeeze %dma_start3A_213 : memref<1x128x128xf32, #tpu.memory_space<vmem>> -> memref<128x128xf32, #tpu.memory_space<vmem>>
        %dma_start3A_215 = arith.constant 0 : i32
        %dma_start3A_216 = tpu.memref_slice %arg7[%dma_start3A_208, %dma_start3A_215] : memref<3x128xi32, #tpu.memory_space<vmem>> -> memref<1x128xi32, #tpu.memory_space<vmem>>
        %dma_start3A_217 = tpu.memref_squeeze %dma_start3A_216 : memref<1x128xi32, #tpu.memory_space<vmem>> -> memref<128xi32, #tpu.memory_space<vmem>>
        %dma_start3A_218 = arith.constant 0 : i32
        %dma_start3A_219 = arith.constant 0 : i32
        %dma_start3A_220 = tpu.memref_slice %arg2[%dma_start3A_218, %dma_start3A_219] : memref<10000x128xf32, #tpu.memory_space<hbm>> -> memref<10000x128xf32, #tpu.memory_space<hbm>>
        %dma_start3A_221 = tpu.memref_slice %arg13[%dma_start3A_210] : memref<3x!tpu.dma_semaphore, #tpu.memory_space<semaphore_mem>> -> memref<1x!tpu.dma_semaphore, #tpu.memory_space<semaphore_mem>>
        %dma_start3A_222 = tpu.memref_squeeze %dma_start3A_221 : memref<1x!tpu.dma_semaphore, #tpu.memory_space<semaphore_mem>> -> memref<!tpu.dma_semaphore, #tpu.memory_space<semaphore_mem>>
        tpu.enqueue_indirect_dma source(%dma_start3A_220 : memref<10000x128xf32, #tpu.memory_space<hbm>>) target(%dma_start3A_214 : memref<128x128xf32, #tpu.memory_space<vmem>>) offsets(%dma_start3A_217 : memref<128xi32, #tpu.memory_space<vmem>>) semaphore(%dma_start3A_222 : memref<!tpu.dma_semaphore, #tpu.memory_space<semaphore_mem>>)
        %dma_start3A_223 = arith.constant 1 : i32
        %dma_start3A_224 = arith.constant 1 : i32
        %dma_start3A_225 = arith.constant 1 : i32
        %dma_start3A_226 = arith.constant 0 : i32
        %dma_start3A_227 = arith.constant 0 : i32
        %dma_start3A_228 = tpu.memref_slice %arg10[%dma_start3A_224, %dma_start3A_226, %dma_start3A_227] : memref<3x128x128xf32, #tpu.memory_space<vmem>> -> memref<1x128x128xf32, #tpu.memory_space<vmem>>
        %dma_start3A_229 = tpu.memref_squeeze %dma_start3A_228 : memref<1x128x128xf32, #tpu.memory_space<vmem>> -> memref<128x128xf32, #tpu.memory_space<vmem>>
        %dma_start3A_230 = arith.constant 0 : i32
        %dma_start3A_231 = tpu.memref_slice %arg8[%dma_start3A_223, %dma_start3A_230] : memref<3x128xi32, #tpu.memory_space<vmem>> -> memref<1x128xi32, #tpu.memory_space<vmem>>
        %dma_start3A_232 = tpu.memref_squeeze %dma_start3A_231 : memref<1x128xi32, #tpu.memory_space<vmem>> -> memref<128xi32, #tpu.memory_space<vmem>>
        %dma_start3A_233 = arith.constant 0 : i32
        %dma_start3A_234 = arith.constant 0 : i32
        %dma_start3A_235 = tpu.memref_slice %arg3[%dma_start3A_233, %dma_start3A_234] : memref<10000x128xf32, #tpu.memory_space<hbm>> -> memref<10000x128xf32, #tpu.memory_space<hbm>>
        %dma_start3A_236 = tpu.memref_slice %arg13[%dma_start3A_225] : memref<3x!tpu.dma_semaphore, #tpu.memory_space<semaphore_mem>> -> memref<1x!tpu.dma_semaphore, #tpu.memory_space<semaphore_mem>>
        %dma_start3A_237 = tpu.memref_squeeze %dma_start3A_236 : memref<1x!tpu.dma_semaphore, #tpu.memory_space<semaphore_mem>> -> memref<!tpu.dma_semaphore, #tpu.memory_space<semaphore_mem>>
        tpu.enqueue_indirect_dma source(%dma_start3A_235 : memref<10000x128xf32, #tpu.memory_space<hbm>>) target(%dma_start3A_229 : memref<128x128xf32, #tpu.memory_space<vmem>>) offsets(%dma_start3A_232 : memref<128xi32, #tpu.memory_space<vmem>>) semaphore(%dma_start3A_237 : memref<!tpu.dma_semaphore, #tpu.memory_space<semaphore_mem>>)
        %add3A_238 = arith.constant 1 : i32
        %add3A_239 = arith.addi %while3A_107, %add3A_238 : i32
        %lt3A_240 = arith.cmpi slt, %add3A_239, %add3A_4 : i32
        %convert_element_type3A_241 = arith.extui %lt3A_240 : i1 to i32
        %cond3A_242 = arith.constant 0 : i32
        %cond3A_243 = arith.cmpi ne, %convert_element_type3A_241, %cond3A_242 : i32
        scf.if %cond3A_243 {
          %add3A_249 = arith.constant 1 : i32
          %add3A_250 = arith.addi %while3A_107, %add3A_249 : i32
          %mul3A_251 = arith.constant 32 : i32
          %mul3A_252 = arith.muli %mul3A_251, %add3A_250 : i32
          %add3A_253 = arith.addi %add3A, %mul3A_252 : i32
          %mul3A_254 = arith.constant 128 : i32
          %mul3A_255 = arith.muli %add3A_253, %mul3A_254 : i32
          %dma_start3A_256 = arith.constant 2 : i32
          %dma_start3A_257 = arith.constant 2 : i32
          %dma_start3A_258 = arith.constant 0 : i32
          %dma_start3A_259 = tpu.memref_slice %arg7[%dma_start3A_256, %dma_start3A_258] : memref<3x128xi32, #tpu.memory_space<vmem>> -> memref<1x128xi32, #tpu.memory_space<vmem>>
          %dma_start3A_260 = tpu.memref_squeeze %dma_start3A_259 : memref<1x128xi32, #tpu.memory_space<vmem>> -> memref<128xi32, #tpu.memory_space<vmem>>
          %dma_start3A_261 = tpu.memref_slice %arg4[%mul3A_255] : memref<320000xi32, #tpu.memory_space<hbm>> -> memref<128xi32, #tpu.memory_space<hbm>>
          %dma_start3A_262 = tpu.memref_slice %arg11[%dma_start3A_257] : memref<3x!tpu.dma_semaphore, #tpu.memory_space<semaphore_mem>> -> memref<1x!tpu.dma_semaphore, #tpu.memory_space<semaphore_mem>>
          %dma_start3A_263 = tpu.memref_squeeze %dma_start3A_262 : memref<1x!tpu.dma_semaphore, #tpu.memory_space<semaphore_mem>> -> memref<!tpu.dma_semaphore, #tpu.memory_space<semaphore_mem>>
          %dma_start3A_264 = arith.constant 0 : i32
          %dma_start3A_265 = tpu.memref_slice %arg7[%dma_start3A_256, %dma_start3A_264] : memref<3x128xi32, #tpu.memory_space<vmem>> -> memref<1x128xi32, #tpu.memory_space<vmem>>
          %dma_start3A_266 = tpu.memref_squeeze %dma_start3A_265 : memref<1x128xi32, #tpu.memory_space<vmem>> -> memref<128xi32, #tpu.memory_space<vmem>>
          %dma_start3A_267 = tpu.memref_slice %arg4[%mul3A_255] : memref<320000xi32, #tpu.memory_space<hbm>> -> memref<128xi32, #tpu.memory_space<hbm>>
          tpu.enqueue_dma source(%dma_start3A_267 : memref<128xi32, #tpu.memory_space<hbm>>) target(%dma_start3A_266 : memref<128xi32, #tpu.memory_space<vmem>>) target_semaphore(%dma_start3A_263 : memref<!tpu.dma_semaphore, #tpu.memory_space<semaphore_mem>>)
          %mul3A_268 = arith.constant 32 : i32
          %mul3A_269 = arith.muli %mul3A_268, %add3A_250 : i32
          %add3A_270 = arith.addi %add3A, %mul3A_269 : i32
          %mul3A_271 = arith.constant 128 : i32
          %mul3A_272 = arith.muli %add3A_270, %mul3A_271 : i32
          %dma_start3A_273 = arith.constant 2 : i32
          %dma_start3A_274 = arith.constant 2 : i32
          %dma_start3A_275 = arith.constant 0 : i32
          %dma_start3A_276 = tpu.memref_slice %arg8[%dma_start3A_273, %dma_start3A_275] : memref<3x128xi32, #tpu.memory_space<vmem>> -> memref<1x128xi32, #tpu.memory_space<vmem>>
          %dma_start3A_277 = tpu.memref_squeeze %dma_start3A_276 : memref<1x128xi32, #tpu.memory_space<vmem>> -> memref<128xi32, #tpu.memory_space<vmem>>
          %dma_start3A_278 = tpu.memref_slice %arg5[%mul3A_272] : memref<320000xi32, #tpu.memory_space<hbm>> -> memref<128xi32, #tpu.memory_space<hbm>>
          %dma_start3A_279 = tpu.memref_slice %arg12[%dma_start3A_274] : memref<3x!tpu.dma_semaphore, #tpu.memory_space<semaphore_mem>> -> memref<1x!tpu.dma_semaphore, #tpu.memory_space<semaphore_mem>>
          %dma_start3A_280 = tpu.memref_squeeze %dma_start3A_279 : memref<1x!tpu.dma_semaphore, #tpu.memory_space<semaphore_mem>> -> memref<!tpu.dma_semaphore, #tpu.memory_space<semaphore_mem>>
          %dma_start3A_281 = arith.constant 0 : i32
          %dma_start3A_282 = tpu.memref_slice %arg8[%dma_start3A_273, %dma_start3A_281] : memref<3x128xi32, #tpu.memory_space<vmem>> -> memref<1x128xi32, #tpu.memory_space<vmem>>
          %dma_start3A_283 = tpu.memref_squeeze %dma_start3A_282 : memref<1x128xi32, #tpu.memory_space<vmem>> -> memref<128xi32, #tpu.memory_space<vmem>>
          %dma_start3A_284 = tpu.memref_slice %arg5[%mul3A_272] : memref<320000xi32, #tpu.memory_space<hbm>> -> memref<128xi32, #tpu.memory_space<hbm>>
          tpu.enqueue_dma source(%dma_start3A_284 : memref<128xi32, #tpu.memory_space<hbm>>) target(%dma_start3A_283 : memref<128xi32, #tpu.memory_space<vmem>>) target_semaphore(%dma_start3A_280 : memref<!tpu.dma_semaphore, #tpu.memory_space<semaphore_mem>>)
        } else {
        }
        %ge3A_244 = arith.constant 1 : i32
        %ge3A_245 = arith.cmpi sge, %while3A_107, %ge3A_244 : i32
        %convert_element_type3A_246 = arith.extui %ge3A_245 : i1 to i32
        %cond3A_247 = arith.constant 0 : i32
        %cond3A_248 = arith.cmpi ne, %convert_element_type3A_246, %cond3A_247 : i32
        scf.if %cond3A_248 {
          %dma_wait3A_249 = arith.constant 0 : i32
          %dma_wait3A_250 = arith.constant 0 : i32
          %dma_wait3A_251 = arith.constant 0 : i32
          %dma_wait3A_252 = arith.constant 0 : i32
          %dma_wait3A_253 = arith.constant 0 : i32
          %dma_wait3A_254 = tpu.memref_slice %arg9[%dma_wait3A_250, %dma_wait3A_252, %dma_wait3A_253] : memref<3x128x128xf32, #tpu.memory_space<vmem>> -> memref<1x128x128xf32, #tpu.memory_space<vmem>>
          %dma_wait3A_255 = tpu.memref_squeeze %dma_wait3A_254 : memref<1x128x128xf32, #tpu.memory_space<vmem>> -> memref<128x128xf32, #tpu.memory_space<vmem>>
          %dma_wait3A_256 = arith.constant 0 : i32
          %dma_wait3A_257 = tpu.memref_slice %arg7[%dma_wait3A_249, %dma_wait3A_256] : memref<3x128xi32, #tpu.memory_space<vmem>> -> memref<1x128xi32, #tpu.memory_space<vmem>>
          %dma_wait3A_258 = tpu.memref_squeeze %dma_wait3A_257 : memref<1x128xi32, #tpu.memory_space<vmem>> -> memref<128xi32, #tpu.memory_space<vmem>>
          %dma_wait3A_259 = arith.constant 0 : i32
          %dma_wait3A_260 = arith.constant 0 : i32
          %dma_wait3A_261 = tpu.memref_slice %arg2[%dma_wait3A_259, %dma_wait3A_260] : memref<10000x128xf32, #tpu.memory_space<hbm>> -> memref<10000x128xf32, #tpu.memory_space<hbm>>
          %dma_wait3A_262 = tpu.memref_slice %arg13[%dma_wait3A_251] : memref<3x!tpu.dma_semaphore, #tpu.memory_space<semaphore_mem>> -> memref<1x!tpu.dma_semaphore, #tpu.memory_space<semaphore_mem>>
          %dma_wait3A_263 = tpu.memref_squeeze %dma_wait3A_262 : memref<1x!tpu.dma_semaphore, #tpu.memory_space<semaphore_mem>> -> memref<!tpu.dma_semaphore, #tpu.memory_space<semaphore_mem>>
          tpu.wait_indirect_dma semaphore(%dma_wait3A_263 : memref<!tpu.dma_semaphore, #tpu.memory_space<semaphore_mem>>) src(%dma_wait3A_261 : memref<10000x128xf32, #tpu.memory_space<hbm>>) dst(%dma_wait3A_255 : memref<128x128xf32, #tpu.memory_space<vmem>>)
          %dma_wait3A_264 = arith.constant 0 : i32
          %dma_wait3A_265 = arith.constant 0 : i32
          %dma_wait3A_266 = arith.constant 0 : i32
          %dma_wait3A_267 = arith.constant 0 : i32
          %dma_wait3A_268 = arith.constant 0 : i32
          %dma_wait3A_269 = tpu.memref_slice %arg10[%dma_wait3A_265, %dma_wait3A_267, %dma_wait3A_268] : memref<3x128x128xf32, #tpu.memory_space<vmem>> -> memref<1x128x128xf32, #tpu.memory_space<vmem>>
          %dma_wait3A_270 = tpu.memref_squeeze %dma_wait3A_269 : memref<1x128x128xf32, #tpu.memory_space<vmem>> -> memref<128x128xf32, #tpu.memory_space<vmem>>
          %dma_wait3A_271 = arith.constant 0 : i32
          %dma_wait3A_272 = tpu.memref_slice %arg8[%dma_wait3A_264, %dma_wait3A_271] : memref<3x128xi32, #tpu.memory_space<vmem>> -> memref<1x128xi32, #tpu.memory_space<vmem>>
          %dma_wait3A_273 = tpu.memref_squeeze %dma_wait3A_272 : memref<1x128xi32, #tpu.memory_space<vmem>> -> memref<128xi32, #tpu.memory_space<vmem>>
          %dma_wait3A_274 = arith.constant 0 : i32
          %dma_wait3A_275 = arith.constant 0 : i32
          %dma_wait3A_276 = tpu.memref_slice %arg3[%dma_wait3A_274, %dma_wait3A_275] : memref<10000x128xf32, #tpu.memory_space<hbm>> -> memref<10000x128xf32, #tpu.memory_space<hbm>>
          %dma_wait3A_277 = tpu.memref_slice %arg13[%dma_wait3A_266] : memref<3x!tpu.dma_semaphore, #tpu.memory_space<semaphore_mem>> -> memref<1x!tpu.dma_semaphore, #tpu.memory_space<semaphore_mem>>
          %dma_wait3A_278 = tpu.memref_squeeze %dma_wait3A_277 : memref<1x!tpu.dma_semaphore, #tpu.memory_space<semaphore_mem>> -> memref<!tpu.dma_semaphore, #tpu.memory_space<semaphore_mem>>
          tpu.wait_indirect_dma semaphore(%dma_wait3A_278 : memref<!tpu.dma_semaphore, #tpu.memory_space<semaphore_mem>>) src(%dma_wait3A_276 : memref<10000x128xf32, #tpu.memory_space<hbm>>) dst(%dma_wait3A_270 : memref<128x128xf32, #tpu.memory_space<vmem>>)
          %sub3A_279 = arith.constant 1 : i32
          %sub3A_280 = arith.subi %while3A_107, %sub3A_279 : i32
          %scan3A = arith.constant 0 : i32
          %scan3A_281 = arith.constant 0 : i32
          %scan3A_282 = arith.constant 128 : i32
          %scan3A_283 = arith.addi %scan3A_281, %scan3A_282 : i32
          %scan3A_284 = arith.constant 1 : i32
          scf.for %scan3A_307 = %scan3A_281 to %scan3A_283 step %scan3A_284  : i32 {
            %get3A = arith.constant 0 : i32
            %get3A_308 = arith.index_cast %get3A : i32 to index
            %get3A_309 = arith.index_cast %scan3A_307 : i32 to index
            %get3A_310 = arith.constant 0 : index
            %get3A_311 = tpu.vector_load %arg9[%get3A_308, %get3A_309, %get3A_310] {strides = array<i32>} : memref<3x128x128xf32, #tpu.memory_space<vmem>>, vector<1x1x16xf32>,
            %get3A_312 = vector.shape_cast %get3A_311 : vector<1x1x16xf32> to vector<16xf32>
            %get3A_313 = arith.constant 0 : i32
            %get3A_314 = arith.index_cast %get3A_313 : i32 to index
            %get3A_315 = arith.index_cast %scan3A_307 : i32 to index
            %get3A_316 = arith.constant 0 : index
            %get3A_317 = tpu.vector_load %arg10[%get3A_314, %get3A_315, %get3A_316] {strides = array<i32>} : memref<3x128x128xf32, #tpu.memory_space<vmem>>, vector<1x1x16xf32>,
            %get3A_318 = vector.shape_cast %get3A_317 : vector<1x1x16xf32> to vector<16xf32>
            %add3A_319 = arith.addf %get3A_312, %get3A_318 : vector<16xf32>
            %swap3A = arith.constant 0 : i32
            %swap3A_320 = arith.index_cast %swap3A : i32 to index
            %swap3A_321 = arith.index_cast %scan3A_307 : i32 to index
            %swap3A_322 = arith.constant 0 : index
            %swap3A_323 = tpu.vector_load %arg9[%swap3A_320, %swap3A_321, %swap3A_322] {strides = array<i32>} : memref<3x128x128xf32, #tpu.memory_space<vmem>>, vector<1x1x16xf32>,
            %swap3A_324 = vector.shape_cast %swap3A_323 : vector<1x1x16xf32> to vector<16xf32>
            %swap3A_325 = vector.shape_cast %add3A_319 : vector<16xf32> to vector<1x1x16xf32>
            tpu.vector_store %arg9[%swap3A_320, %swap3A_321, %swap3A_322], %swap3A_325 {strides = array<i32>} : memref<3x128x128xf32, #tpu.memory_space<vmem>>, vector<1x1x16xf32>,
            %get3A_326 = arith.constant 0 : i32
            %get3A_327 = arith.index_cast %get3A_326 : i32 to index
            %get3A_328 = arith.index_cast %scan3A_307 : i32 to index
            %get3A_329 = arith.constant 16 : index
            %get3A_330 = tpu.vector_load %arg9[%get3A_327, %get3A_328, %get3A_329] {strides = array<i32>} : memref<3x128x128xf32, #tpu.memory_space<vmem>>, vector<1x1x16xf32>,
            %get3A_331 = vector.shape_cast %get3A_330 : vector<1x1x16xf32> to vector<16xf32>
            %get3A_332 = arith.constant 0 : i32
            %get3A_333 = arith.index_cast %get3A_332 : i32 to index
            %get3A_334 = arith.index_cast %scan3A_307 : i32 to index
            %get3A_335 = arith.constant 16 : index
            %get3A_336 = tpu.vector_load %arg10[%get3A_333, %get3A_334, %get3A_335] {strides = array<i32>} : memref<3x128x128xf32, #tpu.memory_space<vmem>>, vector<1x1x16xf32>,
            %get3A_337 = vector.shape_cast %get3A_336 : vector<1x1x16xf32> to vector<16xf32>
            %add3A_338 = arith.addf %get3A_331, %get3A_337 : vector<16xf32>
            %swap3A_339 = arith.constant 0 : i32
            %swap3A_340 = arith.index_cast %swap3A_339 : i32 to index
            %swap3A_341 = arith.index_cast %scan3A_307 : i32 to index
            %swap3A_342 = arith.constant 16 : index
            %swap3A_343 = tpu.vector_load %arg9[%swap3A_340, %swap3A_341, %swap3A_342] {strides = array<i32>} : memref<3x128x128xf32, #tpu.memory_space<vmem>>, vector<1x1x16xf32>,
            %swap3A_344 = vector.shape_cast %swap3A_343 : vector<1x1x16xf32> to vector<16xf32>
            %swap3A_345 = vector.shape_cast %add3A_338 : vector<16xf32> to vector<1x1x16xf32>
            tpu.vector_store %arg9[%swap3A_340, %swap3A_341, %swap3A_342], %swap3A_345 {strides = array<i32>} : memref<3x128x128xf32, #tpu.memory_space<vmem>>, vector<1x1x16xf32>,
            %get3A_346 = arith.constant 0 : i32
            %get3A_347 = arith.index_cast %get3A_346 : i32 to index
            %get3A_348 = arith.index_cast %scan3A_307 : i32 to index
            %get3A_349 = arith.constant 32 : index
            %get3A_350 = tpu.vector_load %arg9[%get3A_347, %get3A_348, %get3A_349] {strides = array<i32>} : memref<3x128x128xf32, #tpu.memory_space<vmem>>, vector<1x1x16xf32>,
            %get3A_351 = vector.shape_cast %get3A_350 : vector<1x1x16xf32> to vector<16xf32>
            %get3A_352 = arith.constant 0 : i32
            %get3A_353 = arith.index_cast %get3A_352 : i32 to index
            %get3A_354 = arith.index_cast %scan3A_307 : i32 to index
            %get3A_355 = arith.constant 32 : index
            %get3A_356 = tpu.vector_load %arg10[%get3A_353, %get3A_354, %get3A_355] {strides = array<i32>} : memref<3x128x128xf32, #tpu.memory_space<vmem>>, vector<1x1x16xf32>,
            %get3A_357 = vector.shape_cast %get3A_356 : vector<1x1x16xf32> to vector<16xf32>
            %add3A_358 = arith.addf %get3A_351, %get3A_357 : vector<16xf32>
            %swap3A_359 = arith.constant 0 : i32
            %swap3A_360 = arith.index_cast %swap3A_359 : i32 to index
            %swap3A_361 = arith.index_cast %scan3A_307 : i32 to index
            %swap3A_362 = arith.constant 32 : index
            %swap3A_363 = tpu.vector_load %arg9[%swap3A_360, %swap3A_361, %swap3A_362] {strides = array<i32>} : memref<3x128x128xf32, #tpu.memory_space<vmem>>, vector<1x1x16xf32>,
            %swap3A_364 = vector.shape_cast %swap3A_363 : vector<1x1x16xf32> to vector<16xf32>
            %swap3A_365 = vector.shape_cast %add3A_358 : vector<16xf32> to vector<1x1x16xf32>
            tpu.vector_store %arg9[%swap3A_360, %swap3A_361, %swap3A_362], %swap3A_365 {strides = array<i32>} : memref<3x128x128xf32, #tpu.memory_space<vmem>>, vector<1x1x16xf32>,
            %get3A_366 = arith.constant 0 : i32
            %get3A_367 = arith.index_cast %get3A_366 : i32 to index
            %get3A_368 = arith.index_cast %scan3A_307 : i32 to index
            %get3A_369 = arith.constant 48 : index
            %get3A_370 = tpu.vector_load %arg9[%get3A_367, %get3A_368, %get3A_369] {strides = array<i32>} : memref<3x128x128xf32, #tpu.memory_space<vmem>>, vector<1x1x16xf32>,
            %get3A_371 = vector.shape_cast %get3A_370 : vector<1x1x16xf32> to vector<16xf32>
            %get3A_372 = arith.constant 0 : i32
            %get3A_373 = arith.index_cast %get3A_372 : i32 to index
            %get3A_374 = arith.index_cast %scan3A_307 : i32 to index
            %get3A_375 = arith.constant 48 : index
            %get3A_376 = tpu.vector_load %arg10[%get3A_373, %get3A_374, %get3A_375] {strides = array<i32>} : memref<3x128x128xf32, #tpu.memory_space<vmem>>, vector<1x1x16xf32>,
            %get3A_377 = vector.shape_cast %get3A_376 : vector<1x1x16xf32> to vector<16xf32>
            %add3A_378 = arith.addf %get3A_371, %get3A_377 : vector<16xf32>
            %swap3A_379 = arith.constant 0 : i32
            %swap3A_380 = arith.index_cast %swap3A_379 : i32 to index
            %swap3A_381 = arith.index_cast %scan3A_307 : i32 to index
            %swap3A_382 = arith.constant 48 : index
            %swap3A_383 = tpu.vector_load %arg9[%swap3A_380, %swap3A_381, %swap3A_382] {strides = array<i32>} : memref<3x128x128xf32, #tpu.memory_space<vmem>>, vector<1x1x16xf32>,
            %swap3A_384 = vector.shape_cast %swap3A_383 : vector<1x1x16xf32> to vector<16xf32>
            %swap3A_385 = vector.shape_cast %add3A_378 : vector<16xf32> to vector<1x1x16xf32>
            tpu.vector_store %arg9[%swap3A_380, %swap3A_381, %swap3A_382], %swap3A_385 {strides = array<i32>} : memref<3x128x128xf32, #tpu.memory_space<vmem>>, vector<1x1x16xf32>,
            %get3A_386 = arith.constant 0 : i32
            %get3A_387 = arith.index_cast %get3A_386 : i32 to index
            %get3A_388 = arith.index_cast %scan3A_307 : i32 to index
            %get3A_389 = arith.constant 64 : index
            %get3A_390 = tpu.vector_load %arg9[%get3A_387, %get3A_388, %get3A_389] {strides = array<i32>} : memref<3x128x128xf32, #tpu.memory_space<vmem>>, vector<1x1x16xf32>,
            %get3A_391 = vector.shape_cast %get3A_390 : vector<1x1x16xf32> to vector<16xf32>
            %get3A_392 = arith.constant 0 : i32
            %get3A_393 = arith.index_cast %get3A_392 : i32 to index
            %get3A_394 = arith.index_cast %scan3A_307 : i32 to index
            %get3A_395 = arith.constant 64 : index
            %get3A_396 = tpu.vector_load %arg10[%get3A_393, %get3A_394, %get3A_395] {strides = array<i32>} : memref<3x128x128xf32, #tpu.memory_space<vmem>>, vector<1x1x16xf32>,
            %get3A_397 = vector.shape_cast %get3A_396 : vector<1x1x16xf32> to vector<16xf32>
            %add3A_398 = arith.addf %get3A_391, %get3A_397 : vector<16xf32>
            %swap3A_399 = arith.constant 0 : i32
            %swap3A_400 = arith.index_cast %swap3A_399 : i32 to index
            %swap3A_401 = arith.index_cast %scan3A_307 : i32 to index
            %swap3A_402 = arith.constant 64 : index
            %swap3A_403 = tpu.vector_load %arg9[%swap3A_400, %swap3A_401, %swap3A_402] {strides = array<i32>} : memref<3x128x128xf32, #tpu.memory_space<vmem>>, vector<1x1x16xf32>,
            %swap3A_404 = vector.shape_cast %swap3A_403 : vector<1x1x16xf32> to vector<16xf32>
            %swap3A_405 = vector.shape_cast %add3A_398 : vector<16xf32> to vector<1x1x16xf32>
            tpu.vector_store %arg9[%swap3A_400, %swap3A_401, %swap3A_402], %swap3A_405 {strides = array<i32>} : memref<3x128x128xf32, #tpu.memory_space<vmem>>, vector<1x1x16xf32>,
            %get3A_406 = arith.constant 0 : i32
            %get3A_407 = arith.index_cast %get3A_406 : i32 to index
            %get3A_408 = arith.index_cast %scan3A_307 : i32 to index
            %get3A_409 = arith.constant 80 : index
            %get3A_410 = tpu.vector_load %arg9[%get3A_407, %get3A_408, %get3A_409] {strides = array<i32>} : memref<3x128x128xf32, #tpu.memory_space<vmem>>, vector<1x1x16xf32>,
            %get3A_411 = vector.shape_cast %get3A_410 : vector<1x1x16xf32> to vector<16xf32>
            %get3A_412 = arith.constant 0 : i32
            %get3A_413 = arith.index_cast %get3A_412 : i32 to index
            %get3A_414 = arith.index_cast %scan3A_307 : i32 to index
            %get3A_415 = arith.constant 80 : index
            %get3A_416 = tpu.vector_load %arg10[%get3A_413, %get3A_414, %get3A_415] {strides = array<i32>} : memref<3x128x128xf32, #tpu.memory_space<vmem>>, vector<1x1x16xf32>,
            %get3A_417 = vector.shape_cast %get3A_416 : vector<1x1x16xf32> to vector<16xf32>
            %add3A_418 = arith.addf %get3A_411, %get3A_417 : vector<16xf32>
            %swap3A_419 = arith.constant 0 : i32
            %swap3A_420 = arith.index_cast %swap3A_419 : i32 to index
            %swap3A_421 = arith.index_cast %scan3A_307 : i32 to index
            %swap3A_422 = arith.constant 80 : index
            %swap3A_423 = tpu.vector_load %arg9[%swap3A_420, %swap3A_421, %swap3A_422] {strides = array<i32>} : memref<3x128x128xf32, #tpu.memory_space<vmem>>, vector<1x1x16xf32>,
            %swap3A_424 = vector.shape_cast %swap3A_423 : vector<1x1x16xf32> to vector<16xf32>
            %swap3A_425 = vector.shape_cast %add3A_418 : vector<16xf32> to vector<1x1x16xf32>
            tpu.vector_store %arg9[%swap3A_420, %swap3A_421, %swap3A_422], %swap3A_425 {strides = array<i32>} : memref<3x128x128xf32, #tpu.memory_space<vmem>>, vector<1x1x16xf32>,
            %get3A_426 = arith.constant 0 : i32
            %get3A_427 = arith.index_cast %get3A_426 : i32 to index
            %get3A_428 = arith.index_cast %scan3A_307 : i32 to index
            %get3A_429 = arith.constant 96 : index
            %get3A_430 = tpu.vector_load %arg9[%get3A_427, %get3A_428, %get3A_429] {strides = array<i32>} : memref<3x128x128xf32, #tpu.memory_space<vmem>>, vector<1x1x16xf32>,
            %get3A_431 = vector.shape_cast %get3A_430 : vector<1x1x16xf32> to vector<16xf32>
            %get3A_432 = arith.constant 0 : i32
            %get3A_433 = arith.index_cast %get3A_432 : i32 to index
            %get3A_434 = arith.index_cast %scan3A_307 : i32 to index
            %get3A_435 = arith.constant 96 : index
            %get3A_436 = tpu.vector_load %arg10[%get3A_433, %get3A_434, %get3A_435] {strides = array<i32>} : memref<3x128x128xf32, #tpu.memory_space<vmem>>, vector<1x1x16xf32>,
            %get3A_437 = vector.shape_cast %get3A_436 : vector<1x1x16xf32> to vector<16xf32>
            %add3A_438 = arith.addf %get3A_431, %get3A_437 : vector<16xf32>
            %swap3A_439 = arith.constant 0 : i32
            %swap3A_440 = arith.index_cast %swap3A_439 : i32 to index
            %swap3A_441 = arith.index_cast %scan3A_307 : i32 to index
            %swap3A_442 = arith.constant 96 : index
            %swap3A_443 = tpu.vector_load %arg9[%swap3A_440, %swap3A_441, %swap3A_442] {strides = array<i32>} : memref<3x128x128xf32, #tpu.memory_space<vmem>>, vector<1x1x16xf32>,
            %swap3A_444 = vector.shape_cast %swap3A_443 : vector<1x1x16xf32> to vector<16xf32>
            %swap3A_445 = vector.shape_cast %add3A_438 : vector<16xf32> to vector<1x1x16xf32>
            tpu.vector_store %arg9[%swap3A_440, %swap3A_441, %swap3A_442], %swap3A_445 {strides = array<i32>} : memref<3x128x128xf32, #tpu.memory_space<vmem>>, vector<1x1x16xf32>,
            %get3A_446 = arith.constant 0 : i32
            %get3A_447 = arith.index_cast %get3A_446 : i32 to index
            %get3A_448 = arith.index_cast %scan3A_307 : i32 to index
            %get3A_449 = arith.constant 112 : index
            %get3A_450 = tpu.vector_load %arg9[%get3A_447, %get3A_448, %get3A_449] {strides = array<i32>} : memref<3x128x128xf32, #tpu.memory_space<vmem>>, vector<1x1x16xf32>,
            %get3A_451 = vector.shape_cast %get3A_450 : vector<1x1x16xf32> to vector<16xf32>
            %get3A_452 = arith.constant 0 : i32
            %get3A_453 = arith.index_cast %get3A_452 : i32 to index
            %get3A_454 = arith.index_cast %scan3A_307 : i32 to index
            %get3A_455 = arith.constant 112 : index
            %get3A_456 = tpu.vector_load %arg10[%get3A_453, %get3A_454, %get3A_455] {strides = array<i32>} : memref<3x128x128xf32, #tpu.memory_space<vmem>>, vector<1x1x16xf32>,
            %get3A_457 = vector.shape_cast %get3A_456 : vector<1x1x16xf32> to vector<16xf32>
            %add3A_458 = arith.addf %get3A_451, %get3A_457 : vector<16xf32>
            %swap3A_459 = arith.constant 0 : i32
            %swap3A_460 = arith.index_cast %swap3A_459 : i32 to index
            %swap3A_461 = arith.index_cast %scan3A_307 : i32 to index
            %swap3A_462 = arith.constant 112 : index
            %swap3A_463 = tpu.vector_load %arg9[%swap3A_460, %swap3A_461, %swap3A_462] {strides = array<i32>} : memref<3x128x128xf32, #tpu.memory_space<vmem>>, vector<1x1x16xf32>,
            %swap3A_464 = vector.shape_cast %swap3A_463 : vector<1x1x16xf32> to vector<16xf32>
            %swap3A_465 = vector.shape_cast %add3A_458 : vector<16xf32> to vector<1x1x16xf32>
            tpu.vector_store %arg9[%swap3A_460, %swap3A_461, %swap3A_462], %swap3A_465 {strides = array<i32>} : memref<3x128x128xf32, #tpu.memory_space<vmem>>, vector<1x1x16xf32>,
          }
          %scan3A_285 = arith.constant 128 : i32
          %mul3A_286 = arith.constant 32 : i32
          %mul3A_287 = arith.muli %mul3A_286, %sub3A_280 : i32
          %add3A_288 = arith.addi %add3A, %mul3A_287 : i32
          %mul3A_289 = arith.constant 128 : i32
          %mul3A_290 = arith.muli %add3A_288, %mul3A_289 : i32
          %dma_start3A_291 = arith.constant 0 : i32
          %dma_start3A_292 = arith.constant 0 : i32
          %dma_start3A_293 = arith.constant 0 : i32
          %dma_start3A_294 = arith.constant 0 : i32
          %dma_start3A_295 = tpu.memref_slice %arg9[%dma_start3A_291, %dma_start3A_293, %dma_start3A_294] : memref<3x128x128xf32, #tpu.memory_space<vmem>> -> memref<1x128x128xf32, #tpu.memory_space<vmem>>
          %dma_start3A_296 = tpu.memref_squeeze %dma_start3A_295 : memref<1x128x128xf32, #tpu.memory_space<vmem>> -> memref<128x128xf32, #tpu.memory_space<vmem>>
          %dma_start3A_297 = arith.constant 0 : i32
          %dma_start3A_298 = tpu.memref_slice %arg6[%mul3A_290, %dma_start3A_297] : memref<320000x128xf32, #tpu.memory_space<hbm>> -> memref<128x128xf32, #tpu.memory_space<hbm>>
          %dma_start3A_299 = tpu.memref_slice %arg14[%dma_start3A_292] : memref<3x!tpu.dma_semaphore, #tpu.memory_space<semaphore_mem>> -> memref<1x!tpu.dma_semaphore, #tpu.memory_space<semaphore_mem>>
          %dma_start3A_300 = tpu.memref_squeeze %dma_start3A_299 : memref<1x!tpu.dma_semaphore, #tpu.memory_space<semaphore_mem>> -> memref<!tpu.dma_semaphore, #tpu.memory_space<semaphore_mem>>
          %dma_start3A_301 = arith.constant 0 : i32
          %dma_start3A_302 = tpu.memref_slice %arg6[%mul3A_290, %dma_start3A_301] : memref<320000x128xf32, #tpu.memory_space<hbm>> -> memref<128x128xf32, #tpu.memory_space<hbm>>
          %dma_start3A_303 = arith.constant 0 : i32
          %dma_start3A_304 = arith.constant 0 : i32
          %dma_start3A_305 = tpu.memref_slice %arg9[%dma_start3A_291, %dma_start3A_303, %dma_start3A_304] : memref<3x128x128xf32, #tpu.memory_space<vmem>> -> memref<1x128x128xf32, #tpu.memory_space<vmem>>
          %dma_start3A_306 = tpu.memref_squeeze %dma_start3A_305 : memref<1x128x128xf32, #tpu.memory_space<vmem>> -> memref<128x128xf32, #tpu.memory_space<vmem>>
          tpu.enqueue_dma source(%dma_start3A_306 : memref<128x128xf32, #tpu.memory_space<vmem>>) target(%dma_start3A_302 : memref<128x128xf32, #tpu.memory_space<hbm>>) target_semaphore(%dma_start3A_300 : memref<!tpu.dma_semaphore, #tpu.memory_space<semaphore_mem>>)
        } else {
        }
      } else {
      }
      %jit3A_150 = arith.constant 3 : i32
      %eq3A_151 = arith.constant 0 : i32
      %eq3A_152 = arith.cmpi eq, %jit3A_150, %eq3A_151 : i32
      %jit3A_153 = arith.constant 1 : i32
      %select_n3A_154 = arith.select %eq3A_152, %jit3A_153, %jit3A_150 : i32
      %rem3A_155 = arith.remsi %while3A_107, %select_n3A_154 : i32
      %ne3A_156 = arith.constant 0 : i32
      %ne3A_157 = arith.cmpi ne, %rem3A_155, %ne3A_156 : i32
      %lt3A_158 = arith.constant 0 : i32
      %lt3A_159 = arith.cmpi slt, %rem3A_155, %lt3A_158 : i32
      %lt3A_160 = arith.constant 0 : i32
      %lt3A_161 = arith.cmpi slt, %select_n3A_154, %lt3A_160 : i32
      %ne3A_162 = arith.xori %lt3A_159, %lt3A_161 : i1
      %and3A_163 = arith.andi %ne3A_162, %ne3A_157 : i1
      %add3A_164 = arith.addi %rem3A_155, %select_n3A_154 : i32
      %select_n3A_165 = arith.select %and3A_163, %add3A_164, %rem3A_155 : i32
      %eq3A_166 = arith.constant 2 : i32
      %eq3A_167 = arith.cmpi eq, %select_n3A_165, %eq3A_166 : i32
      %convert_element_type3A_168 = arith.extui %eq3A_167 : i1 to i32
      %cond3A_169 = arith.constant 0 : i32
      %cond3A_170 = arith.cmpi ne, %convert_element_type3A_168, %cond3A_169 : i32
      scf.if %cond3A_170 {
        %mul3A_171 = arith.constant 32 : i32
        %mul3A_172 = arith.muli %mul3A_171, %while3A_107 : i32
        %add3A_173 = arith.addi %add3A, %mul3A_172 : i32
        %mul3A_174 = arith.constant 128 : i32
        %mul3A_175 = arith.muli %add3A_173, %mul3A_174 : i32
        %dma_wait3A = arith.constant 2 : i32
        %dma_wait3A_176 = arith.constant 2 : i32
        %dma_wait3A_177 = arith.constant 0 : i32
        %dma_wait3A_178 = tpu.memref_slice %arg7[%dma_wait3A, %dma_wait3A_177] : memref<3x128xi32, #tpu.memory_space<vmem>> -> memref<1x128xi32, #tpu.memory_space<vmem>>
        %dma_wait3A_179 = tpu.memref_squeeze %dma_wait3A_178 : memref<1x128xi32, #tpu.memory_space<vmem>> -> memref<128xi32, #tpu.memory_space<vmem>>
        %dma_wait3A_180 = tpu.memref_slice %arg4[%mul3A_175] : memref<320000xi32, #tpu.memory_space<hbm>> -> memref<128xi32, #tpu.memory_space<hbm>>
        %dma_wait3A_181 = tpu.memref_slice %arg11[%dma_wait3A_176] : memref<3x!tpu.dma_semaphore, #tpu.memory_space<semaphore_mem>> -> memref<1x!tpu.dma_semaphore, #tpu.memory_space<semaphore_mem>>
        %dma_wait3A_182 = tpu.memref_squeeze %dma_wait3A_181 : memref<1x!tpu.dma_semaphore, #tpu.memory_space<semaphore_mem>> -> memref<!tpu.dma_semaphore, #tpu.memory_space<semaphore_mem>>
        %dma_wait3A_183 = arith.constant 0 : i32
        %dma_wait3A_184 = tpu.memref_slice %arg7[%dma_wait3A, %dma_wait3A_183] : memref<3x128xi32, #tpu.memory_space<vmem>> -> memref<1x128xi32, #tpu.memory_space<vmem>>
        %dma_wait3A_185 = tpu.memref_squeeze %dma_wait3A_184 : memref<1x128xi32, #tpu.memory_space<vmem>> -> memref<128xi32, #tpu.memory_space<vmem>>
        %dma_wait3A_186 = tpu.memref_slice %arg4[%mul3A_175] : memref<320000xi32, #tpu.memory_space<hbm>> -> memref<128xi32, #tpu.memory_space<hbm>>
        tpu.wait_dma2 semaphore(%dma_wait3A_182 : memref<!tpu.dma_semaphore, #tpu.memory_space<semaphore_mem>>) src(%dma_wait3A_186 : memref<128xi32, #tpu.memory_space<hbm>>) dst(%dma_wait3A_185 : memref<128xi32, #tpu.memory_space<vmem>>)
        %mul3A_187 = arith.constant 32 : i32
        %mul3A_188 = arith.muli %mul3A_187, %while3A_107 : i32
        %add3A_189 = arith.addi %add3A, %mul3A_188 : i32
        %mul3A_190 = arith.constant 128 : i32
        %mul3A_191 = arith.muli %add3A_189, %mul3A_190 : i32
        %dma_wait3A_192 = arith.constant 2 : i32
        %dma_wait3A_193 = arith.constant 2 : i32
        %dma_wait3A_194 = arith.constant 0 : i32
        %dma_wait3A_195 = tpu.memref_slice %arg8[%dma_wait3A_192, %dma_wait3A_194] : memref<3x128xi32, #tpu.memory_space<vmem>> -> memref<1x128xi32, #tpu.memory_space<vmem>>
        %dma_wait3A_196 = tpu.memref_squeeze %dma_wait3A_195 : memref<1x128xi32, #tpu.memory_space<vmem>> -> memref<128xi32, #tpu.memory_space<vmem>>
        %dma_wait3A_197 = tpu.memref_slice %arg5[%mul3A_191] : memref<320000xi32, #tpu.memory_space<hbm>> -> memref<128xi32, #tpu.memory_space<hbm>>
        %dma_wait3A_198 = tpu.memref_slice %arg12[%dma_wait3A_193] : memref<3x!tpu.dma_semaphore, #tpu.memory_space<semaphore_mem>> -> memref<1x!tpu.dma_semaphore, #tpu.memory_space<semaphore_mem>>
        %dma_wait3A_199 = tpu.memref_squeeze %dma_wait3A_198 : memref<1x!tpu.dma_semaphore, #tpu.memory_space<semaphore_mem>> -> memref<!tpu.dma_semaphore, #tpu.memory_space<semaphore_mem>>
        %dma_wait3A_200 = arith.constant 0 : i32
        %dma_wait3A_201 = tpu.memref_slice %arg8[%dma_wait3A_192, %dma_wait3A_200] : memref<3x128xi32, #tpu.memory_space<vmem>> -> memref<1x128xi32, #tpu.memory_space<vmem>>
        %dma_wait3A_202 = tpu.memref_squeeze %dma_wait3A_201 : memref<1x128xi32, #tpu.memory_space<vmem>> -> memref<128xi32, #tpu.memory_space<vmem>>
        %dma_wait3A_203 = tpu.memref_slice %arg5[%mul3A_191] : memref<320000xi32, #tpu.memory_space<hbm>> -> memref<128xi32, #tpu.memory_space<hbm>>
        tpu.wait_dma2 semaphore(%dma_wait3A_199 : memref<!tpu.dma_semaphore, #tpu.memory_space<semaphore_mem>>) src(%dma_wait3A_203 : memref<128xi32, #tpu.memory_space<hbm>>) dst(%dma_wait3A_202 : memref<128xi32, #tpu.memory_space<vmem>>)
        %ge3A = arith.constant 3 : i32
        %ge3A_204 = arith.cmpi sge, %while3A_107, %ge3A : i32
        %convert_element_type3A_205 = arith.extui %ge3A_204 : i1 to i32
        %cond3A_206 = arith.constant 0 : i32
        %cond3A_207 = arith.cmpi ne, %convert_element_type3A_205, %cond3A_206 : i32
        scf.if %cond3A_207 {
          %sub3A_249 = arith.constant 3 : i32
          %sub3A_250 = arith.subi %while3A_107, %sub3A_249 : i32
          %mul3A_251 = arith.constant 32 : i32
          %mul3A_252 = arith.muli %mul3A_251, %sub3A_250 : i32
          %add3A_253 = arith.addi %add3A, %mul3A_252 : i32
          %mul3A_254 = arith.constant 128 : i32
          %mul3A_255 = arith.muli %add3A_253, %mul3A_254 : i32
          %dma_wait3A_256 = arith.constant 2 : i32
          %dma_wait3A_257 = arith.constant 2 : i32
          %dma_wait3A_258 = arith.constant 0 : i32
          %dma_wait3A_259 = arith.constant 0 : i32
          %dma_wait3A_260 = tpu.memref_slice %arg9[%dma_wait3A_256, %dma_wait3A_258, %dma_wait3A_259] : memref<3x128x128xf32, #tpu.memory_space<vmem>> -> memref<1x128x128xf32, #tpu.memory_space<vmem>>
          %dma_wait3A_261 = tpu.memref_squeeze %dma_wait3A_260 : memref<1x128x128xf32, #tpu.memory_space<vmem>> -> memref<128x128xf32, #tpu.memory_space<vmem>>
          %dma_wait3A_262 = arith.constant 0 : i32
          %dma_wait3A_263 = tpu.memref_slice %arg6[%mul3A_255, %dma_wait3A_262] : memref<320000x128xf32, #tpu.memory_space<hbm>> -> memref<128x128xf32, #tpu.memory_space<hbm>>
          %dma_wait3A_264 = tpu.memref_slice %arg14[%dma_wait3A_257] : memref<3x!tpu.dma_semaphore, #tpu.memory_space<semaphore_mem>> -> memref<1x!tpu.dma_semaphore, #tpu.memory_space<semaphore_mem>>
          %dma_wait3A_265 = tpu.memref_squeeze %dma_wait3A_264 : memref<1x!tpu.dma_semaphore, #tpu.memory_space<semaphore_mem>> -> memref<!tpu.dma_semaphore, #tpu.memory_space<semaphore_mem>>
          %dma_wait3A_266 = arith.constant 0 : i32
          %dma_wait3A_267 = tpu.memref_slice %arg6[%mul3A_255, %dma_wait3A_266] : memref<320000x128xf32, #tpu.memory_space<hbm>> -> memref<128x128xf32, #tpu.memory_space<hbm>>
          %dma_wait3A_268 = arith.constant 0 : i32
          %dma_wait3A_269 = arith.constant 0 : i32
          %dma_wait3A_270 = tpu.memref_slice %arg9[%dma_wait3A_256, %dma_wait3A_268, %dma_wait3A_269] : memref<3x128x128xf32, #tpu.memory_space<vmem>> -> memref<1x128x128xf32, #tpu.memory_space<vmem>>
          %dma_wait3A_271 = tpu.memref_squeeze %dma_wait3A_270 : memref<1x128x128xf32, #tpu.memory_space<vmem>> -> memref<128x128xf32, #tpu.memory_space<vmem>>
          tpu.wait_dma2 semaphore(%dma_wait3A_265 : memref<!tpu.dma_semaphore, #tpu.memory_space<semaphore_mem>>) src(%dma_wait3A_271 : memref<128x128xf32, #tpu.memory_space<vmem>>) dst(%dma_wait3A_267 : memref<128x128xf32, #tpu.memory_space<hbm>>)
        } else {
        }
        %dma_start3A_208 = arith.constant 2 : i32
        %dma_start3A_209 = arith.constant 2 : i32
        %dma_start3A_210 = arith.constant 2 : i32
        %dma_start3A_211 = arith.constant 0 : i32
        %dma_start3A_212 = arith.constant 0 : i32
        %dma_start3A_213 = tpu.memref_slice %arg9[%dma_start3A_209, %dma_start3A_211, %dma_start3A_212] : memref<3x128x128xf32, #tpu.memory_space<vmem>> -> memref<1x128x128xf32, #tpu.memory_space<vmem>>
        %dma_start3A_214 = tpu.memref_squeeze %dma_start3A_213 : memref<1x128x128xf32, #tpu.memory_space<vmem>> -> memref<128x128xf32, #tpu.memory_space<vmem>>
        %dma_start3A_215 = arith.constant 0 : i32
        %dma_start3A_216 = tpu.memref_slice %arg7[%dma_start3A_208, %dma_start3A_215] : memref<3x128xi32, #tpu.memory_space<vmem>> -> memref<1x128xi32, #tpu.memory_space<vmem>>
        %dma_start3A_217 = tpu.memref_squeeze %dma_start3A_216 : memref<1x128xi32, #tpu.memory_space<vmem>> -> memref<128xi32, #tpu.memory_space<vmem>>
        %dma_start3A_218 = arith.constant 0 : i32
        %dma_start3A_219 = arith.constant 0 : i32
        %dma_start3A_220 = tpu.memref_slice %arg2[%dma_start3A_218, %dma_start3A_219] : memref<10000x128xf32, #tpu.memory_space<hbm>> -> memref<10000x128xf32, #tpu.memory_space<hbm>>
        %dma_start3A_221 = tpu.memref_slice %arg13[%dma_start3A_210] : memref<3x!tpu.dma_semaphore, #tpu.memory_space<semaphore_mem>> -> memref<1x!tpu.dma_semaphore, #tpu.memory_space<semaphore_mem>>
        %dma_start3A_222 = tpu.memref_squeeze %dma_start3A_221 : memref<1x!tpu.dma_semaphore, #tpu.memory_space<semaphore_mem>> -> memref<!tpu.dma_semaphore, #tpu.memory_space<semaphore_mem>>
        tpu.enqueue_indirect_dma source(%dma_start3A_220 : memref<10000x128xf32, #tpu.memory_space<hbm>>) target(%dma_start3A_214 : memref<128x128xf32, #tpu.memory_space<vmem>>) offsets(%dma_start3A_217 : memref<128xi32, #tpu.memory_space<vmem>>) semaphore(%dma_start3A_222 : memref<!tpu.dma_semaphore, #tpu.memory_space<semaphore_mem>>)
        %dma_start3A_223 = arith.constant 2 : i32
        %dma_start3A_224 = arith.constant 2 : i32
        %dma_start3A_225 = arith.constant 2 : i32
        %dma_start3A_226 = arith.constant 0 : i32
        %dma_start3A_227 = arith.constant 0 : i32
        %dma_start3A_228 = tpu.memref_slice %arg10[%dma_start3A_224, %dma_start3A_226, %dma_start3A_227] : memref<3x128x128xf32, #tpu.memory_space<vmem>> -> memref<1x128x128xf32, #tpu.memory_space<vmem>>
        %dma_start3A_229 = tpu.memref_squeeze %dma_start3A_228 : memref<1x128x128xf32, #tpu.memory_space<vmem>> -> memref<128x128xf32, #tpu.memory_space<vmem>>
        %dma_start3A_230 = arith.constant 0 : i32
        %dma_start3A_231 = tpu.memref_slice %arg8[%dma_start3A_223, %dma_start3A_230] : memref<3x128xi32, #tpu.memory_space<vmem>> -> memref<1x128xi32, #tpu.memory_space<vmem>>
        %dma_start3A_232 = tpu.memref_squeeze %dma_start3A_231 : memref<1x128xi32, #tpu.memory_space<vmem>> -> memref<128xi32, #tpu.memory_space<vmem>>
        %dma_start3A_233 = arith.constant 0 : i32
        %dma_start3A_234 = arith.constant 0 : i32
        %dma_start3A_235 = tpu.memref_slice %arg3[%dma_start3A_233, %dma_start3A_234] : memref<10000x128xf32, #tpu.memory_space<hbm>> -> memref<10000x128xf32, #tpu.memory_space<hbm>>
        %dma_start3A_236 = tpu.memref_slice %arg13[%dma_start3A_225] : memref<3x!tpu.dma_semaphore, #tpu.memory_space<semaphore_mem>> -> memref<1x!tpu.dma_semaphore, #tpu.memory_space<semaphore_mem>>
        %dma_start3A_237 = tpu.memref_squeeze %dma_start3A_236 : memref<1x!tpu.dma_semaphore, #tpu.memory_space<semaphore_mem>> -> memref<!tpu.dma_semaphore, #tpu.memory_space<semaphore_mem>>
        tpu.enqueue_indirect_dma source(%dma_start3A_235 : memref<10000x128xf32, #tpu.memory_space<hbm>>) target(%dma_start3A_229 : memref<128x128xf32, #tpu.memory_space<vmem>>) offsets(%dma_start3A_232 : memref<128xi32, #tpu.memory_space<vmem>>) semaphore(%dma_start3A_237 : memref<!tpu.dma_semaphore, #tpu.memory_space<semaphore_mem>>)
        %add3A_238 = arith.constant 1 : i32
        %add3A_239 = arith.addi %while3A_107, %add3A_238 : i32
        %lt3A_240 = arith.cmpi slt, %add3A_239, %add3A_4 : i32
        %convert_element_type3A_241 = arith.extui %lt3A_240 : i1 to i32
        %cond3A_242 = arith.constant 0 : i32
        %cond3A_243 = arith.cmpi ne, %convert_element_type3A_241, %cond3A_242 : i32
        scf.if %cond3A_243 {
          %add3A_249 = arith.constant 1 : i32
          %add3A_250 = arith.addi %while3A_107, %add3A_249 : i32
          %mul3A_251 = arith.constant 32 : i32
          %mul3A_252 = arith.muli %mul3A_251, %add3A_250 : i32
          %add3A_253 = arith.addi %add3A, %mul3A_252 : i32
          %mul3A_254 = arith.constant 128 : i32
          %mul3A_255 = arith.muli %add3A_253, %mul3A_254 : i32
          %dma_start3A_256 = arith.constant 0 : i32
          %dma_start3A_257 = arith.constant 0 : i32
          %dma_start3A_258 = arith.constant 0 : i32
          %dma_start3A_259 = tpu.memref_slice %arg7[%dma_start3A_256, %dma_start3A_258] : memref<3x128xi32, #tpu.memory_space<vmem>> -> memref<1x128xi32, #tpu.memory_space<vmem>>
          %dma_start3A_260 = tpu.memref_squeeze %dma_start3A_259 : memref<1x128xi32, #tpu.memory_space<vmem>> -> memref<128xi32, #tpu.memory_space<vmem>>
          %dma_start3A_261 = tpu.memref_slice %arg4[%mul3A_255] : memref<320000xi32, #tpu.memory_space<hbm>> -> memref<128xi32, #tpu.memory_space<hbm>>
          %dma_start3A_262 = tpu.memref_slice %arg11[%dma_start3A_257] : memref<3x!tpu.dma_semaphore, #tpu.memory_space<semaphore_mem>> -> memref<1x!tpu.dma_semaphore, #tpu.memory_space<semaphore_mem>>
          %dma_start3A_263 = tpu.memref_squeeze %dma_start3A_262 : memref<1x!tpu.dma_semaphore, #tpu.memory_space<semaphore_mem>> -> memref<!tpu.dma_semaphore, #tpu.memory_space<semaphore_mem>>
          %dma_start3A_264 = arith.constant 0 : i32
          %dma_start3A_265 = tpu.memref_slice %arg7[%dma_start3A_256, %dma_start3A_264] : memref<3x128xi32, #tpu.memory_space<vmem>> -> memref<1x128xi32, #tpu.memory_space<vmem>>
          %dma_start3A_266 = tpu.memref_squeeze %dma_start3A_265 : memref<1x128xi32, #tpu.memory_space<vmem>> -> memref<128xi32, #tpu.memory_space<vmem>>
          %dma_start3A_267 = tpu.memref_slice %arg4[%mul3A_255] : memref<320000xi32, #tpu.memory_space<hbm>> -> memref<128xi32, #tpu.memory_space<hbm>>
          tpu.enqueue_dma source(%dma_start3A_267 : memref<128xi32, #tpu.memory_space<hbm>>) target(%dma_start3A_266 : memref<128xi32, #tpu.memory_space<vmem>>) target_semaphore(%dma_start3A_263 : memref<!tpu.dma_semaphore, #tpu.memory_space<semaphore_mem>>)
          %mul3A_268 = arith.constant 32 : i32
          %mul3A_269 = arith.muli %mul3A_268, %add3A_250 : i32
          %add3A_270 = arith.addi %add3A, %mul3A_269 : i32
          %mul3A_271 = arith.constant 128 : i32
          %mul3A_272 = arith.muli %add3A_270, %mul3A_271 : i32
          %dma_start3A_273 = arith.constant 0 : i32
          %dma_start3A_274 = arith.constant 0 : i32
          %dma_start3A_275 = arith.constant 0 : i32
          %dma_start3A_276 = tpu.memref_slice %arg8[%dma_start3A_273, %dma_start3A_275] : memref<3x128xi32, #tpu.memory_space<vmem>> -> memref<1x128xi32, #tpu.memory_space<vmem>>
          %dma_start3A_277 = tpu.memref_squeeze %dma_start3A_276 : memref<1x128xi32, #tpu.memory_space<vmem>> -> memref<128xi32, #tpu.memory_space<vmem>>
          %dma_start3A_278 = tpu.memref_slice %arg5[%mul3A_272] : memref<320000xi32, #tpu.memory_space<hbm>> -> memref<128xi32, #tpu.memory_space<hbm>>
          %dma_start3A_279 = tpu.memref_slice %arg12[%dma_start3A_274] : memref<3x!tpu.dma_semaphore, #tpu.memory_space<semaphore_mem>> -> memref<1x!tpu.dma_semaphore, #tpu.memory_space<semaphore_mem>>
          %dma_start3A_280 = tpu.memref_squeeze %dma_start3A_279 : memref<1x!tpu.dma_semaphore, #tpu.memory_space<semaphore_mem>> -> memref<!tpu.dma_semaphore, #tpu.memory_space<semaphore_mem>>
          %dma_start3A_281 = arith.constant 0 : i32
          %dma_start3A_282 = tpu.memref_slice %arg8[%dma_start3A_273, %dma_start3A_281] : memref<3x128xi32, #tpu.memory_space<vmem>> -> memref<1x128xi32, #tpu.memory_space<vmem>>
          %dma_start3A_283 = tpu.memref_squeeze %dma_start3A_282 : memref<1x128xi32, #tpu.memory_space<vmem>> -> memref<128xi32, #tpu.memory_space<vmem>>
          %dma_start3A_284 = tpu.memref_slice %arg5[%mul3A_272] : memref<320000xi32, #tpu.memory_space<hbm>> -> memref<128xi32, #tpu.memory_space<hbm>>
          tpu.enqueue_dma source(%dma_start3A_284 : memref<128xi32, #tpu.memory_space<hbm>>) target(%dma_start3A_283 : memref<128xi32, #tpu.memory_space<vmem>>) target_semaphore(%dma_start3A_280 : memref<!tpu.dma_semaphore, #tpu.memory_space<semaphore_mem>>)
        } else {
        }
        %ge3A_244 = arith.constant 1 : i32
        %ge3A_245 = arith.cmpi sge, %while3A_107, %ge3A_244 : i32
        %convert_element_type3A_246 = arith.extui %ge3A_245 : i1 to i32
        %cond3A_247 = arith.constant 0 : i32
        %cond3A_248 = arith.cmpi ne, %convert_element_type3A_246, %cond3A_247 : i32
        scf.if %cond3A_248 {
          %dma_wait3A_249 = arith.constant 1 : i32
          %dma_wait3A_250 = arith.constant 1 : i32
          %dma_wait3A_251 = arith.constant 1 : i32
          %dma_wait3A_252 = arith.constant 0 : i32
          %dma_wait3A_253 = arith.constant 0 : i32
          %dma_wait3A_254 = tpu.memref_slice %arg9[%dma_wait3A_250, %dma_wait3A_252, %dma_wait3A_253] : memref<3x128x128xf32, #tpu.memory_space<vmem>> -> memref<1x128x128xf32, #tpu.memory_space<vmem>>
          %dma_wait3A_255 = tpu.memref_squeeze %dma_wait3A_254 : memref<1x128x128xf32, #tpu.memory_space<vmem>> -> memref<128x128xf32, #tpu.memory_space<vmem>>
          %dma_wait3A_256 = arith.constant 0 : i32
          %dma_wait3A_257 = tpu.memref_slice %arg7[%dma_wait3A_249, %dma_wait3A_256] : memref<3x128xi32, #tpu.memory_space<vmem>> -> memref<1x128xi32, #tpu.memory_space<vmem>>
          %dma_wait3A_258 = tpu.memref_squeeze %dma_wait3A_257 : memref<1x128xi32, #tpu.memory_space<vmem>> -> memref<128xi32, #tpu.memory_space<vmem>>
          %dma_wait3A_259 = arith.constant 0 : i32
          %dma_wait3A_260 = arith.constant 0 : i32
          %dma_wait3A_261 = tpu.memref_slice %arg2[%dma_wait3A_259, %dma_wait3A_260] : memref<10000x128xf32, #tpu.memory_space<hbm>> -> memref<10000x128xf32, #tpu.memory_space<hbm>>
          %dma_wait3A_262 = tpu.memref_slice %arg13[%dma_wait3A_251] : memref<3x!tpu.dma_semaphore, #tpu.memory_space<semaphore_mem>> -> memref<1x!tpu.dma_semaphore, #tpu.memory_space<semaphore_mem>>
          %dma_wait3A_263 = tpu.memref_squeeze %dma_wait3A_262 : memref<1x!tpu.dma_semaphore, #tpu.memory_space<semaphore_mem>> -> memref<!tpu.dma_semaphore, #tpu.memory_space<semaphore_mem>>
          tpu.wait_indirect_dma semaphore(%dma_wait3A_263 : memref<!tpu.dma_semaphore, #tpu.memory_space<semaphore_mem>>) src(%dma_wait3A_261 : memref<10000x128xf32, #tpu.memory_space<hbm>>) dst(%dma_wait3A_255 : memref<128x128xf32, #tpu.memory_space<vmem>>)
          %dma_wait3A_264 = arith.constant 1 : i32
          %dma_wait3A_265 = arith.constant 1 : i32
          %dma_wait3A_266 = arith.constant 1 : i32
          %dma_wait3A_267 = arith.constant 0 : i32
          %dma_wait3A_268 = arith.constant 0 : i32
          %dma_wait3A_269 = tpu.memref_slice %arg10[%dma_wait3A_265, %dma_wait3A_267, %dma_wait3A_268] : memref<3x128x128xf32, #tpu.memory_space<vmem>> -> memref<1x128x128xf32, #tpu.memory_space<vmem>>
          %dma_wait3A_270 = tpu.memref_squeeze %dma_wait3A_269 : memref<1x128x128xf32, #tpu.memory_space<vmem>> -> memref<128x128xf32, #tpu.memory_space<vmem>>
          %dma_wait3A_271 = arith.constant 0 : i32
          %dma_wait3A_272 = tpu.memref_slice %arg8[%dma_wait3A_264, %dma_wait3A_271] : memref<3x128xi32, #tpu.memory_space<vmem>> -> memref<1x128xi32, #tpu.memory_space<vmem>>
          %dma_wait3A_273 = tpu.memref_squeeze %dma_wait3A_272 : memref<1x128xi32, #tpu.memory_space<vmem>> -> memref<128xi32, #tpu.memory_space<vmem>>
          %dma_wait3A_274 = arith.constant 0 : i32
          %dma_wait3A_275 = arith.constant 0 : i32
          %dma_wait3A_276 = tpu.memref_slice %arg3[%dma_wait3A_274, %dma_wait3A_275] : memref<10000x128xf32, #tpu.memory_space<hbm>> -> memref<10000x128xf32, #tpu.memory_space<hbm>>
          %dma_wait3A_277 = tpu.memref_slice %arg13[%dma_wait3A_266] : memref<3x!tpu.dma_semaphore, #tpu.memory_space<semaphore_mem>> -> memref<1x!tpu.dma_semaphore, #tpu.memory_space<semaphore_mem>>
          %dma_wait3A_278 = tpu.memref_squeeze %dma_wait3A_277 : memref<1x!tpu.dma_semaphore, #tpu.memory_space<semaphore_mem>> -> memref<!tpu.dma_semaphore, #tpu.memory_space<semaphore_mem>>
          tpu.wait_indirect_dma semaphore(%dma_wait3A_278 : memref<!tpu.dma_semaphore, #tpu.memory_space<semaphore_mem>>) src(%dma_wait3A_276 : memref<10000x128xf32, #tpu.memory_space<hbm>>) dst(%dma_wait3A_270 : memref<128x128xf32, #tpu.memory_space<vmem>>)
          %sub3A_279 = arith.constant 1 : i32
          %sub3A_280 = arith.subi %while3A_107, %sub3A_279 : i32
          %scan3A = arith.constant 0 : i32
          %scan3A_281 = arith.constant 0 : i32
          %scan3A_282 = arith.constant 128 : i32
          %scan3A_283 = arith.addi %scan3A_281, %scan3A_282 : i32
          %scan3A_284 = arith.constant 1 : i32
          scf.for %scan3A_307 = %scan3A_281 to %scan3A_283 step %scan3A_284  : i32 {
            %get3A = arith.constant 1 : i32
            %get3A_308 = arith.index_cast %get3A : i32 to index
            %get3A_309 = arith.index_cast %scan3A_307 : i32 to index
            %get3A_310 = arith.constant 0 : index
            %get3A_311 = tpu.vector_load %arg9[%get3A_308, %get3A_309, %get3A_310] {strides = array<i32>} : memref<3x128x128xf32, #tpu.memory_space<vmem>>, vector<1x1x16xf32>,
            %get3A_312 = vector.shape_cast %get3A_311 : vector<1x1x16xf32> to vector<16xf32>
            %get3A_313 = arith.constant 1 : i32
            %get3A_314 = arith.index_cast %get3A_313 : i32 to index
            %get3A_315 = arith.index_cast %scan3A_307 : i32 to index
            %get3A_316 = arith.constant 0 : index
            %get3A_317 = tpu.vector_load %arg10[%get3A_314, %get3A_315, %get3A_316] {strides = array<i32>} : memref<3x128x128xf32, #tpu.memory_space<vmem>>, vector<1x1x16xf32>,
            %get3A_318 = vector.shape_cast %get3A_317 : vector<1x1x16xf32> to vector<16xf32>
            %add3A_319 = arith.addf %get3A_312, %get3A_318 : vector<16xf32>
            %swap3A = arith.constant 1 : i32
            %swap3A_320 = arith.index_cast %swap3A : i32 to index
            %swap3A_321 = arith.index_cast %scan3A_307 : i32 to index
            %swap3A_322 = arith.constant 0 : index
            %swap3A_323 = tpu.vector_load %arg9[%swap3A_320, %swap3A_321, %swap3A_322] {strides = array<i32>} : memref<3x128x128xf32, #tpu.memory_space<vmem>>, vector<1x1x16xf32>,
            %swap3A_324 = vector.shape_cast %swap3A_323 : vector<1x1x16xf32> to vector<16xf32>
            %swap3A_325 = vector.shape_cast %add3A_319 : vector<16xf32> to vector<1x1x16xf32>
            tpu.vector_store %arg9[%swap3A_320, %swap3A_321, %swap3A_322], %swap3A_325 {strides = array<i32>} : memref<3x128x128xf32, #tpu.memory_space<vmem>>, vector<1x1x16xf32>,
            %get3A_326 = arith.constant 1 : i32
            %get3A_327 = arith.index_cast %get3A_326 : i32 to index
            %get3A_328 = arith.index_cast %scan3A_307 : i32 to index
            %get3A_329 = arith.constant 16 : index
            %get3A_330 = tpu.vector_load %arg9[%get3A_327, %get3A_328, %get3A_329] {strides = array<i32>} : memref<3x128x128xf32, #tpu.memory_space<vmem>>, vector<1x1x16xf32>,
            %get3A_331 = vector.shape_cast %get3A_330 : vector<1x1x16xf32> to vector<16xf32>
            %get3A_332 = arith.constant 1 : i32
            %get3A_333 = arith.index_cast %get3A_332 : i32 to index
            %get3A_334 = arith.index_cast %scan3A_307 : i32 to index
            %get3A_335 = arith.constant 16 : index
            %get3A_336 = tpu.vector_load %arg10[%get3A_333, %get3A_334, %get3A_335] {strides = array<i32>} : memref<3x128x128xf32, #tpu.memory_space<vmem>>, vector<1x1x16xf32>,
            %get3A_337 = vector.shape_cast %get3A_336 : vector<1x1x16xf32> to vector<16xf32>
            %add3A_338 = arith.addf %get3A_331, %get3A_337 : vector<16xf32>
            %swap3A_339 = arith.constant 1 : i32
            %swap3A_340 = arith.index_cast %swap3A_339 : i32 to index
            %swap3A_341 = arith.index_cast %scan3A_307 : i32 to index
            %swap3A_342 = arith.constant 16 : index
            %swap3A_343 = tpu.vector_load %arg9[%swap3A_340, %swap3A_341, %swap3A_342] {strides = array<i32>} : memref<3x128x128xf32, #tpu.memory_space<vmem>>, vector<1x1x16xf32>,
            %swap3A_344 = vector.shape_cast %swap3A_343 : vector<1x1x16xf32> to vector<16xf32>
            %swap3A_345 = vector.shape_cast %add3A_338 : vector<16xf32> to vector<1x1x16xf32>
            tpu.vector_store %arg9[%swap3A_340, %swap3A_341, %swap3A_342], %swap3A_345 {strides = array<i32>} : memref<3x128x128xf32, #tpu.memory_space<vmem>>, vector<1x1x16xf32>,
            %get3A_346 = arith.constant 1 : i32
            %get3A_347 = arith.index_cast %get3A_346 : i32 to index
            %get3A_348 = arith.index_cast %scan3A_307 : i32 to index
            %get3A_349 = arith.constant 32 : index
            %get3A_350 = tpu.vector_load %arg9[%get3A_347, %get3A_348, %get3A_349] {strides = array<i32>} : memref<3x128x128xf32, #tpu.memory_space<vmem>>, vector<1x1x16xf32>,
            %get3A_351 = vector.shape_cast %get3A_350 : vector<1x1x16xf32> to vector<16xf32>
            %get3A_352 = arith.constant 1 : i32
            %get3A_353 = arith.index_cast %get3A_352 : i32 to index
            %get3A_354 = arith.index_cast %scan3A_307 : i32 to index
            %get3A_355 = arith.constant 32 : index
            %get3A_356 = tpu.vector_load %arg10[%get3A_353, %get3A_354, %get3A_355] {strides = array<i32>} : memref<3x128x128xf32, #tpu.memory_space<vmem>>, vector<1x1x16xf32>,
            %get3A_357 = vector.shape_cast %get3A_356 : vector<1x1x16xf32> to vector<16xf32>
            %add3A_358 = arith.addf %get3A_351, %get3A_357 : vector<16xf32>
            %swap3A_359 = arith.constant 1 : i32
            %swap3A_360 = arith.index_cast %swap3A_359 : i32 to index
            %swap3A_361 = arith.index_cast %scan3A_307 : i32 to index
            %swap3A_362 = arith.constant 32 : index
            %swap3A_363 = tpu.vector_load %arg9[%swap3A_360, %swap3A_361, %swap3A_362] {strides = array<i32>} : memref<3x128x128xf32, #tpu.memory_space<vmem>>, vector<1x1x16xf32>,
            %swap3A_364 = vector.shape_cast %swap3A_363 : vector<1x1x16xf32> to vector<16xf32>
            %swap3A_365 = vector.shape_cast %add3A_358 : vector<16xf32> to vector<1x1x16xf32>
            tpu.vector_store %arg9[%swap3A_360, %swap3A_361, %swap3A_362], %swap3A_365 {strides = array<i32>} : memref<3x128x128xf32, #tpu.memory_space<vmem>>, vector<1x1x16xf32>,
            %get3A_366 = arith.constant 1 : i32
            %get3A_367 = arith.index_cast %get3A_366 : i32 to index
            %get3A_368 = arith.index_cast %scan3A_307 : i32 to index
            %get3A_369 = arith.constant 48 : index
            %get3A_370 = tpu.vector_load %arg9[%get3A_367, %get3A_368, %get3A_369] {strides = array<i32>} : memref<3x128x128xf32, #tpu.memory_space<vmem>>, vector<1x1x16xf32>,
            %get3A_371 = vector.shape_cast %get3A_370 : vector<1x1x16xf32> to vector<16xf32>
            %get3A_372 = arith.constant 1 : i32
            %get3A_373 = arith.index_cast %get3A_372 : i32 to index
            %get3A_374 = arith.index_cast %scan3A_307 : i32 to index
            %get3A_375 = arith.constant 48 : index
            %get3A_376 = tpu.vector_load %arg10[%get3A_373, %get3A_374, %get3A_375] {strides = array<i32>} : memref<3x128x128xf32, #tpu.memory_space<vmem>>, vector<1x1x16xf32>,
            %get3A_377 = vector.shape_cast %get3A_376 : vector<1x1x16xf32> to vector<16xf32>
            %add3A_378 = arith.addf %get3A_371, %get3A_377 : vector<16xf32>
            %swap3A_379 = arith.constant 1 : i32
            %swap3A_380 = arith.index_cast %swap3A_379 : i32 to index
            %swap3A_381 = arith.index_cast %scan3A_307 : i32 to index
            %swap3A_382 = arith.constant 48 : index
            %swap3A_383 = tpu.vector_load %arg9[%swap3A_380, %swap3A_381, %swap3A_382] {strides = array<i32>} : memref<3x128x128xf32, #tpu.memory_space<vmem>>, vector<1x1x16xf32>,
            %swap3A_384 = vector.shape_cast %swap3A_383 : vector<1x1x16xf32> to vector<16xf32>
            %swap3A_385 = vector.shape_cast %add3A_378 : vector<16xf32> to vector<1x1x16xf32>
            tpu.vector_store %arg9[%swap3A_380, %swap3A_381, %swap3A_382], %swap3A_385 {strides = array<i32>} : memref<3x128x128xf32, #tpu.memory_space<vmem>>, vector<1x1x16xf32>,
            %get3A_386 = arith.constant 1 : i32
            %get3A_387 = arith.index_cast %get3A_386 : i32 to index
            %get3A_388 = arith.index_cast %scan3A_307 : i32 to index
            %get3A_389 = arith.constant 64 : index
            %get3A_390 = tpu.vector_load %arg9[%get3A_387, %get3A_388, %get3A_389] {strides = array<i32>} : memref<3x128x128xf32, #tpu.memory_space<vmem>>, vector<1x1x16xf32>,
            %get3A_391 = vector.shape_cast %get3A_390 : vector<1x1x16xf32> to vector<16xf32>
            %get3A_392 = arith.constant 1 : i32
            %get3A_393 = arith.index_cast %get3A_392 : i32 to index
            %get3A_394 = arith.index_cast %scan3A_307 : i32 to index
            %get3A_395 = arith.constant 64 : index
            %get3A_396 = tpu.vector_load %arg10[%get3A_393, %get3A_394, %get3A_395] {strides = array<i32>} : memref<3x128x128xf32, #tpu.memory_space<vmem>>, vector<1x1x16xf32>,
            %get3A_397 = vector.shape_cast %get3A_396 : vector<1x1x16xf32> to vector<16xf32>
            %add3A_398 = arith.addf %get3A_391, %get3A_397 : vector<16xf32>
            %swap3A_399 = arith.constant 1 : i32
            %swap3A_400 = arith.index_cast %swap3A_399 : i32 to index
            %swap3A_401 = arith.index_cast %scan3A_307 : i32 to index
            %swap3A_402 = arith.constant 64 : index
            %swap3A_403 = tpu.vector_load %arg9[%swap3A_400, %swap3A_401, %swap3A_402] {strides = array<i32>} : memref<3x128x128xf32, #tpu.memory_space<vmem>>, vector<1x1x16xf32>,
            %swap3A_404 = vector.shape_cast %swap3A_403 : vector<1x1x16xf32> to vector<16xf32>
            %swap3A_405 = vector.shape_cast %add3A_398 : vector<16xf32> to vector<1x1x16xf32>
            tpu.vector_store %arg9[%swap3A_400, %swap3A_401, %swap3A_402], %swap3A_405 {strides = array<i32>} : memref<3x128x128xf32, #tpu.memory_space<vmem>>, vector<1x1x16xf32>,
            %get3A_406 = arith.constant 1 : i32
            %get3A_407 = arith.index_cast %get3A_406 : i32 to index
            %get3A_408 = arith.index_cast %scan3A_307 : i32 to index
            %get3A_409 = arith.constant 80 : index
            %get3A_410 = tpu.vector_load %arg9[%get3A_407, %get3A_408, %get3A_409] {strides = array<i32>} : memref<3x128x128xf32, #tpu.memory_space<vmem>>, vector<1x1x16xf32>,
            %get3A_411 = vector.shape_cast %get3A_410 : vector<1x1x16xf32> to vector<16xf32>
            %get3A_412 = arith.constant 1 : i32
            %get3A_413 = arith.index_cast %get3A_412 : i32 to index
            %get3A_414 = arith.index_cast %scan3A_307 : i32 to index
            %get3A_415 = arith.constant 80 : index
            %get3A_416 = tpu.vector_load %arg10[%get3A_413, %get3A_414, %get3A_415] {strides = array<i32>} : memref<3x128x128xf32, #tpu.memory_space<vmem>>, vector<1x1x16xf32>,
            %get3A_417 = vector.shape_cast %get3A_416 : vector<1x1x16xf32> to vector<16xf32>
            %add3A_418 = arith.addf %get3A_411, %get3A_417 : vector<16xf32>
            %swap3A_419 = arith.constant 1 : i32
            %swap3A_420 = arith.index_cast %swap3A_419 : i32 to index
            %swap3A_421 = arith.index_cast %scan3A_307 : i32 to index
            %swap3A_422 = arith.constant 80 : index
            %swap3A_423 = tpu.vector_load %arg9[%swap3A_420, %swap3A_421, %swap3A_422] {strides = array<i32>} : memref<3x128x128xf32, #tpu.memory_space<vmem>>, vector<1x1x16xf32>,
            %swap3A_424 = vector.shape_cast %swap3A_423 : vector<1x1x16xf32> to vector<16xf32>
            %swap3A_425 = vector.shape_cast %add3A_418 : vector<16xf32> to vector<1x1x16xf32>
            tpu.vector_store %arg9[%swap3A_420, %swap3A_421, %swap3A_422], %swap3A_425 {strides = array<i32>} : memref<3x128x128xf32, #tpu.memory_space<vmem>>, vector<1x1x16xf32>,
            %get3A_426 = arith.constant 1 : i32
            %get3A_427 = arith.index_cast %get3A_426 : i32 to index
            %get3A_428 = arith.index_cast %scan3A_307 : i32 to index
            %get3A_429 = arith.constant 96 : index
            %get3A_430 = tpu.vector_load %arg9[%get3A_427, %get3A_428, %get3A_429] {strides = array<i32>} : memref<3x128x128xf32, #tpu.memory_space<vmem>>, vector<1x1x16xf32>,
            %get3A_431 = vector.shape_cast %get3A_430 : vector<1x1x16xf32> to vector<16xf32>
            %get3A_432 = arith.constant 1 : i32
            %get3A_433 = arith.index_cast %get3A_432 : i32 to index
            %get3A_434 = arith.index_cast %scan3A_307 : i32 to index
            %get3A_435 = arith.constant 96 : index
            %get3A_436 = tpu.vector_load %arg10[%get3A_433, %get3A_434, %get3A_435] {strides = array<i32>} : memref<3x128x128xf32, #tpu.memory_space<vmem>>, vector<1x1x16xf32>,
            %get3A_437 = vector.shape_cast %get3A_436 : vector<1x1x16xf32> to vector<16xf32>
            %add3A_438 = arith.addf %get3A_431, %get3A_437 : vector<16xf32>
            %swap3A_439 = arith.constant 1 : i32
            %swap3A_440 = arith.index_cast %swap3A_439 : i32 to index
            %swap3A_441 = arith.index_cast %scan3A_307 : i32 to index
            %swap3A_442 = arith.constant 96 : index
            %swap3A_443 = tpu.vector_load %arg9[%swap3A_440, %swap3A_441, %swap3A_442] {strides = array<i32>} : memref<3x128x128xf32, #tpu.memory_space<vmem>>, vector<1x1x16xf32>,
            %swap3A_444 = vector.shape_cast %swap3A_443 : vector<1x1x16xf32> to vector<16xf32>
            %swap3A_445 = vector.shape_cast %add3A_438 : vector<16xf32> to vector<1x1x16xf32>
            tpu.vector_store %arg9[%swap3A_440, %swap3A_441, %swap3A_442], %swap3A_445 {strides = array<i32>} : memref<3x128x128xf32, #tpu.memory_space<vmem>>, vector<1x1x16xf32>,
            %get3A_446 = arith.constant 1 : i32
            %get3A_447 = arith.index_cast %get3A_446 : i32 to index
            %get3A_448 = arith.index_cast %scan3A_307 : i32 to index
            %get3A_449 = arith.constant 112 : index
            %get3A_450 = tpu.vector_load %arg9[%get3A_447, %get3A_448, %get3A_449] {strides = array<i32>} : memref<3x128x128xf32, #tpu.memory_space<vmem>>, vector<1x1x16xf32>,
            %get3A_451 = vector.shape_cast %get3A_450 : vector<1x1x16xf32> to vector<16xf32>
            %get3A_452 = arith.constant 1 : i32
            %get3A_453 = arith.index_cast %get3A_452 : i32 to index
            %get3A_454 = arith.index_cast %scan3A_307 : i32 to index
            %get3A_455 = arith.constant 112 : index
            %get3A_456 = tpu.vector_load %arg10[%get3A_453, %get3A_454, %get3A_455] {strides = array<i32>} : memref<3x128x128xf32, #tpu.memory_space<vmem>>, vector<1x1x16xf32>,
            %get3A_457 = vector.shape_cast %get3A_456 : vector<1x1x16xf32> to vector<16xf32>
            %add3A_458 = arith.addf %get3A_451, %get3A_457 : vector<16xf32>
            %swap3A_459 = arith.constant 1 : i32
            %swap3A_460 = arith.index_cast %swap3A_459 : i32 to index
            %swap3A_461 = arith.index_cast %scan3A_307 : i32 to index
            %swap3A_462 = arith.constant 112 : index
            %swap3A_463 = tpu.vector_load %arg9[%swap3A_460, %swap3A_461, %swap3A_462] {strides = array<i32>} : memref<3x128x128xf32, #tpu.memory_space<vmem>>, vector<1x1x16xf32>,
            %swap3A_464 = vector.shape_cast %swap3A_463 : vector<1x1x16xf32> to vector<16xf32>
            %swap3A_465 = vector.shape_cast %add3A_458 : vector<16xf32> to vector<1x1x16xf32>
            tpu.vector_store %arg9[%swap3A_460, %swap3A_461, %swap3A_462], %swap3A_465 {strides = array<i32>} : memref<3x128x128xf32, #tpu.memory_space<vmem>>, vector<1x1x16xf32>,
          }
          %scan3A_285 = arith.constant 128 : i32
          %mul3A_286 = arith.constant 32 : i32
          %mul3A_287 = arith.muli %mul3A_286, %sub3A_280 : i32
          %add3A_288 = arith.addi %add3A, %mul3A_287 : i32
          %mul3A_289 = arith.constant 128 : i32
          %mul3A_290 = arith.muli %add3A_288, %mul3A_289 : i32
          %dma_start3A_291 = arith.constant 1 : i32
          %dma_start3A_292 = arith.constant 1 : i32
          %dma_start3A_293 = arith.constant 0 : i32
          %dma_start3A_294 = arith.constant 0 : i32
          %dma_start3A_295 = tpu.memref_slice %arg9[%dma_start3A_291, %dma_start3A_293, %dma_start3A_294] : memref<3x128x128xf32, #tpu.memory_space<vmem>> -> memref<1x128x128xf32, #tpu.memory_space<vmem>>
          %dma_start3A_296 = tpu.memref_squeeze %dma_start3A_295 : memref<1x128x128xf32, #tpu.memory_space<vmem>> -> memref<128x128xf32, #tpu.memory_space<vmem>>
          %dma_start3A_297 = arith.constant 0 : i32
          %dma_start3A_298 = tpu.memref_slice %arg6[%mul3A_290, %dma_start3A_297] : memref<320000x128xf32, #tpu.memory_space<hbm>> -> memref<128x128xf32, #tpu.memory_space<hbm>>
          %dma_start3A_299 = tpu.memref_slice %arg14[%dma_start3A_292] : memref<3x!tpu.dma_semaphore, #tpu.memory_space<semaphore_mem>> -> memref<1x!tpu.dma_semaphore, #tpu.memory_space<semaphore_mem>>
          %dma_start3A_300 = tpu.memref_squeeze %dma_start3A_299 : memref<1x!tpu.dma_semaphore, #tpu.memory_space<semaphore_mem>> -> memref<!tpu.dma_semaphore, #tpu.memory_space<semaphore_mem>>
          %dma_start3A_301 = arith.constant 0 : i32
          %dma_start3A_302 = tpu.memref_slice %arg6[%mul3A_290, %dma_start3A_301] : memref<320000x128xf32, #tpu.memory_space<hbm>> -> memref<128x128xf32, #tpu.memory_space<hbm>>
          %dma_start3A_303 = arith.constant 0 : i32
          %dma_start3A_304 = arith.constant 0 : i32
          %dma_start3A_305 = tpu.memref_slice %arg9[%dma_start3A_291, %dma_start3A_303, %dma_start3A_304] : memref<3x128x128xf32, #tpu.memory_space<vmem>> -> memref<1x128x128xf32, #tpu.memory_space<vmem>>
          %dma_start3A_306 = tpu.memref_squeeze %dma_start3A_305 : memref<1x128x128xf32, #tpu.memory_space<vmem>> -> memref<128x128xf32, #tpu.memory_space<vmem>>
          tpu.enqueue_dma source(%dma_start3A_306 : memref<128x128xf32, #tpu.memory_space<vmem>>) target(%dma_start3A_302 : memref<128x128xf32, #tpu.memory_space<hbm>>) target_semaphore(%dma_start3A_300 : memref<!tpu.dma_semaphore, #tpu.memory_space<semaphore_mem>>)
        } else {
        }
      } else {
      }
    }
    %while3A_44 = arith.constant 1 : i32
    scf.for %while3A_107 = %while3A_42 to %while3A_38 step %while3A_44  : i32 {
      %jit3A_108 = arith.constant 3 : i32
      %eq3A_109 = arith.constant 0 : i32
      %eq3A_110 = arith.cmpi eq, %jit3A_108, %eq3A_109 : i32
      %jit3A_111 = arith.constant 1 : i32
      %select_n3A_112 = arith.select %eq3A_110, %jit3A_111, %jit3A_108 : i32
      %rem3A_113 = arith.remsi %while3A_107, %select_n3A_112 : i32
      %ne3A_114 = arith.constant 0 : i32
      %ne3A_115 = arith.cmpi ne, %rem3A_113, %ne3A_114 : i32
      %lt3A_116 = arith.constant 0 : i32
      %lt3A_117 = arith.cmpi slt, %rem3A_113, %lt3A_116 : i32
      %lt3A_118 = arith.constant 0 : i32
      %lt3A_119 = arith.cmpi slt, %select_n3A_112, %lt3A_118 : i32
      %ne3A_120 = arith.xori %lt3A_117, %lt3A_119 : i1
      %and3A_121 = arith.andi %ne3A_120, %ne3A_115 : i1
      %add3A_122 = arith.addi %rem3A_113, %select_n3A_112 : i32
      %select_n3A_123 = arith.select %and3A_121, %add3A_122, %rem3A_113 : i32
      %eq3A_124 = arith.constant 0 : i32
      %eq3A_125 = arith.cmpi eq, %select_n3A_123, %eq3A_124 : i32
      %convert_element_type3A_126 = arith.extui %eq3A_125 : i1 to i32
      %cond3A_127 = arith.constant 0 : i32
      %cond3A_128 = arith.cmpi ne, %convert_element_type3A_126, %cond3A_127 : i32
      scf.if %cond3A_128 {
        %mul3A_171 = arith.constant 32 : i32
        %mul3A_172 = arith.muli %mul3A_171, %while3A_107 : i32
        %add3A_173 = arith.addi %add3A, %mul3A_172 : i32
        %mul3A_174 = arith.constant 128 : i32
        %mul3A_175 = arith.muli %add3A_173, %mul3A_174 : i32
        %dma_wait3A = arith.constant 0 : i32
        %dma_wait3A_176 = arith.constant 0 : i32
        %dma_wait3A_177 = arith.constant 0 : i32
        %dma_wait3A_178 = tpu.memref_slice %arg7[%dma_wait3A, %dma_wait3A_177] : memref<3x128xi32, #tpu.memory_space<vmem>> -> memref<1x128xi32, #tpu.memory_space<vmem>>
        %dma_wait3A_179 = tpu.memref_squeeze %dma_wait3A_178 : memref<1x128xi32, #tpu.memory_space<vmem>> -> memref<128xi32, #tpu.memory_space<vmem>>
        %dma_wait3A_180 = tpu.memref_slice %arg4[%mul3A_175] : memref<320000xi32, #tpu.memory_space<hbm>> -> memref<128xi32, #tpu.memory_space<hbm>>
        %dma_wait3A_181 = tpu.memref_slice %arg11[%dma_wait3A_176] : memref<3x!tpu.dma_semaphore, #tpu.memory_space<semaphore_mem>> -> memref<1x!tpu.dma_semaphore, #tpu.memory_space<semaphore_mem>>
        %dma_wait3A_182 = tpu.memref_squeeze %dma_wait3A_181 : memref<1x!tpu.dma_semaphore, #tpu.memory_space<semaphore_mem>> -> memref<!tpu.dma_semaphore, #tpu.memory_space<semaphore_mem>>
        %dma_wait3A_183 = arith.constant 0 : i32
        %dma_wait3A_184 = tpu.memref_slice %arg7[%dma_wait3A, %dma_wait3A_183] : memref<3x128xi32, #tpu.memory_space<vmem>> -> memref<1x128xi32, #tpu.memory_space<vmem>>
        %dma_wait3A_185 = tpu.memref_squeeze %dma_wait3A_184 : memref<1x128xi32, #tpu.memory_space<vmem>> -> memref<128xi32, #tpu.memory_space<vmem>>
        %dma_wait3A_186 = tpu.memref_slice %arg4[%mul3A_175] : memref<320000xi32, #tpu.memory_space<hbm>> -> memref<128xi32, #tpu.memory_space<hbm>>
        tpu.wait_dma2 semaphore(%dma_wait3A_182 : memref<!tpu.dma_semaphore, #tpu.memory_space<semaphore_mem>>) src(%dma_wait3A_186 : memref<128xi32, #tpu.memory_space<hbm>>) dst(%dma_wait3A_185 : memref<128xi32, #tpu.memory_space<vmem>>)
        %mul3A_187 = arith.constant 32 : i32
        %mul3A_188 = arith.muli %mul3A_187, %while3A_107 : i32
        %add3A_189 = arith.addi %add3A, %mul3A_188 : i32
        %mul3A_190 = arith.constant 128 : i32
        %mul3A_191 = arith.muli %add3A_189, %mul3A_190 : i32
        %dma_wait3A_192 = arith.constant 0 : i32
        %dma_wait3A_193 = arith.constant 0 : i32
        %dma_wait3A_194 = arith.constant 0 : i32
        %dma_wait3A_195 = tpu.memref_slice %arg8[%dma_wait3A_192, %dma_wait3A_194] : memref<3x128xi32, #tpu.memory_space<vmem>> -> memref<1x128xi32, #tpu.memory_space<vmem>>
        %dma_wait3A_196 = tpu.memref_squeeze %dma_wait3A_195 : memref<1x128xi32, #tpu.memory_space<vmem>> -> memref<128xi32, #tpu.memory_space<vmem>>
        %dma_wait3A_197 = tpu.memref_slice %arg5[%mul3A_191] : memref<320000xi32, #tpu.memory_space<hbm>> -> memref<128xi32, #tpu.memory_space<hbm>>
        %dma_wait3A_198 = tpu.memref_slice %arg12[%dma_wait3A_193] : memref<3x!tpu.dma_semaphore, #tpu.memory_space<semaphore_mem>> -> memref<1x!tpu.dma_semaphore, #tpu.memory_space<semaphore_mem>>
        %dma_wait3A_199 = tpu.memref_squeeze %dma_wait3A_198 : memref<1x!tpu.dma_semaphore, #tpu.memory_space<semaphore_mem>> -> memref<!tpu.dma_semaphore, #tpu.memory_space<semaphore_mem>>
        %dma_wait3A_200 = arith.constant 0 : i32
        %dma_wait3A_201 = tpu.memref_slice %arg8[%dma_wait3A_192, %dma_wait3A_200] : memref<3x128xi32, #tpu.memory_space<vmem>> -> memref<1x128xi32, #tpu.memory_space<vmem>>
        %dma_wait3A_202 = tpu.memref_squeeze %dma_wait3A_201 : memref<1x128xi32, #tpu.memory_space<vmem>> -> memref<128xi32, #tpu.memory_space<vmem>>
        %dma_wait3A_203 = tpu.memref_slice %arg5[%mul3A_191] : memref<320000xi32, #tpu.memory_space<hbm>> -> memref<128xi32, #tpu.memory_space<hbm>>
        tpu.wait_dma2 semaphore(%dma_wait3A_199 : memref<!tpu.dma_semaphore, #tpu.memory_space<semaphore_mem>>) src(%dma_wait3A_203 : memref<128xi32, #tpu.memory_space<hbm>>) dst(%dma_wait3A_202 : memref<128xi32, #tpu.memory_space<vmem>>)
        %ge3A = arith.constant 3 : i32
        %ge3A_204 = arith.cmpi sge, %while3A_107, %ge3A : i32
        %convert_element_type3A_205 = arith.extui %ge3A_204 : i1 to i32
        %cond3A_206 = arith.constant 0 : i32
        %cond3A_207 = arith.cmpi ne, %convert_element_type3A_205, %cond3A_206 : i32
        scf.if %cond3A_207 {
          %sub3A_249 = arith.constant 3 : i32
          %sub3A_250 = arith.subi %while3A_107, %sub3A_249 : i32
          %mul3A_251 = arith.constant 32 : i32
          %mul3A_252 = arith.muli %mul3A_251, %sub3A_250 : i32
          %add3A_253 = arith.addi %add3A, %mul3A_252 : i32
          %mul3A_254 = arith.constant 128 : i32
          %mul3A_255 = arith.muli %add3A_253, %mul3A_254 : i32
          %dma_wait3A_256 = arith.constant 0 : i32
          %dma_wait3A_257 = arith.constant 0 : i32
          %dma_wait3A_258 = arith.constant 0 : i32
          %dma_wait3A_259 = arith.constant 0 : i32
          %dma_wait3A_260 = tpu.memref_slice %arg9[%dma_wait3A_256, %dma_wait3A_258, %dma_wait3A_259] : memref<3x128x128xf32, #tpu.memory_space<vmem>> -> memref<1x128x128xf32, #tpu.memory_space<vmem>>
          %dma_wait3A_261 = tpu.memref_squeeze %dma_wait3A_260 : memref<1x128x128xf32, #tpu.memory_space<vmem>> -> memref<128x128xf32, #tpu.memory_space<vmem>>
          %dma_wait3A_262 = arith.constant 0 : i32
          %dma_wait3A_263 = tpu.memref_slice %arg6[%mul3A_255, %dma_wait3A_262] : memref<320000x128xf32, #tpu.memory_space<hbm>> -> memref<128x128xf32, #tpu.memory_space<hbm>>
          %dma_wait3A_264 = tpu.memref_slice %arg14[%dma_wait3A_257] : memref<3x!tpu.dma_semaphore, #tpu.memory_space<semaphore_mem>> -> memref<1x!tpu.dma_semaphore, #tpu.memory_space<semaphore_mem>>
          %dma_wait3A_265 = tpu.memref_squeeze %dma_wait3A_264 : memref<1x!tpu.dma_semaphore, #tpu.memory_space<semaphore_mem>> -> memref<!tpu.dma_semaphore, #tpu.memory_space<semaphore_mem>>
          %dma_wait3A_266 = arith.constant 0 : i32
          %dma_wait3A_267 = tpu.memref_slice %arg6[%mul3A_255, %dma_wait3A_266] : memref<320000x128xf32, #tpu.memory_space<hbm>> -> memref<128x128xf32, #tpu.memory_space<hbm>>
          %dma_wait3A_268 = arith.constant 0 : i32
          %dma_wait3A_269 = arith.constant 0 : i32
          %dma_wait3A_270 = tpu.memref_slice %arg9[%dma_wait3A_256, %dma_wait3A_268, %dma_wait3A_269] : memref<3x128x128xf32, #tpu.memory_space<vmem>> -> memref<1x128x128xf32, #tpu.memory_space<vmem>>
          %dma_wait3A_271 = tpu.memref_squeeze %dma_wait3A_270 : memref<1x128x128xf32, #tpu.memory_space<vmem>> -> memref<128x128xf32, #tpu.memory_space<vmem>>
          tpu.wait_dma2 semaphore(%dma_wait3A_265 : memref<!tpu.dma_semaphore, #tpu.memory_space<semaphore_mem>>) src(%dma_wait3A_271 : memref<128x128xf32, #tpu.memory_space<vmem>>) dst(%dma_wait3A_267 : memref<128x128xf32, #tpu.memory_space<hbm>>)
        } else {
        }
        %dma_start3A_208 = arith.constant 0 : i32
        %dma_start3A_209 = arith.constant 0 : i32
        %dma_start3A_210 = arith.constant 0 : i32
        %dma_start3A_211 = arith.constant 0 : i32
        %dma_start3A_212 = arith.constant 0 : i32
        %dma_start3A_213 = tpu.memref_slice %arg9[%dma_start3A_209, %dma_start3A_211, %dma_start3A_212] : memref<3x128x128xf32, #tpu.memory_space<vmem>> -> memref<1x128x128xf32, #tpu.memory_space<vmem>>
        %dma_start3A_214 = tpu.memref_squeeze %dma_start3A_213 : memref<1x128x128xf32, #tpu.memory_space<vmem>> -> memref<128x128xf32, #tpu.memory_space<vmem>>
        %dma_start3A_215 = arith.constant 0 : i32
        %dma_start3A_216 = tpu.memref_slice %arg7[%dma_start3A_208, %dma_start3A_215] : memref<3x128xi32, #tpu.memory_space<vmem>> -> memref<1x128xi32, #tpu.memory_space<vmem>>
        %dma_start3A_217 = tpu.memref_squeeze %dma_start3A_216 : memref<1x128xi32, #tpu.memory_space<vmem>> -> memref<128xi32, #tpu.memory_space<vmem>>
        %dma_start3A_218 = arith.constant 0 : i32
        %dma_start3A_219 = arith.constant 0 : i32
        %dma_start3A_220 = tpu.memref_slice %arg2[%dma_start3A_218, %dma_start3A_219] : memref<10000x128xf32, #tpu.memory_space<hbm>> -> memref<10000x128xf32, #tpu.memory_space<hbm>>
        %dma_start3A_221 = tpu.memref_slice %arg13[%dma_start3A_210] : memref<3x!tpu.dma_semaphore, #tpu.memory_space<semaphore_mem>> -> memref<1x!tpu.dma_semaphore, #tpu.memory_space<semaphore_mem>>
        %dma_start3A_222 = tpu.memref_squeeze %dma_start3A_221 : memref<1x!tpu.dma_semaphore, #tpu.memory_space<semaphore_mem>> -> memref<!tpu.dma_semaphore, #tpu.memory_space<semaphore_mem>>
        tpu.enqueue_indirect_dma source(%dma_start3A_220 : memref<10000x128xf32, #tpu.memory_space<hbm>>) target(%dma_start3A_214 : memref<128x128xf32, #tpu.memory_space<vmem>>) offsets(%dma_start3A_217 : memref<128xi32, #tpu.memory_space<vmem>>) semaphore(%dma_start3A_222 : memref<!tpu.dma_semaphore, #tpu.memory_space<semaphore_mem>>)
        %dma_start3A_223 = arith.constant 0 : i32
        %dma_start3A_224 = arith.constant 0 : i32
        %dma_start3A_225 = arith.constant 0 : i32
        %dma_start3A_226 = arith.constant 0 : i32
        %dma_start3A_227 = arith.constant 0 : i32
        %dma_start3A_228 = tpu.memref_slice %arg10[%dma_start3A_224, %dma_start3A_226, %dma_start3A_227] : memref<3x128x128xf32, #tpu.memory_space<vmem>> -> memref<1x128x128xf32, #tpu.memory_space<vmem>>
        %dma_start3A_229 = tpu.memref_squeeze %dma_start3A_228 : memref<1x128x128xf32, #tpu.memory_space<vmem>> -> memref<128x128xf32, #tpu.memory_space<vmem>>
        %dma_start3A_230 = arith.constant 0 : i32
        %dma_start3A_231 = tpu.memref_slice %arg8[%dma_start3A_223, %dma_start3A_230] : memref<3x128xi32, #tpu.memory_space<vmem>> -> memref<1x128xi32, #tpu.memory_space<vmem>>
        %dma_start3A_232 = tpu.memref_squeeze %dma_start3A_231 : memref<1x128xi32, #tpu.memory_space<vmem>> -> memref<128xi32, #tpu.memory_space<vmem>>
        %dma_start3A_233 = arith.constant 0 : i32
        %dma_start3A_234 = arith.constant 0 : i32
        %dma_start3A_235 = tpu.memref_slice %arg3[%dma_start3A_233, %dma_start3A_234] : memref<10000x128xf32, #tpu.memory_space<hbm>> -> memref<10000x128xf32, #tpu.memory_space<hbm>>
        %dma_start3A_236 = tpu.memref_slice %arg13[%dma_start3A_225] : memref<3x!tpu.dma_semaphore, #tpu.memory_space<semaphore_mem>> -> memref<1x!tpu.dma_semaphore, #tpu.memory_space<semaphore_mem>>
        %dma_start3A_237 = tpu.memref_squeeze %dma_start3A_236 : memref<1x!tpu.dma_semaphore, #tpu.memory_space<semaphore_mem>> -> memref<!tpu.dma_semaphore, #tpu.memory_space<semaphore_mem>>
        tpu.enqueue_indirect_dma source(%dma_start3A_235 : memref<10000x128xf32, #tpu.memory_space<hbm>>) target(%dma_start3A_229 : memref<128x128xf32, #tpu.memory_space<vmem>>) offsets(%dma_start3A_232 : memref<128xi32, #tpu.memory_space<vmem>>) semaphore(%dma_start3A_237 : memref<!tpu.dma_semaphore, #tpu.memory_space<semaphore_mem>>)
        %add3A_238 = arith.constant 1 : i32
        %add3A_239 = arith.addi %while3A_107, %add3A_238 : i32
        %lt3A_240 = arith.cmpi slt, %add3A_239, %add3A_4 : i32
        %convert_element_type3A_241 = arith.extui %lt3A_240 : i1 to i32
        %cond3A_242 = arith.constant 0 : i32
        %cond3A_243 = arith.cmpi ne, %convert_element_type3A_241, %cond3A_242 : i32
        scf.if %cond3A_243 {
          %add3A_249 = arith.constant 1 : i32
          %add3A_250 = arith.addi %while3A_107, %add3A_249 : i32
          %mul3A_251 = arith.constant 32 : i32
          %mul3A_252 = arith.muli %mul3A_251, %add3A_250 : i32
          %add3A_253 = arith.addi %add3A, %mul3A_252 : i32
          %mul3A_254 = arith.constant 128 : i32
          %mul3A_255 = arith.muli %add3A_253, %mul3A_254 : i32
          %dma_start3A_256 = arith.constant 1 : i32
          %dma_start3A_257 = arith.constant 1 : i32
          %dma_start3A_258 = arith.constant 0 : i32
          %dma_start3A_259 = tpu.memref_slice %arg7[%dma_start3A_256, %dma_start3A_258] : memref<3x128xi32, #tpu.memory_space<vmem>> -> memref<1x128xi32, #tpu.memory_space<vmem>>
          %dma_start3A_260 = tpu.memref_squeeze %dma_start3A_259 : memref<1x128xi32, #tpu.memory_space<vmem>> -> memref<128xi32, #tpu.memory_space<vmem>>
          %dma_start3A_261 = tpu.memref_slice %arg4[%mul3A_255] : memref<320000xi32, #tpu.memory_space<hbm>> -> memref<128xi32, #tpu.memory_space<hbm>>
          %dma_start3A_262 = tpu.memref_slice %arg11[%dma_start3A_257] : memref<3x!tpu.dma_semaphore, #tpu.memory_space<semaphore_mem>> -> memref<1x!tpu.dma_semaphore, #tpu.memory_space<semaphore_mem>>
          %dma_start3A_263 = tpu.memref_squeeze %dma_start3A_262 : memref<1x!tpu.dma_semaphore, #tpu.memory_space<semaphore_mem>> -> memref<!tpu.dma_semaphore, #tpu.memory_space<semaphore_mem>>
          %dma_start3A_264 = arith.constant 0 : i32
          %dma_start3A_265 = tpu.memref_slice %arg7[%dma_start3A_256, %dma_start3A_264] : memref<3x128xi32, #tpu.memory_space<vmem>> -> memref<1x128xi32, #tpu.memory_space<vmem>>
          %dma_start3A_266 = tpu.memref_squeeze %dma_start3A_265 : memref<1x128xi32, #tpu.memory_space<vmem>> -> memref<128xi32, #tpu.memory_space<vmem>>
          %dma_start3A_267 = tpu.memref_slice %arg4[%mul3A_255] : memref<320000xi32, #tpu.memory_space<hbm>> -> memref<128xi32, #tpu.memory_space<hbm>>
          tpu.enqueue_dma source(%dma_start3A_267 : memref<128xi32, #tpu.memory_space<hbm>>) target(%dma_start3A_266 : memref<128xi32, #tpu.memory_space<vmem>>) target_semaphore(%dma_start3A_263 : memref<!tpu.dma_semaphore, #tpu.memory_space<semaphore_mem>>)
          %mul3A_268 = arith.constant 32 : i32
          %mul3A_269 = arith.muli %mul3A_268, %add3A_250 : i32
          %add3A_270 = arith.addi %add3A, %mul3A_269 : i32
          %mul3A_271 = arith.constant 128 : i32
          %mul3A_272 = arith.muli %add3A_270, %mul3A_271 : i32
          %dma_start3A_273 = arith.constant 1 : i32
          %dma_start3A_274 = arith.constant 1 : i32
          %dma_start3A_275 = arith.constant 0 : i32
          %dma_start3A_276 = tpu.memref_slice %arg8[%dma_start3A_273, %dma_start3A_275] : memref<3x128xi32, #tpu.memory_space<vmem>> -> memref<1x128xi32, #tpu.memory_space<vmem>>
          %dma_start3A_277 = tpu.memref_squeeze %dma_start3A_276 : memref<1x128xi32, #tpu.memory_space<vmem>> -> memref<128xi32, #tpu.memory_space<vmem>>
          %dma_start3A_278 = tpu.memref_slice %arg5[%mul3A_272] : memref<320000xi32, #tpu.memory_space<hbm>> -> memref<128xi32, #tpu.memory_space<hbm>>
          %dma_start3A_279 = tpu.memref_slice %arg12[%dma_start3A_274] : memref<3x!tpu.dma_semaphore, #tpu.memory_space<semaphore_mem>> -> memref<1x!tpu.dma_semaphore, #tpu.memory_space<semaphore_mem>>
          %dma_start3A_280 = tpu.memref_squeeze %dma_start3A_279 : memref<1x!tpu.dma_semaphore, #tpu.memory_space<semaphore_mem>> -> memref<!tpu.dma_semaphore, #tpu.memory_space<semaphore_mem>>
          %dma_start3A_281 = arith.constant 0 : i32
          %dma_start3A_282 = tpu.memref_slice %arg8[%dma_start3A_273, %dma_start3A_281] : memref<3x128xi32, #tpu.memory_space<vmem>> -> memref<1x128xi32, #tpu.memory_space<vmem>>
          %dma_start3A_283 = tpu.memref_squeeze %dma_start3A_282 : memref<1x128xi32, #tpu.memory_space<vmem>> -> memref<128xi32, #tpu.memory_space<vmem>>
          %dma_start3A_284 = tpu.memref_slice %arg5[%mul3A_272] : memref<320000xi32, #tpu.memory_space<hbm>> -> memref<128xi32, #tpu.memory_space<hbm>>
          tpu.enqueue_dma source(%dma_start3A_284 : memref<128xi32, #tpu.memory_space<hbm>>) target(%dma_start3A_283 : memref<128xi32, #tpu.memory_space<vmem>>) target_semaphore(%dma_start3A_280 : memref<!tpu.dma_semaphore, #tpu.memory_space<semaphore_mem>>)
        } else {
        }
        %ge3A_244 = arith.constant 1 : i32
        %ge3A_245 = arith.cmpi sge, %while3A_107, %ge3A_244 : i32
        %convert_element_type3A_246 = arith.extui %ge3A_245 : i1 to i32
        %cond3A_247 = arith.constant 0 : i32
        %cond3A_248 = arith.cmpi ne, %convert_element_type3A_246, %cond3A_247 : i32
        scf.if %cond3A_248 {
          %dma_wait3A_249 = arith.constant 2 : i32
          %dma_wait3A_250 = arith.constant 2 : i32
          %dma_wait3A_251 = arith.constant 2 : i32
          %dma_wait3A_252 = arith.constant 0 : i32
          %dma_wait3A_253 = arith.constant 0 : i32
          %dma_wait3A_254 = tpu.memref_slice %arg9[%dma_wait3A_250, %dma_wait3A_252, %dma_wait3A_253] : memref<3x128x128xf32, #tpu.memory_space<vmem>> -> memref<1x128x128xf32, #tpu.memory_space<vmem>>
          %dma_wait3A_255 = tpu.memref_squeeze %dma_wait3A_254 : memref<1x128x128xf32, #tpu.memory_space<vmem>> -> memref<128x128xf32, #tpu.memory_space<vmem>>
          %dma_wait3A_256 = arith.constant 0 : i32
          %dma_wait3A_257 = tpu.memref_slice %arg7[%dma_wait3A_249, %dma_wait3A_256] : memref<3x128xi32, #tpu.memory_space<vmem>> -> memref<1x128xi32, #tpu.memory_space<vmem>>
          %dma_wait3A_258 = tpu.memref_squeeze %dma_wait3A_257 : memref<1x128xi32, #tpu.memory_space<vmem>> -> memref<128xi32, #tpu.memory_space<vmem>>
          %dma_wait3A_259 = arith.constant 0 : i32
          %dma_wait3A_260 = arith.constant 0 : i32
          %dma_wait3A_261 = tpu.memref_slice %arg2[%dma_wait3A_259, %dma_wait3A_260] : memref<10000x128xf32, #tpu.memory_space<hbm>> -> memref<10000x128xf32, #tpu.memory_space<hbm>>
          %dma_wait3A_262 = tpu.memref_slice %arg13[%dma_wait3A_251] : memref<3x!tpu.dma_semaphore, #tpu.memory_space<semaphore_mem>> -> memref<1x!tpu.dma_semaphore, #tpu.memory_space<semaphore_mem>>
          %dma_wait3A_263 = tpu.memref_squeeze %dma_wait3A_262 : memref<1x!tpu.dma_semaphore, #tpu.memory_space<semaphore_mem>> -> memref<!tpu.dma_semaphore, #tpu.memory_space<semaphore_mem>>
          tpu.wait_indirect_dma semaphore(%dma_wait3A_263 : memref<!tpu.dma_semaphore, #tpu.memory_space<semaphore_mem>>) src(%dma_wait3A_261 : memref<10000x128xf32, #tpu.memory_space<hbm>>) dst(%dma_wait3A_255 : memref<128x128xf32, #tpu.memory_space<vmem>>)
          %dma_wait3A_264 = arith.constant 2 : i32
          %dma_wait3A_265 = arith.constant 2 : i32
          %dma_wait3A_266 = arith.constant 2 : i32
          %dma_wait3A_267 = arith.constant 0 : i32
          %dma_wait3A_268 = arith.constant 0 : i32
          %dma_wait3A_269 = tpu.memref_slice %arg10[%dma_wait3A_265, %dma_wait3A_267, %dma_wait3A_268] : memref<3x128x128xf32, #tpu.memory_space<vmem>> -> memref<1x128x128xf32, #tpu.memory_space<vmem>>
          %dma_wait3A_270 = tpu.memref_squeeze %dma_wait3A_269 : memref<1x128x128xf32, #tpu.memory_space<vmem>> -> memref<128x128xf32, #tpu.memory_space<vmem>>
          %dma_wait3A_271 = arith.constant 0 : i32
          %dma_wait3A_272 = tpu.memref_slice %arg8[%dma_wait3A_264, %dma_wait3A_271] : memref<3x128xi32, #tpu.memory_space<vmem>> -> memref<1x128xi32, #tpu.memory_space<vmem>>
          %dma_wait3A_273 = tpu.memref_squeeze %dma_wait3A_272 : memref<1x128xi32, #tpu.memory_space<vmem>> -> memref<128xi32, #tpu.memory_space<vmem>>
          %dma_wait3A_274 = arith.constant 0 : i32
          %dma_wait3A_275 = arith.constant 0 : i32
          %dma_wait3A_276 = tpu.memref_slice %arg3[%dma_wait3A_274, %dma_wait3A_275] : memref<10000x128xf32, #tpu.memory_space<hbm>> -> memref<10000x128xf32, #tpu.memory_space<hbm>>
          %dma_wait3A_277 = tpu.memref_slice %arg13[%dma_wait3A_266] : memref<3x!tpu.dma_semaphore, #tpu.memory_space<semaphore_mem>> -> memref<1x!tpu.dma_semaphore, #tpu.memory_space<semaphore_mem>>
          %dma_wait3A_278 = tpu.memref_squeeze %dma_wait3A_277 : memref<1x!tpu.dma_semaphore, #tpu.memory_space<semaphore_mem>> -> memref<!tpu.dma_semaphore, #tpu.memory_space<semaphore_mem>>
          tpu.wait_indirect_dma semaphore(%dma_wait3A_278 : memref<!tpu.dma_semaphore, #tpu.memory_space<semaphore_mem>>) src(%dma_wait3A_276 : memref<10000x128xf32, #tpu.memory_space<hbm>>) dst(%dma_wait3A_270 : memref<128x128xf32, #tpu.memory_space<vmem>>)
          %sub3A_279 = arith.constant 1 : i32
          %sub3A_280 = arith.subi %while3A_107, %sub3A_279 : i32
          %scan3A = arith.constant 0 : i32
          %scan3A_281 = arith.constant 0 : i32
          %scan3A_282 = arith.constant 128 : i32
          %scan3A_283 = arith.addi %scan3A_281, %scan3A_282 : i32
          %scan3A_284 = arith.constant 1 : i32
          scf.for %scan3A_307 = %scan3A_281 to %scan3A_283 step %scan3A_284  : i32 {
            %get3A = arith.constant 2 : i32
            %get3A_308 = arith.index_cast %get3A : i32 to index
            %get3A_309 = arith.index_cast %scan3A_307 : i32 to index
            %get3A_310 = arith.constant 0 : index
            %get3A_311 = tpu.vector_load %arg9[%get3A_308, %get3A_309, %get3A_310] {strides = array<i32>} : memref<3x128x128xf32, #tpu.memory_space<vmem>>, vector<1x1x16xf32>,
            %get3A_312 = vector.shape_cast %get3A_311 : vector<1x1x16xf32> to vector<16xf32>
            %get3A_313 = arith.constant 2 : i32
            %get3A_314 = arith.index_cast %get3A_313 : i32 to index
            %get3A_315 = arith.index_cast %scan3A_307 : i32 to index
            %get3A_316 = arith.constant 0 : index
            %get3A_317 = tpu.vector_load %arg10[%get3A_314, %get3A_315, %get3A_316] {strides = array<i32>} : memref<3x128x128xf32, #tpu.memory_space<vmem>>, vector<1x1x16xf32>,
            %get3A_318 = vector.shape_cast %get3A_317 : vector<1x1x16xf32> to vector<16xf32>
            %add3A_319 = arith.addf %get3A_312, %get3A_318 : vector<16xf32>
            %swap3A = arith.constant 2 : i32
            %swap3A_320 = arith.index_cast %swap3A : i32 to index
            %swap3A_321 = arith.index_cast %scan3A_307 : i32 to index
            %swap3A_322 = arith.constant 0 : index
            %swap3A_323 = tpu.vector_load %arg9[%swap3A_320, %swap3A_321, %swap3A_322] {strides = array<i32>} : memref<3x128x128xf32, #tpu.memory_space<vmem>>, vector<1x1x16xf32>,
            %swap3A_324 = vector.shape_cast %swap3A_323 : vector<1x1x16xf32> to vector<16xf32>
            %swap3A_325 = vector.shape_cast %add3A_319 : vector<16xf32> to vector<1x1x16xf32>
            tpu.vector_store %arg9[%swap3A_320, %swap3A_321, %swap3A_322], %swap3A_325 {strides = array<i32>} : memref<3x128x128xf32, #tpu.memory_space<vmem>>, vector<1x1x16xf32>,
            %get3A_326 = arith.constant 2 : i32
            %get3A_327 = arith.index_cast %get3A_326 : i32 to index
            %get3A_328 = arith.index_cast %scan3A_307 : i32 to index
            %get3A_329 = arith.constant 16 : index
            %get3A_330 = tpu.vector_load %arg9[%get3A_327, %get3A_328, %get3A_329] {strides = array<i32>} : memref<3x128x128xf32, #tpu.memory_space<vmem>>, vector<1x1x16xf32>,
            %get3A_331 = vector.shape_cast %get3A_330 : vector<1x1x16xf32> to vector<16xf32>
            %get3A_332 = arith.constant 2 : i32
            %get3A_333 = arith.index_cast %get3A_332 : i32 to index
            %get3A_334 = arith.index_cast %scan3A_307 : i32 to index
            %get3A_335 = arith.constant 16 : index
            %get3A_336 = tpu.vector_load %arg10[%get3A_333, %get3A_334, %get3A_335] {strides = array<i32>} : memref<3x128x128xf32, #tpu.memory_space<vmem>>, vector<1x1x16xf32>,
            %get3A_337 = vector.shape_cast %get3A_336 : vector<1x1x16xf32> to vector<16xf32>
            %add3A_338 = arith.addf %get3A_331, %get3A_337 : vector<16xf32>
            %swap3A_339 = arith.constant 2 : i32
            %swap3A_340 = arith.index_cast %swap3A_339 : i32 to index
            %swap3A_341 = arith.index_cast %scan3A_307 : i32 to index
            %swap3A_342 = arith.constant 16 : index
            %swap3A_343 = tpu.vector_load %arg9[%swap3A_340, %swap3A_341, %swap3A_342] {strides = array<i32>} : memref<3x128x128xf32, #tpu.memory_space<vmem>>, vector<1x1x16xf32>,
            %swap3A_344 = vector.shape_cast %swap3A_343 : vector<1x1x16xf32> to vector<16xf32>
            %swap3A_345 = vector.shape_cast %add3A_338 : vector<16xf32> to vector<1x1x16xf32>
            tpu.vector_store %arg9[%swap3A_340, %swap3A_341, %swap3A_342], %swap3A_345 {strides = array<i32>} : memref<3x128x128xf32, #tpu.memory_space<vmem>>, vector<1x1x16xf32>,
            %get3A_346 = arith.constant 2 : i32
            %get3A_347 = arith.index_cast %get3A_346 : i32 to index
            %get3A_348 = arith.index_cast %scan3A_307 : i32 to index
            %get3A_349 = arith.constant 32 : index
            %get3A_350 = tpu.vector_load %arg9[%get3A_347, %get3A_348, %get3A_349] {strides = array<i32>} : memref<3x128x128xf32, #tpu.memory_space<vmem>>, vector<1x1x16xf32>,
            %get3A_351 = vector.shape_cast %get3A_350 : vector<1x1x16xf32> to vector<16xf32>
            %get3A_352 = arith.constant 2 : i32
            %get3A_353 = arith.index_cast %get3A_352 : i32 to index
            %get3A_354 = arith.index_cast %scan3A_307 : i32 to index
            %get3A_355 = arith.constant 32 : index
            %get3A_356 = tpu.vector_load %arg10[%get3A_353, %get3A_354, %get3A_355] {strides = array<i32>} : memref<3x128x128xf32, #tpu.memory_space<vmem>>, vector<1x1x16xf32>,
            %get3A_357 = vector.shape_cast %get3A_356 : vector<1x1x16xf32> to vector<16xf32>
            %add3A_358 = arith.addf %get3A_351, %get3A_357 : vector<16xf32>
            %swap3A_359 = arith.constant 2 : i32
            %swap3A_360 = arith.index_cast %swap3A_359 : i32 to index
            %swap3A_361 = arith.index_cast %scan3A_307 : i32 to index
            %swap3A_362 = arith.constant 32 : index
            %swap3A_363 = tpu.vector_load %arg9[%swap3A_360, %swap3A_361, %swap3A_362] {strides = array<i32>} : memref<3x128x128xf32, #tpu.memory_space<vmem>>, vector<1x1x16xf32>,
            %swap3A_364 = vector.shape_cast %swap3A_363 : vector<1x1x16xf32> to vector<16xf32>
            %swap3A_365 = vector.shape_cast %add3A_358 : vector<16xf32> to vector<1x1x16xf32>
            tpu.vector_store %arg9[%swap3A_360, %swap3A_361, %swap3A_362], %swap3A_365 {strides = array<i32>} : memref<3x128x128xf32, #tpu.memory_space<vmem>>, vector<1x1x16xf32>,
            %get3A_366 = arith.constant 2 : i32
            %get3A_367 = arith.index_cast %get3A_366 : i32 to index
            %get3A_368 = arith.index_cast %scan3A_307 : i32 to index
            %get3A_369 = arith.constant 48 : index
            %get3A_370 = tpu.vector_load %arg9[%get3A_367, %get3A_368, %get3A_369] {strides = array<i32>} : memref<3x128x128xf32, #tpu.memory_space<vmem>>, vector<1x1x16xf32>,
            %get3A_371 = vector.shape_cast %get3A_370 : vector<1x1x16xf32> to vector<16xf32>
            %get3A_372 = arith.constant 2 : i32
            %get3A_373 = arith.index_cast %get3A_372 : i32 to index
            %get3A_374 = arith.index_cast %scan3A_307 : i32 to index
            %get3A_375 = arith.constant 48 : index
            %get3A_376 = tpu.vector_load %arg10[%get3A_373, %get3A_374, %get3A_375] {strides = array<i32>} : memref<3x128x128xf32, #tpu.memory_space<vmem>>, vector<1x1x16xf32>,
            %get3A_377 = vector.shape_cast %get3A_376 : vector<1x1x16xf32> to vector<16xf32>
            %add3A_378 = arith.addf %get3A_371, %get3A_377 : vector<16xf32>
            %swap3A_379 = arith.constant 2 : i32
            %swap3A_380 = arith.index_cast %swap3A_379 : i32 to index
            %swap3A_381 = arith.index_cast %scan3A_307 : i32 to index
            %swap3A_382 = arith.constant 48 : index
            %swap3A_383 = tpu.vector_load %arg9[%swap3A_380, %swap3A_381, %swap3A_382] {strides = array<i32>} : memref<3x128x128xf32, #tpu.memory_space<vmem>>, vector<1x1x16xf32>,
            %swap3A_384 = vector.shape_cast %swap3A_383 : vector<1x1x16xf32> to vector<16xf32>
            %swap3A_385 = vector.shape_cast %add3A_378 : vector<16xf32> to vector<1x1x16xf32>
            tpu.vector_store %arg9[%swap3A_380, %swap3A_381, %swap3A_382], %swap3A_385 {strides = array<i32>} : memref<3x128x128xf32, #tpu.memory_space<vmem>>, vector<1x1x16xf32>,
            %get3A_386 = arith.constant 2 : i32
            %get3A_387 = arith.index_cast %get3A_386 : i32 to index
            %get3A_388 = arith.index_cast %scan3A_307 : i32 to index
            %get3A_389 = arith.constant 64 : index
            %get3A_390 = tpu.vector_load %arg9[%get3A_387, %get3A_388, %get3A_389] {strides = array<i32>} : memref<3x128x128xf32, #tpu.memory_space<vmem>>, vector<1x1x16xf32>,
            %get3A_391 = vector.shape_cast %get3A_390 : vector<1x1x16xf32> to vector<16xf32>
            %get3A_392 = arith.constant 2 : i32
            %get3A_393 = arith.index_cast %get3A_392 : i32 to index
            %get3A_394 = arith.index_cast %scan3A_307 : i32 to index
            %get3A_395 = arith.constant 64 : index
            %get3A_396 = tpu.vector_load %arg10[%get3A_393, %get3A_394, %get3A_395] {strides = array<i32>} : memref<3x128x128xf32, #tpu.memory_space<vmem>>, vector<1x1x16xf32>,
            %get3A_397 = vector.shape_cast %get3A_396 : vector<1x1x16xf32> to vector<16xf32>
            %add3A_398 = arith.addf %get3A_391, %get3A_397 : vector<16xf32>
            %swap3A_399 = arith.constant 2 : i32
            %swap3A_400 = arith.index_cast %swap3A_399 : i32 to index
            %swap3A_401 = arith.index_cast %scan3A_307 : i32 to index
            %swap3A_402 = arith.constant 64 : index
            %swap3A_403 = tpu.vector_load %arg9[%swap3A_400, %swap3A_401, %swap3A_402] {strides = array<i32>} : memref<3x128x128xf32, #tpu.memory_space<vmem>>, vector<1x1x16xf32>,
            %swap3A_404 = vector.shape_cast %swap3A_403 : vector<1x1x16xf32> to vector<16xf32>
            %swap3A_405 = vector.shape_cast %add3A_398 : vector<16xf32> to vector<1x1x16xf32>
            tpu.vector_store %arg9[%swap3A_400, %swap3A_401, %swap3A_402], %swap3A_405 {strides = array<i32>} : memref<3x128x128xf32, #tpu.memory_space<vmem>>, vector<1x1x16xf32>,
            %get3A_406 = arith.constant 2 : i32
            %get3A_407 = arith.index_cast %get3A_406 : i32 to index
            %get3A_408 = arith.index_cast %scan3A_307 : i32 to index
            %get3A_409 = arith.constant 80 : index
            %get3A_410 = tpu.vector_load %arg9[%get3A_407, %get3A_408, %get3A_409] {strides = array<i32>} : memref<3x128x128xf32, #tpu.memory_space<vmem>>, vector<1x1x16xf32>,
            %get3A_411 = vector.shape_cast %get3A_410 : vector<1x1x16xf32> to vector<16xf32>
            %get3A_412 = arith.constant 2 : i32
            %get3A_413 = arith.index_cast %get3A_412 : i32 to index
            %get3A_414 = arith.index_cast %scan3A_307 : i32 to index
            %get3A_415 = arith.constant 80 : index
            %get3A_416 = tpu.vector_load %arg10[%get3A_413, %get3A_414, %get3A_415] {strides = array<i32>} : memref<3x128x128xf32, #tpu.memory_space<vmem>>, vector<1x1x16xf32>,
            %get3A_417 = vector.shape_cast %get3A_416 : vector<1x1x16xf32> to vector<16xf32>
            %add3A_418 = arith.addf %get3A_411, %get3A_417 : vector<16xf32>
            %swap3A_419 = arith.constant 2 : i32
            %swap3A_420 = arith.index_cast %swap3A_419 : i32 to index
            %swap3A_421 = arith.index_cast %scan3A_307 : i32 to index
            %swap3A_422 = arith.constant 80 : index
            %swap3A_423 = tpu.vector_load %arg9[%swap3A_420, %swap3A_421, %swap3A_422] {strides = array<i32>} : memref<3x128x128xf32, #tpu.memory_space<vmem>>, vector<1x1x16xf32>,
            %swap3A_424 = vector.shape_cast %swap3A_423 : vector<1x1x16xf32> to vector<16xf32>
            %swap3A_425 = vector.shape_cast %add3A_418 : vector<16xf32> to vector<1x1x16xf32>
            tpu.vector_store %arg9[%swap3A_420, %swap3A_421, %swap3A_422], %swap3A_425 {strides = array<i32>} : memref<3x128x128xf32, #tpu.memory_space<vmem>>, vector<1x1x16xf32>,
            %get3A_426 = arith.constant 2 : i32
            %get3A_427 = arith.index_cast %get3A_426 : i32 to index
            %get3A_428 = arith.index_cast %scan3A_307 : i32 to index
            %get3A_429 = arith.constant 96 : index
            %get3A_430 = tpu.vector_load %arg9[%get3A_427, %get3A_428, %get3A_429] {strides = array<i32>} : memref<3x128x128xf32, #tpu.memory_space<vmem>>, vector<1x1x16xf32>,
            %get3A_431 = vector.shape_cast %get3A_430 : vector<1x1x16xf32> to vector<16xf32>
            %get3A_432 = arith.constant 2 : i32
            %get3A_433 = arith.index_cast %get3A_432 : i32 to index
            %get3A_434 = arith.index_cast %scan3A_307 : i32 to index
            %get3A_435 = arith.constant 96 : index
            %get3A_436 = tpu.vector_load %arg10[%get3A_433, %get3A_434, %get3A_435] {strides = array<i32>} : memref<3x128x128xf32, #tpu.memory_space<vmem>>, vector<1x1x16xf32>,
            %get3A_437 = vector.shape_cast %get3A_436 : vector<1x1x16xf32> to vector<16xf32>
            %add3A_438 = arith.addf %get3A_431, %get3A_437 : vector<16xf32>
            %swap3A_439 = arith.constant 2 : i32
            %swap3A_440 = arith.index_cast %swap3A_439 : i32 to index
            %swap3A_441 = arith.index_cast %scan3A_307 : i32 to index
            %swap3A_442 = arith.constant 96 : index
            %swap3A_443 = tpu.vector_load %arg9[%swap3A_440, %swap3A_441, %swap3A_442] {strides = array<i32>} : memref<3x128x128xf32, #tpu.memory_space<vmem>>, vector<1x1x16xf32>,
            %swap3A_444 = vector.shape_cast %swap3A_443 : vector<1x1x16xf32> to vector<16xf32>
            %swap3A_445 = vector.shape_cast %add3A_438 : vector<16xf32> to vector<1x1x16xf32>
            tpu.vector_store %arg9[%swap3A_440, %swap3A_441, %swap3A_442], %swap3A_445 {strides = array<i32>} : memref<3x128x128xf32, #tpu.memory_space<vmem>>, vector<1x1x16xf32>,
            %get3A_446 = arith.constant 2 : i32
            %get3A_447 = arith.index_cast %get3A_446 : i32 to index
            %get3A_448 = arith.index_cast %scan3A_307 : i32 to index
            %get3A_449 = arith.constant 112 : index
            %get3A_450 = tpu.vector_load %arg9[%get3A_447, %get3A_448, %get3A_449] {strides = array<i32>} : memref<3x128x128xf32, #tpu.memory_space<vmem>>, vector<1x1x16xf32>,
            %get3A_451 = vector.shape_cast %get3A_450 : vector<1x1x16xf32> to vector<16xf32>
            %get3A_452 = arith.constant 2 : i32
            %get3A_453 = arith.index_cast %get3A_452 : i32 to index
            %get3A_454 = arith.index_cast %scan3A_307 : i32 to index
            %get3A_455 = arith.constant 112 : index
            %get3A_456 = tpu.vector_load %arg10[%get3A_453, %get3A_454, %get3A_455] {strides = array<i32>} : memref<3x128x128xf32, #tpu.memory_space<vmem>>, vector<1x1x16xf32>,
            %get3A_457 = vector.shape_cast %get3A_456 : vector<1x1x16xf32> to vector<16xf32>
            %add3A_458 = arith.addf %get3A_451, %get3A_457 : vector<16xf32>
            %swap3A_459 = arith.constant 2 : i32
            %swap3A_460 = arith.index_cast %swap3A_459 : i32 to index
            %swap3A_461 = arith.index_cast %scan3A_307 : i32 to index
            %swap3A_462 = arith.constant 112 : index
            %swap3A_463 = tpu.vector_load %arg9[%swap3A_460, %swap3A_461, %swap3A_462] {strides = array<i32>} : memref<3x128x128xf32, #tpu.memory_space<vmem>>, vector<1x1x16xf32>,
            %swap3A_464 = vector.shape_cast %swap3A_463 : vector<1x1x16xf32> to vector<16xf32>
            %swap3A_465 = vector.shape_cast %add3A_458 : vector<16xf32> to vector<1x1x16xf32>
            tpu.vector_store %arg9[%swap3A_460, %swap3A_461, %swap3A_462], %swap3A_465 {strides = array<i32>} : memref<3x128x128xf32, #tpu.memory_space<vmem>>, vector<1x1x16xf32>,
          }
          %scan3A_285 = arith.constant 128 : i32
          %mul3A_286 = arith.constant 32 : i32
          %mul3A_287 = arith.muli %mul3A_286, %sub3A_280 : i32
          %add3A_288 = arith.addi %add3A, %mul3A_287 : i32
          %mul3A_289 = arith.constant 128 : i32
          %mul3A_290 = arith.muli %add3A_288, %mul3A_289 : i32
          %dma_start3A_291 = arith.constant 2 : i32
          %dma_start3A_292 = arith.constant 2 : i32
          %dma_start3A_293 = arith.constant 0 : i32
          %dma_start3A_294 = arith.constant 0 : i32
          %dma_start3A_295 = tpu.memref_slice %arg9[%dma_start3A_291, %dma_start3A_293, %dma_start3A_294] : memref<3x128x128xf32, #tpu.memory_space<vmem>> -> memref<1x128x128xf32, #tpu.memory_space<vmem>>
          %dma_start3A_296 = tpu.memref_squeeze %dma_start3A_295 : memref<1x128x128xf32, #tpu.memory_space<vmem>> -> memref<128x128xf32, #tpu.memory_space<vmem>>
          %dma_start3A_297 = arith.constant 0 : i32
          %dma_start3A_298 = tpu.memref_slice %arg6[%mul3A_290, %dma_start3A_297] : memref<320000x128xf32, #tpu.memory_space<hbm>> -> memref<128x128xf32, #tpu.memory_space<hbm>>
          %dma_start3A_299 = tpu.memref_slice %arg14[%dma_start3A_292] : memref<3x!tpu.dma_semaphore, #tpu.memory_space<semaphore_mem>> -> memref<1x!tpu.dma_semaphore, #tpu.memory_space<semaphore_mem>>
          %dma_start3A_300 = tpu.memref_squeeze %dma_start3A_299 : memref<1x!tpu.dma_semaphore, #tpu.memory_space<semaphore_mem>> -> memref<!tpu.dma_semaphore, #tpu.memory_space<semaphore_mem>>
          %dma_start3A_301 = arith.constant 0 : i32
          %dma_start3A_302 = tpu.memref_slice %arg6[%mul3A_290, %dma_start3A_301] : memref<320000x128xf32, #tpu.memory_space<hbm>> -> memref<128x128xf32, #tpu.memory_space<hbm>>
          %dma_start3A_303 = arith.constant 0 : i32
          %dma_start3A_304 = arith.constant 0 : i32
          %dma_start3A_305 = tpu.memref_slice %arg9[%dma_start3A_291, %dma_start3A_303, %dma_start3A_304] : memref<3x128x128xf32, #tpu.memory_space<vmem>> -> memref<1x128x128xf32, #tpu.memory_space<vmem>>
          %dma_start3A_306 = tpu.memref_squeeze %dma_start3A_305 : memref<1x128x128xf32, #tpu.memory_space<vmem>> -> memref<128x128xf32, #tpu.memory_space<vmem>>
          tpu.enqueue_dma source(%dma_start3A_306 : memref<128x128xf32, #tpu.memory_space<vmem>>) target(%dma_start3A_302 : memref<128x128xf32, #tpu.memory_space<hbm>>) target_semaphore(%dma_start3A_300 : memref<!tpu.dma_semaphore, #tpu.memory_space<semaphore_mem>>)
        } else {
        }
      } else {
      }
      %jit3A_129 = arith.constant 3 : i32
      %eq3A_130 = arith.constant 0 : i32
      %eq3A_131 = arith.cmpi eq, %jit3A_129, %eq3A_130 : i32
      %jit3A_132 = arith.constant 1 : i32
      %select_n3A_133 = arith.select %eq3A_131, %jit3A_132, %jit3A_129 : i32
      %rem3A_134 = arith.remsi %while3A_107, %select_n3A_133 : i32
      %ne3A_135 = arith.constant 0 : i32
      %ne3A_136 = arith.cmpi ne, %rem3A_134, %ne3A_135 : i32
      %lt3A_137 = arith.constant 0 : i32
      %lt3A_138 = arith.cmpi slt, %rem3A_134, %lt3A_137 : i32
      %lt3A_139 = arith.constant 0 : i32
      %lt3A_140 = arith.cmpi slt, %select_n3A_133, %lt3A_139 : i32
      %ne3A_141 = arith.xori %lt3A_138, %lt3A_140 : i1
      %and3A_142 = arith.andi %ne3A_141, %ne3A_136 : i1
      %add3A_143 = arith.addi %rem3A_134, %select_n3A_133 : i32
      %select_n3A_144 = arith.select %and3A_142, %add3A_143, %rem3A_134 : i32
      %eq3A_145 = arith.constant 1 : i32
      %eq3A_146 = arith.cmpi eq, %select_n3A_144, %eq3A_145 : i32
      %convert_element_type3A_147 = arith.extui %eq3A_146 : i1 to i32
      %cond3A_148 = arith.constant 0 : i32
      %cond3A_149 = arith.cmpi ne, %convert_element_type3A_147, %cond3A_148 : i32
      scf.if %cond3A_149 {
        %mul3A_171 = arith.constant 32 : i32
        %mul3A_172 = arith.muli %mul3A_171, %while3A_107 : i32
        %add3A_173 = arith.addi %add3A, %mul3A_172 : i32
        %mul3A_174 = arith.constant 128 : i32
        %mul3A_175 = arith.muli %add3A_173, %mul3A_174 : i32
        %dma_wait3A = arith.constant 1 : i32
        %dma_wait3A_176 = arith.constant 1 : i32
        %dma_wait3A_177 = arith.constant 0 : i32
        %dma_wait3A_178 = tpu.memref_slice %arg7[%dma_wait3A, %dma_wait3A_177] : memref<3x128xi32, #tpu.memory_space<vmem>> -> memref<1x128xi32, #tpu.memory_space<vmem>>
        %dma_wait3A_179 = tpu.memref_squeeze %dma_wait3A_178 : memref<1x128xi32, #tpu.memory_space<vmem>> -> memref<128xi32, #tpu.memory_space<vmem>>
        %dma_wait3A_180 = tpu.memref_slice %arg4[%mul3A_175] : memref<320000xi32, #tpu.memory_space<hbm>> -> memref<128xi32, #tpu.memory_space<hbm>>
        %dma_wait3A_181 = tpu.memref_slice %arg11[%dma_wait3A_176] : memref<3x!tpu.dma_semaphore, #tpu.memory_space<semaphore_mem>> -> memref<1x!tpu.dma_semaphore, #tpu.memory_space<semaphore_mem>>
        %dma_wait3A_182 = tpu.memref_squeeze %dma_wait3A_181 : memref<1x!tpu.dma_semaphore, #tpu.memory_space<semaphore_mem>> -> memref<!tpu.dma_semaphore, #tpu.memory_space<semaphore_mem>>
        %dma_wait3A_183 = arith.constant 0 : i32
        %dma_wait3A_184 = tpu.memref_slice %arg7[%dma_wait3A, %dma_wait3A_183] : memref<3x128xi32, #tpu.memory_space<vmem>> -> memref<1x128xi32, #tpu.memory_space<vmem>>
        %dma_wait3A_185 = tpu.memref_squeeze %dma_wait3A_184 : memref<1x128xi32, #tpu.memory_space<vmem>> -> memref<128xi32, #tpu.memory_space<vmem>>
        %dma_wait3A_186 = tpu.memref_slice %arg4[%mul3A_175] : memref<320000xi32, #tpu.memory_space<hbm>> -> memref<128xi32, #tpu.memory_space<hbm>>
        tpu.wait_dma2 semaphore(%dma_wait3A_182 : memref<!tpu.dma_semaphore, #tpu.memory_space<semaphore_mem>>) src(%dma_wait3A_186 : memref<128xi32, #tpu.memory_space<hbm>>) dst(%dma_wait3A_185 : memref<128xi32, #tpu.memory_space<vmem>>)
        %mul3A_187 = arith.constant 32 : i32
        %mul3A_188 = arith.muli %mul3A_187, %while3A_107 : i32
        %add3A_189 = arith.addi %add3A, %mul3A_188 : i32
        %mul3A_190 = arith.constant 128 : i32
        %mul3A_191 = arith.muli %add3A_189, %mul3A_190 : i32
        %dma_wait3A_192 = arith.constant 1 : i32
        %dma_wait3A_193 = arith.constant 1 : i32
        %dma_wait3A_194 = arith.constant 0 : i32
        %dma_wait3A_195 = tpu.memref_slice %arg8[%dma_wait3A_192, %dma_wait3A_194] : memref<3x128xi32, #tpu.memory_space<vmem>> -> memref<1x128xi32, #tpu.memory_space<vmem>>
        %dma_wait3A_196 = tpu.memref_squeeze %dma_wait3A_195 : memref<1x128xi32, #tpu.memory_space<vmem>> -> memref<128xi32, #tpu.memory_space<vmem>>
        %dma_wait3A_197 = tpu.memref_slice %arg5[%mul3A_191] : memref<320000xi32, #tpu.memory_space<hbm>> -> memref<128xi32, #tpu.memory_space<hbm>>
        %dma_wait3A_198 = tpu.memref_slice %arg12[%dma_wait3A_193] : memref<3x!tpu.dma_semaphore, #tpu.memory_space<semaphore_mem>> -> memref<1x!tpu.dma_semaphore, #tpu.memory_space<semaphore_mem>>
        %dma_wait3A_199 = tpu.memref_squeeze %dma_wait3A_198 : memref<1x!tpu.dma_semaphore, #tpu.memory_space<semaphore_mem>> -> memref<!tpu.dma_semaphore, #tpu.memory_space<semaphore_mem>>
        %dma_wait3A_200 = arith.constant 0 : i32
        %dma_wait3A_201 = tpu.memref_slice %arg8[%dma_wait3A_192, %dma_wait3A_200] : memref<3x128xi32, #tpu.memory_space<vmem>> -> memref<1x128xi32, #tpu.memory_space<vmem>>
        %dma_wait3A_202 = tpu.memref_squeeze %dma_wait3A_201 : memref<1x128xi32, #tpu.memory_space<vmem>> -> memref<128xi32, #tpu.memory_space<vmem>>
        %dma_wait3A_203 = tpu.memref_slice %arg5[%mul3A_191] : memref<320000xi32, #tpu.memory_space<hbm>> -> memref<128xi32, #tpu.memory_space<hbm>>
        tpu.wait_dma2 semaphore(%dma_wait3A_199 : memref<!tpu.dma_semaphore, #tpu.memory_space<semaphore_mem>>) src(%dma_wait3A_203 : memref<128xi32, #tpu.memory_space<hbm>>) dst(%dma_wait3A_202 : memref<128xi32, #tpu.memory_space<vmem>>)
        %ge3A = arith.constant 3 : i32
        %ge3A_204 = arith.cmpi sge, %while3A_107, %ge3A : i32
        %convert_element_type3A_205 = arith.extui %ge3A_204 : i1 to i32
        %cond3A_206 = arith.constant 0 : i32
        %cond3A_207 = arith.cmpi ne, %convert_element_type3A_205, %cond3A_206 : i32
        scf.if %cond3A_207 {
          %sub3A_249 = arith.constant 3 : i32
          %sub3A_250 = arith.subi %while3A_107, %sub3A_249 : i32
          %mul3A_251 = arith.constant 32 : i32
          %mul3A_252 = arith.muli %mul3A_251, %sub3A_250 : i32
          %add3A_253 = arith.addi %add3A, %mul3A_252 : i32
          %mul3A_254 = arith.constant 128 : i32
          %mul3A_255 = arith.muli %add3A_253, %mul3A_254 : i32
          %dma_wait3A_256 = arith.constant 1 : i32
          %dma_wait3A_257 = arith.constant 1 : i32
          %dma_wait3A_258 = arith.constant 0 : i32
          %dma_wait3A_259 = arith.constant 0 : i32
          %dma_wait3A_260 = tpu.memref_slice %arg9[%dma_wait3A_256, %dma_wait3A_258, %dma_wait3A_259] : memref<3x128x128xf32, #tpu.memory_space<vmem>> -> memref<1x128x128xf32, #tpu.memory_space<vmem>>
          %dma_wait3A_261 = tpu.memref_squeeze %dma_wait3A_260 : memref<1x128x128xf32, #tpu.memory_space<vmem>> -> memref<128x128xf32, #tpu.memory_space<vmem>>
          %dma_wait3A_262 = arith.constant 0 : i32
          %dma_wait3A_263 = tpu.memref_slice %arg6[%mul3A_255, %dma_wait3A_262] : memref<320000x128xf32, #tpu.memory_space<hbm>> -> memref<128x128xf32, #tpu.memory_space<hbm>>
          %dma_wait3A_264 = tpu.memref_slice %arg14[%dma_wait3A_257] : memref<3x!tpu.dma_semaphore, #tpu.memory_space<semaphore_mem>> -> memref<1x!tpu.dma_semaphore, #tpu.memory_space<semaphore_mem>>
          %dma_wait3A_265 = tpu.memref_squeeze %dma_wait3A_264 : memref<1x!tpu.dma_semaphore, #tpu.memory_space<semaphore_mem>> -> memref<!tpu.dma_semaphore, #tpu.memory_space<semaphore_mem>>
          %dma_wait3A_266 = arith.constant 0 : i32
          %dma_wait3A_267 = tpu.memref_slice %arg6[%mul3A_255, %dma_wait3A_266] : memref<320000x128xf32, #tpu.memory_space<hbm>> -> memref<128x128xf32, #tpu.memory_space<hbm>>
          %dma_wait3A_268 = arith.constant 0 : i32
          %dma_wait3A_269 = arith.constant 0 : i32
          %dma_wait3A_270 = tpu.memref_slice %arg9[%dma_wait3A_256, %dma_wait3A_268, %dma_wait3A_269] : memref<3x128x128xf32, #tpu.memory_space<vmem>> -> memref<1x128x128xf32, #tpu.memory_space<vmem>>
          %dma_wait3A_271 = tpu.memref_squeeze %dma_wait3A_270 : memref<1x128x128xf32, #tpu.memory_space<vmem>> -> memref<128x128xf32, #tpu.memory_space<vmem>>
          tpu.wait_dma2 semaphore(%dma_wait3A_265 : memref<!tpu.dma_semaphore, #tpu.memory_space<semaphore_mem>>) src(%dma_wait3A_271 : memref<128x128xf32, #tpu.memory_space<vmem>>) dst(%dma_wait3A_267 : memref<128x128xf32, #tpu.memory_space<hbm>>)
        } else {
        }
        %dma_start3A_208 = arith.constant 1 : i32
        %dma_start3A_209 = arith.constant 1 : i32
        %dma_start3A_210 = arith.constant 1 : i32
        %dma_start3A_211 = arith.constant 0 : i32
        %dma_start3A_212 = arith.constant 0 : i32
        %dma_start3A_213 = tpu.memref_slice %arg9[%dma_start3A_209, %dma_start3A_211, %dma_start3A_212] : memref<3x128x128xf32, #tpu.memory_space<vmem>> -> memref<1x128x128xf32, #tpu.memory_space<vmem>>
        %dma_start3A_214 = tpu.memref_squeeze %dma_start3A_213 : memref<1x128x128xf32, #tpu.memory_space<vmem>> -> memref<128x128xf32, #tpu.memory_space<vmem>>
        %dma_start3A_215 = arith.constant 0 : i32
        %dma_start3A_216 = tpu.memref_slice %arg7[%dma_start3A_208, %dma_start3A_215] : memref<3x128xi32, #tpu.memory_space<vmem>> -> memref<1x128xi32, #tpu.memory_space<vmem>>
        %dma_start3A_217 = tpu.memref_squeeze %dma_start3A_216 : memref<1x128xi32, #tpu.memory_space<vmem>> -> memref<128xi32, #tpu.memory_space<vmem>>
        %dma_start3A_218 = arith.constant 0 : i32
        %dma_start3A_219 = arith.constant 0 : i32
        %dma_start3A_220 = tpu.memref_slice %arg2[%dma_start3A_218, %dma_start3A_219] : memref<10000x128xf32, #tpu.memory_space<hbm>> -> memref<10000x128xf32, #tpu.memory_space<hbm>>
        %dma_start3A_221 = tpu.memref_slice %arg13[%dma_start3A_210] : memref<3x!tpu.dma_semaphore, #tpu.memory_space<semaphore_mem>> -> memref<1x!tpu.dma_semaphore, #tpu.memory_space<semaphore_mem>>
        %dma_start3A_222 = tpu.memref_squeeze %dma_start3A_221 : memref<1x!tpu.dma_semaphore, #tpu.memory_space<semaphore_mem>> -> memref<!tpu.dma_semaphore, #tpu.memory_space<semaphore_mem>>
        tpu.enqueue_indirect_dma source(%dma_start3A_220 : memref<10000x128xf32, #tpu.memory_space<hbm>>) target(%dma_start3A_214 : memref<128x128xf32, #tpu.memory_space<vmem>>) offsets(%dma_start3A_217 : memref<128xi32, #tpu.memory_space<vmem>>) semaphore(%dma_start3A_222 : memref<!tpu.dma_semaphore, #tpu.memory_space<semaphore_mem>>)
        %dma_start3A_223 = arith.constant 1 : i32
        %dma_start3A_224 = arith.constant 1 : i32
        %dma_start3A_225 = arith.constant 1 : i32
        %dma_start3A_226 = arith.constant 0 : i32
        %dma_start3A_227 = arith.constant 0 : i32
        %dma_start3A_228 = tpu.memref_slice %arg10[%dma_start3A_224, %dma_start3A_226, %dma_start3A_227] : memref<3x128x128xf32, #tpu.memory_space<vmem>> -> memref<1x128x128xf32, #tpu.memory_space<vmem>>
        %dma_start3A_229 = tpu.memref_squeeze %dma_start3A_228 : memref<1x128x128xf32, #tpu.memory_space<vmem>> -> memref<128x128xf32, #tpu.memory_space<vmem>>
        %dma_start3A_230 = arith.constant 0 : i32
        %dma_start3A_231 = tpu.memref_slice %arg8[%dma_start3A_223, %dma_start3A_230] : memref<3x128xi32, #tpu.memory_space<vmem>> -> memref<1x128xi32, #tpu.memory_space<vmem>>
        %dma_start3A_232 = tpu.memref_squeeze %dma_start3A_231 : memref<1x128xi32, #tpu.memory_space<vmem>> -> memref<128xi32, #tpu.memory_space<vmem>>
        %dma_start3A_233 = arith.constant 0 : i32
        %dma_start3A_234 = arith.constant 0 : i32
        %dma_start3A_235 = tpu.memref_slice %arg3[%dma_start3A_233, %dma_start3A_234] : memref<10000x128xf32, #tpu.memory_space<hbm>> -> memref<10000x128xf32, #tpu.memory_space<hbm>>
        %dma_start3A_236 = tpu.memref_slice %arg13[%dma_start3A_225] : memref<3x!tpu.dma_semaphore, #tpu.memory_space<semaphore_mem>> -> memref<1x!tpu.dma_semaphore, #tpu.memory_space<semaphore_mem>>
        %dma_start3A_237 = tpu.memref_squeeze %dma_start3A_236 : memref<1x!tpu.dma_semaphore, #tpu.memory_space<semaphore_mem>> -> memref<!tpu.dma_semaphore, #tpu.memory_space<semaphore_mem>>
        tpu.enqueue_indirect_dma source(%dma_start3A_235 : memref<10000x128xf32, #tpu.memory_space<hbm>>) target(%dma_start3A_229 : memref<128x128xf32, #tpu.memory_space<vmem>>) offsets(%dma_start3A_232 : memref<128xi32, #tpu.memory_space<vmem>>) semaphore(%dma_start3A_237 : memref<!tpu.dma_semaphore, #tpu.memory_space<semaphore_mem>>)
        %add3A_238 = arith.constant 1 : i32
        %add3A_239 = arith.addi %while3A_107, %add3A_238 : i32
        %lt3A_240 = arith.cmpi slt, %add3A_239, %add3A_4 : i32
        %convert_element_type3A_241 = arith.extui %lt3A_240 : i1 to i32
        %cond3A_242 = arith.constant 0 : i32
        %cond3A_243 = arith.cmpi ne, %convert_element_type3A_241, %cond3A_242 : i32
        scf.if %cond3A_243 {
          %add3A_249 = arith.constant 1 : i32
          %add3A_250 = arith.addi %while3A_107, %add3A_249 : i32
          %mul3A_251 = arith.constant 32 : i32
          %mul3A_252 = arith.muli %mul3A_251, %add3A_250 : i32
          %add3A_253 = arith.addi %add3A, %mul3A_252 : i32
          %mul3A_254 = arith.constant 128 : i32
          %mul3A_255 = arith.muli %add3A_253, %mul3A_254 : i32
          %dma_start3A_256 = arith.constant 2 : i32
          %dma_start3A_257 = arith.constant 2 : i32
          %dma_start3A_258 = arith.constant 0 : i32
          %dma_start3A_259 = tpu.memref_slice %arg7[%dma_start3A_256, %dma_start3A_258] : memref<3x128xi32, #tpu.memory_space<vmem>> -> memref<1x128xi32, #tpu.memory_space<vmem>>
          %dma_start3A_260 = tpu.memref_squeeze %dma_start3A_259 : memref<1x128xi32, #tpu.memory_space<vmem>> -> memref<128xi32, #tpu.memory_space<vmem>>
          %dma_start3A_261 = tpu.memref_slice %arg4[%mul3A_255] : memref<320000xi32, #tpu.memory_space<hbm>> -> memref<128xi32, #tpu.memory_space<hbm>>
          %dma_start3A_262 = tpu.memref_slice %arg11[%dma_start3A_257] : memref<3x!tpu.dma_semaphore, #tpu.memory_space<semaphore_mem>> -> memref<1x!tpu.dma_semaphore, #tpu.memory_space<semaphore_mem>>
          %dma_start3A_263 = tpu.memref_squeeze %dma_start3A_262 : memref<1x!tpu.dma_semaphore, #tpu.memory_space<semaphore_mem>> -> memref<!tpu.dma_semaphore, #tpu.memory_space<semaphore_mem>>
          %dma_start3A_264 = arith.constant 0 : i32
          %dma_start3A_265 = tpu.memref_slice %arg7[%dma_start3A_256, %dma_start3A_264] : memref<3x128xi32, #tpu.memory_space<vmem>> -> memref<1x128xi32, #tpu.memory_space<vmem>>
          %dma_start3A_266 = tpu.memref_squeeze %dma_start3A_265 : memref<1x128xi32, #tpu.memory_space<vmem>> -> memref<128xi32, #tpu.memory_space<vmem>>
          %dma_start3A_267 = tpu.memref_slice %arg4[%mul3A_255] : memref<320000xi32, #tpu.memory_space<hbm>> -> memref<128xi32, #tpu.memory_space<hbm>>
          tpu.enqueue_dma source(%dma_start3A_267 : memref<128xi32, #tpu.memory_space<hbm>>) target(%dma_start3A_266 : memref<128xi32, #tpu.memory_space<vmem>>) target_semaphore(%dma_start3A_263 : memref<!tpu.dma_semaphore, #tpu.memory_space<semaphore_mem>>)
          %mul3A_268 = arith.constant 32 : i32
          %mul3A_269 = arith.muli %mul3A_268, %add3A_250 : i32
          %add3A_270 = arith.addi %add3A, %mul3A_269 : i32
          %mul3A_271 = arith.constant 128 : i32
          %mul3A_272 = arith.muli %add3A_270, %mul3A_271 : i32
          %dma_start3A_273 = arith.constant 2 : i32
          %dma_start3A_274 = arith.constant 2 : i32
          %dma_start3A_275 = arith.constant 0 : i32
          %dma_start3A_276 = tpu.memref_slice %arg8[%dma_start3A_273, %dma_start3A_275] : memref<3x128xi32, #tpu.memory_space<vmem>> -> memref<1x128xi32, #tpu.memory_space<vmem>>
          %dma_start3A_277 = tpu.memref_squeeze %dma_start3A_276 : memref<1x128xi32, #tpu.memory_space<vmem>> -> memref<128xi32, #tpu.memory_space<vmem>>
          %dma_start3A_278 = tpu.memref_slice %arg5[%mul3A_272] : memref<320000xi32, #tpu.memory_space<hbm>> -> memref<128xi32, #tpu.memory_space<hbm>>
          %dma_start3A_279 = tpu.memref_slice %arg12[%dma_start3A_274] : memref<3x!tpu.dma_semaphore, #tpu.memory_space<semaphore_mem>> -> memref<1x!tpu.dma_semaphore, #tpu.memory_space<semaphore_mem>>
          %dma_start3A_280 = tpu.memref_squeeze %dma_start3A_279 : memref<1x!tpu.dma_semaphore, #tpu.memory_space<semaphore_mem>> -> memref<!tpu.dma_semaphore, #tpu.memory_space<semaphore_mem>>
          %dma_start3A_281 = arith.constant 0 : i32
          %dma_start3A_282 = tpu.memref_slice %arg8[%dma_start3A_273, %dma_start3A_281] : memref<3x128xi32, #tpu.memory_space<vmem>> -> memref<1x128xi32, #tpu.memory_space<vmem>>
          %dma_start3A_283 = tpu.memref_squeeze %dma_start3A_282 : memref<1x128xi32, #tpu.memory_space<vmem>> -> memref<128xi32, #tpu.memory_space<vmem>>
          %dma_start3A_284 = tpu.memref_slice %arg5[%mul3A_272] : memref<320000xi32, #tpu.memory_space<hbm>> -> memref<128xi32, #tpu.memory_space<hbm>>
          tpu.enqueue_dma source(%dma_start3A_284 : memref<128xi32, #tpu.memory_space<hbm>>) target(%dma_start3A_283 : memref<128xi32, #tpu.memory_space<vmem>>) target_semaphore(%dma_start3A_280 : memref<!tpu.dma_semaphore, #tpu.memory_space<semaphore_mem>>)
        } else {
        }
        %ge3A_244 = arith.constant 1 : i32
        %ge3A_245 = arith.cmpi sge, %while3A_107, %ge3A_244 : i32
        %convert_element_type3A_246 = arith.extui %ge3A_245 : i1 to i32
        %cond3A_247 = arith.constant 0 : i32
        %cond3A_248 = arith.cmpi ne, %convert_element_type3A_246, %cond3A_247 : i32
        scf.if %cond3A_248 {
          %dma_wait3A_249 = arith.constant 0 : i32
          %dma_wait3A_250 = arith.constant 0 : i32
          %dma_wait3A_251 = arith.constant 0 : i32
          %dma_wait3A_252 = arith.constant 0 : i32
          %dma_wait3A_253 = arith.constant 0 : i32
          %dma_wait3A_254 = tpu.memref_slice %arg9[%dma_wait3A_250, %dma_wait3A_252, %dma_wait3A_253] : memref<3x128x128xf32, #tpu.memory_space<vmem>> -> memref<1x128x128xf32, #tpu.memory_space<vmem>>
          %dma_wait3A_255 = tpu.memref_squeeze %dma_wait3A_254 : memref<1x128x128xf32, #tpu.memory_space<vmem>> -> memref<128x128xf32, #tpu.memory_space<vmem>>
          %dma_wait3A_256 = arith.constant 0 : i32
          %dma_wait3A_257 = tpu.memref_slice %arg7[%dma_wait3A_249, %dma_wait3A_256] : memref<3x128xi32, #tpu.memory_space<vmem>> -> memref<1x128xi32, #tpu.memory_space<vmem>>
          %dma_wait3A_258 = tpu.memref_squeeze %dma_wait3A_257 : memref<1x128xi32, #tpu.memory_space<vmem>> -> memref<128xi32, #tpu.memory_space<vmem>>
          %dma_wait3A_259 = arith.constant 0 : i32
          %dma_wait3A_260 = arith.constant 0 : i32
          %dma_wait3A_261 = tpu.memref_slice %arg2[%dma_wait3A_259, %dma_wait3A_260] : memref<10000x128xf32, #tpu.memory_space<hbm>> -> memref<10000x128xf32, #tpu.memory_space<hbm>>
          %dma_wait3A_262 = tpu.memref_slice %arg13[%dma_wait3A_251] : memref<3x!tpu.dma_semaphore, #tpu.memory_space<semaphore_mem>> -> memref<1x!tpu.dma_semaphore, #tpu.memory_space<semaphore_mem>>
          %dma_wait3A_263 = tpu.memref_squeeze %dma_wait3A_262 : memref<1x!tpu.dma_semaphore, #tpu.memory_space<semaphore_mem>> -> memref<!tpu.dma_semaphore, #tpu.memory_space<semaphore_mem>>
          tpu.wait_indirect_dma semaphore(%dma_wait3A_263 : memref<!tpu.dma_semaphore, #tpu.memory_space<semaphore_mem>>) src(%dma_wait3A_261 : memref<10000x128xf32, #tpu.memory_space<hbm>>) dst(%dma_wait3A_255 : memref<128x128xf32, #tpu.memory_space<vmem>>)
          %dma_wait3A_264 = arith.constant 0 : i32
          %dma_wait3A_265 = arith.constant 0 : i32
          %dma_wait3A_266 = arith.constant 0 : i32
          %dma_wait3A_267 = arith.constant 0 : i32
          %dma_wait3A_268 = arith.constant 0 : i32
          %dma_wait3A_269 = tpu.memref_slice %arg10[%dma_wait3A_265, %dma_wait3A_267, %dma_wait3A_268] : memref<3x128x128xf32, #tpu.memory_space<vmem>> -> memref<1x128x128xf32, #tpu.memory_space<vmem>>
          %dma_wait3A_270 = tpu.memref_squeeze %dma_wait3A_269 : memref<1x128x128xf32, #tpu.memory_space<vmem>> -> memref<128x128xf32, #tpu.memory_space<vmem>>
          %dma_wait3A_271 = arith.constant 0 : i32
          %dma_wait3A_272 = tpu.memref_slice %arg8[%dma_wait3A_264, %dma_wait3A_271] : memref<3x128xi32, #tpu.memory_space<vmem>> -> memref<1x128xi32, #tpu.memory_space<vmem>>
          %dma_wait3A_273 = tpu.memref_squeeze %dma_wait3A_272 : memref<1x128xi32, #tpu.memory_space<vmem>> -> memref<128xi32, #tpu.memory_space<vmem>>
          %dma_wait3A_274 = arith.constant 0 : i32
          %dma_wait3A_275 = arith.constant 0 : i32
          %dma_wait3A_276 = tpu.memref_slice %arg3[%dma_wait3A_274, %dma_wait3A_275] : memref<10000x128xf32, #tpu.memory_space<hbm>> -> memref<10000x128xf32, #tpu.memory_space<hbm>>
          %dma_wait3A_277 = tpu.memref_slice %arg13[%dma_wait3A_266] : memref<3x!tpu.dma_semaphore, #tpu.memory_space<semaphore_mem>> -> memref<1x!tpu.dma_semaphore, #tpu.memory_space<semaphore_mem>>
          %dma_wait3A_278 = tpu.memref_squeeze %dma_wait3A_277 : memref<1x!tpu.dma_semaphore, #tpu.memory_space<semaphore_mem>> -> memref<!tpu.dma_semaphore, #tpu.memory_space<semaphore_mem>>
          tpu.wait_indirect_dma semaphore(%dma_wait3A_278 : memref<!tpu.dma_semaphore, #tpu.memory_space<semaphore_mem>>) src(%dma_wait3A_276 : memref<10000x128xf32, #tpu.memory_space<hbm>>) dst(%dma_wait3A_270 : memref<128x128xf32, #tpu.memory_space<vmem>>)
          %sub3A_279 = arith.constant 1 : i32
          %sub3A_280 = arith.subi %while3A_107, %sub3A_279 : i32
          %scan3A = arith.constant 0 : i32
          %scan3A_281 = arith.constant 0 : i32
          %scan3A_282 = arith.constant 128 : i32
          %scan3A_283 = arith.addi %scan3A_281, %scan3A_282 : i32
          %scan3A_284 = arith.constant 1 : i32
          scf.for %scan3A_307 = %scan3A_281 to %scan3A_283 step %scan3A_284  : i32 {
            %get3A = arith.constant 0 : i32
            %get3A_308 = arith.index_cast %get3A : i32 to index
            %get3A_309 = arith.index_cast %scan3A_307 : i32 to index
            %get3A_310 = arith.constant 0 : index
            %get3A_311 = tpu.vector_load %arg9[%get3A_308, %get3A_309, %get3A_310] {strides = array<i32>} : memref<3x128x128xf32, #tpu.memory_space<vmem>>, vector<1x1x16xf32>,
            %get3A_312 = vector.shape_cast %get3A_311 : vector<1x1x16xf32> to vector<16xf32>
            %get3A_313 = arith.constant 0 : i32
            %get3A_314 = arith.index_cast %get3A_313 : i32 to index
            %get3A_315 = arith.index_cast %scan3A_307 : i32 to index
            %get3A_316 = arith.constant 0 : index
            %get3A_317 = tpu.vector_load %arg10[%get3A_314, %get3A_315, %get3A_316] {strides = array<i32>} : memref<3x128x128xf32, #tpu.memory_space<vmem>>, vector<1x1x16xf32>,
            %get3A_318 = vector.shape_cast %get3A_317 : vector<1x1x16xf32> to vector<16xf32>
            %add3A_319 = arith.addf %get3A_312, %get3A_318 : vector<16xf32>
            %swap3A = arith.constant 0 : i32
            %swap3A_320 = arith.index_cast %swap3A : i32 to index
            %swap3A_321 = arith.index_cast %scan3A_307 : i32 to index
            %swap3A_322 = arith.constant 0 : index
            %swap3A_323 = tpu.vector_load %arg9[%swap3A_320, %swap3A_321, %swap3A_322] {strides = array<i32>} : memref<3x128x128xf32, #tpu.memory_space<vmem>>, vector<1x1x16xf32>,
            %swap3A_324 = vector.shape_cast %swap3A_323 : vector<1x1x16xf32> to vector<16xf32>
            %swap3A_325 = vector.shape_cast %add3A_319 : vector<16xf32> to vector<1x1x16xf32>
            tpu.vector_store %arg9[%swap3A_320, %swap3A_321, %swap3A_322], %swap3A_325 {strides = array<i32>} : memref<3x128x128xf32, #tpu.memory_space<vmem>>, vector<1x1x16xf32>,
            %get3A_326 = arith.constant 0 : i32
            %get3A_327 = arith.index_cast %get3A_326 : i32 to index
            %get3A_328 = arith.index_cast %scan3A_307 : i32 to index
            %get3A_329 = arith.constant 16 : index
            %get3A_330 = tpu.vector_load %arg9[%get3A_327, %get3A_328, %get3A_329] {strides = array<i32>} : memref<3x128x128xf32, #tpu.memory_space<vmem>>, vector<1x1x16xf32>,
            %get3A_331 = vector.shape_cast %get3A_330 : vector<1x1x16xf32> to vector<16xf32>
            %get3A_332 = arith.constant 0 : i32
            %get3A_333 = arith.index_cast %get3A_332 : i32 to index
            %get3A_334 = arith.index_cast %scan3A_307 : i32 to index
            %get3A_335 = arith.constant 16 : index
            %get3A_336 = tpu.vector_load %arg10[%get3A_333, %get3A_334, %get3A_335] {strides = array<i32>} : memref<3x128x128xf32, #tpu.memory_space<vmem>>, vector<1x1x16xf32>,
            %get3A_337 = vector.shape_cast %get3A_336 : vector<1x1x16xf32> to vector<16xf32>
            %add3A_338 = arith.addf %get3A_331, %get3A_337 : vector<16xf32>
            %swap3A_339 = arith.constant 0 : i32
            %swap3A_340 = arith.index_cast %swap3A_339 : i32 to index
            %swap3A_341 = arith.index_cast %scan3A_307 : i32 to index
            %swap3A_342 = arith.constant 16 : index
            %swap3A_343 = tpu.vector_load %arg9[%swap3A_340, %swap3A_341, %swap3A_342] {strides = array<i32>} : memref<3x128x128xf32, #tpu.memory_space<vmem>>, vector<1x1x16xf32>,
            %swap3A_344 = vector.shape_cast %swap3A_343 : vector<1x1x16xf32> to vector<16xf32>
            %swap3A_345 = vector.shape_cast %add3A_338 : vector<16xf32> to vector<1x1x16xf32>
            tpu.vector_store %arg9[%swap3A_340, %swap3A_341, %swap3A_342], %swap3A_345 {strides = array<i32>} : memref<3x128x128xf32, #tpu.memory_space<vmem>>, vector<1x1x16xf32>,
            %get3A_346 = arith.constant 0 : i32
            %get3A_347 = arith.index_cast %get3A_346 : i32 to index
            %get3A_348 = arith.index_cast %scan3A_307 : i32 to index
            %get3A_349 = arith.constant 32 : index
            %get3A_350 = tpu.vector_load %arg9[%get3A_347, %get3A_348, %get3A_349] {strides = array<i32>} : memref<3x128x128xf32, #tpu.memory_space<vmem>>, vector<1x1x16xf32>,
            %get3A_351 = vector.shape_cast %get3A_350 : vector<1x1x16xf32> to vector<16xf32>
            %get3A_352 = arith.constant 0 : i32
            %get3A_353 = arith.index_cast %get3A_352 : i32 to index
            %get3A_354 = arith.index_cast %scan3A_307 : i32 to index
            %get3A_355 = arith.constant 32 : index
            %get3A_356 = tpu.vector_load %arg10[%get3A_353, %get3A_354, %get3A_355] {strides = array<i32>} : memref<3x128x128xf32, #tpu.memory_space<vmem>>, vector<1x1x16xf32>,
            %get3A_357 = vector.shape_cast %get3A_356 : vector<1x1x16xf32> to vector<16xf32>
            %add3A_358 = arith.addf %get3A_351, %get3A_357 : vector<16xf32>
            %swap3A_359 = arith.constant 0 : i32
            %swap3A_360 = arith.index_cast %swap3A_359 : i32 to index
            %swap3A_361 = arith.index_cast %scan3A_307 : i32 to index
            %swap3A_362 = arith.constant 32 : index
            %swap3A_363 = tpu.vector_load %arg9[%swap3A_360, %swap3A_361, %swap3A_362] {strides = array<i32>} : memref<3x128x128xf32, #tpu.memory_space<vmem>>, vector<1x1x16xf32>,
            %swap3A_364 = vector.shape_cast %swap3A_363 : vector<1x1x16xf32> to vector<16xf32>
            %swap3A_365 = vector.shape_cast %add3A_358 : vector<16xf32> to vector<1x1x16xf32>
            tpu.vector_store %arg9[%swap3A_360, %swap3A_361, %swap3A_362], %swap3A_365 {strides = array<i32>} : memref<3x128x128xf32, #tpu.memory_space<vmem>>, vector<1x1x16xf32>,
            %get3A_366 = arith.constant 0 : i32
            %get3A_367 = arith.index_cast %get3A_366 : i32 to index
            %get3A_368 = arith.index_cast %scan3A_307 : i32 to index
            %get3A_369 = arith.constant 48 : index
            %get3A_370 = tpu.vector_load %arg9[%get3A_367, %get3A_368, %get3A_369] {strides = array<i32>} : memref<3x128x128xf32, #tpu.memory_space<vmem>>, vector<1x1x16xf32>,
            %get3A_371 = vector.shape_cast %get3A_370 : vector<1x1x16xf32> to vector<16xf32>
            %get3A_372 = arith.constant 0 : i32
            %get3A_373 = arith.index_cast %get3A_372 : i32 to index
            %get3A_374 = arith.index_cast %scan3A_307 : i32 to index
            %get3A_375 = arith.constant 48 : index
            %get3A_376 = tpu.vector_load %arg10[%get3A_373, %get3A_374, %get3A_375] {strides = array<i32>} : memref<3x128x128xf32, #tpu.memory_space<vmem>>, vector<1x1x16xf32>,
            %get3A_377 = vector.shape_cast %get3A_376 : vector<1x1x16xf32> to vector<16xf32>
            %add3A_378 = arith.addf %get3A_371, %get3A_377 : vector<16xf32>
            %swap3A_379 = arith.constant 0 : i32
            %swap3A_380 = arith.index_cast %swap3A_379 : i32 to index
            %swap3A_381 = arith.index_cast %scan3A_307 : i32 to index
            %swap3A_382 = arith.constant 48 : index
            %swap3A_383 = tpu.vector_load %arg9[%swap3A_380, %swap3A_381, %swap3A_382] {strides = array<i32>} : memref<3x128x128xf32, #tpu.memory_space<vmem>>, vector<1x1x16xf32>,
            %swap3A_384 = vector.shape_cast %swap3A_383 : vector<1x1x16xf32> to vector<16xf32>
            %swap3A_385 = vector.shape_cast %add3A_378 : vector<16xf32> to vector<1x1x16xf32>
            tpu.vector_store %arg9[%swap3A_380, %swap3A_381, %swap3A_382], %swap3A_385 {strides = array<i32>} : memref<3x128x128xf32, #tpu.memory_space<vmem>>, vector<1x1x16xf32>,
            %get3A_386 = arith.constant 0 : i32
            %get3A_387 = arith.index_cast %get3A_386 : i32 to index
            %get3A_388 = arith.index_cast %scan3A_307 : i32 to index
            %get3A_389 = arith.constant 64 : index
            %get3A_390 = tpu.vector_load %arg9[%get3A_387, %get3A_388, %get3A_389] {strides = array<i32>} : memref<3x128x128xf32, #tpu.memory_space<vmem>>, vector<1x1x16xf32>,
            %get3A_391 = vector.shape_cast %get3A_390 : vector<1x1x16xf32> to vector<16xf32>
            %get3A_392 = arith.constant 0 : i32
            %get3A_393 = arith.index_cast %get3A_392 : i32 to index
            %get3A_394 = arith.index_cast %scan3A_307 : i32 to index
            %get3A_395 = arith.constant 64 : index
            %get3A_396 = tpu.vector_load %arg10[%get3A_393, %get3A_394, %get3A_395] {strides = array<i32>} : memref<3x128x128xf32, #tpu.memory_space<vmem>>, vector<1x1x16xf32>,
            %get3A_397 = vector.shape_cast %get3A_396 : vector<1x1x16xf32> to vector<16xf32>
            %add3A_398 = arith.addf %get3A_391, %get3A_397 : vector<16xf32>
            %swap3A_399 = arith.constant 0 : i32
            %swap3A_400 = arith.index_cast %swap3A_399 : i32 to index
            %swap3A_401 = arith.index_cast %scan3A_307 : i32 to index
            %swap3A_402 = arith.constant 64 : index
            %swap3A_403 = tpu.vector_load %arg9[%swap3A_400, %swap3A_401, %swap3A_402] {strides = array<i32>} : memref<3x128x128xf32, #tpu.memory_space<vmem>>, vector<1x1x16xf32>,
            %swap3A_404 = vector.shape_cast %swap3A_403 : vector<1x1x16xf32> to vector<16xf32>
            %swap3A_405 = vector.shape_cast %add3A_398 : vector<16xf32> to vector<1x1x16xf32>
            tpu.vector_store %arg9[%swap3A_400, %swap3A_401, %swap3A_402], %swap3A_405 {strides = array<i32>} : memref<3x128x128xf32, #tpu.memory_space<vmem>>, vector<1x1x16xf32>,
            %get3A_406 = arith.constant 0 : i32
            %get3A_407 = arith.index_cast %get3A_406 : i32 to index
            %get3A_408 = arith.index_cast %scan3A_307 : i32 to index
            %get3A_409 = arith.constant 80 : index
            %get3A_410 = tpu.vector_load %arg9[%get3A_407, %get3A_408, %get3A_409] {strides = array<i32>} : memref<3x128x128xf32, #tpu.memory_space<vmem>>, vector<1x1x16xf32>,
            %get3A_411 = vector.shape_cast %get3A_410 : vector<1x1x16xf32> to vector<16xf32>
            %get3A_412 = arith.constant 0 : i32
            %get3A_413 = arith.index_cast %get3A_412 : i32 to index
            %get3A_414 = arith.index_cast %scan3A_307 : i32 to index
            %get3A_415 = arith.constant 80 : index
            %get3A_416 = tpu.vector_load %arg10[%get3A_413, %get3A_414, %get3A_415] {strides = array<i32>} : memref<3x128x128xf32, #tpu.memory_space<vmem>>, vector<1x1x16xf32>,
            %get3A_417 = vector.shape_cast %get3A_416 : vector<1x1x16xf32> to vector<16xf32>
            %add3A_418 = arith.addf %get3A_411, %get3A_417 : vector<16xf32>
            %swap3A_419 = arith.constant 0 : i32
            %swap3A_420 = arith.index_cast %swap3A_419 : i32 to index
            %swap3A_421 = arith.index_cast %scan3A_307 : i32 to index
            %swap3A_422 = arith.constant 80 : index
            %swap3A_423 = tpu.vector_load %arg9[%swap3A_420, %swap3A_421, %swap3A_422] {strides = array<i32>} : memref<3x128x128xf32, #tpu.memory_space<vmem>>, vector<1x1x16xf32>,
            %swap3A_424 = vector.shape_cast %swap3A_423 : vector<1x1x16xf32> to vector<16xf32>
            %swap3A_425 = vector.shape_cast %add3A_418 : vector<16xf32> to vector<1x1x16xf32>
            tpu.vector_store %arg9[%swap3A_420, %swap3A_421, %swap3A_422], %swap3A_425 {strides = array<i32>} : memref<3x128x128xf32, #tpu.memory_space<vmem>>, vector<1x1x16xf32>,
            %get3A_426 = arith.constant 0 : i32
            %get3A_427 = arith.index_cast %get3A_426 : i32 to index
            %get3A_428 = arith.index_cast %scan3A_307 : i32 to index
            %get3A_429 = arith.constant 96 : index
            %get3A_430 = tpu.vector_load %arg9[%get3A_427, %get3A_428, %get3A_429] {strides = array<i32>} : memref<3x128x128xf32, #tpu.memory_space<vmem>>, vector<1x1x16xf32>,
            %get3A_431 = vector.shape_cast %get3A_430 : vector<1x1x16xf32> to vector<16xf32>
            %get3A_432 = arith.constant 0 : i32
            %get3A_433 = arith.index_cast %get3A_432 : i32 to index
            %get3A_434 = arith.index_cast %scan3A_307 : i32 to index
            %get3A_435 = arith.constant 96 : index
            %get3A_436 = tpu.vector_load %arg10[%get3A_433, %get3A_434, %get3A_435] {strides = array<i32>} : memref<3x128x128xf32, #tpu.memory_space<vmem>>, vector<1x1x16xf32>,
            %get3A_437 = vector.shape_cast %get3A_436 : vector<1x1x16xf32> to vector<16xf32>
            %add3A_438 = arith.addf %get3A_431, %get3A_437 : vector<16xf32>
            %swap3A_439 = arith.constant 0 : i32
            %swap3A_440 = arith.index_cast %swap3A_439 : i32 to index
            %swap3A_441 = arith.index_cast %scan3A_307 : i32 to index
            %swap3A_442 = arith.constant 96 : index
            %swap3A_443 = tpu.vector_load %arg9[%swap3A_440, %swap3A_441, %swap3A_442] {strides = array<i32>} : memref<3x128x128xf32, #tpu.memory_space<vmem>>, vector<1x1x16xf32>,
            %swap3A_444 = vector.shape_cast %swap3A_443 : vector<1x1x16xf32> to vector<16xf32>
            %swap3A_445 = vector.shape_cast %add3A_438 : vector<16xf32> to vector<1x1x16xf32>
            tpu.vector_store %arg9[%swap3A_440, %swap3A_441, %swap3A_442], %swap3A_445 {strides = array<i32>} : memref<3x128x128xf32, #tpu.memory_space<vmem>>, vector<1x1x16xf32>,
            %get3A_446 = arith.constant 0 : i32
            %get3A_447 = arith.index_cast %get3A_446 : i32 to index
            %get3A_448 = arith.index_cast %scan3A_307 : i32 to index
            %get3A_449 = arith.constant 112 : index
            %get3A_450 = tpu.vector_load %arg9[%get3A_447, %get3A_448, %get3A_449] {strides = array<i32>} : memref<3x128x128xf32, #tpu.memory_space<vmem>>, vector<1x1x16xf32>,
            %get3A_451 = vector.shape_cast %get3A_450 : vector<1x1x16xf32> to vector<16xf32>
            %get3A_452 = arith.constant 0 : i32
            %get3A_453 = arith.index_cast %get3A_452 : i32 to index
            %get3A_454 = arith.index_cast %scan3A_307 : i32 to index
            %get3A_455 = arith.constant 112 : index
            %get3A_456 = tpu.vector_load %arg10[%get3A_453, %get3A_454, %get3A_455] {strides = array<i32>} : memref<3x128x128xf32, #tpu.memory_space<vmem>>, vector<1x1x16xf32>,
            %get3A_457 = vector.shape_cast %get3A_456 : vector<1x1x16xf32> to vector<16xf32>
            %add3A_458 = arith.addf %get3A_451, %get3A_457 : vector<16xf32>
            %swap3A_459 = arith.constant 0 : i32
            %swap3A_460 = arith.index_cast %swap3A_459 : i32 to index
            %swap3A_461 = arith.index_cast %scan3A_307 : i32 to index
            %swap3A_462 = arith.constant 112 : index
            %swap3A_463 = tpu.vector_load %arg9[%swap3A_460, %swap3A_461, %swap3A_462] {strides = array<i32>} : memref<3x128x128xf32, #tpu.memory_space<vmem>>, vector<1x1x16xf32>,
            %swap3A_464 = vector.shape_cast %swap3A_463 : vector<1x1x16xf32> to vector<16xf32>
            %swap3A_465 = vector.shape_cast %add3A_458 : vector<16xf32> to vector<1x1x16xf32>
            tpu.vector_store %arg9[%swap3A_460, %swap3A_461, %swap3A_462], %swap3A_465 {strides = array<i32>} : memref<3x128x128xf32, #tpu.memory_space<vmem>>, vector<1x1x16xf32>,
          }
          %scan3A_285 = arith.constant 128 : i32
          %mul3A_286 = arith.constant 32 : i32
          %mul3A_287 = arith.muli %mul3A_286, %sub3A_280 : i32
          %add3A_288 = arith.addi %add3A, %mul3A_287 : i32
          %mul3A_289 = arith.constant 128 : i32
          %mul3A_290 = arith.muli %add3A_288, %mul3A_289 : i32
          %dma_start3A_291 = arith.constant 0 : i32
          %dma_start3A_292 = arith.constant 0 : i32
          %dma_start3A_293 = arith.constant 0 : i32
          %dma_start3A_294 = arith.constant 0 : i32
          %dma_start3A_295 = tpu.memref_slice %arg9[%dma_start3A_291, %dma_start3A_293, %dma_start3A_294] : memref<3x128x128xf32, #tpu.memory_space<vmem>> -> memref<1x128x128xf32, #tpu.memory_space<vmem>>
          %dma_start3A_296 = tpu.memref_squeeze %dma_start3A_295 : memref<1x128x128xf32, #tpu.memory_space<vmem>> -> memref<128x128xf32, #tpu.memory_space<vmem>>
          %dma_start3A_297 = arith.constant 0 : i32
          %dma_start3A_298 = tpu.memref_slice %arg6[%mul3A_290, %dma_start3A_297] : memref<320000x128xf32, #tpu.memory_space<hbm>> -> memref<128x128xf32, #tpu.memory_space<hbm>>
          %dma_start3A_299 = tpu.memref_slice %arg14[%dma_start3A_292] : memref<3x!tpu.dma_semaphore, #tpu.memory_space<semaphore_mem>> -> memref<1x!tpu.dma_semaphore, #tpu.memory_space<semaphore_mem>>
          %dma_start3A_300 = tpu.memref_squeeze %dma_start3A_299 : memref<1x!tpu.dma_semaphore, #tpu.memory_space<semaphore_mem>> -> memref<!tpu.dma_semaphore, #tpu.memory_space<semaphore_mem>>
          %dma_start3A_301 = arith.constant 0 : i32
          %dma_start3A_302 = tpu.memref_slice %arg6[%mul3A_290, %dma_start3A_301] : memref<320000x128xf32, #tpu.memory_space<hbm>> -> memref<128x128xf32, #tpu.memory_space<hbm>>
          %dma_start3A_303 = arith.constant 0 : i32
          %dma_start3A_304 = arith.constant 0 : i32
          %dma_start3A_305 = tpu.memref_slice %arg9[%dma_start3A_291, %dma_start3A_303, %dma_start3A_304] : memref<3x128x128xf32, #tpu.memory_space<vmem>> -> memref<1x128x128xf32, #tpu.memory_space<vmem>>
          %dma_start3A_306 = tpu.memref_squeeze %dma_start3A_305 : memref<1x128x128xf32, #tpu.memory_space<vmem>> -> memref<128x128xf32, #tpu.memory_space<vmem>>
          tpu.enqueue_dma source(%dma_start3A_306 : memref<128x128xf32, #tpu.memory_space<vmem>>) target(%dma_start3A_302 : memref<128x128xf32, #tpu.memory_space<hbm>>) target_semaphore(%dma_start3A_300 : memref<!tpu.dma_semaphore, #tpu.memory_space<semaphore_mem>>)
        } else {
        }
      } else {
      }
      %jit3A_150 = arith.constant 3 : i32
      %eq3A_151 = arith.constant 0 : i32
      %eq3A_152 = arith.cmpi eq, %jit3A_150, %eq3A_151 : i32
      %jit3A_153 = arith.constant 1 : i32
      %select_n3A_154 = arith.select %eq3A_152, %jit3A_153, %jit3A_150 : i32
      %rem3A_155 = arith.remsi %while3A_107, %select_n3A_154 : i32
      %ne3A_156 = arith.constant 0 : i32
      %ne3A_157 = arith.cmpi ne, %rem3A_155, %ne3A_156 : i32
      %lt3A_158 = arith.constant 0 : i32
      %lt3A_159 = arith.cmpi slt, %rem3A_155, %lt3A_158 : i32
      %lt3A_160 = arith.constant 0 : i32
      %lt3A_161 = arith.cmpi slt, %select_n3A_154, %lt3A_160 : i32
      %ne3A_162 = arith.xori %lt3A_159, %lt3A_161 : i1
      %and3A_163 = arith.andi %ne3A_162, %ne3A_157 : i1
      %add3A_164 = arith.addi %rem3A_155, %select_n3A_154 : i32
      %select_n3A_165 = arith.select %and3A_163, %add3A_164, %rem3A_155 : i32
      %eq3A_166 = arith.constant 2 : i32
      %eq3A_167 = arith.cmpi eq, %select_n3A_165, %eq3A_166 : i32
      %convert_element_type3A_168 = arith.extui %eq3A_167 : i1 to i32
      %cond3A_169 = arith.constant 0 : i32
      %cond3A_170 = arith.cmpi ne, %convert_element_type3A_168, %cond3A_169 : i32
      scf.if %cond3A_170 {
        %mul3A_171 = arith.constant 32 : i32
        %mul3A_172 = arith.muli %mul3A_171, %while3A_107 : i32
        %add3A_173 = arith.addi %add3A, %mul3A_172 : i32
        %mul3A_174 = arith.constant 128 : i32
        %mul3A_175 = arith.muli %add3A_173, %mul3A_174 : i32
        %dma_wait3A = arith.constant 2 : i32
        %dma_wait3A_176 = arith.constant 2 : i32
        %dma_wait3A_177 = arith.constant 0 : i32
        %dma_wait3A_178 = tpu.memref_slice %arg7[%dma_wait3A, %dma_wait3A_177] : memref<3x128xi32, #tpu.memory_space<vmem>> -> memref<1x128xi32, #tpu.memory_space<vmem>>
        %dma_wait3A_179 = tpu.memref_squeeze %dma_wait3A_178 : memref<1x128xi32, #tpu.memory_space<vmem>> -> memref<128xi32, #tpu.memory_space<vmem>>
        %dma_wait3A_180 = tpu.memref_slice %arg4[%mul3A_175] : memref<320000xi32, #tpu.memory_space<hbm>> -> memref<128xi32, #tpu.memory_space<hbm>>
        %dma_wait3A_181 = tpu.memref_slice %arg11[%dma_wait3A_176] : memref<3x!tpu.dma_semaphore, #tpu.memory_space<semaphore_mem>> -> memref<1x!tpu.dma_semaphore, #tpu.memory_space<semaphore_mem>>
        %dma_wait3A_182 = tpu.memref_squeeze %dma_wait3A_181 : memref<1x!tpu.dma_semaphore, #tpu.memory_space<semaphore_mem>> -> memref<!tpu.dma_semaphore, #tpu.memory_space<semaphore_mem>>
        %dma_wait3A_183 = arith.constant 0 : i32
        %dma_wait3A_184 = tpu.memref_slice %arg7[%dma_wait3A, %dma_wait3A_183] : memref<3x128xi32, #tpu.memory_space<vmem>> -> memref<1x128xi32, #tpu.memory_space<vmem>>
        %dma_wait3A_185 = tpu.memref_squeeze %dma_wait3A_184 : memref<1x128xi32, #tpu.memory_space<vmem>> -> memref<128xi32, #tpu.memory_space<vmem>>
        %dma_wait3A_186 = tpu.memref_slice %arg4[%mul3A_175] : memref<320000xi32, #tpu.memory_space<hbm>> -> memref<128xi32, #tpu.memory_space<hbm>>
        tpu.wait_dma2 semaphore(%dma_wait3A_182 : memref<!tpu.dma_semaphore, #tpu.memory_space<semaphore_mem>>) src(%dma_wait3A_186 : memref<128xi32, #tpu.memory_space<hbm>>) dst(%dma_wait3A_185 : memref<128xi32, #tpu.memory_space<vmem>>)
        %mul3A_187 = arith.constant 32 : i32
        %mul3A_188 = arith.muli %mul3A_187, %while3A_107 : i32
        %add3A_189 = arith.addi %add3A, %mul3A_188 : i32
        %mul3A_190 = arith.constant 128 : i32
        %mul3A_191 = arith.muli %add3A_189, %mul3A_190 : i32
        %dma_wait3A_192 = arith.constant 2 : i32
        %dma_wait3A_193 = arith.constant 2 : i32
        %dma_wait3A_194 = arith.constant 0 : i32
        %dma_wait3A_195 = tpu.memref_slice %arg8[%dma_wait3A_192, %dma_wait3A_194] : memref<3x128xi32, #tpu.memory_space<vmem>> -> memref<1x128xi32, #tpu.memory_space<vmem>>
        %dma_wait3A_196 = tpu.memref_squeeze %dma_wait3A_195 : memref<1x128xi32, #tpu.memory_space<vmem>> -> memref<128xi32, #tpu.memory_space<vmem>>
        %dma_wait3A_197 = tpu.memref_slice %arg5[%mul3A_191] : memref<320000xi32, #tpu.memory_space<hbm>> -> memref<128xi32, #tpu.memory_space<hbm>>
        %dma_wait3A_198 = tpu.memref_slice %arg12[%dma_wait3A_193] : memref<3x!tpu.dma_semaphore, #tpu.memory_space<semaphore_mem>> -> memref<1x!tpu.dma_semaphore, #tpu.memory_space<semaphore_mem>>
        %dma_wait3A_199 = tpu.memref_squeeze %dma_wait3A_198 : memref<1x!tpu.dma_semaphore, #tpu.memory_space<semaphore_mem>> -> memref<!tpu.dma_semaphore, #tpu.memory_space<semaphore_mem>>
        %dma_wait3A_200 = arith.constant 0 : i32
        %dma_wait3A_201 = tpu.memref_slice %arg8[%dma_wait3A_192, %dma_wait3A_200] : memref<3x128xi32, #tpu.memory_space<vmem>> -> memref<1x128xi32, #tpu.memory_space<vmem>>
        %dma_wait3A_202 = tpu.memref_squeeze %dma_wait3A_201 : memref<1x128xi32, #tpu.memory_space<vmem>> -> memref<128xi32, #tpu.memory_space<vmem>>
        %dma_wait3A_203 = tpu.memref_slice %arg5[%mul3A_191] : memref<320000xi32, #tpu.memory_space<hbm>> -> memref<128xi32, #tpu.memory_space<hbm>>
        tpu.wait_dma2 semaphore(%dma_wait3A_199 : memref<!tpu.dma_semaphore, #tpu.memory_space<semaphore_mem>>) src(%dma_wait3A_203 : memref<128xi32, #tpu.memory_space<hbm>>) dst(%dma_wait3A_202 : memref<128xi32, #tpu.memory_space<vmem>>)
        %ge3A = arith.constant 3 : i32
        %ge3A_204 = arith.cmpi sge, %while3A_107, %ge3A : i32
        %convert_element_type3A_205 = arith.extui %ge3A_204 : i1 to i32
        %cond3A_206 = arith.constant 0 : i32
        %cond3A_207 = arith.cmpi ne, %convert_element_type3A_205, %cond3A_206 : i32
        scf.if %cond3A_207 {
          %sub3A_249 = arith.constant 3 : i32
          %sub3A_250 = arith.subi %while3A_107, %sub3A_249 : i32
          %mul3A_251 = arith.constant 32 : i32
          %mul3A_252 = arith.muli %mul3A_251, %sub3A_250 : i32
          %add3A_253 = arith.addi %add3A, %mul3A_252 : i32
          %mul3A_254 = arith.constant 128 : i32
          %mul3A_255 = arith.muli %add3A_253, %mul3A_254 : i32
          %dma_wait3A_256 = arith.constant 2 : i32
          %dma_wait3A_257 = arith.constant 2 : i32
          %dma_wait3A_258 = arith.constant 0 : i32
          %dma_wait3A_259 = arith.constant 0 : i32
          %dma_wait3A_260 = tpu.memref_slice %arg9[%dma_wait3A_256, %dma_wait3A_258, %dma_wait3A_259] : memref<3x128x128xf32, #tpu.memory_space<vmem>> -> memref<1x128x128xf32, #tpu.memory_space<vmem>>
          %dma_wait3A_261 = tpu.memref_squeeze %dma_wait3A_260 : memref<1x128x128xf32, #tpu.memory_space<vmem>> -> memref<128x128xf32, #tpu.memory_space<vmem>>
          %dma_wait3A_262 = arith.constant 0 : i32
          %dma_wait3A_263 = tpu.memref_slice %arg6[%mul3A_255, %dma_wait3A_262] : memref<320000x128xf32, #tpu.memory_space<hbm>> -> memref<128x128xf32, #tpu.memory_space<hbm>>
          %dma_wait3A_264 = tpu.memref_slice %arg14[%dma_wait3A_257] : memref<3x!tpu.dma_semaphore, #tpu.memory_space<semaphore_mem>> -> memref<1x!tpu.dma_semaphore, #tpu.memory_space<semaphore_mem>>
          %dma_wait3A_265 = tpu.memref_squeeze %dma_wait3A_264 : memref<1x!tpu.dma_semaphore, #tpu.memory_space<semaphore_mem>> -> memref<!tpu.dma_semaphore, #tpu.memory_space<semaphore_mem>>
          %dma_wait3A_266 = arith.constant 0 : i32
          %dma_wait3A_267 = tpu.memref_slice %arg6[%mul3A_255, %dma_wait3A_266] : memref<320000x128xf32, #tpu.memory_space<hbm>> -> memref<128x128xf32, #tpu.memory_space<hbm>>
          %dma_wait3A_268 = arith.constant 0 : i32
          %dma_wait3A_269 = arith.constant 0 : i32
          %dma_wait3A_270 = tpu.memref_slice %arg9[%dma_wait3A_256, %dma_wait3A_268, %dma_wait3A_269] : memref<3x128x128xf32, #tpu.memory_space<vmem>> -> memref<1x128x128xf32, #tpu.memory_space<vmem>>
          %dma_wait3A_271 = tpu.memref_squeeze %dma_wait3A_270 : memref<1x128x128xf32, #tpu.memory_space<vmem>> -> memref<128x128xf32, #tpu.memory_space<vmem>>
          tpu.wait_dma2 semaphore(%dma_wait3A_265 : memref<!tpu.dma_semaphore, #tpu.memory_space<semaphore_mem>>) src(%dma_wait3A_271 : memref<128x128xf32, #tpu.memory_space<vmem>>) dst(%dma_wait3A_267 : memref<128x128xf32, #tpu.memory_space<hbm>>)
        } else {
        }
        %dma_start3A_208 = arith.constant 2 : i32
        %dma_start3A_209 = arith.constant 2 : i32
        %dma_start3A_210 = arith.constant 2 : i32
        %dma_start3A_211 = arith.constant 0 : i32
        %dma_start3A_212 = arith.constant 0 : i32
        %dma_start3A_213 = tpu.memref_slice %arg9[%dma_start3A_209, %dma_start3A_211, %dma_start3A_212] : memref<3x128x128xf32, #tpu.memory_space<vmem>> -> memref<1x128x128xf32, #tpu.memory_space<vmem>>
        %dma_start3A_214 = tpu.memref_squeeze %dma_start3A_213 : memref<1x128x128xf32, #tpu.memory_space<vmem>> -> memref<128x128xf32, #tpu.memory_space<vmem>>
        %dma_start3A_215 = arith.constant 0 : i32
        %dma_start3A_216 = tpu.memref_slice %arg7[%dma_start3A_208, %dma_start3A_215] : memref<3x128xi32, #tpu.memory_space<vmem>> -> memref<1x128xi32, #tpu.memory_space<vmem>>
        %dma_start3A_217 = tpu.memref_squeeze %dma_start3A_216 : memref<1x128xi32, #tpu.memory_space<vmem>> -> memref<128xi32, #tpu.memory_space<vmem>>
        %dma_start3A_218 = arith.constant 0 : i32
        %dma_start3A_219 = arith.constant 0 : i32
        %dma_start3A_220 = tpu.memref_slice %arg2[%dma_start3A_218, %dma_start3A_219] : memref<10000x128xf32, #tpu.memory_space<hbm>> -> memref<10000x128xf32, #tpu.memory_space<hbm>>
        %dma_start3A_221 = tpu.memref_slice %arg13[%dma_start3A_210] : memref<3x!tpu.dma_semaphore, #tpu.memory_space<semaphore_mem>> -> memref<1x!tpu.dma_semaphore, #tpu.memory_space<semaphore_mem>>
        %dma_start3A_222 = tpu.memref_squeeze %dma_start3A_221 : memref<1x!tpu.dma_semaphore, #tpu.memory_space<semaphore_mem>> -> memref<!tpu.dma_semaphore, #tpu.memory_space<semaphore_mem>>
        tpu.enqueue_indirect_dma source(%dma_start3A_220 : memref<10000x128xf32, #tpu.memory_space<hbm>>) target(%dma_start3A_214 : memref<128x128xf32, #tpu.memory_space<vmem>>) offsets(%dma_start3A_217 : memref<128xi32, #tpu.memory_space<vmem>>) semaphore(%dma_start3A_222 : memref<!tpu.dma_semaphore, #tpu.memory_space<semaphore_mem>>)
        %dma_start3A_223 = arith.constant 2 : i32
        %dma_start3A_224 = arith.constant 2 : i32
        %dma_start3A_225 = arith.constant 2 : i32
        %dma_start3A_226 = arith.constant 0 : i32
        %dma_start3A_227 = arith.constant 0 : i32
        %dma_start3A_228 = tpu.memref_slice %arg10[%dma_start3A_224, %dma_start3A_226, %dma_start3A_227] : memref<3x128x128xf32, #tpu.memory_space<vmem>> -> memref<1x128x128xf32, #tpu.memory_space<vmem>>
        %dma_start3A_229 = tpu.memref_squeeze %dma_start3A_228 : memref<1x128x128xf32, #tpu.memory_space<vmem>> -> memref<128x128xf32, #tpu.memory_space<vmem>>
        %dma_start3A_230 = arith.constant 0 : i32
        %dma_start3A_231 = tpu.memref_slice %arg8[%dma_start3A_223, %dma_start3A_230] : memref<3x128xi32, #tpu.memory_space<vmem>> -> memref<1x128xi32, #tpu.memory_space<vmem>>
        %dma_start3A_232 = tpu.memref_squeeze %dma_start3A_231 : memref<1x128xi32, #tpu.memory_space<vmem>> -> memref<128xi32, #tpu.memory_space<vmem>>
        %dma_start3A_233 = arith.constant 0 : i32
        %dma_start3A_234 = arith.constant 0 : i32
        %dma_start3A_235 = tpu.memref_slice %arg3[%dma_start3A_233, %dma_start3A_234] : memref<10000x128xf32, #tpu.memory_space<hbm>> -> memref<10000x128xf32, #tpu.memory_space<hbm>>
        %dma_start3A_236 = tpu.memref_slice %arg13[%dma_start3A_225] : memref<3x!tpu.dma_semaphore, #tpu.memory_space<semaphore_mem>> -> memref<1x!tpu.dma_semaphore, #tpu.memory_space<semaphore_mem>>
        %dma_start3A_237 = tpu.memref_squeeze %dma_start3A_236 : memref<1x!tpu.dma_semaphore, #tpu.memory_space<semaphore_mem>> -> memref<!tpu.dma_semaphore, #tpu.memory_space<semaphore_mem>>
        tpu.enqueue_indirect_dma source(%dma_start3A_235 : memref<10000x128xf32, #tpu.memory_space<hbm>>) target(%dma_start3A_229 : memref<128x128xf32, #tpu.memory_space<vmem>>) offsets(%dma_start3A_232 : memref<128xi32, #tpu.memory_space<vmem>>) semaphore(%dma_start3A_237 : memref<!tpu.dma_semaphore, #tpu.memory_space<semaphore_mem>>)
        %add3A_238 = arith.constant 1 : i32
        %add3A_239 = arith.addi %while3A_107, %add3A_238 : i32
        %lt3A_240 = arith.cmpi slt, %add3A_239, %add3A_4 : i32
        %convert_element_type3A_241 = arith.extui %lt3A_240 : i1 to i32
        %cond3A_242 = arith.constant 0 : i32
        %cond3A_243 = arith.cmpi ne, %convert_element_type3A_241, %cond3A_242 : i32
        scf.if %cond3A_243 {
          %add3A_249 = arith.constant 1 : i32
          %add3A_250 = arith.addi %while3A_107, %add3A_249 : i32
          %mul3A_251 = arith.constant 32 : i32
          %mul3A_252 = arith.muli %mul3A_251, %add3A_250 : i32
          %add3A_253 = arith.addi %add3A, %mul3A_252 : i32
          %mul3A_254 = arith.constant 128 : i32
          %mul3A_255 = arith.muli %add3A_253, %mul3A_254 : i32
          %dma_start3A_256 = arith.constant 0 : i32
          %dma_start3A_257 = arith.constant 0 : i32
          %dma_start3A_258 = arith.constant 0 : i32
          %dma_start3A_259 = tpu.memref_slice %arg7[%dma_start3A_256, %dma_start3A_258] : memref<3x128xi32, #tpu.memory_space<vmem>> -> memref<1x128xi32, #tpu.memory_space<vmem>>
          %dma_start3A_260 = tpu.memref_squeeze %dma_start3A_259 : memref<1x128xi32, #tpu.memory_space<vmem>> -> memref<128xi32, #tpu.memory_space<vmem>>
          %dma_start3A_261 = tpu.memref_slice %arg4[%mul3A_255] : memref<320000xi32, #tpu.memory_space<hbm>> -> memref<128xi32, #tpu.memory_space<hbm>>
          %dma_start3A_262 = tpu.memref_slice %arg11[%dma_start3A_257] : memref<3x!tpu.dma_semaphore, #tpu.memory_space<semaphore_mem>> -> memref<1x!tpu.dma_semaphore, #tpu.memory_space<semaphore_mem>>
          %dma_start3A_263 = tpu.memref_squeeze %dma_start3A_262 : memref<1x!tpu.dma_semaphore, #tpu.memory_space<semaphore_mem>> -> memref<!tpu.dma_semaphore, #tpu.memory_space<semaphore_mem>>
          %dma_start3A_264 = arith.constant 0 : i32
          %dma_start3A_265 = tpu.memref_slice %arg7[%dma_start3A_256, %dma_start3A_264] : memref<3x128xi32, #tpu.memory_space<vmem>> -> memref<1x128xi32, #tpu.memory_space<vmem>>
          %dma_start3A_266 = tpu.memref_squeeze %dma_start3A_265 : memref<1x128xi32, #tpu.memory_space<vmem>> -> memref<128xi32, #tpu.memory_space<vmem>>
          %dma_start3A_267 = tpu.memref_slice %arg4[%mul3A_255] : memref<320000xi32, #tpu.memory_space<hbm>> -> memref<128xi32, #tpu.memory_space<hbm>>
          tpu.enqueue_dma source(%dma_start3A_267 : memref<128xi32, #tpu.memory_space<hbm>>) target(%dma_start3A_266 : memref<128xi32, #tpu.memory_space<vmem>>) target_semaphore(%dma_start3A_263 : memref<!tpu.dma_semaphore, #tpu.memory_space<semaphore_mem>>)
          %mul3A_268 = arith.constant 32 : i32
          %mul3A_269 = arith.muli %mul3A_268, %add3A_250 : i32
          %add3A_270 = arith.addi %add3A, %mul3A_269 : i32
          %mul3A_271 = arith.constant 128 : i32
          %mul3A_272 = arith.muli %add3A_270, %mul3A_271 : i32
          %dma_start3A_273 = arith.constant 0 : i32
          %dma_start3A_274 = arith.constant 0 : i32
          %dma_start3A_275 = arith.constant 0 : i32
          %dma_start3A_276 = tpu.memref_slice %arg8[%dma_start3A_273, %dma_start3A_275] : memref<3x128xi32, #tpu.memory_space<vmem>> -> memref<1x128xi32, #tpu.memory_space<vmem>>
          %dma_start3A_277 = tpu.memref_squeeze %dma_start3A_276 : memref<1x128xi32, #tpu.memory_space<vmem>> -> memref<128xi32, #tpu.memory_space<vmem>>
          %dma_start3A_278 = tpu.memref_slice %arg5[%mul3A_272] : memref<320000xi32, #tpu.memory_space<hbm>> -> memref<128xi32, #tpu.memory_space<hbm>>
          %dma_start3A_279 = tpu.memref_slice %arg12[%dma_start3A_274] : memref<3x!tpu.dma_semaphore, #tpu.memory_space<semaphore_mem>> -> memref<1x!tpu.dma_semaphore, #tpu.memory_space<semaphore_mem>>
          %dma_start3A_280 = tpu.memref_squeeze %dma_start3A_279 : memref<1x!tpu.dma_semaphore, #tpu.memory_space<semaphore_mem>> -> memref<!tpu.dma_semaphore, #tpu.memory_space<semaphore_mem>>
          %dma_start3A_281 = arith.constant 0 : i32
          %dma_start3A_282 = tpu.memref_slice %arg8[%dma_start3A_273, %dma_start3A_281] : memref<3x128xi32, #tpu.memory_space<vmem>> -> memref<1x128xi32, #tpu.memory_space<vmem>>
          %dma_start3A_283 = tpu.memref_squeeze %dma_start3A_282 : memref<1x128xi32, #tpu.memory_space<vmem>> -> memref<128xi32, #tpu.memory_space<vmem>>
          %dma_start3A_284 = tpu.memref_slice %arg5[%mul3A_272] : memref<320000xi32, #tpu.memory_space<hbm>> -> memref<128xi32, #tpu.memory_space<hbm>>
          tpu.enqueue_dma source(%dma_start3A_284 : memref<128xi32, #tpu.memory_space<hbm>>) target(%dma_start3A_283 : memref<128xi32, #tpu.memory_space<vmem>>) target_semaphore(%dma_start3A_280 : memref<!tpu.dma_semaphore, #tpu.memory_space<semaphore_mem>>)
        } else {
        }
        %ge3A_244 = arith.constant 1 : i32
        %ge3A_245 = arith.cmpi sge, %while3A_107, %ge3A_244 : i32
        %convert_element_type3A_246 = arith.extui %ge3A_245 : i1 to i32
        %cond3A_247 = arith.constant 0 : i32
        %cond3A_248 = arith.cmpi ne, %convert_element_type3A_246, %cond3A_247 : i32
        scf.if %cond3A_248 {
          %dma_wait3A_249 = arith.constant 1 : i32
          %dma_wait3A_250 = arith.constant 1 : i32
          %dma_wait3A_251 = arith.constant 1 : i32
          %dma_wait3A_252 = arith.constant 0 : i32
          %dma_wait3A_253 = arith.constant 0 : i32
          %dma_wait3A_254 = tpu.memref_slice %arg9[%dma_wait3A_250, %dma_wait3A_252, %dma_wait3A_253] : memref<3x128x128xf32, #tpu.memory_space<vmem>> -> memref<1x128x128xf32, #tpu.memory_space<vmem>>
          %dma_wait3A_255 = tpu.memref_squeeze %dma_wait3A_254 : memref<1x128x128xf32, #tpu.memory_space<vmem>> -> memref<128x128xf32, #tpu.memory_space<vmem>>
          %dma_wait3A_256 = arith.constant 0 : i32
          %dma_wait3A_257 = tpu.memref_slice %arg7[%dma_wait3A_249, %dma_wait3A_256] : memref<3x128xi32, #tpu.memory_space<vmem>> -> memref<1x128xi32, #tpu.memory_space<vmem>>
          %dma_wait3A_258 = tpu.memref_squeeze %dma_wait3A_257 : memref<1x128xi32, #tpu.memory_space<vmem>> -> memref<128xi32, #tpu.memory_space<vmem>>
          %dma_wait3A_259 = arith.constant 0 : i32
          %dma_wait3A_260 = arith.constant 0 : i32
          %dma_wait3A_261 = tpu.memref_slice %arg2[%dma_wait3A_259, %dma_wait3A_260] : memref<10000x128xf32, #tpu.memory_space<hbm>> -> memref<10000x128xf32, #tpu.memory_space<hbm>>
          %dma_wait3A_262 = tpu.memref_slice %arg13[%dma_wait3A_251] : memref<3x!tpu.dma_semaphore, #tpu.memory_space<semaphore_mem>> -> memref<1x!tpu.dma_semaphore, #tpu.memory_space<semaphore_mem>>
          %dma_wait3A_263 = tpu.memref_squeeze %dma_wait3A_262 : memref<1x!tpu.dma_semaphore, #tpu.memory_space<semaphore_mem>> -> memref<!tpu.dma_semaphore, #tpu.memory_space<semaphore_mem>>
          tpu.wait_indirect_dma semaphore(%dma_wait3A_263 : memref<!tpu.dma_semaphore, #tpu.memory_space<semaphore_mem>>) src(%dma_wait3A_261 : memref<10000x128xf32, #tpu.memory_space<hbm>>) dst(%dma_wait3A_255 : memref<128x128xf32, #tpu.memory_space<vmem>>)
          %dma_wait3A_264 = arith.constant 1 : i32
          %dma_wait3A_265 = arith.constant 1 : i32
          %dma_wait3A_266 = arith.constant 1 : i32
          %dma_wait3A_267 = arith.constant 0 : i32
          %dma_wait3A_268 = arith.constant 0 : i32
          %dma_wait3A_269 = tpu.memref_slice %arg10[%dma_wait3A_265, %dma_wait3A_267, %dma_wait3A_268] : memref<3x128x128xf32, #tpu.memory_space<vmem>> -> memref<1x128x128xf32, #tpu.memory_space<vmem>>
          %dma_wait3A_270 = tpu.memref_squeeze %dma_wait3A_269 : memref<1x128x128xf32, #tpu.memory_space<vmem>> -> memref<128x128xf32, #tpu.memory_space<vmem>>
          %dma_wait3A_271 = arith.constant 0 : i32
          %dma_wait3A_272 = tpu.memref_slice %arg8[%dma_wait3A_264, %dma_wait3A_271] : memref<3x128xi32, #tpu.memory_space<vmem>> -> memref<1x128xi32, #tpu.memory_space<vmem>>
          %dma_wait3A_273 = tpu.memref_squeeze %dma_wait3A_272 : memref<1x128xi32, #tpu.memory_space<vmem>> -> memref<128xi32, #tpu.memory_space<vmem>>
          %dma_wait3A_274 = arith.constant 0 : i32
          %dma_wait3A_275 = arith.constant 0 : i32
          %dma_wait3A_276 = tpu.memref_slice %arg3[%dma_wait3A_274, %dma_wait3A_275] : memref<10000x128xf32, #tpu.memory_space<hbm>> -> memref<10000x128xf32, #tpu.memory_space<hbm>>
          %dma_wait3A_277 = tpu.memref_slice %arg13[%dma_wait3A_266] : memref<3x!tpu.dma_semaphore, #tpu.memory_space<semaphore_mem>> -> memref<1x!tpu.dma_semaphore, #tpu.memory_space<semaphore_mem>>
          %dma_wait3A_278 = tpu.memref_squeeze %dma_wait3A_277 : memref<1x!tpu.dma_semaphore, #tpu.memory_space<semaphore_mem>> -> memref<!tpu.dma_semaphore, #tpu.memory_space<semaphore_mem>>
          tpu.wait_indirect_dma semaphore(%dma_wait3A_278 : memref<!tpu.dma_semaphore, #tpu.memory_space<semaphore_mem>>) src(%dma_wait3A_276 : memref<10000x128xf32, #tpu.memory_space<hbm>>) dst(%dma_wait3A_270 : memref<128x128xf32, #tpu.memory_space<vmem>>)
          %sub3A_279 = arith.constant 1 : i32
          %sub3A_280 = arith.subi %while3A_107, %sub3A_279 : i32
          %scan3A = arith.constant 0 : i32
          %scan3A_281 = arith.constant 0 : i32
          %scan3A_282 = arith.constant 128 : i32
          %scan3A_283 = arith.addi %scan3A_281, %scan3A_282 : i32
          %scan3A_284 = arith.constant 1 : i32
          scf.for %scan3A_307 = %scan3A_281 to %scan3A_283 step %scan3A_284  : i32 {
            %get3A = arith.constant 1 : i32
            %get3A_308 = arith.index_cast %get3A : i32 to index
            %get3A_309 = arith.index_cast %scan3A_307 : i32 to index
            %get3A_310 = arith.constant 0 : index
            %get3A_311 = tpu.vector_load %arg9[%get3A_308, %get3A_309, %get3A_310] {strides = array<i32>} : memref<3x128x128xf32, #tpu.memory_space<vmem>>, vector<1x1x16xf32>,
            %get3A_312 = vector.shape_cast %get3A_311 : vector<1x1x16xf32> to vector<16xf32>
            %get3A_313 = arith.constant 1 : i32
            %get3A_314 = arith.index_cast %get3A_313 : i32 to index
            %get3A_315 = arith.index_cast %scan3A_307 : i32 to index
            %get3A_316 = arith.constant 0 : index
            %get3A_317 = tpu.vector_load %arg10[%get3A_314, %get3A_315, %get3A_316] {strides = array<i32>} : memref<3x128x128xf32, #tpu.memory_space<vmem>>, vector<1x1x16xf32>,
            %get3A_318 = vector.shape_cast %get3A_317 : vector<1x1x16xf32> to vector<16xf32>
            %add3A_319 = arith.addf %get3A_312, %get3A_318 : vector<16xf32>
            %swap3A = arith.constant 1 : i32
            %swap3A_320 = arith.index_cast %swap3A : i32 to index
            %swap3A_321 = arith.index_cast %scan3A_307 : i32 to index
            %swap3A_322 = arith.constant 0 : index
            %swap3A_323 = tpu.vector_load %arg9[%swap3A_320, %swap3A_321, %swap3A_322] {strides = array<i32>} : memref<3x128x128xf32, #tpu.memory_space<vmem>>, vector<1x1x16xf32>,
            %swap3A_324 = vector.shape_cast %swap3A_323 : vector<1x1x16xf32> to vector<16xf32>
            %swap3A_325 = vector.shape_cast %add3A_319 : vector<16xf32> to vector<1x1x16xf32>
            tpu.vector_store %arg9[%swap3A_320, %swap3A_321, %swap3A_322], %swap3A_325 {strides = array<i32>} : memref<3x128x128xf32, #tpu.memory_space<vmem>>, vector<1x1x16xf32>,
            %get3A_326 = arith.constant 1 : i32
            %get3A_327 = arith.index_cast %get3A_326 : i32 to index
            %get3A_328 = arith.index_cast %scan3A_307 : i32 to index
            %get3A_329 = arith.constant 16 : index
            %get3A_330 = tpu.vector_load %arg9[%get3A_327, %get3A_328, %get3A_329] {strides = array<i32>} : memref<3x128x128xf32, #tpu.memory_space<vmem>>, vector<1x1x16xf32>,
            %get3A_331 = vector.shape_cast %get3A_330 : vector<1x1x16xf32> to vector<16xf32>
            %get3A_332 = arith.constant 1 : i32
            %get3A_333 = arith.index_cast %get3A_332 : i32 to index
            %get3A_334 = arith.index_cast %scan3A_307 : i32 to index
            %get3A_335 = arith.constant 16 : index
            %get3A_336 = tpu.vector_load %arg10[%get3A_333, %get3A_334, %get3A_335] {strides = array<i32>} : memref<3x128x128xf32, #tpu.memory_space<vmem>>, vector<1x1x16xf32>,
            %get3A_337 = vector.shape_cast %get3A_336 : vector<1x1x16xf32> to vector<16xf32>
            %add3A_338 = arith.addf %get3A_331, %get3A_337 : vector<16xf32>
            %swap3A_339 = arith.constant 1 : i32
            %swap3A_340 = arith.index_cast %swap3A_339 : i32 to index
            %swap3A_341 = arith.index_cast %scan3A_307 : i32 to index
            %swap3A_342 = arith.constant 16 : index
            %swap3A_343 = tpu.vector_load %arg9[%swap3A_340, %swap3A_341, %swap3A_342] {strides = array<i32>} : memref<3x128x128xf32, #tpu.memory_space<vmem>>, vector<1x1x16xf32>,
            %swap3A_344 = vector.shape_cast %swap3A_343 : vector<1x1x16xf32> to vector<16xf32>
            %swap3A_345 = vector.shape_cast %add3A_338 : vector<16xf32> to vector<1x1x16xf32>
            tpu.vector_store %arg9[%swap3A_340, %swap3A_341, %swap3A_342], %swap3A_345 {strides = array<i32>} : memref<3x128x128xf32, #tpu.memory_space<vmem>>, vector<1x1x16xf32>,
            %get3A_346 = arith.constant 1 : i32
            %get3A_347 = arith.index_cast %get3A_346 : i32 to index
            %get3A_348 = arith.index_cast %scan3A_307 : i32 to index
            %get3A_349 = arith.constant 32 : index
            %get3A_350 = tpu.vector_load %arg9[%get3A_347, %get3A_348, %get3A_349] {strides = array<i32>} : memref<3x128x128xf32, #tpu.memory_space<vmem>>, vector<1x1x16xf32>,
            %get3A_351 = vector.shape_cast %get3A_350 : vector<1x1x16xf32> to vector<16xf32>
            %get3A_352 = arith.constant 1 : i32
            %get3A_353 = arith.index_cast %get3A_352 : i32 to index
            %get3A_354 = arith.index_cast %scan3A_307 : i32 to index
            %get3A_355 = arith.constant 32 : index
            %get3A_356 = tpu.vector_load %arg10[%get3A_353, %get3A_354, %get3A_355] {strides = array<i32>} : memref<3x128x128xf32, #tpu.memory_space<vmem>>, vector<1x1x16xf32>,
            %get3A_357 = vector.shape_cast %get3A_356 : vector<1x1x16xf32> to vector<16xf32>
            %add3A_358 = arith.addf %get3A_351, %get3A_357 : vector<16xf32>
            %swap3A_359 = arith.constant 1 : i32
            %swap3A_360 = arith.index_cast %swap3A_359 : i32 to index
            %swap3A_361 = arith.index_cast %scan3A_307 : i32 to index
            %swap3A_362 = arith.constant 32 : index
            %swap3A_363 = tpu.vector_load %arg9[%swap3A_360, %swap3A_361, %swap3A_362] {strides = array<i32>} : memref<3x128x128xf32, #tpu.memory_space<vmem>>, vector<1x1x16xf32>,
            %swap3A_364 = vector.shape_cast %swap3A_363 : vector<1x1x16xf32> to vector<16xf32>
            %swap3A_365 = vector.shape_cast %add3A_358 : vector<16xf32> to vector<1x1x16xf32>
            tpu.vector_store %arg9[%swap3A_360, %swap3A_361, %swap3A_362], %swap3A_365 {strides = array<i32>} : memref<3x128x128xf32, #tpu.memory_space<vmem>>, vector<1x1x16xf32>,
            %get3A_366 = arith.constant 1 : i32
            %get3A_367 = arith.index_cast %get3A_366 : i32 to index
            %get3A_368 = arith.index_cast %scan3A_307 : i32 to index
            %get3A_369 = arith.constant 48 : index
            %get3A_370 = tpu.vector_load %arg9[%get3A_367, %get3A_368, %get3A_369] {strides = array<i32>} : memref<3x128x128xf32, #tpu.memory_space<vmem>>, vector<1x1x16xf32>,
            %get3A_371 = vector.shape_cast %get3A_370 : vector<1x1x16xf32> to vector<16xf32>
            %get3A_372 = arith.constant 1 : i32
            %get3A_373 = arith.index_cast %get3A_372 : i32 to index
            %get3A_374 = arith.index_cast %scan3A_307 : i32 to index
            %get3A_375 = arith.constant 48 : index
            %get3A_376 = tpu.vector_load %arg10[%get3A_373, %get3A_374, %get3A_375] {strides = array<i32>} : memref<3x128x128xf32, #tpu.memory_space<vmem>>, vector<1x1x16xf32>,
            %get3A_377 = vector.shape_cast %get3A_376 : vector<1x1x16xf32> to vector<16xf32>
            %add3A_378 = arith.addf %get3A_371, %get3A_377 : vector<16xf32>
            %swap3A_379 = arith.constant 1 : i32
            %swap3A_380 = arith.index_cast %swap3A_379 : i32 to index
            %swap3A_381 = arith.index_cast %scan3A_307 : i32 to index
            %swap3A_382 = arith.constant 48 : index
            %swap3A_383 = tpu.vector_load %arg9[%swap3A_380, %swap3A_381, %swap3A_382] {strides = array<i32>} : memref<3x128x128xf32, #tpu.memory_space<vmem>>, vector<1x1x16xf32>,
            %swap3A_384 = vector.shape_cast %swap3A_383 : vector<1x1x16xf32> to vector<16xf32>
            %swap3A_385 = vector.shape_cast %add3A_378 : vector<16xf32> to vector<1x1x16xf32>
            tpu.vector_store %arg9[%swap3A_380, %swap3A_381, %swap3A_382], %swap3A_385 {strides = array<i32>} : memref<3x128x128xf32, #tpu.memory_space<vmem>>, vector<1x1x16xf32>,
            %get3A_386 = arith.constant 1 : i32
            %get3A_387 = arith.index_cast %get3A_386 : i32 to index
            %get3A_388 = arith.index_cast %scan3A_307 : i32 to index
            %get3A_389 = arith.constant 64 : index
            %get3A_390 = tpu.vector_load %arg9[%get3A_387, %get3A_388, %get3A_389] {strides = array<i32>} : memref<3x128x128xf32, #tpu.memory_space<vmem>>, vector<1x1x16xf32>,
            %get3A_391 = vector.shape_cast %get3A_390 : vector<1x1x16xf32> to vector<16xf32>
            %get3A_392 = arith.constant 1 : i32
            %get3A_393 = arith.index_cast %get3A_392 : i32 to index
            %get3A_394 = arith.index_cast %scan3A_307 : i32 to index
            %get3A_395 = arith.constant 64 : index
            %get3A_396 = tpu.vector_load %arg10[%get3A_393, %get3A_394, %get3A_395] {strides = array<i32>} : memref<3x128x128xf32, #tpu.memory_space<vmem>>, vector<1x1x16xf32>,
            %get3A_397 = vector.shape_cast %get3A_396 : vector<1x1x16xf32> to vector<16xf32>
            %add3A_398 = arith.addf %get3A_391, %get3A_397 : vector<16xf32>
            %swap3A_399 = arith.constant 1 : i32
            %swap3A_400 = arith.index_cast %swap3A_399 : i32 to index
            %swap3A_401 = arith.index_cast %scan3A_307 : i32 to index
            %swap3A_402 = arith.constant 64 : index
            %swap3A_403 = tpu.vector_load %arg9[%swap3A_400, %swap3A_401, %swap3A_402] {strides = array<i32>} : memref<3x128x128xf32, #tpu.memory_space<vmem>>, vector<1x1x16xf32>,
            %swap3A_404 = vector.shape_cast %swap3A_403 : vector<1x1x16xf32> to vector<16xf32>
            %swap3A_405 = vector.shape_cast %add3A_398 : vector<16xf32> to vector<1x1x16xf32>
            tpu.vector_store %arg9[%swap3A_400, %swap3A_401, %swap3A_402], %swap3A_405 {strides = array<i32>} : memref<3x128x128xf32, #tpu.memory_space<vmem>>, vector<1x1x16xf32>,
            %get3A_406 = arith.constant 1 : i32
            %get3A_407 = arith.index_cast %get3A_406 : i32 to index
            %get3A_408 = arith.index_cast %scan3A_307 : i32 to index
            %get3A_409 = arith.constant 80 : index
            %get3A_410 = tpu.vector_load %arg9[%get3A_407, %get3A_408, %get3A_409] {strides = array<i32>} : memref<3x128x128xf32, #tpu.memory_space<vmem>>, vector<1x1x16xf32>,
            %get3A_411 = vector.shape_cast %get3A_410 : vector<1x1x16xf32> to vector<16xf32>
            %get3A_412 = arith.constant 1 : i32
            %get3A_413 = arith.index_cast %get3A_412 : i32 to index
            %get3A_414 = arith.index_cast %scan3A_307 : i32 to index
            %get3A_415 = arith.constant 80 : index
            %get3A_416 = tpu.vector_load %arg10[%get3A_413, %get3A_414, %get3A_415] {strides = array<i32>} : memref<3x128x128xf32, #tpu.memory_space<vmem>>, vector<1x1x16xf32>,
            %get3A_417 = vector.shape_cast %get3A_416 : vector<1x1x16xf32> to vector<16xf32>
            %add3A_418 = arith.addf %get3A_411, %get3A_417 : vector<16xf32>
            %swap3A_419 = arith.constant 1 : i32
            %swap3A_420 = arith.index_cast %swap3A_419 : i32 to index
            %swap3A_421 = arith.index_cast %scan3A_307 : i32 to index
            %swap3A_422 = arith.constant 80 : index
            %swap3A_423 = tpu.vector_load %arg9[%swap3A_420, %swap3A_421, %swap3A_422] {strides = array<i32>} : memref<3x128x128xf32, #tpu.memory_space<vmem>>, vector<1x1x16xf32>,
            %swap3A_424 = vector.shape_cast %swap3A_423 : vector<1x1x16xf32> to vector<16xf32>
            %swap3A_425 = vector.shape_cast %add3A_418 : vector<16xf32> to vector<1x1x16xf32>
            tpu.vector_store %arg9[%swap3A_420, %swap3A_421, %swap3A_422], %swap3A_425 {strides = array<i32>} : memref<3x128x128xf32, #tpu.memory_space<vmem>>, vector<1x1x16xf32>,
            %get3A_426 = arith.constant 1 : i32
            %get3A_427 = arith.index_cast %get3A_426 : i32 to index
            %get3A_428 = arith.index_cast %scan3A_307 : i32 to index
            %get3A_429 = arith.constant 96 : index
            %get3A_430 = tpu.vector_load %arg9[%get3A_427, %get3A_428, %get3A_429] {strides = array<i32>} : memref<3x128x128xf32, #tpu.memory_space<vmem>>, vector<1x1x16xf32>,
            %get3A_431 = vector.shape_cast %get3A_430 : vector<1x1x16xf32> to vector<16xf32>
            %get3A_432 = arith.constant 1 : i32
            %get3A_433 = arith.index_cast %get3A_432 : i32 to index
            %get3A_434 = arith.index_cast %scan3A_307 : i32 to index
            %get3A_435 = arith.constant 96 : index
            %get3A_436 = tpu.vector_load %arg10[%get3A_433, %get3A_434, %get3A_435] {strides = array<i32>} : memref<3x128x128xf32, #tpu.memory_space<vmem>>, vector<1x1x16xf32>,
            %get3A_437 = vector.shape_cast %get3A_436 : vector<1x1x16xf32> to vector<16xf32>
            %add3A_438 = arith.addf %get3A_431, %get3A_437 : vector<16xf32>
            %swap3A_439 = arith.constant 1 : i32
            %swap3A_440 = arith.index_cast %swap3A_439 : i32 to index
            %swap3A_441 = arith.index_cast %scan3A_307 : i32 to index
            %swap3A_442 = arith.constant 96 : index
            %swap3A_443 = tpu.vector_load %arg9[%swap3A_440, %swap3A_441, %swap3A_442] {strides = array<i32>} : memref<3x128x128xf32, #tpu.memory_space<vmem>>, vector<1x1x16xf32>,
            %swap3A_444 = vector.shape_cast %swap3A_443 : vector<1x1x16xf32> to vector<16xf32>
            %swap3A_445 = vector.shape_cast %add3A_438 : vector<16xf32> to vector<1x1x16xf32>
            tpu.vector_store %arg9[%swap3A_440, %swap3A_441, %swap3A_442], %swap3A_445 {strides = array<i32>} : memref<3x128x128xf32, #tpu.memory_space<vmem>>, vector<1x1x16xf32>,
            %get3A_446 = arith.constant 1 : i32
            %get3A_447 = arith.index_cast %get3A_446 : i32 to index
            %get3A_448 = arith.index_cast %scan3A_307 : i32 to index
            %get3A_449 = arith.constant 112 : index
            %get3A_450 = tpu.vector_load %arg9[%get3A_447, %get3A_448, %get3A_449] {strides = array<i32>} : memref<3x128x128xf32, #tpu.memory_space<vmem>>, vector<1x1x16xf32>,
            %get3A_451 = vector.shape_cast %get3A_450 : vector<1x1x16xf32> to vector<16xf32>
            %get3A_452 = arith.constant 1 : i32
            %get3A_453 = arith.index_cast %get3A_452 : i32 to index
            %get3A_454 = arith.index_cast %scan3A_307 : i32 to index
            %get3A_455 = arith.constant 112 : index
            %get3A_456 = tpu.vector_load %arg10[%get3A_453, %get3A_454, %get3A_455] {strides = array<i32>} : memref<3x128x128xf32, #tpu.memory_space<vmem>>, vector<1x1x16xf32>,
            %get3A_457 = vector.shape_cast %get3A_456 : vector<1x1x16xf32> to vector<16xf32>
            %add3A_458 = arith.addf %get3A_451, %get3A_457 : vector<16xf32>
            %swap3A_459 = arith.constant 1 : i32
            %swap3A_460 = arith.index_cast %swap3A_459 : i32 to index
            %swap3A_461 = arith.index_cast %scan3A_307 : i32 to index
            %swap3A_462 = arith.constant 112 : index
            %swap3A_463 = tpu.vector_load %arg9[%swap3A_460, %swap3A_461, %swap3A_462] {strides = array<i32>} : memref<3x128x128xf32, #tpu.memory_space<vmem>>, vector<1x1x16xf32>,
            %swap3A_464 = vector.shape_cast %swap3A_463 : vector<1x1x16xf32> to vector<16xf32>
            %swap3A_465 = vector.shape_cast %add3A_458 : vector<16xf32> to vector<1x1x16xf32>
            tpu.vector_store %arg9[%swap3A_460, %swap3A_461, %swap3A_462], %swap3A_465 {strides = array<i32>} : memref<3x128x128xf32, #tpu.memory_space<vmem>>, vector<1x1x16xf32>,
          }
          %scan3A_285 = arith.constant 128 : i32
          %mul3A_286 = arith.constant 32 : i32
          %mul3A_287 = arith.muli %mul3A_286, %sub3A_280 : i32
          %add3A_288 = arith.addi %add3A, %mul3A_287 : i32
          %mul3A_289 = arith.constant 128 : i32
          %mul3A_290 = arith.muli %add3A_288, %mul3A_289 : i32
          %dma_start3A_291 = arith.constant 1 : i32
          %dma_start3A_292 = arith.constant 1 : i32
          %dma_start3A_293 = arith.constant 0 : i32
          %dma_start3A_294 = arith.constant 0 : i32
          %dma_start3A_295 = tpu.memref_slice %arg9[%dma_start3A_291, %dma_start3A_293, %dma_start3A_294] : memref<3x128x128xf32, #tpu.memory_space<vmem>> -> memref<1x128x128xf32, #tpu.memory_space<vmem>>
          %dma_start3A_296 = tpu.memref_squeeze %dma_start3A_295 : memref<1x128x128xf32, #tpu.memory_space<vmem>> -> memref<128x128xf32, #tpu.memory_space<vmem>>
          %dma_start3A_297 = arith.constant 0 : i32
          %dma_start3A_298 = tpu.memref_slice %arg6[%mul3A_290, %dma_start3A_297] : memref<320000x128xf32, #tpu.memory_space<hbm>> -> memref<128x128xf32, #tpu.memory_space<hbm>>
          %dma_start3A_299 = tpu.memref_slice %arg14[%dma_start3A_292] : memref<3x!tpu.dma_semaphore, #tpu.memory_space<semaphore_mem>> -> memref<1x!tpu.dma_semaphore, #tpu.memory_space<semaphore_mem>>
          %dma_start3A_300 = tpu.memref_squeeze %dma_start3A_299 : memref<1x!tpu.dma_semaphore, #tpu.memory_space<semaphore_mem>> -> memref<!tpu.dma_semaphore, #tpu.memory_space<semaphore_mem>>
          %dma_start3A_301 = arith.constant 0 : i32
          %dma_start3A_302 = tpu.memref_slice %arg6[%mul3A_290, %dma_start3A_301] : memref<320000x128xf32, #tpu.memory_space<hbm>> -> memref<128x128xf32, #tpu.memory_space<hbm>>
          %dma_start3A_303 = arith.constant 0 : i32
          %dma_start3A_304 = arith.constant 0 : i32
          %dma_start3A_305 = tpu.memref_slice %arg9[%dma_start3A_291, %dma_start3A_303, %dma_start3A_304] : memref<3x128x128xf32, #tpu.memory_space<vmem>> -> memref<1x128x128xf32, #tpu.memory_space<vmem>>
          %dma_start3A_306 = tpu.memref_squeeze %dma_start3A_305 : memref<1x128x128xf32, #tpu.memory_space<vmem>> -> memref<128x128xf32, #tpu.memory_space<vmem>>
          tpu.enqueue_dma source(%dma_start3A_306 : memref<128x128xf32, #tpu.memory_space<vmem>>) target(%dma_start3A_302 : memref<128x128xf32, #tpu.memory_space<hbm>>) target_semaphore(%dma_start3A_300 : memref<!tpu.dma_semaphore, #tpu.memory_space<semaphore_mem>>)
        } else {
        }
      } else {
      }
    }
    %sub3A = arith.constant 1 : i32
    %sub3A_45 = arith.subi %add3A_4, %sub3A : i32
    %jit3A_46 = arith.constant 3 : i32
    %eq3A = arith.constant 0 : i32
    %eq3A_47 = arith.cmpi eq, %jit3A_46, %eq3A : i32
    %jit3A_48 = arith.constant 1 : i32
    %select_n3A_49 = arith.select %eq3A_47, %jit3A_48, %jit3A_46 : i32
    %rem3A = arith.remsi %sub3A_45, %select_n3A_49 : i32
    %ne3A = arith.constant 0 : i32
    %ne3A_50 = arith.cmpi ne, %rem3A, %ne3A : i32
    %lt3A_51 = arith.constant 0 : i32
    %lt3A_52 = arith.cmpi slt, %rem3A, %lt3A_51 : i32
    %lt3A_53 = arith.constant 0 : i32
    %lt3A_54 = arith.cmpi slt, %select_n3A_49, %lt3A_53 : i32
    %ne3A_55 = arith.xori %lt3A_52, %lt3A_54 : i1
    %and3A = arith.andi %ne3A_55, %ne3A_50 : i1
    %add3A_56 = arith.addi %rem3A, %select_n3A_49 : i32
    %select_n3A_57 = arith.select %and3A, %add3A_56, %rem3A : i32
    %eq3A_58 = arith.constant 0 : i32
    %eq3A_59 = arith.cmpi eq, %select_n3A_57, %eq3A_58 : i32
    %convert_element_type3A = arith.extui %eq3A_59 : i1 to i32
    %cond3A = arith.constant 0 : i32
    %cond3A_60 = arith.cmpi ne, %convert_element_type3A, %cond3A : i32
    scf.if %cond3A_60 {
      %dma_wait3A = arith.constant 0 : i32
      %dma_wait3A_107 = arith.constant 0 : i32
      %dma_wait3A_108 = arith.constant 0 : i32
      %dma_wait3A_109 = arith.constant 0 : i32
      %dma_wait3A_110 = arith.constant 0 : i32
      %dma_wait3A_111 = tpu.memref_slice %arg9[%dma_wait3A_107, %dma_wait3A_109, %dma_wait3A_110] : memref<3x128x128xf32, #tpu.memory_space<vmem>> -> memref<1x128x128xf32, #tpu.memory_space<vmem>>
      %dma_wait3A_112 = tpu.memref_squeeze %dma_wait3A_111 : memref<1x128x128xf32, #tpu.memory_space<vmem>> -> memref<128x128xf32, #tpu.memory_space<vmem>>
      %dma_wait3A_113 = arith.constant 0 : i32
      %dma_wait3A_114 = tpu.memref_slice %arg7[%dma_wait3A, %dma_wait3A_113] : memref<3x128xi32, #tpu.memory_space<vmem>> -> memref<1x128xi32, #tpu.memory_space<vmem>>
      %dma_wait3A_115 = tpu.memref_squeeze %dma_wait3A_114 : memref<1x128xi32, #tpu.memory_space<vmem>> -> memref<128xi32, #tpu.memory_space<vmem>>
      %dma_wait3A_116 = arith.constant 0 : i32
      %dma_wait3A_117 = arith.constant 0 : i32
      %dma_wait3A_118 = tpu.memref_slice %arg2[%dma_wait3A_116, %dma_wait3A_117] : memref<10000x128xf32, #tpu.memory_space<hbm>> -> memref<10000x128xf32, #tpu.memory_space<hbm>>
      %dma_wait3A_119 = tpu.memref_slice %arg13[%dma_wait3A_108] : memref<3x!tpu.dma_semaphore, #tpu.memory_space<semaphore_mem>> -> memref<1x!tpu.dma_semaphore, #tpu.memory_space<semaphore_mem>>
      %dma_wait3A_120 = tpu.memref_squeeze %dma_wait3A_119 : memref<1x!tpu.dma_semaphore, #tpu.memory_space<semaphore_mem>> -> memref<!tpu.dma_semaphore, #tpu.memory_space<semaphore_mem>>
      tpu.wait_indirect_dma semaphore(%dma_wait3A_120 : memref<!tpu.dma_semaphore, #tpu.memory_space<semaphore_mem>>) src(%dma_wait3A_118 : memref<10000x128xf32, #tpu.memory_space<hbm>>) dst(%dma_wait3A_112 : memref<128x128xf32, #tpu.memory_space<vmem>>)
      %dma_wait3A_121 = arith.constant 0 : i32
      %dma_wait3A_122 = arith.constant 0 : i32
      %dma_wait3A_123 = arith.constant 0 : i32
      %dma_wait3A_124 = arith.constant 0 : i32
      %dma_wait3A_125 = arith.constant 0 : i32
      %dma_wait3A_126 = tpu.memref_slice %arg10[%dma_wait3A_122, %dma_wait3A_124, %dma_wait3A_125] : memref<3x128x128xf32, #tpu.memory_space<vmem>> -> memref<1x128x128xf32, #tpu.memory_space<vmem>>
      %dma_wait3A_127 = tpu.memref_squeeze %dma_wait3A_126 : memref<1x128x128xf32, #tpu.memory_space<vmem>> -> memref<128x128xf32, #tpu.memory_space<vmem>>
      %dma_wait3A_128 = arith.constant 0 : i32
      %dma_wait3A_129 = tpu.memref_slice %arg8[%dma_wait3A_121, %dma_wait3A_128] : memref<3x128xi32, #tpu.memory_space<vmem>> -> memref<1x128xi32, #tpu.memory_space<vmem>>
      %dma_wait3A_130 = tpu.memref_squeeze %dma_wait3A_129 : memref<1x128xi32, #tpu.memory_space<vmem>> -> memref<128xi32, #tpu.memory_space<vmem>>
      %dma_wait3A_131 = arith.constant 0 : i32
      %dma_wait3A_132 = arith.constant 0 : i32
      %dma_wait3A_133 = tpu.memref_slice %arg3[%dma_wait3A_131, %dma_wait3A_132] : memref<10000x128xf32, #tpu.memory_space<hbm>> -> memref<10000x128xf32, #tpu.memory_space<hbm>>
      %dma_wait3A_134 = tpu.memref_slice %arg13[%dma_wait3A_123] : memref<3x!tpu.dma_semaphore, #tpu.memory_space<semaphore_mem>> -> memref<1x!tpu.dma_semaphore, #tpu.memory_space<semaphore_mem>>
      %dma_wait3A_135 = tpu.memref_squeeze %dma_wait3A_134 : memref<1x!tpu.dma_semaphore, #tpu.memory_space<semaphore_mem>> -> memref<!tpu.dma_semaphore, #tpu.memory_space<semaphore_mem>>
      tpu.wait_indirect_dma semaphore(%dma_wait3A_135 : memref<!tpu.dma_semaphore, #tpu.memory_space<semaphore_mem>>) src(%dma_wait3A_133 : memref<10000x128xf32, #tpu.memory_space<hbm>>) dst(%dma_wait3A_127 : memref<128x128xf32, #tpu.memory_space<vmem>>)
      %sub3A_136 = arith.constant 1 : i32
      %sub3A_137 = arith.subi %add3A_4, %sub3A_136 : i32
      %scan3A = arith.constant 0 : i32
      %scan3A_138 = arith.constant 0 : i32
      %scan3A_139 = arith.constant 128 : i32
      %scan3A_140 = arith.addi %scan3A_138, %scan3A_139 : i32
      %scan3A_141 = arith.constant 1 : i32
      scf.for %scan3A_233 = %scan3A_138 to %scan3A_140 step %scan3A_141  : i32 {
        %get3A = arith.constant 0 : i32
        %get3A_234 = arith.index_cast %get3A : i32 to index
        %get3A_235 = arith.index_cast %scan3A_233 : i32 to index
        %get3A_236 = arith.constant 0 : index
        %get3A_237 = tpu.vector_load %arg9[%get3A_234, %get3A_235, %get3A_236] {strides = array<i32>} : memref<3x128x128xf32, #tpu.memory_space<vmem>>, vector<1x1x16xf32>,
        %get3A_238 = vector.shape_cast %get3A_237 : vector<1x1x16xf32> to vector<16xf32>
        %get3A_239 = arith.constant 0 : i32
        %get3A_240 = arith.index_cast %get3A_239 : i32 to index
        %get3A_241 = arith.index_cast %scan3A_233 : i32 to index
        %get3A_242 = arith.constant 0 : index
        %get3A_243 = tpu.vector_load %arg10[%get3A_240, %get3A_241, %get3A_242] {strides = array<i32>} : memref<3x128x128xf32, #tpu.memory_space<vmem>>, vector<1x1x16xf32>,
        %get3A_244 = vector.shape_cast %get3A_243 : vector<1x1x16xf32> to vector<16xf32>
        %add3A_245 = arith.addf %get3A_238, %get3A_244 : vector<16xf32>
        %swap3A = arith.constant 0 : i32
        %swap3A_246 = arith.index_cast %swap3A : i32 to index
        %swap3A_247 = arith.index_cast %scan3A_233 : i32 to index
        %swap3A_248 = arith.constant 0 : index
        %swap3A_249 = tpu.vector_load %arg9[%swap3A_246, %swap3A_247, %swap3A_248] {strides = array<i32>} : memref<3x128x128xf32, #tpu.memory_space<vmem>>, vector<1x1x16xf32>,
        %swap3A_250 = vector.shape_cast %swap3A_249 : vector<1x1x16xf32> to vector<16xf32>
        %swap3A_251 = vector.shape_cast %add3A_245 : vector<16xf32> to vector<1x1x16xf32>
        tpu.vector_store %arg9[%swap3A_246, %swap3A_247, %swap3A_248], %swap3A_251 {strides = array<i32>} : memref<3x128x128xf32, #tpu.memory_space<vmem>>, vector<1x1x16xf32>,
        %get3A_252 = arith.constant 0 : i32
        %get3A_253 = arith.index_cast %get3A_252 : i32 to index
        %get3A_254 = arith.index_cast %scan3A_233 : i32 to index
        %get3A_255 = arith.constant 16 : index
        %get3A_256 = tpu.vector_load %arg9[%get3A_253, %get3A_254, %get3A_255] {strides = array<i32>} : memref<3x128x128xf32, #tpu.memory_space<vmem>>, vector<1x1x16xf32>,
        %get3A_257 = vector.shape_cast %get3A_256 : vector<1x1x16xf32> to vector<16xf32>
        %get3A_258 = arith.constant 0 : i32
        %get3A_259 = arith.index_cast %get3A_258 : i32 to index
        %get3A_260 = arith.index_cast %scan3A_233 : i32 to index
        %get3A_261 = arith.constant 16 : index
        %get3A_262 = tpu.vector_load %arg10[%get3A_259, %get3A_260, %get3A_261] {strides = array<i32>} : memref<3x128x128xf32, #tpu.memory_space<vmem>>, vector<1x1x16xf32>,
        %get3A_263 = vector.shape_cast %get3A_262 : vector<1x1x16xf32> to vector<16xf32>
        %add3A_264 = arith.addf %get3A_257, %get3A_263 : vector<16xf32>
        %swap3A_265 = arith.constant 0 : i32
        %swap3A_266 = arith.index_cast %swap3A_265 : i32 to index
        %swap3A_267 = arith.index_cast %scan3A_233 : i32 to index
        %swap3A_268 = arith.constant 16 : index
        %swap3A_269 = tpu.vector_load %arg9[%swap3A_266, %swap3A_267, %swap3A_268] {strides = array<i32>} : memref<3x128x128xf32, #tpu.memory_space<vmem>>, vector<1x1x16xf32>,
        %swap3A_270 = vector.shape_cast %swap3A_269 : vector<1x1x16xf32> to vector<16xf32>
        %swap3A_271 = vector.shape_cast %add3A_264 : vector<16xf32> to vector<1x1x16xf32>
        tpu.vector_store %arg9[%swap3A_266, %swap3A_267, %swap3A_268], %swap3A_271 {strides = array<i32>} : memref<3x128x128xf32, #tpu.memory_space<vmem>>, vector<1x1x16xf32>,
        %get3A_272 = arith.constant 0 : i32
        %get3A_273 = arith.index_cast %get3A_272 : i32 to index
        %get3A_274 = arith.index_cast %scan3A_233 : i32 to index
        %get3A_275 = arith.constant 32 : index
        %get3A_276 = tpu.vector_load %arg9[%get3A_273, %get3A_274, %get3A_275] {strides = array<i32>} : memref<3x128x128xf32, #tpu.memory_space<vmem>>, vector<1x1x16xf32>,
        %get3A_277 = vector.shape_cast %get3A_276 : vector<1x1x16xf32> to vector<16xf32>
        %get3A_278 = arith.constant 0 : i32
        %get3A_279 = arith.index_cast %get3A_278 : i32 to index
        %get3A_280 = arith.index_cast %scan3A_233 : i32 to index
        %get3A_281 = arith.constant 32 : index
        %get3A_282 = tpu.vector_load %arg10[%get3A_279, %get3A_280, %get3A_281] {strides = array<i32>} : memref<3x128x128xf32, #tpu.memory_space<vmem>>, vector<1x1x16xf32>,
        %get3A_283 = vector.shape_cast %get3A_282 : vector<1x1x16xf32> to vector<16xf32>
        %add3A_284 = arith.addf %get3A_277, %get3A_283 : vector<16xf32>
        %swap3A_285 = arith.constant 0 : i32
        %swap3A_286 = arith.index_cast %swap3A_285 : i32 to index
        %swap3A_287 = arith.index_cast %scan3A_233 : i32 to index
        %swap3A_288 = arith.constant 32 : index
        %swap3A_289 = tpu.vector_load %arg9[%swap3A_286, %swap3A_287, %swap3A_288] {strides = array<i32>} : memref<3x128x128xf32, #tpu.memory_space<vmem>>, vector<1x1x16xf32>,
        %swap3A_290 = vector.shape_cast %swap3A_289 : vector<1x1x16xf32> to vector<16xf32>
        %swap3A_291 = vector.shape_cast %add3A_284 : vector<16xf32> to vector<1x1x16xf32>
        tpu.vector_store %arg9[%swap3A_286, %swap3A_287, %swap3A_288], %swap3A_291 {strides = array<i32>} : memref<3x128x128xf32, #tpu.memory_space<vmem>>, vector<1x1x16xf32>,
        %get3A_292 = arith.constant 0 : i32
        %get3A_293 = arith.index_cast %get3A_292 : i32 to index
        %get3A_294 = arith.index_cast %scan3A_233 : i32 to index
        %get3A_295 = arith.constant 48 : index
        %get3A_296 = tpu.vector_load %arg9[%get3A_293, %get3A_294, %get3A_295] {strides = array<i32>} : memref<3x128x128xf32, #tpu.memory_space<vmem>>, vector<1x1x16xf32>,
        %get3A_297 = vector.shape_cast %get3A_296 : vector<1x1x16xf32> to vector<16xf32>
        %get3A_298 = arith.constant 0 : i32
        %get3A_299 = arith.index_cast %get3A_298 : i32 to index
        %get3A_300 = arith.index_cast %scan3A_233 : i32 to index
        %get3A_301 = arith.constant 48 : index
        %get3A_302 = tpu.vector_load %arg10[%get3A_299, %get3A_300, %get3A_301] {strides = array<i32>} : memref<3x128x128xf32, #tpu.memory_space<vmem>>, vector<1x1x16xf32>,
        %get3A_303 = vector.shape_cast %get3A_302 : vector<1x1x16xf32> to vector<16xf32>
        %add3A_304 = arith.addf %get3A_297, %get3A_303 : vector<16xf32>
        %swap3A_305 = arith.constant 0 : i32
        %swap3A_306 = arith.index_cast %swap3A_305 : i32 to index
        %swap3A_307 = arith.index_cast %scan3A_233 : i32 to index
        %swap3A_308 = arith.constant 48 : index
        %swap3A_309 = tpu.vector_load %arg9[%swap3A_306, %swap3A_307, %swap3A_308] {strides = array<i32>} : memref<3x128x128xf32, #tpu.memory_space<vmem>>, vector<1x1x16xf32>,
        %swap3A_310 = vector.shape_cast %swap3A_309 : vector<1x1x16xf32> to vector<16xf32>
        %swap3A_311 = vector.shape_cast %add3A_304 : vector<16xf32> to vector<1x1x16xf32>
        tpu.vector_store %arg9[%swap3A_306, %swap3A_307, %swap3A_308], %swap3A_311 {strides = array<i32>} : memref<3x128x128xf32, #tpu.memory_space<vmem>>, vector<1x1x16xf32>,
        %get3A_312 = arith.constant 0 : i32
        %get3A_313 = arith.index_cast %get3A_312 : i32 to index
        %get3A_314 = arith.index_cast %scan3A_233 : i32 to index
        %get3A_315 = arith.constant 64 : index
        %get3A_316 = tpu.vector_load %arg9[%get3A_313, %get3A_314, %get3A_315] {strides = array<i32>} : memref<3x128x128xf32, #tpu.memory_space<vmem>>, vector<1x1x16xf32>,
        %get3A_317 = vector.shape_cast %get3A_316 : vector<1x1x16xf32> to vector<16xf32>
        %get3A_318 = arith.constant 0 : i32
        %get3A_319 = arith.index_cast %get3A_318 : i32 to index
        %get3A_320 = arith.index_cast %scan3A_233 : i32 to index
        %get3A_321 = arith.constant 64 : index
        %get3A_322 = tpu.vector_load %arg10[%get3A_319, %get3A_320, %get3A_321] {strides = array<i32>} : memref<3x128x128xf32, #tpu.memory_space<vmem>>, vector<1x1x16xf32>,
        %get3A_323 = vector.shape_cast %get3A_322 : vector<1x1x16xf32> to vector<16xf32>
        %add3A_324 = arith.addf %get3A_317, %get3A_323 : vector<16xf32>
        %swap3A_325 = arith.constant 0 : i32
        %swap3A_326 = arith.index_cast %swap3A_325 : i32 to index
        %swap3A_327 = arith.index_cast %scan3A_233 : i32 to index
        %swap3A_328 = arith.constant 64 : index
        %swap3A_329 = tpu.vector_load %arg9[%swap3A_326, %swap3A_327, %swap3A_328] {strides = array<i32>} : memref<3x128x128xf32, #tpu.memory_space<vmem>>, vector<1x1x16xf32>,
        %swap3A_330 = vector.shape_cast %swap3A_329 : vector<1x1x16xf32> to vector<16xf32>
        %swap3A_331 = vector.shape_cast %add3A_324 : vector<16xf32> to vector<1x1x16xf32>
        tpu.vector_store %arg9[%swap3A_326, %swap3A_327, %swap3A_328], %swap3A_331 {strides = array<i32>} : memref<3x128x128xf32, #tpu.memory_space<vmem>>, vector<1x1x16xf32>,
        %get3A_332 = arith.constant 0 : i32
        %get3A_333 = arith.index_cast %get3A_332 : i32 to index
        %get3A_334 = arith.index_cast %scan3A_233 : i32 to index
        %get3A_335 = arith.constant 80 : index
        %get3A_336 = tpu.vector_load %arg9[%get3A_333, %get3A_334, %get3A_335] {strides = array<i32>} : memref<3x128x128xf32, #tpu.memory_space<vmem>>, vector<1x1x16xf32>,
        %get3A_337 = vector.shape_cast %get3A_336 : vector<1x1x16xf32> to vector<16xf32>
        %get3A_338 = arith.constant 0 : i32
        %get3A_339 = arith.index_cast %get3A_338 : i32 to index
        %get3A_340 = arith.index_cast %scan3A_233 : i32 to index
        %get3A_341 = arith.constant 80 : index
        %get3A_342 = tpu.vector_load %arg10[%get3A_339, %get3A_340, %get3A_341] {strides = array<i32>} : memref<3x128x128xf32, #tpu.memory_space<vmem>>, vector<1x1x16xf32>,
        %get3A_343 = vector.shape_cast %get3A_342 : vector<1x1x16xf32> to vector<16xf32>
        %add3A_344 = arith.addf %get3A_337, %get3A_343 : vector<16xf32>
        %swap3A_345 = arith.constant 0 : i32
        %swap3A_346 = arith.index_cast %swap3A_345 : i32 to index
        %swap3A_347 = arith.index_cast %scan3A_233 : i32 to index
        %swap3A_348 = arith.constant 80 : index
        %swap3A_349 = tpu.vector_load %arg9[%swap3A_346, %swap3A_347, %swap3A_348] {strides = array<i32>} : memref<3x128x128xf32, #tpu.memory_space<vmem>>, vector<1x1x16xf32>,
        %swap3A_350 = vector.shape_cast %swap3A_349 : vector<1x1x16xf32> to vector<16xf32>
        %swap3A_351 = vector.shape_cast %add3A_344 : vector<16xf32> to vector<1x1x16xf32>
        tpu.vector_store %arg9[%swap3A_346, %swap3A_347, %swap3A_348], %swap3A_351 {strides = array<i32>} : memref<3x128x128xf32, #tpu.memory_space<vmem>>, vector<1x1x16xf32>,
        %get3A_352 = arith.constant 0 : i32
        %get3A_353 = arith.index_cast %get3A_352 : i32 to index
        %get3A_354 = arith.index_cast %scan3A_233 : i32 to index
        %get3A_355 = arith.constant 96 : index
        %get3A_356 = tpu.vector_load %arg9[%get3A_353, %get3A_354, %get3A_355] {strides = array<i32>} : memref<3x128x128xf32, #tpu.memory_space<vmem>>, vector<1x1x16xf32>,
        %get3A_357 = vector.shape_cast %get3A_356 : vector<1x1x16xf32> to vector<16xf32>
        %get3A_358 = arith.constant 0 : i32
        %get3A_359 = arith.index_cast %get3A_358 : i32 to index
        %get3A_360 = arith.index_cast %scan3A_233 : i32 to index
        %get3A_361 = arith.constant 96 : index
        %get3A_362 = tpu.vector_load %arg10[%get3A_359, %get3A_360, %get3A_361] {strides = array<i32>} : memref<3x128x128xf32, #tpu.memory_space<vmem>>, vector<1x1x16xf32>,
        %get3A_363 = vector.shape_cast %get3A_362 : vector<1x1x16xf32> to vector<16xf32>
        %add3A_364 = arith.addf %get3A_357, %get3A_363 : vector<16xf32>
        %swap3A_365 = arith.constant 0 : i32
        %swap3A_366 = arith.index_cast %swap3A_365 : i32 to index
        %swap3A_367 = arith.index_cast %scan3A_233 : i32 to index
        %swap3A_368 = arith.constant 96 : index
        %swap3A_369 = tpu.vector_load %arg9[%swap3A_366, %swap3A_367, %swap3A_368] {strides = array<i32>} : memref<3x128x128xf32, #tpu.memory_space<vmem>>, vector<1x1x16xf32>,
        %swap3A_370 = vector.shape_cast %swap3A_369 : vector<1x1x16xf32> to vector<16xf32>
        %swap3A_371 = vector.shape_cast %add3A_364 : vector<16xf32> to vector<1x1x16xf32>
        tpu.vector_store %arg9[%swap3A_366, %swap3A_367, %swap3A_368], %swap3A_371 {strides = array<i32>} : memref<3x128x128xf32, #tpu.memory_space<vmem>>, vector<1x1x16xf32>,
        %get3A_372 = arith.constant 0 : i32
        %get3A_373 = arith.index_cast %get3A_372 : i32 to index
        %get3A_374 = arith.index_cast %scan3A_233 : i32 to index
        %get3A_375 = arith.constant 112 : index
        %get3A_376 = tpu.vector_load %arg9[%get3A_373, %get3A_374, %get3A_375] {strides = array<i32>} : memref<3x128x128xf32, #tpu.memory_space<vmem>>, vector<1x1x16xf32>,
        %get3A_377 = vector.shape_cast %get3A_376 : vector<1x1x16xf32> to vector<16xf32>
        %get3A_378 = arith.constant 0 : i32
        %get3A_379 = arith.index_cast %get3A_378 : i32 to index
        %get3A_380 = arith.index_cast %scan3A_233 : i32 to index
        %get3A_381 = arith.constant 112 : index
        %get3A_382 = tpu.vector_load %arg10[%get3A_379, %get3A_380, %get3A_381] {strides = array<i32>} : memref<3x128x128xf32, #tpu.memory_space<vmem>>, vector<1x1x16xf32>,
        %get3A_383 = vector.shape_cast %get3A_382 : vector<1x1x16xf32> to vector<16xf32>
        %add3A_384 = arith.addf %get3A_377, %get3A_383 : vector<16xf32>
        %swap3A_385 = arith.constant 0 : i32
        %swap3A_386 = arith.index_cast %swap3A_385 : i32 to index
        %swap3A_387 = arith.index_cast %scan3A_233 : i32 to index
        %swap3A_388 = arith.constant 112 : index
        %swap3A_389 = tpu.vector_load %arg9[%swap3A_386, %swap3A_387, %swap3A_388] {strides = array<i32>} : memref<3x128x128xf32, #tpu.memory_space<vmem>>, vector<1x1x16xf32>,
        %swap3A_390 = vector.shape_cast %swap3A_389 : vector<1x1x16xf32> to vector<16xf32>
        %swap3A_391 = vector.shape_cast %add3A_384 : vector<16xf32> to vector<1x1x16xf32>
        tpu.vector_store %arg9[%swap3A_386, %swap3A_387, %swap3A_388], %swap3A_391 {strides = array<i32>} : memref<3x128x128xf32, #tpu.memory_space<vmem>>, vector<1x1x16xf32>,
      }
      %scan3A_142 = arith.constant 128 : i32
      %mul3A_143 = arith.constant 32 : i32
      %mul3A_144 = arith.muli %mul3A_143, %sub3A_137 : i32
      %add3A_145 = arith.addi %add3A, %mul3A_144 : i32
      %mul3A_146 = arith.constant 128 : i32
      %mul3A_147 = arith.muli %add3A_145, %mul3A_146 : i32
      %dma_start3A_148 = arith.constant 0 : i32
      %dma_start3A_149 = arith.constant 0 : i32
      %dma_start3A_150 = arith.constant 0 : i32
      %dma_start3A_151 = arith.constant 0 : i32
      %dma_start3A_152 = tpu.memref_slice %arg9[%dma_start3A_148, %dma_start3A_150, %dma_start3A_151] : memref<3x128x128xf32, #tpu.memory_space<vmem>> -> memref<1x128x128xf32, #tpu.memory_space<vmem>>
      %dma_start3A_153 = tpu.memref_squeeze %dma_start3A_152 : memref<1x128x128xf32, #tpu.memory_space<vmem>> -> memref<128x128xf32, #tpu.memory_space<vmem>>
      %dma_start3A_154 = arith.constant 0 : i32
      %dma_start3A_155 = tpu.memref_slice %arg6[%mul3A_147, %dma_start3A_154] : memref<320000x128xf32, #tpu.memory_space<hbm>> -> memref<128x128xf32, #tpu.memory_space<hbm>>
      %dma_start3A_156 = tpu.memref_slice %arg14[%dma_start3A_149] : memref<3x!tpu.dma_semaphore, #tpu.memory_space<semaphore_mem>> -> memref<1x!tpu.dma_semaphore, #tpu.memory_space<semaphore_mem>>
      %dma_start3A_157 = tpu.memref_squeeze %dma_start3A_156 : memref<1x!tpu.dma_semaphore, #tpu.memory_space<semaphore_mem>> -> memref<!tpu.dma_semaphore, #tpu.memory_space<semaphore_mem>>
      %dma_start3A_158 = arith.constant 0 : i32
      %dma_start3A_159 = tpu.memref_slice %arg6[%mul3A_147, %dma_start3A_158] : memref<320000x128xf32, #tpu.memory_space<hbm>> -> memref<128x128xf32, #tpu.memory_space<hbm>>
      %dma_start3A_160 = arith.constant 0 : i32
      %dma_start3A_161 = arith.constant 0 : i32
      %dma_start3A_162 = tpu.memref_slice %arg9[%dma_start3A_148, %dma_start3A_160, %dma_start3A_161] : memref<3x128x128xf32, #tpu.memory_space<vmem>> -> memref<1x128x128xf32, #tpu.memory_space<vmem>>
      %dma_start3A_163 = tpu.memref_squeeze %dma_start3A_162 : memref<1x128x128xf32, #tpu.memory_space<vmem>> -> memref<128x128xf32, #tpu.memory_space<vmem>>
      tpu.enqueue_dma source(%dma_start3A_163 : memref<128x128xf32, #tpu.memory_space<vmem>>) target(%dma_start3A_159 : memref<128x128xf32, #tpu.memory_space<hbm>>) target_semaphore(%dma_start3A_157 : memref<!tpu.dma_semaphore, #tpu.memory_space<semaphore_mem>>)
      %sub3A_164 = arith.constant 3 : i32
      %sub3A_165 = arith.subi %add3A_4, %sub3A_164 : i32
      %mul3A_166 = arith.constant 32 : i32
      %mul3A_167 = arith.muli %mul3A_166, %sub3A_165 : i32
      %add3A_168 = arith.addi %add3A, %mul3A_167 : i32
      %mul3A_169 = arith.constant 128 : i32
      %mul3A_170 = arith.muli %add3A_168, %mul3A_169 : i32
      %dma_wait3A_171 = arith.constant 1 : i32
      %dma_wait3A_172 = arith.constant 1 : i32
      %dma_wait3A_173 = arith.constant 0 : i32
      %dma_wait3A_174 = arith.constant 0 : i32
      %dma_wait3A_175 = tpu.memref_slice %arg9[%dma_wait3A_171, %dma_wait3A_173, %dma_wait3A_174] : memref<3x128x128xf32, #tpu.memory_space<vmem>> -> memref<1x128x128xf32, #tpu.memory_space<vmem>>
      %dma_wait3A_176 = tpu.memref_squeeze %dma_wait3A_175 : memref<1x128x128xf32, #tpu.memory_space<vmem>> -> memref<128x128xf32, #tpu.memory_space<vmem>>
      %dma_wait3A_177 = arith.constant 0 : i32
      %dma_wait3A_178 = tpu.memref_slice %arg6[%mul3A_170, %dma_wait3A_177] : memref<320000x128xf32, #tpu.memory_space<hbm>> -> memref<128x128xf32, #tpu.memory_space<hbm>>
      %dma_wait3A_179 = tpu.memref_slice %arg14[%dma_wait3A_172] : memref<3x!tpu.dma_semaphore, #tpu.memory_space<semaphore_mem>> -> memref<1x!tpu.dma_semaphore, #tpu.memory_space<semaphore_mem>>
      %dma_wait3A_180 = tpu.memref_squeeze %dma_wait3A_179 : memref<1x!tpu.dma_semaphore, #tpu.memory_space<semaphore_mem>> -> memref<!tpu.dma_semaphore, #tpu.memory_space<semaphore_mem>>
      %dma_wait3A_181 = arith.constant 0 : i32
      %dma_wait3A_182 = tpu.memref_slice %arg6[%mul3A_170, %dma_wait3A_181] : memref<320000x128xf32, #tpu.memory_space<hbm>> -> memref<128x128xf32, #tpu.memory_space<hbm>>
      %dma_wait3A_183 = arith.constant 0 : i32
      %dma_wait3A_184 = arith.constant 0 : i32
      %dma_wait3A_185 = tpu.memref_slice %arg9[%dma_wait3A_171, %dma_wait3A_183, %dma_wait3A_184] : memref<3x128x128xf32, #tpu.memory_space<vmem>> -> memref<1x128x128xf32, #tpu.memory_space<vmem>>
      %dma_wait3A_186 = tpu.memref_squeeze %dma_wait3A_185 : memref<1x128x128xf32, #tpu.memory_space<vmem>> -> memref<128x128xf32, #tpu.memory_space<vmem>>
      tpu.wait_dma2 semaphore(%dma_wait3A_180 : memref<!tpu.dma_semaphore, #tpu.memory_space<semaphore_mem>>) src(%dma_wait3A_186 : memref<128x128xf32, #tpu.memory_space<vmem>>) dst(%dma_wait3A_182 : memref<128x128xf32, #tpu.memory_space<hbm>>)
      %sub3A_187 = arith.constant 2 : i32
      %sub3A_188 = arith.subi %add3A_4, %sub3A_187 : i32
      %mul3A_189 = arith.constant 32 : i32
      %mul3A_190 = arith.muli %mul3A_189, %sub3A_188 : i32
      %add3A_191 = arith.addi %add3A, %mul3A_190 : i32
      %mul3A_192 = arith.constant 128 : i32
      %mul3A_193 = arith.muli %add3A_191, %mul3A_192 : i32
      %dma_wait3A_194 = arith.constant 2 : i32
      %dma_wait3A_195 = arith.constant 2 : i32
      %dma_wait3A_196 = arith.constant 0 : i32
      %dma_wait3A_197 = arith.constant 0 : i32
      %dma_wait3A_198 = tpu.memref_slice %arg9[%dma_wait3A_194, %dma_wait3A_196, %dma_wait3A_197] : memref<3x128x128xf32, #tpu.memory_space<vmem>> -> memref<1x128x128xf32, #tpu.memory_space<vmem>>
      %dma_wait3A_199 = tpu.memref_squeeze %dma_wait3A_198 : memref<1x128x128xf32, #tpu.memory_space<vmem>> -> memref<128x128xf32, #tpu.memory_space<vmem>>
      %dma_wait3A_200 = arith.constant 0 : i32
      %dma_wait3A_201 = tpu.memref_slice %arg6[%mul3A_193, %dma_wait3A_200] : memref<320000x128xf32, #tpu.memory_space<hbm>> -> memref<128x128xf32, #tpu.memory_space<hbm>>
      %dma_wait3A_202 = tpu.memref_slice %arg14[%dma_wait3A_195] : memref<3x!tpu.dma_semaphore, #tpu.memory_space<semaphore_mem>> -> memref<1x!tpu.dma_semaphore, #tpu.memory_space<semaphore_mem>>
      %dma_wait3A_203 = tpu.memref_squeeze %dma_wait3A_202 : memref<1x!tpu.dma_semaphore, #tpu.memory_space<semaphore_mem>> -> memref<!tpu.dma_semaphore, #tpu.memory_space<semaphore_mem>>
      %dma_wait3A_204 = arith.constant 0 : i32
      %dma_wait3A_205 = tpu.memref_slice %arg6[%mul3A_193, %dma_wait3A_204] : memref<320000x128xf32, #tpu.memory_space<hbm>> -> memref<128x128xf32, #tpu.memory_space<hbm>>
      %dma_wait3A_206 = arith.constant 0 : i32
      %dma_wait3A_207 = arith.constant 0 : i32
      %dma_wait3A_208 = tpu.memref_slice %arg9[%dma_wait3A_194, %dma_wait3A_206, %dma_wait3A_207] : memref<3x128x128xf32, #tpu.memory_space<vmem>> -> memref<1x128x128xf32, #tpu.memory_space<vmem>>
      %dma_wait3A_209 = tpu.memref_squeeze %dma_wait3A_208 : memref<1x128x128xf32, #tpu.memory_space<vmem>> -> memref<128x128xf32, #tpu.memory_space<vmem>>
      tpu.wait_dma2 semaphore(%dma_wait3A_203 : memref<!tpu.dma_semaphore, #tpu.memory_space<semaphore_mem>>) src(%dma_wait3A_209 : memref<128x128xf32, #tpu.memory_space<vmem>>) dst(%dma_wait3A_205 : memref<128x128xf32, #tpu.memory_space<hbm>>)
      %sub3A_210 = arith.constant 1 : i32
      %sub3A_211 = arith.subi %add3A_4, %sub3A_210 : i32
      %mul3A_212 = arith.constant 32 : i32
      %mul3A_213 = arith.muli %mul3A_212, %sub3A_211 : i32
      %add3A_214 = arith.addi %add3A, %mul3A_213 : i32
      %mul3A_215 = arith.constant 128 : i32
      %mul3A_216 = arith.muli %add3A_214, %mul3A_215 : i32
      %dma_wait3A_217 = arith.constant 0 : i32
      %dma_wait3A_218 = arith.constant 0 : i32
      %dma_wait3A_219 = arith.constant 0 : i32
      %dma_wait3A_220 = arith.constant 0 : i32
      %dma_wait3A_221 = tpu.memref_slice %arg9[%dma_wait3A_217, %dma_wait3A_219, %dma_wait3A_220] : memref<3x128x128xf32, #tpu.memory_space<vmem>> -> memref<1x128x128xf32, #tpu.memory_space<vmem>>
      %dma_wait3A_222 = tpu.memref_squeeze %dma_wait3A_221 : memref<1x128x128xf32, #tpu.memory_space<vmem>> -> memref<128x128xf32, #tpu.memory_space<vmem>>
      %dma_wait3A_223 = arith.constant 0 : i32
      %dma_wait3A_224 = tpu.memref_slice %arg6[%mul3A_216, %dma_wait3A_223] : memref<320000x128xf32, #tpu.memory_space<hbm>> -> memref<128x128xf32, #tpu.memory_space<hbm>>
      %dma_wait3A_225 = tpu.memref_slice %arg14[%dma_wait3A_218] : memref<3x!tpu.dma_semaphore, #tpu.memory_space<semaphore_mem>> -> memref<1x!tpu.dma_semaphore, #tpu.memory_space<semaphore_mem>>
      %dma_wait3A_226 = tpu.memref_squeeze %dma_wait3A_225 : memref<1x!tpu.dma_semaphore, #tpu.memory_space<semaphore_mem>> -> memref<!tpu.dma_semaphore, #tpu.memory_space<semaphore_mem>>
      %dma_wait3A_227 = arith.constant 0 : i32
      %dma_wait3A_228 = tpu.memref_slice %arg6[%mul3A_216, %dma_wait3A_227] : memref<320000x128xf32, #tpu.memory_space<hbm>> -> memref<128x128xf32, #tpu.memory_space<hbm>>
      %dma_wait3A_229 = arith.constant 0 : i32
      %dma_wait3A_230 = arith.constant 0 : i32
      %dma_wait3A_231 = tpu.memref_slice %arg9[%dma_wait3A_217, %dma_wait3A_229, %dma_wait3A_230] : memref<3x128x128xf32, #tpu.memory_space<vmem>> -> memref<1x128x128xf32, #tpu.memory_space<vmem>>
      %dma_wait3A_232 = tpu.memref_squeeze %dma_wait3A_231 : memref<1x128x128xf32, #tpu.memory_space<vmem>> -> memref<128x128xf32, #tpu.memory_space<vmem>>
      tpu.wait_dma2 semaphore(%dma_wait3A_226 : memref<!tpu.dma_semaphore, #tpu.memory_space<semaphore_mem>>) src(%dma_wait3A_232 : memref<128x128xf32, #tpu.memory_space<vmem>>) dst(%dma_wait3A_228 : memref<128x128xf32, #tpu.memory_space<hbm>>)
    } else {
    }
    %sub3A_61 = arith.constant 1 : i32
    %sub3A_62 = arith.subi %add3A_4, %sub3A_61 : i32
    %jit3A_63 = arith.constant 3 : i32
    %eq3A_64 = arith.constant 0 : i32
    %eq3A_65 = arith.cmpi eq, %jit3A_63, %eq3A_64 : i32
    %jit3A_66 = arith.constant 1 : i32
    %select_n3A_67 = arith.select %eq3A_65, %jit3A_66, %jit3A_63 : i32
    %rem3A_68 = arith.remsi %sub3A_62, %select_n3A_67 : i32
    %ne3A_69 = arith.constant 0 : i32
    %ne3A_70 = arith.cmpi ne, %rem3A_68, %ne3A_69 : i32
    %lt3A_71 = arith.constant 0 : i32
    %lt3A_72 = arith.cmpi slt, %rem3A_68, %lt3A_71 : i32
    %lt3A_73 = arith.constant 0 : i32
    %lt3A_74 = arith.cmpi slt, %select_n3A_67, %lt3A_73 : i32
    %ne3A_75 = arith.xori %lt3A_72, %lt3A_74 : i1
    %and3A_76 = arith.andi %ne3A_75, %ne3A_70 : i1
    %add3A_77 = arith.addi %rem3A_68, %select_n3A_67 : i32
    %select_n3A_78 = arith.select %and3A_76, %add3A_77, %rem3A_68 : i32
    %eq3A_79 = arith.constant 1 : i32
    %eq3A_80 = arith.cmpi eq, %select_n3A_78, %eq3A_79 : i32
    %convert_element_type3A_81 = arith.extui %eq3A_80 : i1 to i32
    %cond3A_82 = arith.constant 0 : i32
    %cond3A_83 = arith.cmpi ne, %convert_element_type3A_81, %cond3A_82 : i32
    scf.if %cond3A_83 {
      %dma_wait3A = arith.constant 1 : i32
      %dma_wait3A_107 = arith.constant 1 : i32
      %dma_wait3A_108 = arith.constant 1 : i32
      %dma_wait3A_109 = arith.constant 0 : i32
      %dma_wait3A_110 = arith.constant 0 : i32
      %dma_wait3A_111 = tpu.memref_slice %arg9[%dma_wait3A_107, %dma_wait3A_109, %dma_wait3A_110] : memref<3x128x128xf32, #tpu.memory_space<vmem>> -> memref<1x128x128xf32, #tpu.memory_space<vmem>>
      %dma_wait3A_112 = tpu.memref_squeeze %dma_wait3A_111 : memref<1x128x128xf32, #tpu.memory_space<vmem>> -> memref<128x128xf32, #tpu.memory_space<vmem>>
      %dma_wait3A_113 = arith.constant 0 : i32
      %dma_wait3A_114 = tpu.memref_slice %arg7[%dma_wait3A, %dma_wait3A_113] : memref<3x128xi32, #tpu.memory_space<vmem>> -> memref<1x128xi32, #tpu.memory_space<vmem>>
      %dma_wait3A_115 = tpu.memref_squeeze %dma_wait3A_114 : memref<1x128xi32, #tpu.memory_space<vmem>> -> memref<128xi32, #tpu.memory_space<vmem>>
      %dma_wait3A_116 = arith.constant 0 : i32
      %dma_wait3A_117 = arith.constant 0 : i32
      %dma_wait3A_118 = tpu.memref_slice %arg2[%dma_wait3A_116, %dma_wait3A_117] : memref<10000x128xf32, #tpu.memory_space<hbm>> -> memref<10000x128xf32, #tpu.memory_space<hbm>>
      %dma_wait3A_119 = tpu.memref_slice %arg13[%dma_wait3A_108] : memref<3x!tpu.dma_semaphore, #tpu.memory_space<semaphore_mem>> -> memref<1x!tpu.dma_semaphore, #tpu.memory_space<semaphore_mem>>
      %dma_wait3A_120 = tpu.memref_squeeze %dma_wait3A_119 : memref<1x!tpu.dma_semaphore, #tpu.memory_space<semaphore_mem>> -> memref<!tpu.dma_semaphore, #tpu.memory_space<semaphore_mem>>
      tpu.wait_indirect_dma semaphore(%dma_wait3A_120 : memref<!tpu.dma_semaphore, #tpu.memory_space<semaphore_mem>>) src(%dma_wait3A_118 : memref<10000x128xf32, #tpu.memory_space<hbm>>) dst(%dma_wait3A_112 : memref<128x128xf32, #tpu.memory_space<vmem>>)
      %dma_wait3A_121 = arith.constant 1 : i32
      %dma_wait3A_122 = arith.constant 1 : i32
      %dma_wait3A_123 = arith.constant 1 : i32
      %dma_wait3A_124 = arith.constant 0 : i32
      %dma_wait3A_125 = arith.constant 0 : i32
      %dma_wait3A_126 = tpu.memref_slice %arg10[%dma_wait3A_122, %dma_wait3A_124, %dma_wait3A_125] : memref<3x128x128xf32, #tpu.memory_space<vmem>> -> memref<1x128x128xf32, #tpu.memory_space<vmem>>
      %dma_wait3A_127 = tpu.memref_squeeze %dma_wait3A_126 : memref<1x128x128xf32, #tpu.memory_space<vmem>> -> memref<128x128xf32, #tpu.memory_space<vmem>>
      %dma_wait3A_128 = arith.constant 0 : i32
      %dma_wait3A_129 = tpu.memref_slice %arg8[%dma_wait3A_121, %dma_wait3A_128] : memref<3x128xi32, #tpu.memory_space<vmem>> -> memref<1x128xi32, #tpu.memory_space<vmem>>
      %dma_wait3A_130 = tpu.memref_squeeze %dma_wait3A_129 : memref<1x128xi32, #tpu.memory_space<vmem>> -> memref<128xi32, #tpu.memory_space<vmem>>
      %dma_wait3A_131 = arith.constant 0 : i32
      %dma_wait3A_132 = arith.constant 0 : i32
      %dma_wait3A_133 = tpu.memref_slice %arg3[%dma_wait3A_131, %dma_wait3A_132] : memref<10000x128xf32, #tpu.memory_space<hbm>> -> memref<10000x128xf32, #tpu.memory_space<hbm>>
      %dma_wait3A_134 = tpu.memref_slice %arg13[%dma_wait3A_123] : memref<3x!tpu.dma_semaphore, #tpu.memory_space<semaphore_mem>> -> memref<1x!tpu.dma_semaphore, #tpu.memory_space<semaphore_mem>>
      %dma_wait3A_135 = tpu.memref_squeeze %dma_wait3A_134 : memref<1x!tpu.dma_semaphore, #tpu.memory_space<semaphore_mem>> -> memref<!tpu.dma_semaphore, #tpu.memory_space<semaphore_mem>>
      tpu.wait_indirect_dma semaphore(%dma_wait3A_135 : memref<!tpu.dma_semaphore, #tpu.memory_space<semaphore_mem>>) src(%dma_wait3A_133 : memref<10000x128xf32, #tpu.memory_space<hbm>>) dst(%dma_wait3A_127 : memref<128x128xf32, #tpu.memory_space<vmem>>)
      %sub3A_136 = arith.constant 1 : i32
      %sub3A_137 = arith.subi %add3A_4, %sub3A_136 : i32
      %scan3A = arith.constant 0 : i32
      %scan3A_138 = arith.constant 0 : i32
      %scan3A_139 = arith.constant 128 : i32
      %scan3A_140 = arith.addi %scan3A_138, %scan3A_139 : i32
      %scan3A_141 = arith.constant 1 : i32
      scf.for %scan3A_233 = %scan3A_138 to %scan3A_140 step %scan3A_141  : i32 {
        %get3A = arith.constant 1 : i32
        %get3A_234 = arith.index_cast %get3A : i32 to index
        %get3A_235 = arith.index_cast %scan3A_233 : i32 to index
        %get3A_236 = arith.constant 0 : index
        %get3A_237 = tpu.vector_load %arg9[%get3A_234, %get3A_235, %get3A_236] {strides = array<i32>} : memref<3x128x128xf32, #tpu.memory_space<vmem>>, vector<1x1x16xf32>,
        %get3A_238 = vector.shape_cast %get3A_237 : vector<1x1x16xf32> to vector<16xf32>
        %get3A_239 = arith.constant 1 : i32
        %get3A_240 = arith.index_cast %get3A_239 : i32 to index
        %get3A_241 = arith.index_cast %scan3A_233 : i32 to index
        %get3A_242 = arith.constant 0 : index
        %get3A_243 = tpu.vector_load %arg10[%get3A_240, %get3A_241, %get3A_242] {strides = array<i32>} : memref<3x128x128xf32, #tpu.memory_space<vmem>>, vector<1x1x16xf32>,
        %get3A_244 = vector.shape_cast %get3A_243 : vector<1x1x16xf32> to vector<16xf32>
        %add3A_245 = arith.addf %get3A_238, %get3A_244 : vector<16xf32>
        %swap3A = arith.constant 1 : i32
        %swap3A_246 = arith.index_cast %swap3A : i32 to index
        %swap3A_247 = arith.index_cast %scan3A_233 : i32 to index
        %swap3A_248 = arith.constant 0 : index
        %swap3A_249 = tpu.vector_load %arg9[%swap3A_246, %swap3A_247, %swap3A_248] {strides = array<i32>} : memref<3x128x128xf32, #tpu.memory_space<vmem>>, vector<1x1x16xf32>,
        %swap3A_250 = vector.shape_cast %swap3A_249 : vector<1x1x16xf32> to vector<16xf32>
        %swap3A_251 = vector.shape_cast %add3A_245 : vector<16xf32> to vector<1x1x16xf32>
        tpu.vector_store %arg9[%swap3A_246, %swap3A_247, %swap3A_248], %swap3A_251 {strides = array<i32>} : memref<3x128x128xf32, #tpu.memory_space<vmem>>, vector<1x1x16xf32>,
        %get3A_252 = arith.constant 1 : i32
        %get3A_253 = arith.index_cast %get3A_252 : i32 to index
        %get3A_254 = arith.index_cast %scan3A_233 : i32 to index
        %get3A_255 = arith.constant 16 : index
        %get3A_256 = tpu.vector_load %arg9[%get3A_253, %get3A_254, %get3A_255] {strides = array<i32>} : memref<3x128x128xf32, #tpu.memory_space<vmem>>, vector<1x1x16xf32>,
        %get3A_257 = vector.shape_cast %get3A_256 : vector<1x1x16xf32> to vector<16xf32>
        %get3A_258 = arith.constant 1 : i32
        %get3A_259 = arith.index_cast %get3A_258 : i32 to index
        %get3A_260 = arith.index_cast %scan3A_233 : i32 to index
        %get3A_261 = arith.constant 16 : index
        %get3A_262 = tpu.vector_load %arg10[%get3A_259, %get3A_260, %get3A_261] {strides = array<i32>} : memref<3x128x128xf32, #tpu.memory_space<vmem>>, vector<1x1x16xf32>,
        %get3A_263 = vector.shape_cast %get3A_262 : vector<1x1x16xf32> to vector<16xf32>
        %add3A_264 = arith.addf %get3A_257, %get3A_263 : vector<16xf32>
        %swap3A_265 = arith.constant 1 : i32
        %swap3A_266 = arith.index_cast %swap3A_265 : i32 to index
        %swap3A_267 = arith.index_cast %scan3A_233 : i32 to index
        %swap3A_268 = arith.constant 16 : index
        %swap3A_269 = tpu.vector_load %arg9[%swap3A_266, %swap3A_267, %swap3A_268] {strides = array<i32>} : memref<3x128x128xf32, #tpu.memory_space<vmem>>, vector<1x1x16xf32>,
        %swap3A_270 = vector.shape_cast %swap3A_269 : vector<1x1x16xf32> to vector<16xf32>
        %swap3A_271 = vector.shape_cast %add3A_264 : vector<16xf32> to vector<1x1x16xf32>
        tpu.vector_store %arg9[%swap3A_266, %swap3A_267, %swap3A_268], %swap3A_271 {strides = array<i32>} : memref<3x128x128xf32, #tpu.memory_space<vmem>>, vector<1x1x16xf32>,
        %get3A_272 = arith.constant 1 : i32
        %get3A_273 = arith.index_cast %get3A_272 : i32 to index
        %get3A_274 = arith.index_cast %scan3A_233 : i32 to index
        %get3A_275 = arith.constant 32 : index
        %get3A_276 = tpu.vector_load %arg9[%get3A_273, %get3A_274, %get3A_275] {strides = array<i32>} : memref<3x128x128xf32, #tpu.memory_space<vmem>>, vector<1x1x16xf32>,
        %get3A_277 = vector.shape_cast %get3A_276 : vector<1x1x16xf32> to vector<16xf32>
        %get3A_278 = arith.constant 1 : i32
        %get3A_279 = arith.index_cast %get3A_278 : i32 to index
        %get3A_280 = arith.index_cast %scan3A_233 : i32 to index
        %get3A_281 = arith.constant 32 : index
        %get3A_282 = tpu.vector_load %arg10[%get3A_279, %get3A_280, %get3A_281] {strides = array<i32>} : memref<3x128x128xf32, #tpu.memory_space<vmem>>, vector<1x1x16xf32>,
        %get3A_283 = vector.shape_cast %get3A_282 : vector<1x1x16xf32> to vector<16xf32>
        %add3A_284 = arith.addf %get3A_277, %get3A_283 : vector<16xf32>
        %swap3A_285 = arith.constant 1 : i32
        %swap3A_286 = arith.index_cast %swap3A_285 : i32 to index
        %swap3A_287 = arith.index_cast %scan3A_233 : i32 to index
        %swap3A_288 = arith.constant 32 : index
        %swap3A_289 = tpu.vector_load %arg9[%swap3A_286, %swap3A_287, %swap3A_288] {strides = array<i32>} : memref<3x128x128xf32, #tpu.memory_space<vmem>>, vector<1x1x16xf32>,
        %swap3A_290 = vector.shape_cast %swap3A_289 : vector<1x1x16xf32> to vector<16xf32>
        %swap3A_291 = vector.shape_cast %add3A_284 : vector<16xf32> to vector<1x1x16xf32>
        tpu.vector_store %arg9[%swap3A_286, %swap3A_287, %swap3A_288], %swap3A_291 {strides = array<i32>} : memref<3x128x128xf32, #tpu.memory_space<vmem>>, vector<1x1x16xf32>,
        %get3A_292 = arith.constant 1 : i32
        %get3A_293 = arith.index_cast %get3A_292 : i32 to index
        %get3A_294 = arith.index_cast %scan3A_233 : i32 to index
        %get3A_295 = arith.constant 48 : index
        %get3A_296 = tpu.vector_load %arg9[%get3A_293, %get3A_294, %get3A_295] {strides = array<i32>} : memref<3x128x128xf32, #tpu.memory_space<vmem>>, vector<1x1x16xf32>,
        %get3A_297 = vector.shape_cast %get3A_296 : vector<1x1x16xf32> to vector<16xf32>
        %get3A_298 = arith.constant 1 : i32
        %get3A_299 = arith.index_cast %get3A_298 : i32 to index
        %get3A_300 = arith.index_cast %scan3A_233 : i32 to index
        %get3A_301 = arith.constant 48 : index
        %get3A_302 = tpu.vector_load %arg10[%get3A_299, %get3A_300, %get3A_301] {strides = array<i32>} : memref<3x128x128xf32, #tpu.memory_space<vmem>>, vector<1x1x16xf32>,
        %get3A_303 = vector.shape_cast %get3A_302 : vector<1x1x16xf32> to vector<16xf32>
        %add3A_304 = arith.addf %get3A_297, %get3A_303 : vector<16xf32>
        %swap3A_305 = arith.constant 1 : i32
        %swap3A_306 = arith.index_cast %swap3A_305 : i32 to index
        %swap3A_307 = arith.index_cast %scan3A_233 : i32 to index
        %swap3A_308 = arith.constant 48 : index
        %swap3A_309 = tpu.vector_load %arg9[%swap3A_306, %swap3A_307, %swap3A_308] {strides = array<i32>} : memref<3x128x128xf32, #tpu.memory_space<vmem>>, vector<1x1x16xf32>,
        %swap3A_310 = vector.shape_cast %swap3A_309 : vector<1x1x16xf32> to vector<16xf32>
        %swap3A_311 = vector.shape_cast %add3A_304 : vector<16xf32> to vector<1x1x16xf32>
        tpu.vector_store %arg9[%swap3A_306, %swap3A_307, %swap3A_308], %swap3A_311 {strides = array<i32>} : memref<3x128x128xf32, #tpu.memory_space<vmem>>, vector<1x1x16xf32>,
        %get3A_312 = arith.constant 1 : i32
        %get3A_313 = arith.index_cast %get3A_312 : i32 to index
        %get3A_314 = arith.index_cast %scan3A_233 : i32 to index
        %get3A_315 = arith.constant 64 : index
        %get3A_316 = tpu.vector_load %arg9[%get3A_313, %get3A_314, %get3A_315] {strides = array<i32>} : memref<3x128x128xf32, #tpu.memory_space<vmem>>, vector<1x1x16xf32>,
        %get3A_317 = vector.shape_cast %get3A_316 : vector<1x1x16xf32> to vector<16xf32>
        %get3A_318 = arith.constant 1 : i32
        %get3A_319 = arith.index_cast %get3A_318 : i32 to index
        %get3A_320 = arith.index_cast %scan3A_233 : i32 to index
        %get3A_321 = arith.constant 64 : index
        %get3A_322 = tpu.vector_load %arg10[%get3A_319, %get3A_320, %get3A_321] {strides = array<i32>} : memref<3x128x128xf32, #tpu.memory_space<vmem>>, vector<1x1x16xf32>,
        %get3A_323 = vector.shape_cast %get3A_322 : vector<1x1x16xf32> to vector<16xf32>
        %add3A_324 = arith.addf %get3A_317, %get3A_323 : vector<16xf32>
        %swap3A_325 = arith.constant 1 : i32
        %swap3A_326 = arith.index_cast %swap3A_325 : i32 to index
        %swap3A_327 = arith.index_cast %scan3A_233 : i32 to index
        %swap3A_328 = arith.constant 64 : index
        %swap3A_329 = tpu.vector_load %arg9[%swap3A_326, %swap3A_327, %swap3A_328] {strides = array<i32>} : memref<3x128x128xf32, #tpu.memory_space<vmem>>, vector<1x1x16xf32>,
        %swap3A_330 = vector.shape_cast %swap3A_329 : vector<1x1x16xf32> to vector<16xf32>
        %swap3A_331 = vector.shape_cast %add3A_324 : vector<16xf32> to vector<1x1x16xf32>
        tpu.vector_store %arg9[%swap3A_326, %swap3A_327, %swap3A_328], %swap3A_331 {strides = array<i32>} : memref<3x128x128xf32, #tpu.memory_space<vmem>>, vector<1x1x16xf32>,
        %get3A_332 = arith.constant 1 : i32
        %get3A_333 = arith.index_cast %get3A_332 : i32 to index
        %get3A_334 = arith.index_cast %scan3A_233 : i32 to index
        %get3A_335 = arith.constant 80 : index
        %get3A_336 = tpu.vector_load %arg9[%get3A_333, %get3A_334, %get3A_335] {strides = array<i32>} : memref<3x128x128xf32, #tpu.memory_space<vmem>>, vector<1x1x16xf32>,
        %get3A_337 = vector.shape_cast %get3A_336 : vector<1x1x16xf32> to vector<16xf32>
        %get3A_338 = arith.constant 1 : i32
        %get3A_339 = arith.index_cast %get3A_338 : i32 to index
        %get3A_340 = arith.index_cast %scan3A_233 : i32 to index
        %get3A_341 = arith.constant 80 : index
        %get3A_342 = tpu.vector_load %arg10[%get3A_339, %get3A_340, %get3A_341] {strides = array<i32>} : memref<3x128x128xf32, #tpu.memory_space<vmem>>, vector<1x1x16xf32>,
        %get3A_343 = vector.shape_cast %get3A_342 : vector<1x1x16xf32> to vector<16xf32>
        %add3A_344 = arith.addf %get3A_337, %get3A_343 : vector<16xf32>
        %swap3A_345 = arith.constant 1 : i32
        %swap3A_346 = arith.index_cast %swap3A_345 : i32 to index
        %swap3A_347 = arith.index_cast %scan3A_233 : i32 to index
        %swap3A_348 = arith.constant 80 : index
        %swap3A_349 = tpu.vector_load %arg9[%swap3A_346, %swap3A_347, %swap3A_348] {strides = array<i32>} : memref<3x128x128xf32, #tpu.memory_space<vmem>>, vector<1x1x16xf32>,
        %swap3A_350 = vector.shape_cast %swap3A_349 : vector<1x1x16xf32> to vector<16xf32>
        %swap3A_351 = vector.shape_cast %add3A_344 : vector<16xf32> to vector<1x1x16xf32>
        tpu.vector_store %arg9[%swap3A_346, %swap3A_347, %swap3A_348], %swap3A_351 {strides = array<i32>} : memref<3x128x128xf32, #tpu.memory_space<vmem>>, vector<1x1x16xf32>,
        %get3A_352 = arith.constant 1 : i32
        %get3A_353 = arith.index_cast %get3A_352 : i32 to index
        %get3A_354 = arith.index_cast %scan3A_233 : i32 to index
        %get3A_355 = arith.constant 96 : index
        %get3A_356 = tpu.vector_load %arg9[%get3A_353, %get3A_354, %get3A_355] {strides = array<i32>} : memref<3x128x128xf32, #tpu.memory_space<vmem>>, vector<1x1x16xf32>,
        %get3A_357 = vector.shape_cast %get3A_356 : vector<1x1x16xf32> to vector<16xf32>
        %get3A_358 = arith.constant 1 : i32
        %get3A_359 = arith.index_cast %get3A_358 : i32 to index
        %get3A_360 = arith.index_cast %scan3A_233 : i32 to index
        %get3A_361 = arith.constant 96 : index
        %get3A_362 = tpu.vector_load %arg10[%get3A_359, %get3A_360, %get3A_361] {strides = array<i32>} : memref<3x128x128xf32, #tpu.memory_space<vmem>>, vector<1x1x16xf32>,
        %get3A_363 = vector.shape_cast %get3A_362 : vector<1x1x16xf32> to vector<16xf32>
        %add3A_364 = arith.addf %get3A_357, %get3A_363 : vector<16xf32>
        %swap3A_365 = arith.constant 1 : i32
        %swap3A_366 = arith.index_cast %swap3A_365 : i32 to index
        %swap3A_367 = arith.index_cast %scan3A_233 : i32 to index
        %swap3A_368 = arith.constant 96 : index
        %swap3A_369 = tpu.vector_load %arg9[%swap3A_366, %swap3A_367, %swap3A_368] {strides = array<i32>} : memref<3x128x128xf32, #tpu.memory_space<vmem>>, vector<1x1x16xf32>,
        %swap3A_370 = vector.shape_cast %swap3A_369 : vector<1x1x16xf32> to vector<16xf32>
        %swap3A_371 = vector.shape_cast %add3A_364 : vector<16xf32> to vector<1x1x16xf32>
        tpu.vector_store %arg9[%swap3A_366, %swap3A_367, %swap3A_368], %swap3A_371 {strides = array<i32>} : memref<3x128x128xf32, #tpu.memory_space<vmem>>, vector<1x1x16xf32>,
        %get3A_372 = arith.constant 1 : i32
        %get3A_373 = arith.index_cast %get3A_372 : i32 to index
        %get3A_374 = arith.index_cast %scan3A_233 : i32 to index
        %get3A_375 = arith.constant 112 : index
        %get3A_376 = tpu.vector_load %arg9[%get3A_373, %get3A_374, %get3A_375] {strides = array<i32>} : memref<3x128x128xf32, #tpu.memory_space<vmem>>, vector<1x1x16xf32>,
        %get3A_377 = vector.shape_cast %get3A_376 : vector<1x1x16xf32> to vector<16xf32>
        %get3A_378 = arith.constant 1 : i32
        %get3A_379 = arith.index_cast %get3A_378 : i32 to index
        %get3A_380 = arith.index_cast %scan3A_233 : i32 to index
        %get3A_381 = arith.constant 112 : index
        %get3A_382 = tpu.vector_load %arg10[%get3A_379, %get3A_380, %get3A_381] {strides = array<i32>} : memref<3x128x128xf32, #tpu.memory_space<vmem>>, vector<1x1x16xf32>,
        %get3A_383 = vector.shape_cast %get3A_382 : vector<1x1x16xf32> to vector<16xf32>
        %add3A_384 = arith.addf %get3A_377, %get3A_383 : vector<16xf32>
        %swap3A_385 = arith.constant 1 : i32
        %swap3A_386 = arith.index_cast %swap3A_385 : i32 to index
        %swap3A_387 = arith.index_cast %scan3A_233 : i32 to index
        %swap3A_388 = arith.constant 112 : index
        %swap3A_389 = tpu.vector_load %arg9[%swap3A_386, %swap3A_387, %swap3A_388] {strides = array<i32>} : memref<3x128x128xf32, #tpu.memory_space<vmem>>, vector<1x1x16xf32>,
        %swap3A_390 = vector.shape_cast %swap3A_389 : vector<1x1x16xf32> to vector<16xf32>
        %swap3A_391 = vector.shape_cast %add3A_384 : vector<16xf32> to vector<1x1x16xf32>
        tpu.vector_store %arg9[%swap3A_386, %swap3A_387, %swap3A_388], %swap3A_391 {strides = array<i32>} : memref<3x128x128xf32, #tpu.memory_space<vmem>>, vector<1x1x16xf32>,
      }
      %scan3A_142 = arith.constant 128 : i32
      %mul3A_143 = arith.constant 32 : i32
      %mul3A_144 = arith.muli %mul3A_143, %sub3A_137 : i32
      %add3A_145 = arith.addi %add3A, %mul3A_144 : i32
      %mul3A_146 = arith.constant 128 : i32
      %mul3A_147 = arith.muli %add3A_145, %mul3A_146 : i32
      %dma_start3A_148 = arith.constant 1 : i32
      %dma_start3A_149 = arith.constant 1 : i32
      %dma_start3A_150 = arith.constant 0 : i32
      %dma_start3A_151 = arith.constant 0 : i32
      %dma_start3A_152 = tpu.memref_slice %arg9[%dma_start3A_148, %dma_start3A_150, %dma_start3A_151] : memref<3x128x128xf32, #tpu.memory_space<vmem>> -> memref<1x128x128xf32, #tpu.memory_space<vmem>>
      %dma_start3A_153 = tpu.memref_squeeze %dma_start3A_152 : memref<1x128x128xf32, #tpu.memory_space<vmem>> -> memref<128x128xf32, #tpu.memory_space<vmem>>
      %dma_start3A_154 = arith.constant 0 : i32
      %dma_start3A_155 = tpu.memref_slice %arg6[%mul3A_147, %dma_start3A_154] : memref<320000x128xf32, #tpu.memory_space<hbm>> -> memref<128x128xf32, #tpu.memory_space<hbm>>
      %dma_start3A_156 = tpu.memref_slice %arg14[%dma_start3A_149] : memref<3x!tpu.dma_semaphore, #tpu.memory_space<semaphore_mem>> -> memref<1x!tpu.dma_semaphore, #tpu.memory_space<semaphore_mem>>
      %dma_start3A_157 = tpu.memref_squeeze %dma_start3A_156 : memref<1x!tpu.dma_semaphore, #tpu.memory_space<semaphore_mem>> -> memref<!tpu.dma_semaphore, #tpu.memory_space<semaphore_mem>>
      %dma_start3A_158 = arith.constant 0 : i32
      %dma_start3A_159 = tpu.memref_slice %arg6[%mul3A_147, %dma_start3A_158] : memref<320000x128xf32, #tpu.memory_space<hbm>> -> memref<128x128xf32, #tpu.memory_space<hbm>>
      %dma_start3A_160 = arith.constant 0 : i32
      %dma_start3A_161 = arith.constant 0 : i32
      %dma_start3A_162 = tpu.memref_slice %arg9[%dma_start3A_148, %dma_start3A_160, %dma_start3A_161] : memref<3x128x128xf32, #tpu.memory_space<vmem>> -> memref<1x128x128xf32, #tpu.memory_space<vmem>>
      %dma_start3A_163 = tpu.memref_squeeze %dma_start3A_162 : memref<1x128x128xf32, #tpu.memory_space<vmem>> -> memref<128x128xf32, #tpu.memory_space<vmem>>
      tpu.enqueue_dma source(%dma_start3A_163 : memref<128x128xf32, #tpu.memory_space<vmem>>) target(%dma_start3A_159 : memref<128x128xf32, #tpu.memory_space<hbm>>) target_semaphore(%dma_start3A_157 : memref<!tpu.dma_semaphore, #tpu.memory_space<semaphore_mem>>)
      %sub3A_164 = arith.constant 3 : i32
      %sub3A_165 = arith.subi %add3A_4, %sub3A_164 : i32
      %mul3A_166 = arith.constant 32 : i32
      %mul3A_167 = arith.muli %mul3A_166, %sub3A_165 : i32
      %add3A_168 = arith.addi %add3A, %mul3A_167 : i32
      %mul3A_169 = arith.constant 128 : i32
      %mul3A_170 = arith.muli %add3A_168, %mul3A_169 : i32
      %dma_wait3A_171 = arith.constant 2 : i32
      %dma_wait3A_172 = arith.constant 2 : i32
      %dma_wait3A_173 = arith.constant 0 : i32
      %dma_wait3A_174 = arith.constant 0 : i32
      %dma_wait3A_175 = tpu.memref_slice %arg9[%dma_wait3A_171, %dma_wait3A_173, %dma_wait3A_174] : memref<3x128x128xf32, #tpu.memory_space<vmem>> -> memref<1x128x128xf32, #tpu.memory_space<vmem>>
      %dma_wait3A_176 = tpu.memref_squeeze %dma_wait3A_175 : memref<1x128x128xf32, #tpu.memory_space<vmem>> -> memref<128x128xf32, #tpu.memory_space<vmem>>
      %dma_wait3A_177 = arith.constant 0 : i32
      %dma_wait3A_178 = tpu.memref_slice %arg6[%mul3A_170, %dma_wait3A_177] : memref<320000x128xf32, #tpu.memory_space<hbm>> -> memref<128x128xf32, #tpu.memory_space<hbm>>
      %dma_wait3A_179 = tpu.memref_slice %arg14[%dma_wait3A_172] : memref<3x!tpu.dma_semaphore, #tpu.memory_space<semaphore_mem>> -> memref<1x!tpu.dma_semaphore, #tpu.memory_space<semaphore_mem>>
      %dma_wait3A_180 = tpu.memref_squeeze %dma_wait3A_179 : memref<1x!tpu.dma_semaphore, #tpu.memory_space<semaphore_mem>> -> memref<!tpu.dma_semaphore, #tpu.memory_space<semaphore_mem>>
      %dma_wait3A_181 = arith.constant 0 : i32
      %dma_wait3A_182 = tpu.memref_slice %arg6[%mul3A_170, %dma_wait3A_181] : memref<320000x128xf32, #tpu.memory_space<hbm>> -> memref<128x128xf32, #tpu.memory_space<hbm>>
      %dma_wait3A_183 = arith.constant 0 : i32
      %dma_wait3A_184 = arith.constant 0 : i32
      %dma_wait3A_185 = tpu.memref_slice %arg9[%dma_wait3A_171, %dma_wait3A_183, %dma_wait3A_184] : memref<3x128x128xf32, #tpu.memory_space<vmem>> -> memref<1x128x128xf32, #tpu.memory_space<vmem>>
      %dma_wait3A_186 = tpu.memref_squeeze %dma_wait3A_185 : memref<1x128x128xf32, #tpu.memory_space<vmem>> -> memref<128x128xf32, #tpu.memory_space<vmem>>
      tpu.wait_dma2 semaphore(%dma_wait3A_180 : memref<!tpu.dma_semaphore, #tpu.memory_space<semaphore_mem>>) src(%dma_wait3A_186 : memref<128x128xf32, #tpu.memory_space<vmem>>) dst(%dma_wait3A_182 : memref<128x128xf32, #tpu.memory_space<hbm>>)
      %sub3A_187 = arith.constant 2 : i32
      %sub3A_188 = arith.subi %add3A_4, %sub3A_187 : i32
      %mul3A_189 = arith.constant 32 : i32
      %mul3A_190 = arith.muli %mul3A_189, %sub3A_188 : i32
      %add3A_191 = arith.addi %add3A, %mul3A_190 : i32
      %mul3A_192 = arith.constant 128 : i32
      %mul3A_193 = arith.muli %add3A_191, %mul3A_192 : i32
      %dma_wait3A_194 = arith.constant 0 : i32
      %dma_wait3A_195 = arith.constant 0 : i32
      %dma_wait3A_196 = arith.constant 0 : i32
      %dma_wait3A_197 = arith.constant 0 : i32
      %dma_wait3A_198 = tpu.memref_slice %arg9[%dma_wait3A_194, %dma_wait3A_196, %dma_wait3A_197] : memref<3x128x128xf32, #tpu.memory_space<vmem>> -> memref<1x128x128xf32, #tpu.memory_space<vmem>>
      %dma_wait3A_199 = tpu.memref_squeeze %dma_wait3A_198 : memref<1x128x128xf32, #tpu.memory_space<vmem>> -> memref<128x128xf32, #tpu.memory_space<vmem>>
      %dma_wait3A_200 = arith.constant 0 : i32
      %dma_wait3A_201 = tpu.memref_slice %arg6[%mul3A_193, %dma_wait3A_200] : memref<320000x128xf32, #tpu.memory_space<hbm>> -> memref<128x128xf32, #tpu.memory_space<hbm>>
      %dma_wait3A_202 = tpu.memref_slice %arg14[%dma_wait3A_195] : memref<3x!tpu.dma_semaphore, #tpu.memory_space<semaphore_mem>> -> memref<1x!tpu.dma_semaphore, #tpu.memory_space<semaphore_mem>>
      %dma_wait3A_203 = tpu.memref_squeeze %dma_wait3A_202 : memref<1x!tpu.dma_semaphore, #tpu.memory_space<semaphore_mem>> -> memref<!tpu.dma_semaphore, #tpu.memory_space<semaphore_mem>>
      %dma_wait3A_204 = arith.constant 0 : i32
      %dma_wait3A_205 = tpu.memref_slice %arg6[%mul3A_193, %dma_wait3A_204] : memref<320000x128xf32, #tpu.memory_space<hbm>> -> memref<128x128xf32, #tpu.memory_space<hbm>>
      %dma_wait3A_206 = arith.constant 0 : i32
      %dma_wait3A_207 = arith.constant 0 : i32
      %dma_wait3A_208 = tpu.memref_slice %arg9[%dma_wait3A_194, %dma_wait3A_206, %dma_wait3A_207] : memref<3x128x128xf32, #tpu.memory_space<vmem>> -> memref<1x128x128xf32, #tpu.memory_space<vmem>>
      %dma_wait3A_209 = tpu.memref_squeeze %dma_wait3A_208 : memref<1x128x128xf32, #tpu.memory_space<vmem>> -> memref<128x128xf32, #tpu.memory_space<vmem>>
      tpu.wait_dma2 semaphore(%dma_wait3A_203 : memref<!tpu.dma_semaphore, #tpu.memory_space<semaphore_mem>>) src(%dma_wait3A_209 : memref<128x128xf32, #tpu.memory_space<vmem>>) dst(%dma_wait3A_205 : memref<128x128xf32, #tpu.memory_space<hbm>>)
      %sub3A_210 = arith.constant 1 : i32
      %sub3A_211 = arith.subi %add3A_4, %sub3A_210 : i32
      %mul3A_212 = arith.constant 32 : i32
      %mul3A_213 = arith.muli %mul3A_212, %sub3A_211 : i32
      %add3A_214 = arith.addi %add3A, %mul3A_213 : i32
      %mul3A_215 = arith.constant 128 : i32
      %mul3A_216 = arith.muli %add3A_214, %mul3A_215 : i32
      %dma_wait3A_217 = arith.constant 1 : i32
      %dma_wait3A_218 = arith.constant 1 : i32
      %dma_wait3A_219 = arith.constant 0 : i32
      %dma_wait3A_220 = arith.constant 0 : i32
      %dma_wait3A_221 = tpu.memref_slice %arg9[%dma_wait3A_217, %dma_wait3A_219, %dma_wait3A_220] : memref<3x128x128xf32, #tpu.memory_space<vmem>> -> memref<1x128x128xf32, #tpu.memory_space<vmem>>
      %dma_wait3A_222 = tpu.memref_squeeze %dma_wait3A_221 : memref<1x128x128xf32, #tpu.memory_space<vmem>> -> memref<128x128xf32, #tpu.memory_space<vmem>>
      %dma_wait3A_223 = arith.constant 0 : i32
      %dma_wait3A_224 = tpu.memref_slice %arg6[%mul3A_216, %dma_wait3A_223] : memref<320000x128xf32, #tpu.memory_space<hbm>> -> memref<128x128xf32, #tpu.memory_space<hbm>>
      %dma_wait3A_225 = tpu.memref_slice %arg14[%dma_wait3A_218] : memref<3x!tpu.dma_semaphore, #tpu.memory_space<semaphore_mem>> -> memref<1x!tpu.dma_semaphore, #tpu.memory_space<semaphore_mem>>
      %dma_wait3A_226 = tpu.memref_squeeze %dma_wait3A_225 : memref<1x!tpu.dma_semaphore, #tpu.memory_space<semaphore_mem>> -> memref<!tpu.dma_semaphore, #tpu.memory_space<semaphore_mem>>
      %dma_wait3A_227 = arith.constant 0 : i32
      %dma_wait3A_228 = tpu.memref_slice %arg6[%mul3A_216, %dma_wait3A_227] : memref<320000x128xf32, #tpu.memory_space<hbm>> -> memref<128x128xf32, #tpu.memory_space<hbm>>
      %dma_wait3A_229 = arith.constant 0 : i32
      %dma_wait3A_230 = arith.constant 0 : i32
      %dma_wait3A_231 = tpu.memref_slice %arg9[%dma_wait3A_217, %dma_wait3A_229, %dma_wait3A_230] : memref<3x128x128xf32, #tpu.memory_space<vmem>> -> memref<1x128x128xf32, #tpu.memory_space<vmem>>
      %dma_wait3A_232 = tpu.memref_squeeze %dma_wait3A_231 : memref<1x128x128xf32, #tpu.memory_space<vmem>> -> memref<128x128xf32, #tpu.memory_space<vmem>>
      tpu.wait_dma2 semaphore(%dma_wait3A_226 : memref<!tpu.dma_semaphore, #tpu.memory_space<semaphore_mem>>) src(%dma_wait3A_232 : memref<128x128xf32, #tpu.memory_space<vmem>>) dst(%dma_wait3A_228 : memref<128x128xf32, #tpu.memory_space<hbm>>)
    } else {
    }
    %sub3A_84 = arith.constant 1 : i32
    %sub3A_85 = arith.subi %add3A_4, %sub3A_84 : i32
    %jit3A_86 = arith.constant 3 : i32
    %eq3A_87 = arith.constant 0 : i32
    %eq3A_88 = arith.cmpi eq, %jit3A_86, %eq3A_87 : i32
    %jit3A_89 = arith.constant 1 : i32
    %select_n3A_90 = arith.select %eq3A_88, %jit3A_89, %jit3A_86 : i32
    %rem3A_91 = arith.remsi %sub3A_85, %select_n3A_90 : i32
    %ne3A_92 = arith.constant 0 : i32
    %ne3A_93 = arith.cmpi ne, %rem3A_91, %ne3A_92 : i32
    %lt3A_94 = arith.constant 0 : i32
    %lt3A_95 = arith.cmpi slt, %rem3A_91, %lt3A_94 : i32
    %lt3A_96 = arith.constant 0 : i32
    %lt3A_97 = arith.cmpi slt, %select_n3A_90, %lt3A_96 : i32
    %ne3A_98 = arith.xori %lt3A_95, %lt3A_97 : i1
    %and3A_99 = arith.andi %ne3A_98, %ne3A_93 : i1
    %add3A_100 = arith.addi %rem3A_91, %select_n3A_90 : i32
    %select_n3A_101 = arith.select %and3A_99, %add3A_100, %rem3A_91 : i32
    %eq3A_102 = arith.constant 2 : i32
    %eq3A_103 = arith.cmpi eq, %select_n3A_101, %eq3A_102 : i32
    %convert_element_type3A_104 = arith.extui %eq3A_103 : i1 to i32
    %cond3A_105 = arith.constant 0 : i32
    %cond3A_106 = arith.cmpi ne, %convert_element_type3A_104, %cond3A_105 : i32
    scf.if %cond3A_106 {
      %dma_wait3A = arith.constant 2 : i32
      %dma_wait3A_107 = arith.constant 2 : i32
      %dma_wait3A_108 = arith.constant 2 : i32
      %dma_wait3A_109 = arith.constant 0 : i32
      %dma_wait3A_110 = arith.constant 0 : i32
      %dma_wait3A_111 = tpu.memref_slice %arg9[%dma_wait3A_107, %dma_wait3A_109, %dma_wait3A_110] : memref<3x128x128xf32, #tpu.memory_space<vmem>> -> memref<1x128x128xf32, #tpu.memory_space<vmem>>
      %dma_wait3A_112 = tpu.memref_squeeze %dma_wait3A_111 : memref<1x128x128xf32, #tpu.memory_space<vmem>> -> memref<128x128xf32, #tpu.memory_space<vmem>>
      %dma_wait3A_113 = arith.constant 0 : i32
      %dma_wait3A_114 = tpu.memref_slice %arg7[%dma_wait3A, %dma_wait3A_113] : memref<3x128xi32, #tpu.memory_space<vmem>> -> memref<1x128xi32, #tpu.memory_space<vmem>>
      %dma_wait3A_115 = tpu.memref_squeeze %dma_wait3A_114 : memref<1x128xi32, #tpu.memory_space<vmem>> -> memref<128xi32, #tpu.memory_space<vmem>>
      %dma_wait3A_116 = arith.constant 0 : i32
      %dma_wait3A_117 = arith.constant 0 : i32
      %dma_wait3A_118 = tpu.memref_slice %arg2[%dma_wait3A_116, %dma_wait3A_117] : memref<10000x128xf32, #tpu.memory_space<hbm>> -> memref<10000x128xf32, #tpu.memory_space<hbm>>
      %dma_wait3A_119 = tpu.memref_slice %arg13[%dma_wait3A_108] : memref<3x!tpu.dma_semaphore, #tpu.memory_space<semaphore_mem>> -> memref<1x!tpu.dma_semaphore, #tpu.memory_space<semaphore_mem>>
      %dma_wait3A_120 = tpu.memref_squeeze %dma_wait3A_119 : memref<1x!tpu.dma_semaphore, #tpu.memory_space<semaphore_mem>> -> memref<!tpu.dma_semaphore, #tpu.memory_space<semaphore_mem>>
      tpu.wait_indirect_dma semaphore(%dma_wait3A_120 : memref<!tpu.dma_semaphore, #tpu.memory_space<semaphore_mem>>) src(%dma_wait3A_118 : memref<10000x128xf32, #tpu.memory_space<hbm>>) dst(%dma_wait3A_112 : memref<128x128xf32, #tpu.memory_space<vmem>>)
      %dma_wait3A_121 = arith.constant 2 : i32
      %dma_wait3A_122 = arith.constant 2 : i32
      %dma_wait3A_123 = arith.constant 2 : i32
      %dma_wait3A_124 = arith.constant 0 : i32
      %dma_wait3A_125 = arith.constant 0 : i32
      %dma_wait3A_126 = tpu.memref_slice %arg10[%dma_wait3A_122, %dma_wait3A_124, %dma_wait3A_125] : memref<3x128x128xf32, #tpu.memory_space<vmem>> -> memref<1x128x128xf32, #tpu.memory_space<vmem>>
      %dma_wait3A_127 = tpu.memref_squeeze %dma_wait3A_126 : memref<1x128x128xf32, #tpu.memory_space<vmem>> -> memref<128x128xf32, #tpu.memory_space<vmem>>
      %dma_wait3A_128 = arith.constant 0 : i32
      %dma_wait3A_129 = tpu.memref_slice %arg8[%dma_wait3A_121, %dma_wait3A_128] : memref<3x128xi32, #tpu.memory_space<vmem>> -> memref<1x128xi32, #tpu.memory_space<vmem>>
      %dma_wait3A_130 = tpu.memref_squeeze %dma_wait3A_129 : memref<1x128xi32, #tpu.memory_space<vmem>> -> memref<128xi32, #tpu.memory_space<vmem>>
      %dma_wait3A_131 = arith.constant 0 : i32
      %dma_wait3A_132 = arith.constant 0 : i32
      %dma_wait3A_133 = tpu.memref_slice %arg3[%dma_wait3A_131, %dma_wait3A_132] : memref<10000x128xf32, #tpu.memory_space<hbm>> -> memref<10000x128xf32, #tpu.memory_space<hbm>>
      %dma_wait3A_134 = tpu.memref_slice %arg13[%dma_wait3A_123] : memref<3x!tpu.dma_semaphore, #tpu.memory_space<semaphore_mem>> -> memref<1x!tpu.dma_semaphore, #tpu.memory_space<semaphore_mem>>
      %dma_wait3A_135 = tpu.memref_squeeze %dma_wait3A_134 : memref<1x!tpu.dma_semaphore, #tpu.memory_space<semaphore_mem>> -> memref<!tpu.dma_semaphore, #tpu.memory_space<semaphore_mem>>
      tpu.wait_indirect_dma semaphore(%dma_wait3A_135 : memref<!tpu.dma_semaphore, #tpu.memory_space<semaphore_mem>>) src(%dma_wait3A_133 : memref<10000x128xf32, #tpu.memory_space<hbm>>) dst(%dma_wait3A_127 : memref<128x128xf32, #tpu.memory_space<vmem>>)
      %sub3A_136 = arith.constant 1 : i32
      %sub3A_137 = arith.subi %add3A_4, %sub3A_136 : i32
      %scan3A = arith.constant 0 : i32
      %scan3A_138 = arith.constant 0 : i32
      %scan3A_139 = arith.constant 128 : i32
      %scan3A_140 = arith.addi %scan3A_138, %scan3A_139 : i32
      %scan3A_141 = arith.constant 1 : i32
      scf.for %scan3A_233 = %scan3A_138 to %scan3A_140 step %scan3A_141  : i32 {
        %get3A = arith.constant 2 : i32
        %get3A_234 = arith.index_cast %get3A : i32 to index
        %get3A_235 = arith.index_cast %scan3A_233 : i32 to index
        %get3A_236 = arith.constant 0 : index
        %get3A_237 = tpu.vector_load %arg9[%get3A_234, %get3A_235, %get3A_236] {strides = array<i32>} : memref<3x128x128xf32, #tpu.memory_space<vmem>>, vector<1x1x16xf32>,
        %get3A_238 = vector.shape_cast %get3A_237 : vector<1x1x16xf32> to vector<16xf32>
        %get3A_239 = arith.constant 2 : i32
        %get3A_240 = arith.index_cast %get3A_239 : i32 to index
        %get3A_241 = arith.index_cast %scan3A_233 : i32 to index
        %get3A_242 = arith.constant 0 : index
        %get3A_243 = tpu.vector_load %arg10[%get3A_240, %get3A_241, %get3A_242] {strides = array<i32>} : memref<3x128x128xf32, #tpu.memory_space<vmem>>, vector<1x1x16xf32>,
        %get3A_244 = vector.shape_cast %get3A_243 : vector<1x1x16xf32> to vector<16xf32>
        %add3A_245 = arith.addf %get3A_238, %get3A_244 : vector<16xf32>
        %swap3A = arith.constant 2 : i32
        %swap3A_246 = arith.index_cast %swap3A : i32 to index
        %swap3A_247 = arith.index_cast %scan3A_233 : i32 to index
        %swap3A_248 = arith.constant 0 : index
        %swap3A_249 = tpu.vector_load %arg9[%swap3A_246, %swap3A_247, %swap3A_248] {strides = array<i32>} : memref<3x128x128xf32, #tpu.memory_space<vmem>>, vector<1x1x16xf32>,
        %swap3A_250 = vector.shape_cast %swap3A_249 : vector<1x1x16xf32> to vector<16xf32>
        %swap3A_251 = vector.shape_cast %add3A_245 : vector<16xf32> to vector<1x1x16xf32>
        tpu.vector_store %arg9[%swap3A_246, %swap3A_247, %swap3A_248], %swap3A_251 {strides = array<i32>} : memref<3x128x128xf32, #tpu.memory_space<vmem>>, vector<1x1x16xf32>,
        %get3A_252 = arith.constant 2 : i32
        %get3A_253 = arith.index_cast %get3A_252 : i32 to index
        %get3A_254 = arith.index_cast %scan3A_233 : i32 to index
        %get3A_255 = arith.constant 16 : index
        %get3A_256 = tpu.vector_load %arg9[%get3A_253, %get3A_254, %get3A_255] {strides = array<i32>} : memref<3x128x128xf32, #tpu.memory_space<vmem>>, vector<1x1x16xf32>,
        %get3A_257 = vector.shape_cast %get3A_256 : vector<1x1x16xf32> to vector<16xf32>
        %get3A_258 = arith.constant 2 : i32
        %get3A_259 = arith.index_cast %get3A_258 : i32 to index
        %get3A_260 = arith.index_cast %scan3A_233 : i32 to index
        %get3A_261 = arith.constant 16 : index
        %get3A_262 = tpu.vector_load %arg10[%get3A_259, %get3A_260, %get3A_261] {strides = array<i32>} : memref<3x128x128xf32, #tpu.memory_space<vmem>>, vector<1x1x16xf32>,
        %get3A_263 = vector.shape_cast %get3A_262 : vector<1x1x16xf32> to vector<16xf32>
        %add3A_264 = arith.addf %get3A_257, %get3A_263 : vector<16xf32>
        %swap3A_265 = arith.constant 2 : i32
        %swap3A_266 = arith.index_cast %swap3A_265 : i32 to index
        %swap3A_267 = arith.index_cast %scan3A_233 : i32 to index
        %swap3A_268 = arith.constant 16 : index
        %swap3A_269 = tpu.vector_load %arg9[%swap3A_266, %swap3A_267, %swap3A_268] {strides = array<i32>} : memref<3x128x128xf32, #tpu.memory_space<vmem>>, vector<1x1x16xf32>,
        %swap3A_270 = vector.shape_cast %swap3A_269 : vector<1x1x16xf32> to vector<16xf32>
        %swap3A_271 = vector.shape_cast %add3A_264 : vector<16xf32> to vector<1x1x16xf32>
        tpu.vector_store %arg9[%swap3A_266, %swap3A_267, %swap3A_268], %swap3A_271 {strides = array<i32>} : memref<3x128x128xf32, #tpu.memory_space<vmem>>, vector<1x1x16xf32>,
        %get3A_272 = arith.constant 2 : i32
        %get3A_273 = arith.index_cast %get3A_272 : i32 to index
        %get3A_274 = arith.index_cast %scan3A_233 : i32 to index
        %get3A_275 = arith.constant 32 : index
        %get3A_276 = tpu.vector_load %arg9[%get3A_273, %get3A_274, %get3A_275] {strides = array<i32>} : memref<3x128x128xf32, #tpu.memory_space<vmem>>, vector<1x1x16xf32>,
        %get3A_277 = vector.shape_cast %get3A_276 : vector<1x1x16xf32> to vector<16xf32>
        %get3A_278 = arith.constant 2 : i32
        %get3A_279 = arith.index_cast %get3A_278 : i32 to index
        %get3A_280 = arith.index_cast %scan3A_233 : i32 to index
        %get3A_281 = arith.constant 32 : index
        %get3A_282 = tpu.vector_load %arg10[%get3A_279, %get3A_280, %get3A_281] {strides = array<i32>} : memref<3x128x128xf32, #tpu.memory_space<vmem>>, vector<1x1x16xf32>,
        %get3A_283 = vector.shape_cast %get3A_282 : vector<1x1x16xf32> to vector<16xf32>
        %add3A_284 = arith.addf %get3A_277, %get3A_283 : vector<16xf32>
        %swap3A_285 = arith.constant 2 : i32
        %swap3A_286 = arith.index_cast %swap3A_285 : i32 to index
        %swap3A_287 = arith.index_cast %scan3A_233 : i32 to index
        %swap3A_288 = arith.constant 32 : index
        %swap3A_289 = tpu.vector_load %arg9[%swap3A_286, %swap3A_287, %swap3A_288] {strides = array<i32>} : memref<3x128x128xf32, #tpu.memory_space<vmem>>, vector<1x1x16xf32>,
        %swap3A_290 = vector.shape_cast %swap3A_289 : vector<1x1x16xf32> to vector<16xf32>
        %swap3A_291 = vector.shape_cast %add3A_284 : vector<16xf32> to vector<1x1x16xf32>
        tpu.vector_store %arg9[%swap3A_286, %swap3A_287, %swap3A_288], %swap3A_291 {strides = array<i32>} : memref<3x128x128xf32, #tpu.memory_space<vmem>>, vector<1x1x16xf32>,
        %get3A_292 = arith.constant 2 : i32
        %get3A_293 = arith.index_cast %get3A_292 : i32 to index
        %get3A_294 = arith.index_cast %scan3A_233 : i32 to index
        %get3A_295 = arith.constant 48 : index
        %get3A_296 = tpu.vector_load %arg9[%get3A_293, %get3A_294, %get3A_295] {strides = array<i32>} : memref<3x128x128xf32, #tpu.memory_space<vmem>>, vector<1x1x16xf32>,
        %get3A_297 = vector.shape_cast %get3A_296 : vector<1x1x16xf32> to vector<16xf32>
        %get3A_298 = arith.constant 2 : i32
        %get3A_299 = arith.index_cast %get3A_298 : i32 to index
        %get3A_300 = arith.index_cast %scan3A_233 : i32 to index
        %get3A_301 = arith.constant 48 : index
        %get3A_302 = tpu.vector_load %arg10[%get3A_299, %get3A_300, %get3A_301] {strides = array<i32>} : memref<3x128x128xf32, #tpu.memory_space<vmem>>, vector<1x1x16xf32>,
        %get3A_303 = vector.shape_cast %get3A_302 : vector<1x1x16xf32> to vector<16xf32>
        %add3A_304 = arith.addf %get3A_297, %get3A_303 : vector<16xf32>
        %swap3A_305 = arith.constant 2 : i32
        %swap3A_306 = arith.index_cast %swap3A_305 : i32 to index
        %swap3A_307 = arith.index_cast %scan3A_233 : i32 to index
        %swap3A_308 = arith.constant 48 : index
        %swap3A_309 = tpu.vector_load %arg9[%swap3A_306, %swap3A_307, %swap3A_308] {strides = array<i32>} : memref<3x128x128xf32, #tpu.memory_space<vmem>>, vector<1x1x16xf32>,
        %swap3A_310 = vector.shape_cast %swap3A_309 : vector<1x1x16xf32> to vector<16xf32>
        %swap3A_311 = vector.shape_cast %add3A_304 : vector<16xf32> to vector<1x1x16xf32>
        tpu.vector_store %arg9[%swap3A_306, %swap3A_307, %swap3A_308], %swap3A_311 {strides = array<i32>} : memref<3x128x128xf32, #tpu.memory_space<vmem>>, vector<1x1x16xf32>,
        %get3A_312 = arith.constant 2 : i32
        %get3A_313 = arith.index_cast %get3A_312 : i32 to index
        %get3A_314 = arith.index_cast %scan3A_233 : i32 to index
        %get3A_315 = arith.constant 64 : index
        %get3A_316 = tpu.vector_load %arg9[%get3A_313, %get3A_314, %get3A_315] {strides = array<i32>} : memref<3x128x128xf32, #tpu.memory_space<vmem>>, vector<1x1x16xf32>,
        %get3A_317 = vector.shape_cast %get3A_316 : vector<1x1x16xf32> to vector<16xf32>
        %get3A_318 = arith.constant 2 : i32
        %get3A_319 = arith.index_cast %get3A_318 : i32 to index
        %get3A_320 = arith.index_cast %scan3A_233 : i32 to index
        %get3A_321 = arith.constant 64 : index
        %get3A_322 = tpu.vector_load %arg10[%get3A_319, %get3A_320, %get3A_321] {strides = array<i32>} : memref<3x128x128xf32, #tpu.memory_space<vmem>>, vector<1x1x16xf32>,
        %get3A_323 = vector.shape_cast %get3A_322 : vector<1x1x16xf32> to vector<16xf32>
        %add3A_324 = arith.addf %get3A_317, %get3A_323 : vector<16xf32>
        %swap3A_325 = arith.constant 2 : i32
        %swap3A_326 = arith.index_cast %swap3A_325 : i32 to index
        %swap3A_327 = arith.index_cast %scan3A_233 : i32 to index
        %swap3A_328 = arith.constant 64 : index
        %swap3A_329 = tpu.vector_load %arg9[%swap3A_326, %swap3A_327, %swap3A_328] {strides = array<i32>} : memref<3x128x128xf32, #tpu.memory_space<vmem>>, vector<1x1x16xf32>,
        %swap3A_330 = vector.shape_cast %swap3A_329 : vector<1x1x16xf32> to vector<16xf32>
        %swap3A_331 = vector.shape_cast %add3A_324 : vector<16xf32> to vector<1x1x16xf32>
        tpu.vector_store %arg9[%swap3A_326, %swap3A_327, %swap3A_328], %swap3A_331 {strides = array<i32>} : memref<3x128x128xf32, #tpu.memory_space<vmem>>, vector<1x1x16xf32>,
        %get3A_332 = arith.constant 2 : i32
        %get3A_333 = arith.index_cast %get3A_332 : i32 to index
        %get3A_334 = arith.index_cast %scan3A_233 : i32 to index
        %get3A_335 = arith.constant 80 : index
        %get3A_336 = tpu.vector_load %arg9[%get3A_333, %get3A_334, %get3A_335] {strides = array<i32>} : memref<3x128x128xf32, #tpu.memory_space<vmem>>, vector<1x1x16xf32>,
        %get3A_337 = vector.shape_cast %get3A_336 : vector<1x1x16xf32> to vector<16xf32>
        %get3A_338 = arith.constant 2 : i32
        %get3A_339 = arith.index_cast %get3A_338 : i32 to index
        %get3A_340 = arith.index_cast %scan3A_233 : i32 to index
        %get3A_341 = arith.constant 80 : index
        %get3A_342 = tpu.vector_load %arg10[%get3A_339, %get3A_340, %get3A_341] {strides = array<i32>} : memref<3x128x128xf32, #tpu.memory_space<vmem>>, vector<1x1x16xf32>,
        %get3A_343 = vector.shape_cast %get3A_342 : vector<1x1x16xf32> to vector<16xf32>
        %add3A_344 = arith.addf %get3A_337, %get3A_343 : vector<16xf32>
        %swap3A_345 = arith.constant 2 : i32
        %swap3A_346 = arith.index_cast %swap3A_345 : i32 to index
        %swap3A_347 = arith.index_cast %scan3A_233 : i32 to index
        %swap3A_348 = arith.constant 80 : index
        %swap3A_349 = tpu.vector_load %arg9[%swap3A_346, %swap3A_347, %swap3A_348] {strides = array<i32>} : memref<3x128x128xf32, #tpu.memory_space<vmem>>, vector<1x1x16xf32>,
        %swap3A_350 = vector.shape_cast %swap3A_349 : vector<1x1x16xf32> to vector<16xf32>
        %swap3A_351 = vector.shape_cast %add3A_344 : vector<16xf32> to vector<1x1x16xf32>
        tpu.vector_store %arg9[%swap3A_346, %swap3A_347, %swap3A_348], %swap3A_351 {strides = array<i32>} : memref<3x128x128xf32, #tpu.memory_space<vmem>>, vector<1x1x16xf32>,
        %get3A_352 = arith.constant 2 : i32
        %get3A_353 = arith.index_cast %get3A_352 : i32 to index
        %get3A_354 = arith.index_cast %scan3A_233 : i32 to index
        %get3A_355 = arith.constant 96 : index
        %get3A_356 = tpu.vector_load %arg9[%get3A_353, %get3A_354, %get3A_355] {strides = array<i32>} : memref<3x128x128xf32, #tpu.memory_space<vmem>>, vector<1x1x16xf32>,
        %get3A_357 = vector.shape_cast %get3A_356 : vector<1x1x16xf32> to vector<16xf32>
        %get3A_358 = arith.constant 2 : i32
        %get3A_359 = arith.index_cast %get3A_358 : i32 to index
        %get3A_360 = arith.index_cast %scan3A_233 : i32 to index
        %get3A_361 = arith.constant 96 : index
        %get3A_362 = tpu.vector_load %arg10[%get3A_359, %get3A_360, %get3A_361] {strides = array<i32>} : memref<3x128x128xf32, #tpu.memory_space<vmem>>, vector<1x1x16xf32>,
        %get3A_363 = vector.shape_cast %get3A_362 : vector<1x1x16xf32> to vector<16xf32>
        %add3A_364 = arith.addf %get3A_357, %get3A_363 : vector<16xf32>
        %swap3A_365 = arith.constant 2 : i32
        %swap3A_366 = arith.index_cast %swap3A_365 : i32 to index
        %swap3A_367 = arith.index_cast %scan3A_233 : i32 to index
        %swap3A_368 = arith.constant 96 : index
        %swap3A_369 = tpu.vector_load %arg9[%swap3A_366, %swap3A_367, %swap3A_368] {strides = array<i32>} : memref<3x128x128xf32, #tpu.memory_space<vmem>>, vector<1x1x16xf32>,
        %swap3A_370 = vector.shape_cast %swap3A_369 : vector<1x1x16xf32> to vector<16xf32>
        %swap3A_371 = vector.shape_cast %add3A_364 : vector<16xf32> to vector<1x1x16xf32>
        tpu.vector_store %arg9[%swap3A_366, %swap3A_367, %swap3A_368], %swap3A_371 {strides = array<i32>} : memref<3x128x128xf32, #tpu.memory_space<vmem>>, vector<1x1x16xf32>,
        %get3A_372 = arith.constant 2 : i32
        %get3A_373 = arith.index_cast %get3A_372 : i32 to index
        %get3A_374 = arith.index_cast %scan3A_233 : i32 to index
        %get3A_375 = arith.constant 112 : index
        %get3A_376 = tpu.vector_load %arg9[%get3A_373, %get3A_374, %get3A_375] {strides = array<i32>} : memref<3x128x128xf32, #tpu.memory_space<vmem>>, vector<1x1x16xf32>,
        %get3A_377 = vector.shape_cast %get3A_376 : vector<1x1x16xf32> to vector<16xf32>
        %get3A_378 = arith.constant 2 : i32
        %get3A_379 = arith.index_cast %get3A_378 : i32 to index
        %get3A_380 = arith.index_cast %scan3A_233 : i32 to index
        %get3A_381 = arith.constant 112 : index
        %get3A_382 = tpu.vector_load %arg10[%get3A_379, %get3A_380, %get3A_381] {strides = array<i32>} : memref<3x128x128xf32, #tpu.memory_space<vmem>>, vector<1x1x16xf32>,
        %get3A_383 = vector.shape_cast %get3A_382 : vector<1x1x16xf32> to vector<16xf32>
        %add3A_384 = arith.addf %get3A_377, %get3A_383 : vector<16xf32>
        %swap3A_385 = arith.constant 2 : i32
        %swap3A_386 = arith.index_cast %swap3A_385 : i32 to index
        %swap3A_387 = arith.index_cast %scan3A_233 : i32 to index
        %swap3A_388 = arith.constant 112 : index
        %swap3A_389 = tpu.vector_load %arg9[%swap3A_386, %swap3A_387, %swap3A_388] {strides = array<i32>} : memref<3x128x128xf32, #tpu.memory_space<vmem>>, vector<1x1x16xf32>,
        %swap3A_390 = vector.shape_cast %swap3A_389 : vector<1x1x16xf32> to vector<16xf32>
        %swap3A_391 = vector.shape_cast %add3A_384 : vector<16xf32> to vector<1x1x16xf32>
        tpu.vector_store %arg9[%swap3A_386, %swap3A_387, %swap3A_388], %swap3A_391 {strides = array<i32>} : memref<3x128x128xf32, #tpu.memory_space<vmem>>, vector<1x1x16xf32>,
      }
      %scan3A_142 = arith.constant 128 : i32
      %mul3A_143 = arith.constant 32 : i32
      %mul3A_144 = arith.muli %mul3A_143, %sub3A_137 : i32
      %add3A_145 = arith.addi %add3A, %mul3A_144 : i32
      %mul3A_146 = arith.constant 128 : i32
      %mul3A_147 = arith.muli %add3A_145, %mul3A_146 : i32
      %dma_start3A_148 = arith.constant 2 : i32
      %dma_start3A_149 = arith.constant 2 : i32
      %dma_start3A_150 = arith.constant 0 : i32
      %dma_start3A_151 = arith.constant 0 : i32
      %dma_start3A_152 = tpu.memref_slice %arg9[%dma_start3A_148, %dma_start3A_150, %dma_start3A_151] : memref<3x128x128xf32, #tpu.memory_space<vmem>> -> memref<1x128x128xf32, #tpu.memory_space<vmem>>
      %dma_start3A_153 = tpu.memref_squeeze %dma_start3A_152 : memref<1x128x128xf32, #tpu.memory_space<vmem>> -> memref<128x128xf32, #tpu.memory_space<vmem>>
      %dma_start3A_154 = arith.constant 0 : i32
      %dma_start3A_155 = tpu.memref_slice %arg6[%mul3A_147, %dma_start3A_154] : memref<320000x128xf32, #tpu.memory_space<hbm>> -> memref<128x128xf32, #tpu.memory_space<hbm>>
      %dma_start3A_156 = tpu.memref_slice %arg14[%dma_start3A_149] : memref<3x!tpu.dma_semaphore, #tpu.memory_space<semaphore_mem>> -> memref<1x!tpu.dma_semaphore, #tpu.memory_space<semaphore_mem>>
      %dma_start3A_157 = tpu.memref_squeeze %dma_start3A_156 : memref<1x!tpu.dma_semaphore, #tpu.memory_space<semaphore_mem>> -> memref<!tpu.dma_semaphore, #tpu.memory_space<semaphore_mem>>
      %dma_start3A_158 = arith.constant 0 : i32
      %dma_start3A_159 = tpu.memref_slice %arg6[%mul3A_147, %dma_start3A_158] : memref<320000x128xf32, #tpu.memory_space<hbm>> -> memref<128x128xf32, #tpu.memory_space<hbm>>
      %dma_start3A_160 = arith.constant 0 : i32
      %dma_start3A_161 = arith.constant 0 : i32
      %dma_start3A_162 = tpu.memref_slice %arg9[%dma_start3A_148, %dma_start3A_160, %dma_start3A_161] : memref<3x128x128xf32, #tpu.memory_space<vmem>> -> memref<1x128x128xf32, #tpu.memory_space<vmem>>
      %dma_start3A_163 = tpu.memref_squeeze %dma_start3A_162 : memref<1x128x128xf32, #tpu.memory_space<vmem>> -> memref<128x128xf32, #tpu.memory_space<vmem>>
      tpu.enqueue_dma source(%dma_start3A_163 : memref<128x128xf32, #tpu.memory_space<vmem>>) target(%dma_start3A_159 : memref<128x128xf32, #tpu.memory_space<hbm>>) target_semaphore(%dma_start3A_157 : memref<!tpu.dma_semaphore, #tpu.memory_space<semaphore_mem>>)
      %sub3A_164 = arith.constant 3 : i32
      %sub3A_165 = arith.subi %add3A_4, %sub3A_164 : i32
      %mul3A_166 = arith.constant 32 : i32
      %mul3A_167 = arith.muli %mul3A_166, %sub3A_165 : i32
      %add3A_168 = arith.addi %add3A, %mul3A_167 : i32
      %mul3A_169 = arith.constant 128 : i32
      %mul3A_170 = arith.muli %add3A_168, %mul3A_169 : i32
      %dma_wait3A_171 = arith.constant 0 : i32
      %dma_wait3A_172 = arith.constant 0 : i32
      %dma_wait3A_173 = arith.constant 0 : i32
      %dma_wait3A_174 = arith.constant 0 : i32
      %dma_wait3A_175 = tpu.memref_slice %arg9[%dma_wait3A_171, %dma_wait3A_173, %dma_wait3A_174] : memref<3x128x128xf32, #tpu.memory_space<vmem>> -> memref<1x128x128xf32, #tpu.memory_space<vmem>>
      %dma_wait3A_176 = tpu.memref_squeeze %dma_wait3A_175 : memref<1x128x128xf32, #tpu.memory_space<vmem>> -> memref<128x128xf32, #tpu.memory_space<vmem>>
      %dma_wait3A_177 = arith.constant 0 : i32
      %dma_wait3A_178 = tpu.memref_slice %arg6[%mul3A_170, %dma_wait3A_177] : memref<320000x128xf32, #tpu.memory_space<hbm>> -> memref<128x128xf32, #tpu.memory_space<hbm>>
      %dma_wait3A_179 = tpu.memref_slice %arg14[%dma_wait3A_172] : memref<3x!tpu.dma_semaphore, #tpu.memory_space<semaphore_mem>> -> memref<1x!tpu.dma_semaphore, #tpu.memory_space<semaphore_mem>>
      %dma_wait3A_180 = tpu.memref_squeeze %dma_wait3A_179 : memref<1x!tpu.dma_semaphore, #tpu.memory_space<semaphore_mem>> -> memref<!tpu.dma_semaphore, #tpu.memory_space<semaphore_mem>>
      %dma_wait3A_181 = arith.constant 0 : i32
      %dma_wait3A_182 = tpu.memref_slice %arg6[%mul3A_170, %dma_wait3A_181] : memref<320000x128xf32, #tpu.memory_space<hbm>> -> memref<128x128xf32, #tpu.memory_space<hbm>>
      %dma_wait3A_183 = arith.constant 0 : i32
      %dma_wait3A_184 = arith.constant 0 : i32
      %dma_wait3A_185 = tpu.memref_slice %arg9[%dma_wait3A_171, %dma_wait3A_183, %dma_wait3A_184] : memref<3x128x128xf32, #tpu.memory_space<vmem>> -> memref<1x128x128xf32, #tpu.memory_space<vmem>>
      %dma_wait3A_186 = tpu.memref_squeeze %dma_wait3A_185 : memref<1x128x128xf32, #tpu.memory_space<vmem>> -> memref<128x128xf32, #tpu.memory_space<vmem>>
      tpu.wait_dma2 semaphore(%dma_wait3A_180 : memref<!tpu.dma_semaphore, #tpu.memory_space<semaphore_mem>>) src(%dma_wait3A_186 : memref<128x128xf32, #tpu.memory_space<vmem>>) dst(%dma_wait3A_182 : memref<128x128xf32, #tpu.memory_space<hbm>>)
      %sub3A_187 = arith.constant 2 : i32
      %sub3A_188 = arith.subi %add3A_4, %sub3A_187 : i32
      %mul3A_189 = arith.constant 32 : i32
      %mul3A_190 = arith.muli %mul3A_189, %sub3A_188 : i32
      %add3A_191 = arith.addi %add3A, %mul3A_190 : i32
      %mul3A_192 = arith.constant 128 : i32
      %mul3A_193 = arith.muli %add3A_191, %mul3A_192 : i32
      %dma_wait3A_194 = arith.constant 1 : i32
      %dma_wait3A_195 = arith.constant 1 : i32
      %dma_wait3A_196 = arith.constant 0 : i32
      %dma_wait3A_197 = arith.constant 0 : i32
      %dma_wait3A_198 = tpu.memref_slice %arg9[%dma_wait3A_194, %dma_wait3A_196, %dma_wait3A_197] : memref<3x128x128xf32, #tpu.memory_space<vmem>> -> memref<1x128x128xf32, #tpu.memory_space<vmem>>
      %dma_wait3A_199 = tpu.memref_squeeze %dma_wait3A_198 : memref<1x128x128xf32, #tpu.memory_space<vmem>> -> memref<128x128xf32, #tpu.memory_space<vmem>>
      %dma_wait3A_200 = arith.constant 0 : i32
      %dma_wait3A_201 = tpu.memref_slice %arg6[%mul3A_193, %dma_wait3A_200] : memref<320000x128xf32, #tpu.memory_space<hbm>> -> memref<128x128xf32, #tpu.memory_space<hbm>>
      %dma_wait3A_202 = tpu.memref_slice %arg14[%dma_wait3A_195] : memref<3x!tpu.dma_semaphore, #tpu.memory_space<semaphore_mem>> -> memref<1x!tpu.dma_semaphore, #tpu.memory_space<semaphore_mem>>
      %dma_wait3A_203 = tpu.memref_squeeze %dma_wait3A_202 : memref<1x!tpu.dma_semaphore, #tpu.memory_space<semaphore_mem>> -> memref<!tpu.dma_semaphore, #tpu.memory_space<semaphore_mem>>
      %dma_wait3A_204 = arith.constant 0 : i32
      %dma_wait3A_205 = tpu.memref_slice %arg6[%mul3A_193, %dma_wait3A_204] : memref<320000x128xf32, #tpu.memory_space<hbm>> -> memref<128x128xf32, #tpu.memory_space<hbm>>
      %dma_wait3A_206 = arith.constant 0 : i32
      %dma_wait3A_207 = arith.constant 0 : i32
      %dma_wait3A_208 = tpu.memref_slice %arg9[%dma_wait3A_194, %dma_wait3A_206, %dma_wait3A_207] : memref<3x128x128xf32, #tpu.memory_space<vmem>> -> memref<1x128x128xf32, #tpu.memory_space<vmem>>
      %dma_wait3A_209 = tpu.memref_squeeze %dma_wait3A_208 : memref<1x128x128xf32, #tpu.memory_space<vmem>> -> memref<128x128xf32, #tpu.memory_space<vmem>>
      tpu.wait_dma2 semaphore(%dma_wait3A_203 : memref<!tpu.dma_semaphore, #tpu.memory_space<semaphore_mem>>) src(%dma_wait3A_209 : memref<128x128xf32, #tpu.memory_space<vmem>>) dst(%dma_wait3A_205 : memref<128x128xf32, #tpu.memory_space<hbm>>)
      %sub3A_210 = arith.constant 1 : i32
      %sub3A_211 = arith.subi %add3A_4, %sub3A_210 : i32
      %mul3A_212 = arith.constant 32 : i32
      %mul3A_213 = arith.muli %mul3A_212, %sub3A_211 : i32
      %add3A_214 = arith.addi %add3A, %mul3A_213 : i32
      %mul3A_215 = arith.constant 128 : i32
      %mul3A_216 = arith.muli %add3A_214, %mul3A_215 : i32
      %dma_wait3A_217 = arith.constant 2 : i32
      %dma_wait3A_218 = arith.constant 2 : i32
      %dma_wait3A_219 = arith.constant 0 : i32
      %dma_wait3A_220 = arith.constant 0 : i32
      %dma_wait3A_221 = tpu.memref_slice %arg9[%dma_wait3A_217, %dma_wait3A_219, %dma_wait3A_220] : memref<3x128x128xf32, #tpu.memory_space<vmem>> -> memref<1x128x128xf32, #tpu.memory_space<vmem>>
      %dma_wait3A_222 = tpu.memref_squeeze %dma_wait3A_221 : memref<1x128x128xf32, #tpu.memory_space<vmem>> -> memref<128x128xf32, #tpu.memory_space<vmem>>
      %dma_wait3A_223 = arith.constant 0 : i32
      %dma_wait3A_224 = tpu.memref_slice %arg6[%mul3A_216, %dma_wait3A_223] : memref<320000x128xf32, #tpu.memory_space<hbm>> -> memref<128x128xf32, #tpu.memory_space<hbm>>
      %dma_wait3A_225 = tpu.memref_slice %arg14[%dma_wait3A_218] : memref<3x!tpu.dma_semaphore, #tpu.memory_space<semaphore_mem>> -> memref<1x!tpu.dma_semaphore, #tpu.memory_space<semaphore_mem>>
      %dma_wait3A_226 = tpu.memref_squeeze %dma_wait3A_225 : memref<1x!tpu.dma_semaphore, #tpu.memory_space<semaphore_mem>> -> memref<!tpu.dma_semaphore, #tpu.memory_space<semaphore_mem>>
      %dma_wait3A_227 = arith.constant 0 : i32
      %dma_wait3A_228 = tpu.memref_slice %arg6[%mul3A_216, %dma_wait3A_227] : memref<320000x128xf32, #tpu.memory_space<hbm>> -> memref<128x128xf32, #tpu.memory_space<hbm>>
      %dma_wait3A_229 = arith.constant 0 : i32
      %dma_wait3A_230 = arith.constant 0 : i32
      %dma_wait3A_231 = tpu.memref_slice %arg9[%dma_wait3A_217, %dma_wait3A_229, %dma_wait3A_230] : memref<3x128x128xf32, #tpu.memory_space<vmem>> -> memref<1x128x128xf32, #tpu.memory_space<vmem>>
      %dma_wait3A_232 = tpu.memref_squeeze %dma_wait3A_231 : memref<1x128x128xf32, #tpu.memory_space<vmem>> -> memref<128x128xf32, #tpu.memory_space<vmem>>
      tpu.wait_dma2 semaphore(%dma_wait3A_226 : memref<!tpu.dma_semaphore, #tpu.memory_space<semaphore_mem>>) src(%dma_wait3A_232 : memref<128x128xf32, #tpu.memory_space<vmem>>) dst(%dma_wait3A_228 : memref<128x128xf32, #tpu.memory_space<hbm>>)
    } else {
    }
    return
  }
}

#map = affine_map<(d0, d1) -> (0, 0)>
#map1 = affine_map<(d0, d1) -> (0)>
#map2 = affine_map<(d0, d1) -> (0, 0, 0)>
module attributes {stable_mosaic.version = 14 : i64} {
  func.func @body(%arg0: i32, %arg1: i32, %arg2: memref<320000x128xf32, #tpu.memory_space<hbm>>, %arg3: memref<320000xi32, #tpu.memory_space<hbm>>, %arg4: memref<2x10112x128xf32, #tpu.memory_space<hbm>>, %arg5: memref<3x128xi32, #tpu.memory_space<vmem>>, %arg6: memref<3x128x128xf32, #tpu.memory_space<vmem>>, %arg7: memref<10112x128xf32, #tpu.memory_space<vmem_shared>>, %arg8: memref<3x!tpu.dma_semaphore, #tpu.memory_space<semaphore_mem>>, %arg9: memref<3x!tpu.dma_semaphore, #tpu.memory_space<semaphore_mem>>) attributes {dimension_semantics = [#tpu.dimension_semantics<core_parallel>, #tpu.dimension_semantics<subcore_parallel>], iteration_bounds = array<i64: 2, 16>, scalar_prefetch = 0 : i64, scratch_operands = 5 : i64, tpu.core_type = #tpu.core_type<sc_vector_subcore>, window_params = [{transform_indices = #map}, {transform_indices = #map1}, {transform_indices = #map2}]} {
    %mul3A = arith.constant 2 : i32
    %mul3A_0 = arith.muli %arg1, %mul3A : i32
    %add3A = arith.addi %mul3A_0, %arg0 : i32
    %scan3A = arith.constant 0 : i32
    %scan3A_1 = arith.constant 0 : i32
    %scan3A_2 = arith.constant 128 : i32
    %scan3A_3 = arith.addi %scan3A_1, %scan3A_2 : i32
    %scan3A_4 = arith.constant 1 : i32
    scf.for %scan3A_85 = %scan3A_1 to %scan3A_3 step %scan3A_4  : i32 {
      %broadcast_in_dim3A = arith.constant 0.000000e+00 : f32
      %broadcast_in_dim3A_86 = vector.broadcast %broadcast_in_dim3A : f32 to vector<16xf32>
      %swap3A = arith.constant 0 : i32
      %swap3A_87 = arith.index_cast %swap3A : i32 to index
      %swap3A_88 = arith.index_cast %scan3A_85 : i32 to index
      %swap3A_89 = arith.constant 0 : index
      %swap3A_90 = tpu.vector_load %arg6[%swap3A_87, %swap3A_88, %swap3A_89] {strides = array<i32>} : memref<3x128x128xf32, #tpu.memory_space<vmem>>, vector<1x1x16xf32>,
      %swap3A_91 = vector.shape_cast %swap3A_90 : vector<1x1x16xf32> to vector<16xf32>
      %swap3A_92 = vector.shape_cast %broadcast_in_dim3A_86 : vector<16xf32> to vector<1x1x16xf32>
      tpu.vector_store %arg6[%swap3A_87, %swap3A_88, %swap3A_89], %swap3A_92 {strides = array<i32>} : memref<3x128x128xf32, #tpu.memory_space<vmem>>, vector<1x1x16xf32>,
      %broadcast_in_dim3A_93 = arith.constant 0.000000e+00 : f32
      %broadcast_in_dim3A_94 = vector.broadcast %broadcast_in_dim3A_93 : f32 to vector<16xf32>
      %swap3A_95 = arith.constant 0 : i32
      %swap3A_96 = arith.index_cast %swap3A_95 : i32 to index
      %swap3A_97 = arith.index_cast %scan3A_85 : i32 to index
      %swap3A_98 = arith.constant 16 : index
      %swap3A_99 = tpu.vector_load %arg6[%swap3A_96, %swap3A_97, %swap3A_98] {strides = array<i32>} : memref<3x128x128xf32, #tpu.memory_space<vmem>>, vector<1x1x16xf32>,
      %swap3A_100 = vector.shape_cast %swap3A_99 : vector<1x1x16xf32> to vector<16xf32>
      %swap3A_101 = vector.shape_cast %broadcast_in_dim3A_94 : vector<16xf32> to vector<1x1x16xf32>
      tpu.vector_store %arg6[%swap3A_96, %swap3A_97, %swap3A_98], %swap3A_101 {strides = array<i32>} : memref<3x128x128xf32, #tpu.memory_space<vmem>>, vector<1x1x16xf32>,
      %broadcast_in_dim3A_102 = arith.constant 0.000000e+00 : f32
      %broadcast_in_dim3A_103 = vector.broadcast %broadcast_in_dim3A_102 : f32 to vector<16xf32>
      %swap3A_104 = arith.constant 0 : i32
      %swap3A_105 = arith.index_cast %swap3A_104 : i32 to index
      %swap3A_106 = arith.index_cast %scan3A_85 : i32 to index
      %swap3A_107 = arith.constant 32 : index
      %swap3A_108 = tpu.vector_load %arg6[%swap3A_105, %swap3A_106, %swap3A_107] {strides = array<i32>} : memref<3x128x128xf32, #tpu.memory_space<vmem>>, vector<1x1x16xf32>,
      %swap3A_109 = vector.shape_cast %swap3A_108 : vector<1x1x16xf32> to vector<16xf32>
      %swap3A_110 = vector.shape_cast %broadcast_in_dim3A_103 : vector<16xf32> to vector<1x1x16xf32>
      tpu.vector_store %arg6[%swap3A_105, %swap3A_106, %swap3A_107], %swap3A_110 {strides = array<i32>} : memref<3x128x128xf32, #tpu.memory_space<vmem>>, vector<1x1x16xf32>,
      %broadcast_in_dim3A_111 = arith.constant 0.000000e+00 : f32
      %broadcast_in_dim3A_112 = vector.broadcast %broadcast_in_dim3A_111 : f32 to vector<16xf32>
      %swap3A_113 = arith.constant 0 : i32
      %swap3A_114 = arith.index_cast %swap3A_113 : i32 to index
      %swap3A_115 = arith.index_cast %scan3A_85 : i32 to index
      %swap3A_116 = arith.constant 48 : index
      %swap3A_117 = tpu.vector_load %arg6[%swap3A_114, %swap3A_115, %swap3A_116] {strides = array<i32>} : memref<3x128x128xf32, #tpu.memory_space<vmem>>, vector<1x1x16xf32>,
      %swap3A_118 = vector.shape_cast %swap3A_117 : vector<1x1x16xf32> to vector<16xf32>
      %swap3A_119 = vector.shape_cast %broadcast_in_dim3A_112 : vector<16xf32> to vector<1x1x16xf32>
      tpu.vector_store %arg6[%swap3A_114, %swap3A_115, %swap3A_116], %swap3A_119 {strides = array<i32>} : memref<3x128x128xf32, #tpu.memory_space<vmem>>, vector<1x1x16xf32>,
      %broadcast_in_dim3A_120 = arith.constant 0.000000e+00 : f32
      %broadcast_in_dim3A_121 = vector.broadcast %broadcast_in_dim3A_120 : f32 to vector<16xf32>
      %swap3A_122 = arith.constant 0 : i32
      %swap3A_123 = arith.index_cast %swap3A_122 : i32 to index
      %swap3A_124 = arith.index_cast %scan3A_85 : i32 to index
      %swap3A_125 = arith.constant 64 : index
      %swap3A_126 = tpu.vector_load %arg6[%swap3A_123, %swap3A_124, %swap3A_125] {strides = array<i32>} : memref<3x128x128xf32, #tpu.memory_space<vmem>>, vector<1x1x16xf32>,
      %swap3A_127 = vector.shape_cast %swap3A_126 : vector<1x1x16xf32> to vector<16xf32>
      %swap3A_128 = vector.shape_cast %broadcast_in_dim3A_121 : vector<16xf32> to vector<1x1x16xf32>
      tpu.vector_store %arg6[%swap3A_123, %swap3A_124, %swap3A_125], %swap3A_128 {strides = array<i32>} : memref<3x128x128xf32, #tpu.memory_space<vmem>>, vector<1x1x16xf32>,
      %broadcast_in_dim3A_129 = arith.constant 0.000000e+00 : f32
      %broadcast_in_dim3A_130 = vector.broadcast %broadcast_in_dim3A_129 : f32 to vector<16xf32>
      %swap3A_131 = arith.constant 0 : i32
      %swap3A_132 = arith.index_cast %swap3A_131 : i32 to index
      %swap3A_133 = arith.index_cast %scan3A_85 : i32 to index
      %swap3A_134 = arith.constant 80 : index
      %swap3A_135 = tpu.vector_load %arg6[%swap3A_132, %swap3A_133, %swap3A_134] {strides = array<i32>} : memref<3x128x128xf32, #tpu.memory_space<vmem>>, vector<1x1x16xf32>,
      %swap3A_136 = vector.shape_cast %swap3A_135 : vector<1x1x16xf32> to vector<16xf32>
      %swap3A_137 = vector.shape_cast %broadcast_in_dim3A_130 : vector<16xf32> to vector<1x1x16xf32>
      tpu.vector_store %arg6[%swap3A_132, %swap3A_133, %swap3A_134], %swap3A_137 {strides = array<i32>} : memref<3x128x128xf32, #tpu.memory_space<vmem>>, vector<1x1x16xf32>,
      %broadcast_in_dim3A_138 = arith.constant 0.000000e+00 : f32
      %broadcast_in_dim3A_139 = vector.broadcast %broadcast_in_dim3A_138 : f32 to vector<16xf32>
      %swap3A_140 = arith.constant 0 : i32
      %swap3A_141 = arith.index_cast %swap3A_140 : i32 to index
      %swap3A_142 = arith.index_cast %scan3A_85 : i32 to index
      %swap3A_143 = arith.constant 96 : index
      %swap3A_144 = tpu.vector_load %arg6[%swap3A_141, %swap3A_142, %swap3A_143] {strides = array<i32>} : memref<3x128x128xf32, #tpu.memory_space<vmem>>, vector<1x1x16xf32>,
      %swap3A_145 = vector.shape_cast %swap3A_144 : vector<1x1x16xf32> to vector<16xf32>
      %swap3A_146 = vector.shape_cast %broadcast_in_dim3A_139 : vector<16xf32> to vector<1x1x16xf32>
      tpu.vector_store %arg6[%swap3A_141, %swap3A_142, %swap3A_143], %swap3A_146 {strides = array<i32>} : memref<3x128x128xf32, #tpu.memory_space<vmem>>, vector<1x1x16xf32>,
      %broadcast_in_dim3A_147 = arith.constant 0.000000e+00 : f32
      %broadcast_in_dim3A_148 = vector.broadcast %broadcast_in_dim3A_147 : f32 to vector<16xf32>
      %swap3A_149 = arith.constant 0 : i32
      %swap3A_150 = arith.index_cast %swap3A_149 : i32 to index
      %swap3A_151 = arith.index_cast %scan3A_85 : i32 to index
      %swap3A_152 = arith.constant 112 : index
      %swap3A_153 = tpu.vector_load %arg6[%swap3A_150, %swap3A_151, %swap3A_152] {strides = array<i32>} : memref<3x128x128xf32, #tpu.memory_space<vmem>>, vector<1x1x16xf32>,
      %swap3A_154 = vector.shape_cast %swap3A_153 : vector<1x1x16xf32> to vector<16xf32>
      %swap3A_155 = vector.shape_cast %broadcast_in_dim3A_148 : vector<16xf32> to vector<1x1x16xf32>
      tpu.vector_store %arg6[%swap3A_150, %swap3A_151, %swap3A_152], %swap3A_155 {strides = array<i32>} : memref<3x128x128xf32, #tpu.memory_space<vmem>>, vector<1x1x16xf32>,
    }
    %scan3A_5 = arith.constant 128 : i32
    %mul3A_6 = arith.constant 632 : i32
    %mul3A_7 = arith.muli %arg1, %mul3A_6 : i32
    %add3A_8 = arith.constant 0 : i32
    %add3A_9 = arith.addi %mul3A_7, %add3A_8 : i32
    %run_scoped3A = arith.constant 0 : i32
    "tpu.region"() ({
      %run_scoped3A_85 = tpu.sem_alloc : memref<!tpu.dma_semaphore, #tpu.memory_space<semaphore_mem>>
      %dma_start3A_86 = arith.constant 0 : i32
      %dma_start3A_87 = arith.constant 0 : i32
      %dma_start3A_88 = tpu.memref_slice %arg6[%run_scoped3A, %dma_start3A_86, %dma_start3A_87] : memref<3x128x128xf32, #tpu.memory_space<vmem>> -> memref<1x128x128xf32, #tpu.memory_space<vmem>>
      %dma_start3A_89 = tpu.memref_squeeze %dma_start3A_88 : memref<1x128x128xf32, #tpu.memory_space<vmem>> -> memref<128x128xf32, #tpu.memory_space<vmem>>
      %dma_start3A_90 = arith.constant 0 : i32
      %dma_start3A_91 = tpu.memref_slice %arg7[%add3A_9, %dma_start3A_90] : memref<10112x128xf32, #tpu.memory_space<vmem_shared>> -> memref<128x128xf32, #tpu.memory_space<vmem_shared>>
      %dma_start3A_92 = arith.constant 0 : i32
      %dma_start3A_93 = tpu.memref_slice %arg7[%add3A_9, %dma_start3A_92] : memref<10112x128xf32, #tpu.memory_space<vmem_shared>> -> memref<128x128xf32, #tpu.memory_space<vmem_shared>>
      %dma_start3A_94 = arith.constant 0 : i32
      %dma_start3A_95 = arith.constant 0 : i32
      %dma_start3A_96 = tpu.memref_slice %arg6[%run_scoped3A, %dma_start3A_94, %dma_start3A_95] : memref<3x128x128xf32, #tpu.memory_space<vmem>> -> memref<1x128x128xf32, #tpu.memory_space<vmem>>
      %dma_start3A_97 = tpu.memref_squeeze %dma_start3A_96 : memref<1x128x128xf32, #tpu.memory_space<vmem>> -> memref<128x128xf32, #tpu.memory_space<vmem>>
      tpu.enqueue_dma source(%dma_start3A_97 : memref<128x128xf32, #tpu.memory_space<vmem>>) target(%dma_start3A_93 : memref<128x128xf32, #tpu.memory_space<vmem_shared>>) target_semaphore(%run_scoped3A_85 : memref<!tpu.dma_semaphore, #tpu.memory_space<semaphore_mem>>)
      %dma_wait3A = arith.constant 0 : i32
      %dma_wait3A_98 = arith.constant 0 : i32
      %dma_wait3A_99 = tpu.memref_slice %arg6[%run_scoped3A, %dma_wait3A, %dma_wait3A_98] : memref<3x128x128xf32, #tpu.memory_space<vmem>> -> memref<1x128x128xf32, #tpu.memory_space<vmem>>
      %dma_wait3A_100 = tpu.memref_squeeze %dma_wait3A_99 : memref<1x128x128xf32, #tpu.memory_space<vmem>> -> memref<128x128xf32, #tpu.memory_space<vmem>>
      %dma_wait3A_101 = arith.constant 0 : i32
      %dma_wait3A_102 = tpu.memref_slice %arg7[%add3A_9, %dma_wait3A_101] : memref<10112x128xf32, #tpu.memory_space<vmem_shared>> -> memref<128x128xf32, #tpu.memory_space<vmem_shared>>
      %dma_wait3A_103 = arith.constant 0 : i32
      %dma_wait3A_104 = tpu.memref_slice %arg7[%add3A_9, %dma_wait3A_103] : memref<10112x128xf32, #tpu.memory_space<vmem_shared>> -> memref<128x128xf32, #tpu.memory_space<vmem_shared>>
      %dma_wait3A_105 = arith.constant 0 : i32
      %dma_wait3A_106 = arith.constant 0 : i32
      %dma_wait3A_107 = tpu.memref_slice %arg6[%run_scoped3A, %dma_wait3A_105, %dma_wait3A_106] : memref<3x128x128xf32, #tpu.memory_space<vmem>> -> memref<1x128x128xf32, #tpu.memory_space<vmem>>
      %dma_wait3A_108 = tpu.memref_squeeze %dma_wait3A_107 : memref<1x128x128xf32, #tpu.memory_space<vmem>> -> memref<128x128xf32, #tpu.memory_space<vmem>>
      tpu.wait_dma2 semaphore(%run_scoped3A_85 : memref<!tpu.dma_semaphore, #tpu.memory_space<semaphore_mem>>) src(%dma_wait3A_108 : memref<128x128xf32, #tpu.memory_space<vmem>>) dst(%dma_wait3A_104 : memref<128x128xf32, #tpu.memory_space<vmem_shared>>)
      tpu.yield
    }) : () -> ()
    %mul3A_10 = arith.constant 632 : i32
    %mul3A_11 = arith.muli %arg1, %mul3A_10 : i32
    %add3A_12 = arith.constant 128 : i32
    %add3A_13 = arith.addi %mul3A_11, %add3A_12 : i32
    %run_scoped3A_14 = arith.constant 0 : i32
    "tpu.region"() ({
      %run_scoped3A_85 = tpu.sem_alloc : memref<!tpu.dma_semaphore, #tpu.memory_space<semaphore_mem>>
      %dma_start3A_86 = arith.constant 0 : i32
      %dma_start3A_87 = arith.constant 0 : i32
      %dma_start3A_88 = tpu.memref_slice %arg6[%run_scoped3A_14, %dma_start3A_86, %dma_start3A_87] : memref<3x128x128xf32, #tpu.memory_space<vmem>> -> memref<1x128x128xf32, #tpu.memory_space<vmem>>
      %dma_start3A_89 = tpu.memref_squeeze %dma_start3A_88 : memref<1x128x128xf32, #tpu.memory_space<vmem>> -> memref<128x128xf32, #tpu.memory_space<vmem>>
      %dma_start3A_90 = arith.constant 0 : i32
      %dma_start3A_91 = tpu.memref_slice %arg7[%add3A_13, %dma_start3A_90] : memref<10112x128xf32, #tpu.memory_space<vmem_shared>> -> memref<128x128xf32, #tpu.memory_space<vmem_shared>>
      %dma_start3A_92 = arith.constant 0 : i32
      %dma_start3A_93 = tpu.memref_slice %arg7[%add3A_13, %dma_start3A_92] : memref<10112x128xf32, #tpu.memory_space<vmem_shared>> -> memref<128x128xf32, #tpu.memory_space<vmem_shared>>
      %dma_start3A_94 = arith.constant 0 : i32
      %dma_start3A_95 = arith.constant 0 : i32
      %dma_start3A_96 = tpu.memref_slice %arg6[%run_scoped3A_14, %dma_start3A_94, %dma_start3A_95] : memref<3x128x128xf32, #tpu.memory_space<vmem>> -> memref<1x128x128xf32, #tpu.memory_space<vmem>>
      %dma_start3A_97 = tpu.memref_squeeze %dma_start3A_96 : memref<1x128x128xf32, #tpu.memory_space<vmem>> -> memref<128x128xf32, #tpu.memory_space<vmem>>
      tpu.enqueue_dma source(%dma_start3A_97 : memref<128x128xf32, #tpu.memory_space<vmem>>) target(%dma_start3A_93 : memref<128x128xf32, #tpu.memory_space<vmem_shared>>) target_semaphore(%run_scoped3A_85 : memref<!tpu.dma_semaphore, #tpu.memory_space<semaphore_mem>>)
      %dma_wait3A = arith.constant 0 : i32
      %dma_wait3A_98 = arith.constant 0 : i32
      %dma_wait3A_99 = tpu.memref_slice %arg6[%run_scoped3A_14, %dma_wait3A, %dma_wait3A_98] : memref<3x128x128xf32, #tpu.memory_space<vmem>> -> memref<1x128x128xf32, #tpu.memory_space<vmem>>
      %dma_wait3A_100 = tpu.memref_squeeze %dma_wait3A_99 : memref<1x128x128xf32, #tpu.memory_space<vmem>> -> memref<128x128xf32, #tpu.memory_space<vmem>>
      %dma_wait3A_101 = arith.constant 0 : i32
      %dma_wait3A_102 = tpu.memref_slice %arg7[%add3A_13, %dma_wait3A_101] : memref<10112x128xf32, #tpu.memory_space<vmem_shared>> -> memref<128x128xf32, #tpu.memory_space<vmem_shared>>
      %dma_wait3A_103 = arith.constant 0 : i32
      %dma_wait3A_104 = tpu.memref_slice %arg7[%add3A_13, %dma_wait3A_103] : memref<10112x128xf32, #tpu.memory_space<vmem_shared>> -> memref<128x128xf32, #tpu.memory_space<vmem_shared>>
      %dma_wait3A_105 = arith.constant 0 : i32
      %dma_wait3A_106 = arith.constant 0 : i32
      %dma_wait3A_107 = tpu.memref_slice %arg6[%run_scoped3A_14, %dma_wait3A_105, %dma_wait3A_106] : memref<3x128x128xf32, #tpu.memory_space<vmem>> -> memref<1x128x128xf32, #tpu.memory_space<vmem>>
      %dma_wait3A_108 = tpu.memref_squeeze %dma_wait3A_107 : memref<1x128x128xf32, #tpu.memory_space<vmem>> -> memref<128x128xf32, #tpu.memory_space<vmem>>
      tpu.wait_dma2 semaphore(%run_scoped3A_85 : memref<!tpu.dma_semaphore, #tpu.memory_space<semaphore_mem>>) src(%dma_wait3A_108 : memref<128x128xf32, #tpu.memory_space<vmem>>) dst(%dma_wait3A_104 : memref<128x128xf32, #tpu.memory_space<vmem_shared>>)
      tpu.yield
    }) : () -> ()
    %mul3A_15 = arith.constant 632 : i32
    %mul3A_16 = arith.muli %arg1, %mul3A_15 : i32
    %add3A_17 = arith.constant 256 : i32
    %add3A_18 = arith.addi %mul3A_16, %add3A_17 : i32
    %run_scoped3A_19 = arith.constant 0 : i32
    "tpu.region"() ({
      %run_scoped3A_85 = tpu.sem_alloc : memref<!tpu.dma_semaphore, #tpu.memory_space<semaphore_mem>>
      %dma_start3A_86 = arith.constant 0 : i32
      %dma_start3A_87 = arith.constant 0 : i32
      %dma_start3A_88 = tpu.memref_slice %arg6[%run_scoped3A_19, %dma_start3A_86, %dma_start3A_87] : memref<3x128x128xf32, #tpu.memory_space<vmem>> -> memref<1x128x128xf32, #tpu.memory_space<vmem>>
      %dma_start3A_89 = tpu.memref_squeeze %dma_start3A_88 : memref<1x128x128xf32, #tpu.memory_space<vmem>> -> memref<128x128xf32, #tpu.memory_space<vmem>>
      %dma_start3A_90 = arith.constant 0 : i32
      %dma_start3A_91 = tpu.memref_slice %arg7[%add3A_18, %dma_start3A_90] : memref<10112x128xf32, #tpu.memory_space<vmem_shared>> -> memref<128x128xf32, #tpu.memory_space<vmem_shared>>
      %dma_start3A_92 = arith.constant 0 : i32
      %dma_start3A_93 = tpu.memref_slice %arg7[%add3A_18, %dma_start3A_92] : memref<10112x128xf32, #tpu.memory_space<vmem_shared>> -> memref<128x128xf32, #tpu.memory_space<vmem_shared>>
      %dma_start3A_94 = arith.constant 0 : i32
      %dma_start3A_95 = arith.constant 0 : i32
      %dma_start3A_96 = tpu.memref_slice %arg6[%run_scoped3A_19, %dma_start3A_94, %dma_start3A_95] : memref<3x128x128xf32, #tpu.memory_space<vmem>> -> memref<1x128x128xf32, #tpu.memory_space<vmem>>
      %dma_start3A_97 = tpu.memref_squeeze %dma_start3A_96 : memref<1x128x128xf32, #tpu.memory_space<vmem>> -> memref<128x128xf32, #tpu.memory_space<vmem>>
      tpu.enqueue_dma source(%dma_start3A_97 : memref<128x128xf32, #tpu.memory_space<vmem>>) target(%dma_start3A_93 : memref<128x128xf32, #tpu.memory_space<vmem_shared>>) target_semaphore(%run_scoped3A_85 : memref<!tpu.dma_semaphore, #tpu.memory_space<semaphore_mem>>)
      %dma_wait3A = arith.constant 0 : i32
      %dma_wait3A_98 = arith.constant 0 : i32
      %dma_wait3A_99 = tpu.memref_slice %arg6[%run_scoped3A_19, %dma_wait3A, %dma_wait3A_98] : memref<3x128x128xf32, #tpu.memory_space<vmem>> -> memref<1x128x128xf32, #tpu.memory_space<vmem>>
      %dma_wait3A_100 = tpu.memref_squeeze %dma_wait3A_99 : memref<1x128x128xf32, #tpu.memory_space<vmem>> -> memref<128x128xf32, #tpu.memory_space<vmem>>
      %dma_wait3A_101 = arith.constant 0 : i32
      %dma_wait3A_102 = tpu.memref_slice %arg7[%add3A_18, %dma_wait3A_101] : memref<10112x128xf32, #tpu.memory_space<vmem_shared>> -> memref<128x128xf32, #tpu.memory_space<vmem_shared>>
      %dma_wait3A_103 = arith.constant 0 : i32
      %dma_wait3A_104 = tpu.memref_slice %arg7[%add3A_18, %dma_wait3A_103] : memref<10112x128xf32, #tpu.memory_space<vmem_shared>> -> memref<128x128xf32, #tpu.memory_space<vmem_shared>>
      %dma_wait3A_105 = arith.constant 0 : i32
      %dma_wait3A_106 = arith.constant 0 : i32
      %dma_wait3A_107 = tpu.memref_slice %arg6[%run_scoped3A_19, %dma_wait3A_105, %dma_wait3A_106] : memref<3x128x128xf32, #tpu.memory_space<vmem>> -> memref<1x128x128xf32, #tpu.memory_space<vmem>>
      %dma_wait3A_108 = tpu.memref_squeeze %dma_wait3A_107 : memref<1x128x128xf32, #tpu.memory_space<vmem>> -> memref<128x128xf32, #tpu.memory_space<vmem>>
      tpu.wait_dma2 semaphore(%run_scoped3A_85 : memref<!tpu.dma_semaphore, #tpu.memory_space<semaphore_mem>>) src(%dma_wait3A_108 : memref<128x128xf32, #tpu.memory_space<vmem>>) dst(%dma_wait3A_104 : memref<128x128xf32, #tpu.memory_space<vmem_shared>>)
      tpu.yield
    }) : () -> ()
    %mul3A_20 = arith.constant 632 : i32
    %mul3A_21 = arith.muli %arg1, %mul3A_20 : i32
    %add3A_22 = arith.constant 384 : i32
    %add3A_23 = arith.addi %mul3A_21, %add3A_22 : i32
    %run_scoped3A_24 = arith.constant 0 : i32
    "tpu.region"() ({
      %run_scoped3A_85 = tpu.sem_alloc : memref<!tpu.dma_semaphore, #tpu.memory_space<semaphore_mem>>
      %dma_start3A_86 = arith.constant 0 : i32
      %dma_start3A_87 = arith.constant 0 : i32
      %dma_start3A_88 = tpu.memref_slice %arg6[%run_scoped3A_24, %dma_start3A_86, %dma_start3A_87] : memref<3x128x128xf32, #tpu.memory_space<vmem>> -> memref<1x128x128xf32, #tpu.memory_space<vmem>>
      %dma_start3A_89 = tpu.memref_squeeze %dma_start3A_88 : memref<1x128x128xf32, #tpu.memory_space<vmem>> -> memref<128x128xf32, #tpu.memory_space<vmem>>
      %dma_start3A_90 = arith.constant 0 : i32
      %dma_start3A_91 = tpu.memref_slice %arg7[%add3A_23, %dma_start3A_90] : memref<10112x128xf32, #tpu.memory_space<vmem_shared>> -> memref<128x128xf32, #tpu.memory_space<vmem_shared>>
      %dma_start3A_92 = arith.constant 0 : i32
      %dma_start3A_93 = tpu.memref_slice %arg7[%add3A_23, %dma_start3A_92] : memref<10112x128xf32, #tpu.memory_space<vmem_shared>> -> memref<128x128xf32, #tpu.memory_space<vmem_shared>>
      %dma_start3A_94 = arith.constant 0 : i32
      %dma_start3A_95 = arith.constant 0 : i32
      %dma_start3A_96 = tpu.memref_slice %arg6[%run_scoped3A_24, %dma_start3A_94, %dma_start3A_95] : memref<3x128x128xf32, #tpu.memory_space<vmem>> -> memref<1x128x128xf32, #tpu.memory_space<vmem>>
      %dma_start3A_97 = tpu.memref_squeeze %dma_start3A_96 : memref<1x128x128xf32, #tpu.memory_space<vmem>> -> memref<128x128xf32, #tpu.memory_space<vmem>>
      tpu.enqueue_dma source(%dma_start3A_97 : memref<128x128xf32, #tpu.memory_space<vmem>>) target(%dma_start3A_93 : memref<128x128xf32, #tpu.memory_space<vmem_shared>>) target_semaphore(%run_scoped3A_85 : memref<!tpu.dma_semaphore, #tpu.memory_space<semaphore_mem>>)
      %dma_wait3A = arith.constant 0 : i32
      %dma_wait3A_98 = arith.constant 0 : i32
      %dma_wait3A_99 = tpu.memref_slice %arg6[%run_scoped3A_24, %dma_wait3A, %dma_wait3A_98] : memref<3x128x128xf32, #tpu.memory_space<vmem>> -> memref<1x128x128xf32, #tpu.memory_space<vmem>>
      %dma_wait3A_100 = tpu.memref_squeeze %dma_wait3A_99 : memref<1x128x128xf32, #tpu.memory_space<vmem>> -> memref<128x128xf32, #tpu.memory_space<vmem>>
      %dma_wait3A_101 = arith.constant 0 : i32
      %dma_wait3A_102 = tpu.memref_slice %arg7[%add3A_23, %dma_wait3A_101] : memref<10112x128xf32, #tpu.memory_space<vmem_shared>> -> memref<128x128xf32, #tpu.memory_space<vmem_shared>>
      %dma_wait3A_103 = arith.constant 0 : i32
      %dma_wait3A_104 = tpu.memref_slice %arg7[%add3A_23, %dma_wait3A_103] : memref<10112x128xf32, #tpu.memory_space<vmem_shared>> -> memref<128x128xf32, #tpu.memory_space<vmem_shared>>
      %dma_wait3A_105 = arith.constant 0 : i32
      %dma_wait3A_106 = arith.constant 0 : i32
      %dma_wait3A_107 = tpu.memref_slice %arg6[%run_scoped3A_24, %dma_wait3A_105, %dma_wait3A_106] : memref<3x128x128xf32, #tpu.memory_space<vmem>> -> memref<1x128x128xf32, #tpu.memory_space<vmem>>
      %dma_wait3A_108 = tpu.memref_squeeze %dma_wait3A_107 : memref<1x128x128xf32, #tpu.memory_space<vmem>> -> memref<128x128xf32, #tpu.memory_space<vmem>>
      tpu.wait_dma2 semaphore(%run_scoped3A_85 : memref<!tpu.dma_semaphore, #tpu.memory_space<semaphore_mem>>) src(%dma_wait3A_108 : memref<128x128xf32, #tpu.memory_space<vmem>>) dst(%dma_wait3A_104 : memref<128x128xf32, #tpu.memory_space<vmem_shared>>)
      tpu.yield
    }) : () -> ()
    %mul3A_25 = arith.constant 632 : i32
    %mul3A_26 = arith.muli %arg1, %mul3A_25 : i32
    %add3A_27 = arith.constant 512 : i32
    %add3A_28 = arith.addi %mul3A_26, %add3A_27 : i32
    %run_scoped3A_29 = arith.constant 0 : i32
    "tpu.region"() ({
      %run_scoped3A_85 = tpu.sem_alloc : memref<!tpu.dma_semaphore, #tpu.memory_space<semaphore_mem>>
      %dma_start3A_86 = arith.constant 0 : i32
      %dma_start3A_87 = arith.constant 0 : i32
      %dma_start3A_88 = tpu.memref_slice %arg6[%run_scoped3A_29, %dma_start3A_86, %dma_start3A_87] : memref<3x128x128xf32, #tpu.memory_space<vmem>> -> memref<1x120x128xf32, #tpu.memory_space<vmem>>
      %dma_start3A_89 = tpu.memref_squeeze %dma_start3A_88 : memref<1x120x128xf32, #tpu.memory_space<vmem>> -> memref<120x128xf32, #tpu.memory_space<vmem>>
      %dma_start3A_90 = arith.constant 0 : i32
      %dma_start3A_91 = tpu.memref_slice %arg7[%add3A_28, %dma_start3A_90] : memref<10112x128xf32, #tpu.memory_space<vmem_shared>> -> memref<120x128xf32, #tpu.memory_space<vmem_shared>>
      %dma_start3A_92 = arith.constant 0 : i32
      %dma_start3A_93 = tpu.memref_slice %arg7[%add3A_28, %dma_start3A_92] : memref<10112x128xf32, #tpu.memory_space<vmem_shared>> -> memref<120x128xf32, #tpu.memory_space<vmem_shared>>
      %dma_start3A_94 = arith.constant 0 : i32
      %dma_start3A_95 = arith.constant 0 : i32
      %dma_start3A_96 = tpu.memref_slice %arg6[%run_scoped3A_29, %dma_start3A_94, %dma_start3A_95] : memref<3x128x128xf32, #tpu.memory_space<vmem>> -> memref<1x120x128xf32, #tpu.memory_space<vmem>>
      %dma_start3A_97 = tpu.memref_squeeze %dma_start3A_96 : memref<1x120x128xf32, #tpu.memory_space<vmem>> -> memref<120x128xf32, #tpu.memory_space<vmem>>
      tpu.enqueue_dma source(%dma_start3A_97 : memref<120x128xf32, #tpu.memory_space<vmem>>) target(%dma_start3A_93 : memref<120x128xf32, #tpu.memory_space<vmem_shared>>) target_semaphore(%run_scoped3A_85 : memref<!tpu.dma_semaphore, #tpu.memory_space<semaphore_mem>>)
      %dma_wait3A = arith.constant 0 : i32
      %dma_wait3A_98 = arith.constant 0 : i32
      %dma_wait3A_99 = tpu.memref_slice %arg6[%run_scoped3A_29, %dma_wait3A, %dma_wait3A_98] : memref<3x128x128xf32, #tpu.memory_space<vmem>> -> memref<1x120x128xf32, #tpu.memory_space<vmem>>
      %dma_wait3A_100 = tpu.memref_squeeze %dma_wait3A_99 : memref<1x120x128xf32, #tpu.memory_space<vmem>> -> memref<120x128xf32, #tpu.memory_space<vmem>>
      %dma_wait3A_101 = arith.constant 0 : i32
      %dma_wait3A_102 = tpu.memref_slice %arg7[%add3A_28, %dma_wait3A_101] : memref<10112x128xf32, #tpu.memory_space<vmem_shared>> -> memref<120x128xf32, #tpu.memory_space<vmem_shared>>
      %dma_wait3A_103 = arith.constant 0 : i32
      %dma_wait3A_104 = tpu.memref_slice %arg7[%add3A_28, %dma_wait3A_103] : memref<10112x128xf32, #tpu.memory_space<vmem_shared>> -> memref<120x128xf32, #tpu.memory_space<vmem_shared>>
      %dma_wait3A_105 = arith.constant 0 : i32
      %dma_wait3A_106 = arith.constant 0 : i32
      %dma_wait3A_107 = tpu.memref_slice %arg6[%run_scoped3A_29, %dma_wait3A_105, %dma_wait3A_106] : memref<3x128x128xf32, #tpu.memory_space<vmem>> -> memref<1x120x128xf32, #tpu.memory_space<vmem>>
      %dma_wait3A_108 = tpu.memref_squeeze %dma_wait3A_107 : memref<1x120x128xf32, #tpu.memory_space<vmem>> -> memref<120x128xf32, #tpu.memory_space<vmem>>
      tpu.wait_dma2 semaphore(%run_scoped3A_85 : memref<!tpu.dma_semaphore, #tpu.memory_space<semaphore_mem>>) src(%dma_wait3A_108 : memref<120x128xf32, #tpu.memory_space<vmem>>) dst(%dma_wait3A_104 : memref<120x128xf32, #tpu.memory_space<vmem_shared>>)
      tpu.yield
    }) : () -> ()
    %barrier3A = arith.constant 0 : index
    tpu.barrier barrier_id(%barrier3A)
    %lt3A = arith.constant 4 : i32
    %lt3A_30 = arith.cmpi slt, %add3A, %lt3A : i32
    %jit3A = arith.constant 1 : i32
    %jit3A_31 = arith.constant 0 : i32
    %select_n3A = arith.select %lt3A_30, %jit3A, %jit3A_31 : i32
    %add3A_32 = arith.constant 78 : i32
    %add3A_33 = arith.addi %add3A_32, %select_n3A : i32
    %add3A_34 = arith.constant 0 : i32
    %add3A_35 = arith.addi %add3A, %add3A_34 : i32
    %mul3A_36 = arith.constant 128 : i32
    %mul3A_37 = arith.muli %add3A_35, %mul3A_36 : i32
    %dma_start3A = arith.constant 0 : i32
    %dma_start3A_38 = arith.constant 0 : i32
    %dma_start3A_39 = arith.constant 0 : i32
    %dma_start3A_40 = tpu.memref_slice %arg5[%dma_start3A, %dma_start3A_39] : memref<3x128xi32, #tpu.memory_space<vmem>> -> memref<1x128xi32, #tpu.memory_space<vmem>>
    %dma_start3A_41 = tpu.memref_squeeze %dma_start3A_40 : memref<1x128xi32, #tpu.memory_space<vmem>> -> memref<128xi32, #tpu.memory_space<vmem>>
    %dma_start3A_42 = tpu.memref_slice %arg3[%mul3A_37] : memref<320000xi32, #tpu.memory_space<hbm>> -> memref<128xi32, #tpu.memory_space<hbm>>
    %dma_start3A_43 = tpu.memref_slice %arg8[%dma_start3A_38] : memref<3x!tpu.dma_semaphore, #tpu.memory_space<semaphore_mem>> -> memref<1x!tpu.dma_semaphore, #tpu.memory_space<semaphore_mem>>
    %dma_start3A_44 = tpu.memref_squeeze %dma_start3A_43 : memref<1x!tpu.dma_semaphore, #tpu.memory_space<semaphore_mem>> -> memref<!tpu.dma_semaphore, #tpu.memory_space<semaphore_mem>>
    %dma_start3A_45 = arith.constant 0 : i32
    %dma_start3A_46 = tpu.memref_slice %arg5[%dma_start3A, %dma_start3A_45] : memref<3x128xi32, #tpu.memory_space<vmem>> -> memref<1x128xi32, #tpu.memory_space<vmem>>
    %dma_start3A_47 = tpu.memref_squeeze %dma_start3A_46 : memref<1x128xi32, #tpu.memory_space<vmem>> -> memref<128xi32, #tpu.memory_space<vmem>>
    %dma_start3A_48 = tpu.memref_slice %arg3[%mul3A_37] : memref<320000xi32, #tpu.memory_space<hbm>> -> memref<128xi32, #tpu.memory_space<hbm>>
    tpu.enqueue_dma source(%dma_start3A_48 : memref<128xi32, #tpu.memory_space<hbm>>) target(%dma_start3A_47 : memref<128xi32, #tpu.memory_space<vmem>>) target_semaphore(%dma_start3A_44 : memref<!tpu.dma_semaphore, #tpu.memory_space<semaphore_mem>>)
    %add3A_49 = arith.constant 0 : i32
    %add3A_50 = arith.addi %add3A, %add3A_49 : i32
    %mul3A_51 = arith.constant 128 : i32
    %mul3A_52 = arith.muli %add3A_50, %mul3A_51 : i32
    %dma_start3A_53 = arith.constant 0 : i32
    %dma_start3A_54 = arith.constant 0 : i32
    %dma_start3A_55 = arith.constant 0 : i32
    %dma_start3A_56 = arith.constant 0 : i32
    %dma_start3A_57 = tpu.memref_slice %arg6[%dma_start3A_53, %dma_start3A_55, %dma_start3A_56] : memref<3x128x128xf32, #tpu.memory_space<vmem>> -> memref<1x128x128xf32, #tpu.memory_space<vmem>>
    %dma_start3A_58 = tpu.memref_squeeze %dma_start3A_57 : memref<1x128x128xf32, #tpu.memory_space<vmem>> -> memref<128x128xf32, #tpu.memory_space<vmem>>
    %dma_start3A_59 = arith.constant 0 : i32
    %dma_start3A_60 = tpu.memref_slice %arg2[%mul3A_52, %dma_start3A_59] : memref<320000x128xf32, #tpu.memory_space<hbm>> -> memref<128x128xf32, #tpu.memory_space<hbm>>
    %dma_start3A_61 = tpu.memref_slice %arg9[%dma_start3A_54] : memref<3x!tpu.dma_semaphore, #tpu.memory_space<semaphore_mem>> -> memref<1x!tpu.dma_semaphore, #tpu.memory_space<semaphore_mem>>
    %dma_start3A_62 = tpu.memref_squeeze %dma_start3A_61 : memref<1x!tpu.dma_semaphore, #tpu.memory_space<semaphore_mem>> -> memref<!tpu.dma_semaphore, #tpu.memory_space<semaphore_mem>>
    %dma_start3A_63 = arith.constant 0 : i32
    %dma_start3A_64 = arith.constant 0 : i32
    %dma_start3A_65 = tpu.memref_slice %arg6[%dma_start3A_53, %dma_start3A_63, %dma_start3A_64] : memref<3x128x128xf32, #tpu.memory_space<vmem>> -> memref<1x128x128xf32, #tpu.memory_space<vmem>>
    %dma_start3A_66 = tpu.memref_squeeze %dma_start3A_65 : memref<1x128x128xf32, #tpu.memory_space<vmem>> -> memref<128x128xf32, #tpu.memory_space<vmem>>
    %dma_start3A_67 = arith.constant 0 : i32
    %dma_start3A_68 = tpu.memref_slice %arg2[%mul3A_52, %dma_start3A_67] : memref<320000x128xf32, #tpu.memory_space<hbm>> -> memref<128x128xf32, #tpu.memory_space<hbm>>
    tpu.enqueue_dma source(%dma_start3A_68 : memref<128x128xf32, #tpu.memory_space<hbm>>) target(%dma_start3A_66 : memref<128x128xf32, #tpu.memory_space<vmem>>) target_semaphore(%dma_start3A_62 : memref<!tpu.dma_semaphore, #tpu.memory_space<semaphore_mem>>)
    %gt3A = arith.constant 1 : i32
    %gt3A_69 = arith.cmpi sgt, %add3A_33, %gt3A : i32
    %convert_element_type3A = arith.extui %gt3A_69 : i1 to i32
    %cond3A = arith.constant 0 : i32
    %cond3A_70 = arith.cmpi ne, %convert_element_type3A, %cond3A : i32
    scf.if %cond3A_70 {
      %add3A_85 = arith.constant 32 : i32
      %add3A_86 = arith.addi %add3A, %add3A_85 : i32
      %mul3A_87 = arith.constant 128 : i32
      %mul3A_88 = arith.muli %add3A_86, %mul3A_87 : i32
      %dma_start3A_89 = arith.constant 1 : i32
      %dma_start3A_90 = arith.constant 1 : i32
      %dma_start3A_91 = arith.constant 0 : i32
      %dma_start3A_92 = tpu.memref_slice %arg5[%dma_start3A_89, %dma_start3A_91] : memref<3x128xi32, #tpu.memory_space<vmem>> -> memref<1x128xi32, #tpu.memory_space<vmem>>
      %dma_start3A_93 = tpu.memref_squeeze %dma_start3A_92 : memref<1x128xi32, #tpu.memory_space<vmem>> -> memref<128xi32, #tpu.memory_space<vmem>>
      %dma_start3A_94 = tpu.memref_slice %arg3[%mul3A_88] : memref<320000xi32, #tpu.memory_space<hbm>> -> memref<128xi32, #tpu.memory_space<hbm>>
      %dma_start3A_95 = tpu.memref_slice %arg8[%dma_start3A_90] : memref<3x!tpu.dma_semaphore, #tpu.memory_space<semaphore_mem>> -> memref<1x!tpu.dma_semaphore, #tpu.memory_space<semaphore_mem>>
      %dma_start3A_96 = tpu.memref_squeeze %dma_start3A_95 : memref<1x!tpu.dma_semaphore, #tpu.memory_space<semaphore_mem>> -> memref<!tpu.dma_semaphore, #tpu.memory_space<semaphore_mem>>
      %dma_start3A_97 = arith.constant 0 : i32
      %dma_start3A_98 = tpu.memref_slice %arg5[%dma_start3A_89, %dma_start3A_97] : memref<3x128xi32, #tpu.memory_space<vmem>> -> memref<1x128xi32, #tpu.memory_space<vmem>>
      %dma_start3A_99 = tpu.memref_squeeze %dma_start3A_98 : memref<1x128xi32, #tpu.memory_space<vmem>> -> memref<128xi32, #tpu.memory_space<vmem>>
      %dma_start3A_100 = tpu.memref_slice %arg3[%mul3A_88] : memref<320000xi32, #tpu.memory_space<hbm>> -> memref<128xi32, #tpu.memory_space<hbm>>
      tpu.enqueue_dma source(%dma_start3A_100 : memref<128xi32, #tpu.memory_space<hbm>>) target(%dma_start3A_99 : memref<128xi32, #tpu.memory_space<vmem>>) target_semaphore(%dma_start3A_96 : memref<!tpu.dma_semaphore, #tpu.memory_space<semaphore_mem>>)
      %add3A_101 = arith.constant 32 : i32
      %add3A_102 = arith.addi %add3A, %add3A_101 : i32
      %mul3A_103 = arith.constant 128 : i32
      %mul3A_104 = arith.muli %add3A_102, %mul3A_103 : i32
      %dma_start3A_105 = arith.constant 1 : i32
      %dma_start3A_106 = arith.constant 1 : i32
      %dma_start3A_107 = arith.constant 0 : i32
      %dma_start3A_108 = arith.constant 0 : i32
      %dma_start3A_109 = tpu.memref_slice %arg6[%dma_start3A_105, %dma_start3A_107, %dma_start3A_108] : memref<3x128x128xf32, #tpu.memory_space<vmem>> -> memref<1x128x128xf32, #tpu.memory_space<vmem>>
      %dma_start3A_110 = tpu.memref_squeeze %dma_start3A_109 : memref<1x128x128xf32, #tpu.memory_space<vmem>> -> memref<128x128xf32, #tpu.memory_space<vmem>>
      %dma_start3A_111 = arith.constant 0 : i32
      %dma_start3A_112 = tpu.memref_slice %arg2[%mul3A_104, %dma_start3A_111] : memref<320000x128xf32, #tpu.memory_space<hbm>> -> memref<128x128xf32, #tpu.memory_space<hbm>>
      %dma_start3A_113 = tpu.memref_slice %arg9[%dma_start3A_106] : memref<3x!tpu.dma_semaphore, #tpu.memory_space<semaphore_mem>> -> memref<1x!tpu.dma_semaphore, #tpu.memory_space<semaphore_mem>>
      %dma_start3A_114 = tpu.memref_squeeze %dma_start3A_113 : memref<1x!tpu.dma_semaphore, #tpu.memory_space<semaphore_mem>> -> memref<!tpu.dma_semaphore, #tpu.memory_space<semaphore_mem>>
      %dma_start3A_115 = arith.constant 0 : i32
      %dma_start3A_116 = arith.constant 0 : i32
      %dma_start3A_117 = tpu.memref_slice %arg6[%dma_start3A_105, %dma_start3A_115, %dma_start3A_116] : memref<3x128x128xf32, #tpu.memory_space<vmem>> -> memref<1x128x128xf32, #tpu.memory_space<vmem>>
      %dma_start3A_118 = tpu.memref_squeeze %dma_start3A_117 : memref<1x128x128xf32, #tpu.memory_space<vmem>> -> memref<128x128xf32, #tpu.memory_space<vmem>>
      %dma_start3A_119 = arith.constant 0 : i32
      %dma_start3A_120 = tpu.memref_slice %arg2[%mul3A_104, %dma_start3A_119] : memref<320000x128xf32, #tpu.memory_space<hbm>> -> memref<128x128xf32, #tpu.memory_space<hbm>>
      tpu.enqueue_dma source(%dma_start3A_120 : memref<128x128xf32, #tpu.memory_space<hbm>>) target(%dma_start3A_118 : memref<128x128xf32, #tpu.memory_space<vmem>>) target_semaphore(%dma_start3A_114 : memref<!tpu.dma_semaphore, #tpu.memory_space<semaphore_mem>>)
    } else {
    }
    %while3A = arith.constant 0 : i32
    %while3A_71 = arith.constant 0 : i32
    %while3A_72 = arith.subi %add3A_33, %while3A_71 : i32
    %while3A_73 = arith.addi %while3A_71, %while3A_72 : i32
    %while3A_74 = arith.constant 1 : i32
    %while3A_75 = arith.divsi %while3A_72, %while3A_74 : i32
    %while3A_76 = arith.muli %while3A_75, %while3A_74 : i32
    %while3A_77 = arith.addi %while3A_71, %while3A_76 : i32
    %while3A_78 = arith.constant 1 : i32
    scf.for %while3A_85 = %while3A_71 to %while3A_77 step %while3A_78  : i32 {
      %jit3A_86 = arith.constant 3 : i32
      %eq3A = arith.constant 0 : i32
      %eq3A_87 = arith.cmpi eq, %jit3A_86, %eq3A : i32
      %jit3A_88 = arith.constant 1 : i32
      %select_n3A_89 = arith.select %eq3A_87, %jit3A_88, %jit3A_86 : i32
      %rem3A = arith.remsi %while3A_85, %select_n3A_89 : i32
      %ne3A = arith.constant 0 : i32
      %ne3A_90 = arith.cmpi ne, %rem3A, %ne3A : i32
      %lt3A_91 = arith.constant 0 : i32
      %lt3A_92 = arith.cmpi slt, %rem3A, %lt3A_91 : i32
      %lt3A_93 = arith.constant 0 : i32
      %lt3A_94 = arith.cmpi slt, %select_n3A_89, %lt3A_93 : i32
      %ne3A_95 = arith.xori %lt3A_92, %lt3A_94 : i1
      %and3A = arith.andi %ne3A_95, %ne3A_90 : i1
      %add3A_96 = arith.addi %rem3A, %select_n3A_89 : i32
      %select_n3A_97 = arith.select %and3A, %add3A_96, %rem3A : i32
      %eq3A_98 = arith.constant 0 : i32
      %eq3A_99 = arith.cmpi eq, %select_n3A_97, %eq3A_98 : i32
      %convert_element_type3A_100 = arith.extui %eq3A_99 : i1 to i32
      %cond3A_101 = arith.constant 0 : i32
      %cond3A_102 = arith.cmpi ne, %convert_element_type3A_100, %cond3A_101 : i32
      scf.if %cond3A_102 {
        %mul3A_145 = arith.constant 32 : i32
        %mul3A_146 = arith.muli %mul3A_145, %while3A_85 : i32
        %add3A_147 = arith.addi %add3A, %mul3A_146 : i32
        %mul3A_148 = arith.constant 128 : i32
        %mul3A_149 = arith.muli %add3A_147, %mul3A_148 : i32
        %dma_wait3A = arith.constant 0 : i32
        %dma_wait3A_150 = arith.constant 0 : i32
        %dma_wait3A_151 = arith.constant 0 : i32
        %dma_wait3A_152 = tpu.memref_slice %arg5[%dma_wait3A, %dma_wait3A_151] : memref<3x128xi32, #tpu.memory_space<vmem>> -> memref<1x128xi32, #tpu.memory_space<vmem>>
        %dma_wait3A_153 = tpu.memref_squeeze %dma_wait3A_152 : memref<1x128xi32, #tpu.memory_space<vmem>> -> memref<128xi32, #tpu.memory_space<vmem>>
        %dma_wait3A_154 = tpu.memref_slice %arg3[%mul3A_149] : memref<320000xi32, #tpu.memory_space<hbm>> -> memref<128xi32, #tpu.memory_space<hbm>>
        %dma_wait3A_155 = tpu.memref_slice %arg8[%dma_wait3A_150] : memref<3x!tpu.dma_semaphore, #tpu.memory_space<semaphore_mem>> -> memref<1x!tpu.dma_semaphore, #tpu.memory_space<semaphore_mem>>
        %dma_wait3A_156 = tpu.memref_squeeze %dma_wait3A_155 : memref<1x!tpu.dma_semaphore, #tpu.memory_space<semaphore_mem>> -> memref<!tpu.dma_semaphore, #tpu.memory_space<semaphore_mem>>
        %dma_wait3A_157 = arith.constant 0 : i32
        %dma_wait3A_158 = tpu.memref_slice %arg5[%dma_wait3A, %dma_wait3A_157] : memref<3x128xi32, #tpu.memory_space<vmem>> -> memref<1x128xi32, #tpu.memory_space<vmem>>
        %dma_wait3A_159 = tpu.memref_squeeze %dma_wait3A_158 : memref<1x128xi32, #tpu.memory_space<vmem>> -> memref<128xi32, #tpu.memory_space<vmem>>
        %dma_wait3A_160 = tpu.memref_slice %arg3[%mul3A_149] : memref<320000xi32, #tpu.memory_space<hbm>> -> memref<128xi32, #tpu.memory_space<hbm>>
        tpu.wait_dma2 semaphore(%dma_wait3A_156 : memref<!tpu.dma_semaphore, #tpu.memory_space<semaphore_mem>>) src(%dma_wait3A_160 : memref<128xi32, #tpu.memory_space<hbm>>) dst(%dma_wait3A_159 : memref<128xi32, #tpu.memory_space<vmem>>)
        %mul3A_161 = arith.constant 32 : i32
        %mul3A_162 = arith.muli %mul3A_161, %while3A_85 : i32
        %add3A_163 = arith.addi %add3A, %mul3A_162 : i32
        %mul3A_164 = arith.constant 128 : i32
        %mul3A_165 = arith.muli %add3A_163, %mul3A_164 : i32
        %dma_wait3A_166 = arith.constant 0 : i32
        %dma_wait3A_167 = arith.constant 0 : i32
        %dma_wait3A_168 = arith.constant 0 : i32
        %dma_wait3A_169 = arith.constant 0 : i32
        %dma_wait3A_170 = tpu.memref_slice %arg6[%dma_wait3A_166, %dma_wait3A_168, %dma_wait3A_169] : memref<3x128x128xf32, #tpu.memory_space<vmem>> -> memref<1x128x128xf32, #tpu.memory_space<vmem>>
        %dma_wait3A_171 = tpu.memref_squeeze %dma_wait3A_170 : memref<1x128x128xf32, #tpu.memory_space<vmem>> -> memref<128x128xf32, #tpu.memory_space<vmem>>
        %dma_wait3A_172 = arith.constant 0 : i32
        %dma_wait3A_173 = tpu.memref_slice %arg2[%mul3A_165, %dma_wait3A_172] : memref<320000x128xf32, #tpu.memory_space<hbm>> -> memref<128x128xf32, #tpu.memory_space<hbm>>
        %dma_wait3A_174 = tpu.memref_slice %arg9[%dma_wait3A_167] : memref<3x!tpu.dma_semaphore, #tpu.memory_space<semaphore_mem>> -> memref<1x!tpu.dma_semaphore, #tpu.memory_space<semaphore_mem>>
        %dma_wait3A_175 = tpu.memref_squeeze %dma_wait3A_174 : memref<1x!tpu.dma_semaphore, #tpu.memory_space<semaphore_mem>> -> memref<!tpu.dma_semaphore, #tpu.memory_space<semaphore_mem>>
        %dma_wait3A_176 = arith.constant 0 : i32
        %dma_wait3A_177 = arith.constant 0 : i32
        %dma_wait3A_178 = tpu.memref_slice %arg6[%dma_wait3A_166, %dma_wait3A_176, %dma_wait3A_177] : memref<3x128x128xf32, #tpu.memory_space<vmem>> -> memref<1x128x128xf32, #tpu.memory_space<vmem>>
        %dma_wait3A_179 = tpu.memref_squeeze %dma_wait3A_178 : memref<1x128x128xf32, #tpu.memory_space<vmem>> -> memref<128x128xf32, #tpu.memory_space<vmem>>
        %dma_wait3A_180 = arith.constant 0 : i32
        %dma_wait3A_181 = tpu.memref_slice %arg2[%mul3A_165, %dma_wait3A_180] : memref<320000x128xf32, #tpu.memory_space<hbm>> -> memref<128x128xf32, #tpu.memory_space<hbm>>
        tpu.wait_dma2 semaphore(%dma_wait3A_175 : memref<!tpu.dma_semaphore, #tpu.memory_space<semaphore_mem>>) src(%dma_wait3A_181 : memref<128x128xf32, #tpu.memory_space<hbm>>) dst(%dma_wait3A_179 : memref<128x128xf32, #tpu.memory_space<vmem>>)
        %add3A_182 = arith.constant 2 : i32
        %add3A_183 = arith.addi %while3A_85, %add3A_182 : i32
        %lt3A_184 = arith.cmpi slt, %add3A_183, %add3A_33 : i32
        %convert_element_type3A_185 = arith.extui %lt3A_184 : i1 to i32
        %cond3A_186 = arith.constant 0 : i32
        %cond3A_187 = arith.cmpi ne, %convert_element_type3A_185, %cond3A_186 : i32
        scf.if %cond3A_187 {
          %add3A_190 = arith.constant 2 : i32
          %add3A_191 = arith.addi %while3A_85, %add3A_190 : i32
          %mul3A_192 = arith.constant 32 : i32
          %mul3A_193 = arith.muli %mul3A_192, %add3A_191 : i32
          %add3A_194 = arith.addi %add3A, %mul3A_193 : i32
          %mul3A_195 = arith.constant 128 : i32
          %mul3A_196 = arith.muli %add3A_194, %mul3A_195 : i32
          %dma_start3A_197 = arith.constant 2 : i32
          %dma_start3A_198 = arith.constant 2 : i32
          %dma_start3A_199 = arith.constant 0 : i32
          %dma_start3A_200 = tpu.memref_slice %arg5[%dma_start3A_197, %dma_start3A_199] : memref<3x128xi32, #tpu.memory_space<vmem>> -> memref<1x128xi32, #tpu.memory_space<vmem>>
          %dma_start3A_201 = tpu.memref_squeeze %dma_start3A_200 : memref<1x128xi32, #tpu.memory_space<vmem>> -> memref<128xi32, #tpu.memory_space<vmem>>
          %dma_start3A_202 = tpu.memref_slice %arg3[%mul3A_196] : memref<320000xi32, #tpu.memory_space<hbm>> -> memref<128xi32, #tpu.memory_space<hbm>>
          %dma_start3A_203 = tpu.memref_slice %arg8[%dma_start3A_198] : memref<3x!tpu.dma_semaphore, #tpu.memory_space<semaphore_mem>> -> memref<1x!tpu.dma_semaphore, #tpu.memory_space<semaphore_mem>>
          %dma_start3A_204 = tpu.memref_squeeze %dma_start3A_203 : memref<1x!tpu.dma_semaphore, #tpu.memory_space<semaphore_mem>> -> memref<!tpu.dma_semaphore, #tpu.memory_space<semaphore_mem>>
          %dma_start3A_205 = arith.constant 0 : i32
          %dma_start3A_206 = tpu.memref_slice %arg5[%dma_start3A_197, %dma_start3A_205] : memref<3x128xi32, #tpu.memory_space<vmem>> -> memref<1x128xi32, #tpu.memory_space<vmem>>
          %dma_start3A_207 = tpu.memref_squeeze %dma_start3A_206 : memref<1x128xi32, #tpu.memory_space<vmem>> -> memref<128xi32, #tpu.memory_space<vmem>>
          %dma_start3A_208 = tpu.memref_slice %arg3[%mul3A_196] : memref<320000xi32, #tpu.memory_space<hbm>> -> memref<128xi32, #tpu.memory_space<hbm>>
          tpu.enqueue_dma source(%dma_start3A_208 : memref<128xi32, #tpu.memory_space<hbm>>) target(%dma_start3A_207 : memref<128xi32, #tpu.memory_space<vmem>>) target_semaphore(%dma_start3A_204 : memref<!tpu.dma_semaphore, #tpu.memory_space<semaphore_mem>>)
          %mul3A_209 = arith.constant 32 : i32
          %mul3A_210 = arith.muli %mul3A_209, %add3A_191 : i32
          %add3A_211 = arith.addi %add3A, %mul3A_210 : i32
          %mul3A_212 = arith.constant 128 : i32
          %mul3A_213 = arith.muli %add3A_211, %mul3A_212 : i32
          %dma_start3A_214 = arith.constant 2 : i32
          %dma_start3A_215 = arith.constant 2 : i32
          %dma_start3A_216 = arith.constant 0 : i32
          %dma_start3A_217 = arith.constant 0 : i32
          %dma_start3A_218 = tpu.memref_slice %arg6[%dma_start3A_214, %dma_start3A_216, %dma_start3A_217] : memref<3x128x128xf32, #tpu.memory_space<vmem>> -> memref<1x128x128xf32, #tpu.memory_space<vmem>>
          %dma_start3A_219 = tpu.memref_squeeze %dma_start3A_218 : memref<1x128x128xf32, #tpu.memory_space<vmem>> -> memref<128x128xf32, #tpu.memory_space<vmem>>
          %dma_start3A_220 = arith.constant 0 : i32
          %dma_start3A_221 = tpu.memref_slice %arg2[%mul3A_213, %dma_start3A_220] : memref<320000x128xf32, #tpu.memory_space<hbm>> -> memref<128x128xf32, #tpu.memory_space<hbm>>
          %dma_start3A_222 = tpu.memref_slice %arg9[%dma_start3A_215] : memref<3x!tpu.dma_semaphore, #tpu.memory_space<semaphore_mem>> -> memref<1x!tpu.dma_semaphore, #tpu.memory_space<semaphore_mem>>
          %dma_start3A_223 = tpu.memref_squeeze %dma_start3A_222 : memref<1x!tpu.dma_semaphore, #tpu.memory_space<semaphore_mem>> -> memref<!tpu.dma_semaphore, #tpu.memory_space<semaphore_mem>>
          %dma_start3A_224 = arith.constant 0 : i32
          %dma_start3A_225 = arith.constant 0 : i32
          %dma_start3A_226 = tpu.memref_slice %arg6[%dma_start3A_214, %dma_start3A_224, %dma_start3A_225] : memref<3x128x128xf32, #tpu.memory_space<vmem>> -> memref<1x128x128xf32, #tpu.memory_space<vmem>>
          %dma_start3A_227 = tpu.memref_squeeze %dma_start3A_226 : memref<1x128x128xf32, #tpu.memory_space<vmem>> -> memref<128x128xf32, #tpu.memory_space<vmem>>
          %dma_start3A_228 = arith.constant 0 : i32
          %dma_start3A_229 = tpu.memref_slice %arg2[%mul3A_213, %dma_start3A_228] : memref<320000x128xf32, #tpu.memory_space<hbm>> -> memref<128x128xf32, #tpu.memory_space<hbm>>
          tpu.enqueue_dma source(%dma_start3A_229 : memref<128x128xf32, #tpu.memory_space<hbm>>) target(%dma_start3A_227 : memref<128x128xf32, #tpu.memory_space<vmem>>) target_semaphore(%dma_start3A_223 : memref<!tpu.dma_semaphore, #tpu.memory_space<semaphore_mem>>)
        } else {
        }
        %run_scoped3A_188 = arith.constant 0 : i32
        %run_scoped3A_189 = arith.constant 0 : i32
        "tpu.region"() ({
          %run_scoped3A_190 = tpu.sem_alloc : memref<!tpu.dma_semaphore, #tpu.memory_space<semaphore_mem>>
          %dma_start3A_191 = arith.constant 0 : i32
          %dma_start3A_192 = arith.constant 0 : i32
          %dma_start3A_193 = tpu.memref_slice %arg6[%run_scoped3A_188, %dma_start3A_191, %dma_start3A_192] : memref<3x128x128xf32, #tpu.memory_space<vmem>> -> memref<1x128x128xf32, #tpu.memory_space<vmem>>
          %dma_start3A_194 = tpu.memref_squeeze %dma_start3A_193 : memref<1x128x128xf32, #tpu.memory_space<vmem>> -> memref<128x128xf32, #tpu.memory_space<vmem>>
          %dma_start3A_195 = arith.constant 0 : i32
          %dma_start3A_196 = tpu.memref_slice %arg5[%run_scoped3A_189, %dma_start3A_195] : memref<3x128xi32, #tpu.memory_space<vmem>> -> memref<1x128xi32, #tpu.memory_space<vmem>>
          %dma_start3A_197 = tpu.memref_squeeze %dma_start3A_196 : memref<1x128xi32, #tpu.memory_space<vmem>> -> memref<128xi32, #tpu.memory_space<vmem>>
          %dma_start3A_198 = arith.constant 0 : i32
          %dma_start3A_199 = arith.constant 0 : i32
          %dma_start3A_200 = tpu.memref_slice %arg7[%dma_start3A_198, %dma_start3A_199] : memref<10112x128xf32, #tpu.memory_space<vmem_shared>> -> memref<10112x128xf32, #tpu.memory_space<vmem_shared>>
          tpu.enqueue_indirect_dma source(%dma_start3A_194 : memref<128x128xf32, #tpu.memory_space<vmem>>) target(%dma_start3A_200 : memref<10112x128xf32, #tpu.memory_space<vmem_shared>>) offsets(%dma_start3A_197 : memref<128xi32, #tpu.memory_space<vmem>>) semaphore(%run_scoped3A_190 : memref<!tpu.dma_semaphore, #tpu.memory_space<semaphore_mem>>) {add = true}
          %dma_wait3A_201 = arith.constant 0 : i32
          %dma_wait3A_202 = arith.constant 0 : i32
          %dma_wait3A_203 = tpu.memref_slice %arg6[%run_scoped3A_188, %dma_wait3A_201, %dma_wait3A_202] : memref<3x128x128xf32, #tpu.memory_space<vmem>> -> memref<1x128x128xf32, #tpu.memory_space<vmem>>
          %dma_wait3A_204 = tpu.memref_squeeze %dma_wait3A_203 : memref<1x128x128xf32, #tpu.memory_space<vmem>> -> memref<128x128xf32, #tpu.memory_space<vmem>>
          %dma_wait3A_205 = arith.constant 0 : i32
          %dma_wait3A_206 = tpu.memref_slice %arg5[%run_scoped3A_189, %dma_wait3A_205] : memref<3x128xi32, #tpu.memory_space<vmem>> -> memref<1x128xi32, #tpu.memory_space<vmem>>
          %dma_wait3A_207 = tpu.memref_squeeze %dma_wait3A_206 : memref<1x128xi32, #tpu.memory_space<vmem>> -> memref<128xi32, #tpu.memory_space<vmem>>
          %dma_wait3A_208 = arith.constant 0 : i32
          %dma_wait3A_209 = arith.constant 0 : i32
          %dma_wait3A_210 = tpu.memref_slice %arg7[%dma_wait3A_208, %dma_wait3A_209] : memref<10112x128xf32, #tpu.memory_space<vmem_shared>> -> memref<10112x128xf32, #tpu.memory_space<vmem_shared>>
          tpu.wait_indirect_dma semaphore(%run_scoped3A_190 : memref<!tpu.dma_semaphore, #tpu.memory_space<semaphore_mem>>) src(%dma_wait3A_204 : memref<128x128xf32, #tpu.memory_space<vmem>>) dst(%dma_wait3A_210 : memref<10112x128xf32, #tpu.memory_space<vmem_shared>>)
          tpu.yield
        }) : () -> ()
      } else {
      }
      %jit3A_103 = arith.constant 3 : i32
      %eq3A_104 = arith.constant 0 : i32
      %eq3A_105 = arith.cmpi eq, %jit3A_103, %eq3A_104 : i32
      %jit3A_106 = arith.constant 1 : i32
      %select_n3A_107 = arith.select %eq3A_105, %jit3A_106, %jit3A_103 : i32
      %rem3A_108 = arith.remsi %while3A_85, %select_n3A_107 : i32
      %ne3A_109 = arith.constant 0 : i32
      %ne3A_110 = arith.cmpi ne, %rem3A_108, %ne3A_109 : i32
      %lt3A_111 = arith.constant 0 : i32
      %lt3A_112 = arith.cmpi slt, %rem3A_108, %lt3A_111 : i32
      %lt3A_113 = arith.constant 0 : i32
      %lt3A_114 = arith.cmpi slt, %select_n3A_107, %lt3A_113 : i32
      %ne3A_115 = arith.xori %lt3A_112, %lt3A_114 : i1
      %and3A_116 = arith.andi %ne3A_115, %ne3A_110 : i1
      %add3A_117 = arith.addi %rem3A_108, %select_n3A_107 : i32
      %select_n3A_118 = arith.select %and3A_116, %add3A_117, %rem3A_108 : i32
      %eq3A_119 = arith.constant 1 : i32
      %eq3A_120 = arith.cmpi eq, %select_n3A_118, %eq3A_119 : i32
      %convert_element_type3A_121 = arith.extui %eq3A_120 : i1 to i32
      %cond3A_122 = arith.constant 0 : i32
      %cond3A_123 = arith.cmpi ne, %convert_element_type3A_121, %cond3A_122 : i32
      scf.if %cond3A_123 {
        %mul3A_145 = arith.constant 32 : i32
        %mul3A_146 = arith.muli %mul3A_145, %while3A_85 : i32
        %add3A_147 = arith.addi %add3A, %mul3A_146 : i32
        %mul3A_148 = arith.constant 128 : i32
        %mul3A_149 = arith.muli %add3A_147, %mul3A_148 : i32
        %dma_wait3A = arith.constant 1 : i32
        %dma_wait3A_150 = arith.constant 1 : i32
        %dma_wait3A_151 = arith.constant 0 : i32
        %dma_wait3A_152 = tpu.memref_slice %arg5[%dma_wait3A, %dma_wait3A_151] : memref<3x128xi32, #tpu.memory_space<vmem>> -> memref<1x128xi32, #tpu.memory_space<vmem>>
        %dma_wait3A_153 = tpu.memref_squeeze %dma_wait3A_152 : memref<1x128xi32, #tpu.memory_space<vmem>> -> memref<128xi32, #tpu.memory_space<vmem>>
        %dma_wait3A_154 = tpu.memref_slice %arg3[%mul3A_149] : memref<320000xi32, #tpu.memory_space<hbm>> -> memref<128xi32, #tpu.memory_space<hbm>>
        %dma_wait3A_155 = tpu.memref_slice %arg8[%dma_wait3A_150] : memref<3x!tpu.dma_semaphore, #tpu.memory_space<semaphore_mem>> -> memref<1x!tpu.dma_semaphore, #tpu.memory_space<semaphore_mem>>
        %dma_wait3A_156 = tpu.memref_squeeze %dma_wait3A_155 : memref<1x!tpu.dma_semaphore, #tpu.memory_space<semaphore_mem>> -> memref<!tpu.dma_semaphore, #tpu.memory_space<semaphore_mem>>
        %dma_wait3A_157 = arith.constant 0 : i32
        %dma_wait3A_158 = tpu.memref_slice %arg5[%dma_wait3A, %dma_wait3A_157] : memref<3x128xi32, #tpu.memory_space<vmem>> -> memref<1x128xi32, #tpu.memory_space<vmem>>
        %dma_wait3A_159 = tpu.memref_squeeze %dma_wait3A_158 : memref<1x128xi32, #tpu.memory_space<vmem>> -> memref<128xi32, #tpu.memory_space<vmem>>
        %dma_wait3A_160 = tpu.memref_slice %arg3[%mul3A_149] : memref<320000xi32, #tpu.memory_space<hbm>> -> memref<128xi32, #tpu.memory_space<hbm>>
        tpu.wait_dma2 semaphore(%dma_wait3A_156 : memref<!tpu.dma_semaphore, #tpu.memory_space<semaphore_mem>>) src(%dma_wait3A_160 : memref<128xi32, #tpu.memory_space<hbm>>) dst(%dma_wait3A_159 : memref<128xi32, #tpu.memory_space<vmem>>)
        %mul3A_161 = arith.constant 32 : i32
        %mul3A_162 = arith.muli %mul3A_161, %while3A_85 : i32
        %add3A_163 = arith.addi %add3A, %mul3A_162 : i32
        %mul3A_164 = arith.constant 128 : i32
        %mul3A_165 = arith.muli %add3A_163, %mul3A_164 : i32
        %dma_wait3A_166 = arith.constant 1 : i32
        %dma_wait3A_167 = arith.constant 1 : i32
        %dma_wait3A_168 = arith.constant 0 : i32
        %dma_wait3A_169 = arith.constant 0 : i32
        %dma_wait3A_170 = tpu.memref_slice %arg6[%dma_wait3A_166, %dma_wait3A_168, %dma_wait3A_169] : memref<3x128x128xf32, #tpu.memory_space<vmem>> -> memref<1x128x128xf32, #tpu.memory_space<vmem>>
        %dma_wait3A_171 = tpu.memref_squeeze %dma_wait3A_170 : memref<1x128x128xf32, #tpu.memory_space<vmem>> -> memref<128x128xf32, #tpu.memory_space<vmem>>
        %dma_wait3A_172 = arith.constant 0 : i32
        %dma_wait3A_173 = tpu.memref_slice %arg2[%mul3A_165, %dma_wait3A_172] : memref<320000x128xf32, #tpu.memory_space<hbm>> -> memref<128x128xf32, #tpu.memory_space<hbm>>
        %dma_wait3A_174 = tpu.memref_slice %arg9[%dma_wait3A_167] : memref<3x!tpu.dma_semaphore, #tpu.memory_space<semaphore_mem>> -> memref<1x!tpu.dma_semaphore, #tpu.memory_space<semaphore_mem>>
        %dma_wait3A_175 = tpu.memref_squeeze %dma_wait3A_174 : memref<1x!tpu.dma_semaphore, #tpu.memory_space<semaphore_mem>> -> memref<!tpu.dma_semaphore, #tpu.memory_space<semaphore_mem>>
        %dma_wait3A_176 = arith.constant 0 : i32
        %dma_wait3A_177 = arith.constant 0 : i32
        %dma_wait3A_178 = tpu.memref_slice %arg6[%dma_wait3A_166, %dma_wait3A_176, %dma_wait3A_177] : memref<3x128x128xf32, #tpu.memory_space<vmem>> -> memref<1x128x128xf32, #tpu.memory_space<vmem>>
        %dma_wait3A_179 = tpu.memref_squeeze %dma_wait3A_178 : memref<1x128x128xf32, #tpu.memory_space<vmem>> -> memref<128x128xf32, #tpu.memory_space<vmem>>
        %dma_wait3A_180 = arith.constant 0 : i32
        %dma_wait3A_181 = tpu.memref_slice %arg2[%mul3A_165, %dma_wait3A_180] : memref<320000x128xf32, #tpu.memory_space<hbm>> -> memref<128x128xf32, #tpu.memory_space<hbm>>
        tpu.wait_dma2 semaphore(%dma_wait3A_175 : memref<!tpu.dma_semaphore, #tpu.memory_space<semaphore_mem>>) src(%dma_wait3A_181 : memref<128x128xf32, #tpu.memory_space<hbm>>) dst(%dma_wait3A_179 : memref<128x128xf32, #tpu.memory_space<vmem>>)
        %add3A_182 = arith.constant 2 : i32
        %add3A_183 = arith.addi %while3A_85, %add3A_182 : i32
        %lt3A_184 = arith.cmpi slt, %add3A_183, %add3A_33 : i32
        %convert_element_type3A_185 = arith.extui %lt3A_184 : i1 to i32
        %cond3A_186 = arith.constant 0 : i32
        %cond3A_187 = arith.cmpi ne, %convert_element_type3A_185, %cond3A_186 : i32
        scf.if %cond3A_187 {
          %add3A_190 = arith.constant 2 : i32
          %add3A_191 = arith.addi %while3A_85, %add3A_190 : i32
          %mul3A_192 = arith.constant 32 : i32
          %mul3A_193 = arith.muli %mul3A_192, %add3A_191 : i32
          %add3A_194 = arith.addi %add3A, %mul3A_193 : i32
          %mul3A_195 = arith.constant 128 : i32
          %mul3A_196 = arith.muli %add3A_194, %mul3A_195 : i32
          %dma_start3A_197 = arith.constant 0 : i32
          %dma_start3A_198 = arith.constant 0 : i32
          %dma_start3A_199 = arith.constant 0 : i32
          %dma_start3A_200 = tpu.memref_slice %arg5[%dma_start3A_197, %dma_start3A_199] : memref<3x128xi32, #tpu.memory_space<vmem>> -> memref<1x128xi32, #tpu.memory_space<vmem>>
          %dma_start3A_201 = tpu.memref_squeeze %dma_start3A_200 : memref<1x128xi32, #tpu.memory_space<vmem>> -> memref<128xi32, #tpu.memory_space<vmem>>
          %dma_start3A_202 = tpu.memref_slice %arg3[%mul3A_196] : memref<320000xi32, #tpu.memory_space<hbm>> -> memref<128xi32, #tpu.memory_space<hbm>>
          %dma_start3A_203 = tpu.memref_slice %arg8[%dma_start3A_198] : memref<3x!tpu.dma_semaphore, #tpu.memory_space<semaphore_mem>> -> memref<1x!tpu.dma_semaphore, #tpu.memory_space<semaphore_mem>>
          %dma_start3A_204 = tpu.memref_squeeze %dma_start3A_203 : memref<1x!tpu.dma_semaphore, #tpu.memory_space<semaphore_mem>> -> memref<!tpu.dma_semaphore, #tpu.memory_space<semaphore_mem>>
          %dma_start3A_205 = arith.constant 0 : i32
          %dma_start3A_206 = tpu.memref_slice %arg5[%dma_start3A_197, %dma_start3A_205] : memref<3x128xi32, #tpu.memory_space<vmem>> -> memref<1x128xi32, #tpu.memory_space<vmem>>
          %dma_start3A_207 = tpu.memref_squeeze %dma_start3A_206 : memref<1x128xi32, #tpu.memory_space<vmem>> -> memref<128xi32, #tpu.memory_space<vmem>>
          %dma_start3A_208 = tpu.memref_slice %arg3[%mul3A_196] : memref<320000xi32, #tpu.memory_space<hbm>> -> memref<128xi32, #tpu.memory_space<hbm>>
          tpu.enqueue_dma source(%dma_start3A_208 : memref<128xi32, #tpu.memory_space<hbm>>) target(%dma_start3A_207 : memref<128xi32, #tpu.memory_space<vmem>>) target_semaphore(%dma_start3A_204 : memref<!tpu.dma_semaphore, #tpu.memory_space<semaphore_mem>>)
          %mul3A_209 = arith.constant 32 : i32
          %mul3A_210 = arith.muli %mul3A_209, %add3A_191 : i32
          %add3A_211 = arith.addi %add3A, %mul3A_210 : i32
          %mul3A_212 = arith.constant 128 : i32
          %mul3A_213 = arith.muli %add3A_211, %mul3A_212 : i32
          %dma_start3A_214 = arith.constant 0 : i32
          %dma_start3A_215 = arith.constant 0 : i32
          %dma_start3A_216 = arith.constant 0 : i32
          %dma_start3A_217 = arith.constant 0 : i32
          %dma_start3A_218 = tpu.memref_slice %arg6[%dma_start3A_214, %dma_start3A_216, %dma_start3A_217] : memref<3x128x128xf32, #tpu.memory_space<vmem>> -> memref<1x128x128xf32, #tpu.memory_space<vmem>>
          %dma_start3A_219 = tpu.memref_squeeze %dma_start3A_218 : memref<1x128x128xf32, #tpu.memory_space<vmem>> -> memref<128x128xf32, #tpu.memory_space<vmem>>
          %dma_start3A_220 = arith.constant 0 : i32
          %dma_start3A_221 = tpu.memref_slice %arg2[%mul3A_213, %dma_start3A_220] : memref<320000x128xf32, #tpu.memory_space<hbm>> -> memref<128x128xf32, #tpu.memory_space<hbm>>
          %dma_start3A_222 = tpu.memref_slice %arg9[%dma_start3A_215] : memref<3x!tpu.dma_semaphore, #tpu.memory_space<semaphore_mem>> -> memref<1x!tpu.dma_semaphore, #tpu.memory_space<semaphore_mem>>
          %dma_start3A_223 = tpu.memref_squeeze %dma_start3A_222 : memref<1x!tpu.dma_semaphore, #tpu.memory_space<semaphore_mem>> -> memref<!tpu.dma_semaphore, #tpu.memory_space<semaphore_mem>>
          %dma_start3A_224 = arith.constant 0 : i32
          %dma_start3A_225 = arith.constant 0 : i32
          %dma_start3A_226 = tpu.memref_slice %arg6[%dma_start3A_214, %dma_start3A_224, %dma_start3A_225] : memref<3x128x128xf32, #tpu.memory_space<vmem>> -> memref<1x128x128xf32, #tpu.memory_space<vmem>>
          %dma_start3A_227 = tpu.memref_squeeze %dma_start3A_226 : memref<1x128x128xf32, #tpu.memory_space<vmem>> -> memref<128x128xf32, #tpu.memory_space<vmem>>
          %dma_start3A_228 = arith.constant 0 : i32
          %dma_start3A_229 = tpu.memref_slice %arg2[%mul3A_213, %dma_start3A_228] : memref<320000x128xf32, #tpu.memory_space<hbm>> -> memref<128x128xf32, #tpu.memory_space<hbm>>
          tpu.enqueue_dma source(%dma_start3A_229 : memref<128x128xf32, #tpu.memory_space<hbm>>) target(%dma_start3A_227 : memref<128x128xf32, #tpu.memory_space<vmem>>) target_semaphore(%dma_start3A_223 : memref<!tpu.dma_semaphore, #tpu.memory_space<semaphore_mem>>)
        } else {
        }
        %run_scoped3A_188 = arith.constant 1 : i32
        %run_scoped3A_189 = arith.constant 1 : i32
        "tpu.region"() ({
          %run_scoped3A_190 = tpu.sem_alloc : memref<!tpu.dma_semaphore, #tpu.memory_space<semaphore_mem>>
          %dma_start3A_191 = arith.constant 0 : i32
          %dma_start3A_192 = arith.constant 0 : i32
          %dma_start3A_193 = tpu.memref_slice %arg6[%run_scoped3A_188, %dma_start3A_191, %dma_start3A_192] : memref<3x128x128xf32, #tpu.memory_space<vmem>> -> memref<1x128x128xf32, #tpu.memory_space<vmem>>
          %dma_start3A_194 = tpu.memref_squeeze %dma_start3A_193 : memref<1x128x128xf32, #tpu.memory_space<vmem>> -> memref<128x128xf32, #tpu.memory_space<vmem>>
          %dma_start3A_195 = arith.constant 0 : i32
          %dma_start3A_196 = tpu.memref_slice %arg5[%run_scoped3A_189, %dma_start3A_195] : memref<3x128xi32, #tpu.memory_space<vmem>> -> memref<1x128xi32, #tpu.memory_space<vmem>>
          %dma_start3A_197 = tpu.memref_squeeze %dma_start3A_196 : memref<1x128xi32, #tpu.memory_space<vmem>> -> memref<128xi32, #tpu.memory_space<vmem>>
          %dma_start3A_198 = arith.constant 0 : i32
          %dma_start3A_199 = arith.constant 0 : i32
          %dma_start3A_200 = tpu.memref_slice %arg7[%dma_start3A_198, %dma_start3A_199] : memref<10112x128xf32, #tpu.memory_space<vmem_shared>> -> memref<10112x128xf32, #tpu.memory_space<vmem_shared>>
          tpu.enqueue_indirect_dma source(%dma_start3A_194 : memref<128x128xf32, #tpu.memory_space<vmem>>) target(%dma_start3A_200 : memref<10112x128xf32, #tpu.memory_space<vmem_shared>>) offsets(%dma_start3A_197 : memref<128xi32, #tpu.memory_space<vmem>>) semaphore(%run_scoped3A_190 : memref<!tpu.dma_semaphore, #tpu.memory_space<semaphore_mem>>) {add = true}
          %dma_wait3A_201 = arith.constant 0 : i32
          %dma_wait3A_202 = arith.constant 0 : i32
          %dma_wait3A_203 = tpu.memref_slice %arg6[%run_scoped3A_188, %dma_wait3A_201, %dma_wait3A_202] : memref<3x128x128xf32, #tpu.memory_space<vmem>> -> memref<1x128x128xf32, #tpu.memory_space<vmem>>
          %dma_wait3A_204 = tpu.memref_squeeze %dma_wait3A_203 : memref<1x128x128xf32, #tpu.memory_space<vmem>> -> memref<128x128xf32, #tpu.memory_space<vmem>>
          %dma_wait3A_205 = arith.constant 0 : i32
          %dma_wait3A_206 = tpu.memref_slice %arg5[%run_scoped3A_189, %dma_wait3A_205] : memref<3x128xi32, #tpu.memory_space<vmem>> -> memref<1x128xi32, #tpu.memory_space<vmem>>
          %dma_wait3A_207 = tpu.memref_squeeze %dma_wait3A_206 : memref<1x128xi32, #tpu.memory_space<vmem>> -> memref<128xi32, #tpu.memory_space<vmem>>
          %dma_wait3A_208 = arith.constant 0 : i32
          %dma_wait3A_209 = arith.constant 0 : i32
          %dma_wait3A_210 = tpu.memref_slice %arg7[%dma_wait3A_208, %dma_wait3A_209] : memref<10112x128xf32, #tpu.memory_space<vmem_shared>> -> memref<10112x128xf32, #tpu.memory_space<vmem_shared>>
          tpu.wait_indirect_dma semaphore(%run_scoped3A_190 : memref<!tpu.dma_semaphore, #tpu.memory_space<semaphore_mem>>) src(%dma_wait3A_204 : memref<128x128xf32, #tpu.memory_space<vmem>>) dst(%dma_wait3A_210 : memref<10112x128xf32, #tpu.memory_space<vmem_shared>>)
          tpu.yield
        }) : () -> ()
      } else {
      }
      %jit3A_124 = arith.constant 3 : i32
      %eq3A_125 = arith.constant 0 : i32
      %eq3A_126 = arith.cmpi eq, %jit3A_124, %eq3A_125 : i32
      %jit3A_127 = arith.constant 1 : i32
      %select_n3A_128 = arith.select %eq3A_126, %jit3A_127, %jit3A_124 : i32
      %rem3A_129 = arith.remsi %while3A_85, %select_n3A_128 : i32
      %ne3A_130 = arith.constant 0 : i32
      %ne3A_131 = arith.cmpi ne, %rem3A_129, %ne3A_130 : i32
      %lt3A_132 = arith.constant 0 : i32
      %lt3A_133 = arith.cmpi slt, %rem3A_129, %lt3A_132 : i32
      %lt3A_134 = arith.constant 0 : i32
      %lt3A_135 = arith.cmpi slt, %select_n3A_128, %lt3A_134 : i32
      %ne3A_136 = arith.xori %lt3A_133, %lt3A_135 : i1
      %and3A_137 = arith.andi %ne3A_136, %ne3A_131 : i1
      %add3A_138 = arith.addi %rem3A_129, %select_n3A_128 : i32
      %select_n3A_139 = arith.select %and3A_137, %add3A_138, %rem3A_129 : i32
      %eq3A_140 = arith.constant 2 : i32
      %eq3A_141 = arith.cmpi eq, %select_n3A_139, %eq3A_140 : i32
      %convert_element_type3A_142 = arith.extui %eq3A_141 : i1 to i32
      %cond3A_143 = arith.constant 0 : i32
      %cond3A_144 = arith.cmpi ne, %convert_element_type3A_142, %cond3A_143 : i32
      scf.if %cond3A_144 {
        %mul3A_145 = arith.constant 32 : i32
        %mul3A_146 = arith.muli %mul3A_145, %while3A_85 : i32
        %add3A_147 = arith.addi %add3A, %mul3A_146 : i32
        %mul3A_148 = arith.constant 128 : i32
        %mul3A_149 = arith.muli %add3A_147, %mul3A_148 : i32
        %dma_wait3A = arith.constant 2 : i32
        %dma_wait3A_150 = arith.constant 2 : i32
        %dma_wait3A_151 = arith.constant 0 : i32
        %dma_wait3A_152 = tpu.memref_slice %arg5[%dma_wait3A, %dma_wait3A_151] : memref<3x128xi32, #tpu.memory_space<vmem>> -> memref<1x128xi32, #tpu.memory_space<vmem>>
        %dma_wait3A_153 = tpu.memref_squeeze %dma_wait3A_152 : memref<1x128xi32, #tpu.memory_space<vmem>> -> memref<128xi32, #tpu.memory_space<vmem>>
        %dma_wait3A_154 = tpu.memref_slice %arg3[%mul3A_149] : memref<320000xi32, #tpu.memory_space<hbm>> -> memref<128xi32, #tpu.memory_space<hbm>>
        %dma_wait3A_155 = tpu.memref_slice %arg8[%dma_wait3A_150] : memref<3x!tpu.dma_semaphore, #tpu.memory_space<semaphore_mem>> -> memref<1x!tpu.dma_semaphore, #tpu.memory_space<semaphore_mem>>
        %dma_wait3A_156 = tpu.memref_squeeze %dma_wait3A_155 : memref<1x!tpu.dma_semaphore, #tpu.memory_space<semaphore_mem>> -> memref<!tpu.dma_semaphore, #tpu.memory_space<semaphore_mem>>
        %dma_wait3A_157 = arith.constant 0 : i32
        %dma_wait3A_158 = tpu.memref_slice %arg5[%dma_wait3A, %dma_wait3A_157] : memref<3x128xi32, #tpu.memory_space<vmem>> -> memref<1x128xi32, #tpu.memory_space<vmem>>
        %dma_wait3A_159 = tpu.memref_squeeze %dma_wait3A_158 : memref<1x128xi32, #tpu.memory_space<vmem>> -> memref<128xi32, #tpu.memory_space<vmem>>
        %dma_wait3A_160 = tpu.memref_slice %arg3[%mul3A_149] : memref<320000xi32, #tpu.memory_space<hbm>> -> memref<128xi32, #tpu.memory_space<hbm>>
        tpu.wait_dma2 semaphore(%dma_wait3A_156 : memref<!tpu.dma_semaphore, #tpu.memory_space<semaphore_mem>>) src(%dma_wait3A_160 : memref<128xi32, #tpu.memory_space<hbm>>) dst(%dma_wait3A_159 : memref<128xi32, #tpu.memory_space<vmem>>)
        %mul3A_161 = arith.constant 32 : i32
        %mul3A_162 = arith.muli %mul3A_161, %while3A_85 : i32
        %add3A_163 = arith.addi %add3A, %mul3A_162 : i32
        %mul3A_164 = arith.constant 128 : i32
        %mul3A_165 = arith.muli %add3A_163, %mul3A_164 : i32
        %dma_wait3A_166 = arith.constant 2 : i32
        %dma_wait3A_167 = arith.constant 2 : i32
        %dma_wait3A_168 = arith.constant 0 : i32
        %dma_wait3A_169 = arith.constant 0 : i32
        %dma_wait3A_170 = tpu.memref_slice %arg6[%dma_wait3A_166, %dma_wait3A_168, %dma_wait3A_169] : memref<3x128x128xf32, #tpu.memory_space<vmem>> -> memref<1x128x128xf32, #tpu.memory_space<vmem>>
        %dma_wait3A_171 = tpu.memref_squeeze %dma_wait3A_170 : memref<1x128x128xf32, #tpu.memory_space<vmem>> -> memref<128x128xf32, #tpu.memory_space<vmem>>
        %dma_wait3A_172 = arith.constant 0 : i32
        %dma_wait3A_173 = tpu.memref_slice %arg2[%mul3A_165, %dma_wait3A_172] : memref<320000x128xf32, #tpu.memory_space<hbm>> -> memref<128x128xf32, #tpu.memory_space<hbm>>
        %dma_wait3A_174 = tpu.memref_slice %arg9[%dma_wait3A_167] : memref<3x!tpu.dma_semaphore, #tpu.memory_space<semaphore_mem>> -> memref<1x!tpu.dma_semaphore, #tpu.memory_space<semaphore_mem>>
        %dma_wait3A_175 = tpu.memref_squeeze %dma_wait3A_174 : memref<1x!tpu.dma_semaphore, #tpu.memory_space<semaphore_mem>> -> memref<!tpu.dma_semaphore, #tpu.memory_space<semaphore_mem>>
        %dma_wait3A_176 = arith.constant 0 : i32
        %dma_wait3A_177 = arith.constant 0 : i32
        %dma_wait3A_178 = tpu.memref_slice %arg6[%dma_wait3A_166, %dma_wait3A_176, %dma_wait3A_177] : memref<3x128x128xf32, #tpu.memory_space<vmem>> -> memref<1x128x128xf32, #tpu.memory_space<vmem>>
        %dma_wait3A_179 = tpu.memref_squeeze %dma_wait3A_178 : memref<1x128x128xf32, #tpu.memory_space<vmem>> -> memref<128x128xf32, #tpu.memory_space<vmem>>
        %dma_wait3A_180 = arith.constant 0 : i32
        %dma_wait3A_181 = tpu.memref_slice %arg2[%mul3A_165, %dma_wait3A_180] : memref<320000x128xf32, #tpu.memory_space<hbm>> -> memref<128x128xf32, #tpu.memory_space<hbm>>
        tpu.wait_dma2 semaphore(%dma_wait3A_175 : memref<!tpu.dma_semaphore, #tpu.memory_space<semaphore_mem>>) src(%dma_wait3A_181 : memref<128x128xf32, #tpu.memory_space<hbm>>) dst(%dma_wait3A_179 : memref<128x128xf32, #tpu.memory_space<vmem>>)
        %add3A_182 = arith.constant 2 : i32
        %add3A_183 = arith.addi %while3A_85, %add3A_182 : i32
        %lt3A_184 = arith.cmpi slt, %add3A_183, %add3A_33 : i32
        %convert_element_type3A_185 = arith.extui %lt3A_184 : i1 to i32
        %cond3A_186 = arith.constant 0 : i32
        %cond3A_187 = arith.cmpi ne, %convert_element_type3A_185, %cond3A_186 : i32
        scf.if %cond3A_187 {
          %add3A_190 = arith.constant 2 : i32
          %add3A_191 = arith.addi %while3A_85, %add3A_190 : i32
          %mul3A_192 = arith.constant 32 : i32
          %mul3A_193 = arith.muli %mul3A_192, %add3A_191 : i32
          %add3A_194 = arith.addi %add3A, %mul3A_193 : i32
          %mul3A_195 = arith.constant 128 : i32
          %mul3A_196 = arith.muli %add3A_194, %mul3A_195 : i32
          %dma_start3A_197 = arith.constant 1 : i32
          %dma_start3A_198 = arith.constant 1 : i32
          %dma_start3A_199 = arith.constant 0 : i32
          %dma_start3A_200 = tpu.memref_slice %arg5[%dma_start3A_197, %dma_start3A_199] : memref<3x128xi32, #tpu.memory_space<vmem>> -> memref<1x128xi32, #tpu.memory_space<vmem>>
          %dma_start3A_201 = tpu.memref_squeeze %dma_start3A_200 : memref<1x128xi32, #tpu.memory_space<vmem>> -> memref<128xi32, #tpu.memory_space<vmem>>
          %dma_start3A_202 = tpu.memref_slice %arg3[%mul3A_196] : memref<320000xi32, #tpu.memory_space<hbm>> -> memref<128xi32, #tpu.memory_space<hbm>>
          %dma_start3A_203 = tpu.memref_slice %arg8[%dma_start3A_198] : memref<3x!tpu.dma_semaphore, #tpu.memory_space<semaphore_mem>> -> memref<1x!tpu.dma_semaphore, #tpu.memory_space<semaphore_mem>>
          %dma_start3A_204 = tpu.memref_squeeze %dma_start3A_203 : memref<1x!tpu.dma_semaphore, #tpu.memory_space<semaphore_mem>> -> memref<!tpu.dma_semaphore, #tpu.memory_space<semaphore_mem>>
          %dma_start3A_205 = arith.constant 0 : i32
          %dma_start3A_206 = tpu.memref_slice %arg5[%dma_start3A_197, %dma_start3A_205] : memref<3x128xi32, #tpu.memory_space<vmem>> -> memref<1x128xi32, #tpu.memory_space<vmem>>
          %dma_start3A_207 = tpu.memref_squeeze %dma_start3A_206 : memref<1x128xi32, #tpu.memory_space<vmem>> -> memref<128xi32, #tpu.memory_space<vmem>>
          %dma_start3A_208 = tpu.memref_slice %arg3[%mul3A_196] : memref<320000xi32, #tpu.memory_space<hbm>> -> memref<128xi32, #tpu.memory_space<hbm>>
          tpu.enqueue_dma source(%dma_start3A_208 : memref<128xi32, #tpu.memory_space<hbm>>) target(%dma_start3A_207 : memref<128xi32, #tpu.memory_space<vmem>>) target_semaphore(%dma_start3A_204 : memref<!tpu.dma_semaphore, #tpu.memory_space<semaphore_mem>>)
          %mul3A_209 = arith.constant 32 : i32
          %mul3A_210 = arith.muli %mul3A_209, %add3A_191 : i32
          %add3A_211 = arith.addi %add3A, %mul3A_210 : i32
          %mul3A_212 = arith.constant 128 : i32
          %mul3A_213 = arith.muli %add3A_211, %mul3A_212 : i32
          %dma_start3A_214 = arith.constant 1 : i32
          %dma_start3A_215 = arith.constant 1 : i32
          %dma_start3A_216 = arith.constant 0 : i32
          %dma_start3A_217 = arith.constant 0 : i32
          %dma_start3A_218 = tpu.memref_slice %arg6[%dma_start3A_214, %dma_start3A_216, %dma_start3A_217] : memref<3x128x128xf32, #tpu.memory_space<vmem>> -> memref<1x128x128xf32, #tpu.memory_space<vmem>>
          %dma_start3A_219 = tpu.memref_squeeze %dma_start3A_218 : memref<1x128x128xf32, #tpu.memory_space<vmem>> -> memref<128x128xf32, #tpu.memory_space<vmem>>
          %dma_start3A_220 = arith.constant 0 : i32
          %dma_start3A_221 = tpu.memref_slice %arg2[%mul3A_213, %dma_start3A_220] : memref<320000x128xf32, #tpu.memory_space<hbm>> -> memref<128x128xf32, #tpu.memory_space<hbm>>
          %dma_start3A_222 = tpu.memref_slice %arg9[%dma_start3A_215] : memref<3x!tpu.dma_semaphore, #tpu.memory_space<semaphore_mem>> -> memref<1x!tpu.dma_semaphore, #tpu.memory_space<semaphore_mem>>
          %dma_start3A_223 = tpu.memref_squeeze %dma_start3A_222 : memref<1x!tpu.dma_semaphore, #tpu.memory_space<semaphore_mem>> -> memref<!tpu.dma_semaphore, #tpu.memory_space<semaphore_mem>>
          %dma_start3A_224 = arith.constant 0 : i32
          %dma_start3A_225 = arith.constant 0 : i32
          %dma_start3A_226 = tpu.memref_slice %arg6[%dma_start3A_214, %dma_start3A_224, %dma_start3A_225] : memref<3x128x128xf32, #tpu.memory_space<vmem>> -> memref<1x128x128xf32, #tpu.memory_space<vmem>>
          %dma_start3A_227 = tpu.memref_squeeze %dma_start3A_226 : memref<1x128x128xf32, #tpu.memory_space<vmem>> -> memref<128x128xf32, #tpu.memory_space<vmem>>
          %dma_start3A_228 = arith.constant 0 : i32
          %dma_start3A_229 = tpu.memref_slice %arg2[%mul3A_213, %dma_start3A_228] : memref<320000x128xf32, #tpu.memory_space<hbm>> -> memref<128x128xf32, #tpu.memory_space<hbm>>
          tpu.enqueue_dma source(%dma_start3A_229 : memref<128x128xf32, #tpu.memory_space<hbm>>) target(%dma_start3A_227 : memref<128x128xf32, #tpu.memory_space<vmem>>) target_semaphore(%dma_start3A_223 : memref<!tpu.dma_semaphore, #tpu.memory_space<semaphore_mem>>)
        } else {
        }
        %run_scoped3A_188 = arith.constant 2 : i32
        %run_scoped3A_189 = arith.constant 2 : i32
        "tpu.region"() ({
          %run_scoped3A_190 = tpu.sem_alloc : memref<!tpu.dma_semaphore, #tpu.memory_space<semaphore_mem>>
          %dma_start3A_191 = arith.constant 0 : i32
          %dma_start3A_192 = arith.constant 0 : i32
          %dma_start3A_193 = tpu.memref_slice %arg6[%run_scoped3A_188, %dma_start3A_191, %dma_start3A_192] : memref<3x128x128xf32, #tpu.memory_space<vmem>> -> memref<1x128x128xf32, #tpu.memory_space<vmem>>
          %dma_start3A_194 = tpu.memref_squeeze %dma_start3A_193 : memref<1x128x128xf32, #tpu.memory_space<vmem>> -> memref<128x128xf32, #tpu.memory_space<vmem>>
          %dma_start3A_195 = arith.constant 0 : i32
          %dma_start3A_196 = tpu.memref_slice %arg5[%run_scoped3A_189, %dma_start3A_195] : memref<3x128xi32, #tpu.memory_space<vmem>> -> memref<1x128xi32, #tpu.memory_space<vmem>>
          %dma_start3A_197 = tpu.memref_squeeze %dma_start3A_196 : memref<1x128xi32, #tpu.memory_space<vmem>> -> memref<128xi32, #tpu.memory_space<vmem>>
          %dma_start3A_198 = arith.constant 0 : i32
          %dma_start3A_199 = arith.constant 0 : i32
          %dma_start3A_200 = tpu.memref_slice %arg7[%dma_start3A_198, %dma_start3A_199] : memref<10112x128xf32, #tpu.memory_space<vmem_shared>> -> memref<10112x128xf32, #tpu.memory_space<vmem_shared>>
          tpu.enqueue_indirect_dma source(%dma_start3A_194 : memref<128x128xf32, #tpu.memory_space<vmem>>) target(%dma_start3A_200 : memref<10112x128xf32, #tpu.memory_space<vmem_shared>>) offsets(%dma_start3A_197 : memref<128xi32, #tpu.memory_space<vmem>>) semaphore(%run_scoped3A_190 : memref<!tpu.dma_semaphore, #tpu.memory_space<semaphore_mem>>) {add = true}
          %dma_wait3A_201 = arith.constant 0 : i32
          %dma_wait3A_202 = arith.constant 0 : i32
          %dma_wait3A_203 = tpu.memref_slice %arg6[%run_scoped3A_188, %dma_wait3A_201, %dma_wait3A_202] : memref<3x128x128xf32, #tpu.memory_space<vmem>> -> memref<1x128x128xf32, #tpu.memory_space<vmem>>
          %dma_wait3A_204 = tpu.memref_squeeze %dma_wait3A_203 : memref<1x128x128xf32, #tpu.memory_space<vmem>> -> memref<128x128xf32, #tpu.memory_space<vmem>>
          %dma_wait3A_205 = arith.constant 0 : i32
          %dma_wait3A_206 = tpu.memref_slice %arg5[%run_scoped3A_189, %dma_wait3A_205] : memref<3x128xi32, #tpu.memory_space<vmem>> -> memref<1x128xi32, #tpu.memory_space<vmem>>
          %dma_wait3A_207 = tpu.memref_squeeze %dma_wait3A_206 : memref<1x128xi32, #tpu.memory_space<vmem>> -> memref<128xi32, #tpu.memory_space<vmem>>
          %dma_wait3A_208 = arith.constant 0 : i32
          %dma_wait3A_209 = arith.constant 0 : i32
          %dma_wait3A_210 = tpu.memref_slice %arg7[%dma_wait3A_208, %dma_wait3A_209] : memref<10112x128xf32, #tpu.memory_space<vmem_shared>> -> memref<10112x128xf32, #tpu.memory_space<vmem_shared>>
          tpu.wait_indirect_dma semaphore(%run_scoped3A_190 : memref<!tpu.dma_semaphore, #tpu.memory_space<semaphore_mem>>) src(%dma_wait3A_204 : memref<128x128xf32, #tpu.memory_space<vmem>>) dst(%dma_wait3A_210 : memref<10112x128xf32, #tpu.memory_space<vmem_shared>>)
          tpu.yield
        }) : () -> ()
      } else {
      }
    }
    %while3A_79 = arith.constant 1 : i32
    scf.for %while3A_85 = %while3A_77 to %while3A_73 step %while3A_79  : i32 {
      %jit3A_86 = arith.constant 3 : i32
      %eq3A = arith.constant 0 : i32
      %eq3A_87 = arith.cmpi eq, %jit3A_86, %eq3A : i32
      %jit3A_88 = arith.constant 1 : i32
      %select_n3A_89 = arith.select %eq3A_87, %jit3A_88, %jit3A_86 : i32
      %rem3A = arith.remsi %while3A_85, %select_n3A_89 : i32
      %ne3A = arith.constant 0 : i32
      %ne3A_90 = arith.cmpi ne, %rem3A, %ne3A : i32
      %lt3A_91 = arith.constant 0 : i32
      %lt3A_92 = arith.cmpi slt, %rem3A, %lt3A_91 : i32
      %lt3A_93 = arith.constant 0 : i32
      %lt3A_94 = arith.cmpi slt, %select_n3A_89, %lt3A_93 : i32
      %ne3A_95 = arith.xori %lt3A_92, %lt3A_94 : i1
      %and3A = arith.andi %ne3A_95, %ne3A_90 : i1
      %add3A_96 = arith.addi %rem3A, %select_n3A_89 : i32
      %select_n3A_97 = arith.select %and3A, %add3A_96, %rem3A : i32
      %eq3A_98 = arith.constant 0 : i32
      %eq3A_99 = arith.cmpi eq, %select_n3A_97, %eq3A_98 : i32
      %convert_element_type3A_100 = arith.extui %eq3A_99 : i1 to i32
      %cond3A_101 = arith.constant 0 : i32
      %cond3A_102 = arith.cmpi ne, %convert_element_type3A_100, %cond3A_101 : i32
      scf.if %cond3A_102 {
        %mul3A_145 = arith.constant 32 : i32
        %mul3A_146 = arith.muli %mul3A_145, %while3A_85 : i32
        %add3A_147 = arith.addi %add3A, %mul3A_146 : i32
        %mul3A_148 = arith.constant 128 : i32
        %mul3A_149 = arith.muli %add3A_147, %mul3A_148 : i32
        %dma_wait3A = arith.constant 0 : i32
        %dma_wait3A_150 = arith.constant 0 : i32
        %dma_wait3A_151 = arith.constant 0 : i32
        %dma_wait3A_152 = tpu.memref_slice %arg5[%dma_wait3A, %dma_wait3A_151] : memref<3x128xi32, #tpu.memory_space<vmem>> -> memref<1x128xi32, #tpu.memory_space<vmem>>
        %dma_wait3A_153 = tpu.memref_squeeze %dma_wait3A_152 : memref<1x128xi32, #tpu.memory_space<vmem>> -> memref<128xi32, #tpu.memory_space<vmem>>
        %dma_wait3A_154 = tpu.memref_slice %arg3[%mul3A_149] : memref<320000xi32, #tpu.memory_space<hbm>> -> memref<128xi32, #tpu.memory_space<hbm>>
        %dma_wait3A_155 = tpu.memref_slice %arg8[%dma_wait3A_150] : memref<3x!tpu.dma_semaphore, #tpu.memory_space<semaphore_mem>> -> memref<1x!tpu.dma_semaphore, #tpu.memory_space<semaphore_mem>>
        %dma_wait3A_156 = tpu.memref_squeeze %dma_wait3A_155 : memref<1x!tpu.dma_semaphore, #tpu.memory_space<semaphore_mem>> -> memref<!tpu.dma_semaphore, #tpu.memory_space<semaphore_mem>>
        %dma_wait3A_157 = arith.constant 0 : i32
        %dma_wait3A_158 = tpu.memref_slice %arg5[%dma_wait3A, %dma_wait3A_157] : memref<3x128xi32, #tpu.memory_space<vmem>> -> memref<1x128xi32, #tpu.memory_space<vmem>>
        %dma_wait3A_159 = tpu.memref_squeeze %dma_wait3A_158 : memref<1x128xi32, #tpu.memory_space<vmem>> -> memref<128xi32, #tpu.memory_space<vmem>>
        %dma_wait3A_160 = tpu.memref_slice %arg3[%mul3A_149] : memref<320000xi32, #tpu.memory_space<hbm>> -> memref<128xi32, #tpu.memory_space<hbm>>
        tpu.wait_dma2 semaphore(%dma_wait3A_156 : memref<!tpu.dma_semaphore, #tpu.memory_space<semaphore_mem>>) src(%dma_wait3A_160 : memref<128xi32, #tpu.memory_space<hbm>>) dst(%dma_wait3A_159 : memref<128xi32, #tpu.memory_space<vmem>>)
        %mul3A_161 = arith.constant 32 : i32
        %mul3A_162 = arith.muli %mul3A_161, %while3A_85 : i32
        %add3A_163 = arith.addi %add3A, %mul3A_162 : i32
        %mul3A_164 = arith.constant 128 : i32
        %mul3A_165 = arith.muli %add3A_163, %mul3A_164 : i32
        %dma_wait3A_166 = arith.constant 0 : i32
        %dma_wait3A_167 = arith.constant 0 : i32
        %dma_wait3A_168 = arith.constant 0 : i32
        %dma_wait3A_169 = arith.constant 0 : i32
        %dma_wait3A_170 = tpu.memref_slice %arg6[%dma_wait3A_166, %dma_wait3A_168, %dma_wait3A_169] : memref<3x128x128xf32, #tpu.memory_space<vmem>> -> memref<1x128x128xf32, #tpu.memory_space<vmem>>
        %dma_wait3A_171 = tpu.memref_squeeze %dma_wait3A_170 : memref<1x128x128xf32, #tpu.memory_space<vmem>> -> memref<128x128xf32, #tpu.memory_space<vmem>>
        %dma_wait3A_172 = arith.constant 0 : i32
        %dma_wait3A_173 = tpu.memref_slice %arg2[%mul3A_165, %dma_wait3A_172] : memref<320000x128xf32, #tpu.memory_space<hbm>> -> memref<128x128xf32, #tpu.memory_space<hbm>>
        %dma_wait3A_174 = tpu.memref_slice %arg9[%dma_wait3A_167] : memref<3x!tpu.dma_semaphore, #tpu.memory_space<semaphore_mem>> -> memref<1x!tpu.dma_semaphore, #tpu.memory_space<semaphore_mem>>
        %dma_wait3A_175 = tpu.memref_squeeze %dma_wait3A_174 : memref<1x!tpu.dma_semaphore, #tpu.memory_space<semaphore_mem>> -> memref<!tpu.dma_semaphore, #tpu.memory_space<semaphore_mem>>
        %dma_wait3A_176 = arith.constant 0 : i32
        %dma_wait3A_177 = arith.constant 0 : i32
        %dma_wait3A_178 = tpu.memref_slice %arg6[%dma_wait3A_166, %dma_wait3A_176, %dma_wait3A_177] : memref<3x128x128xf32, #tpu.memory_space<vmem>> -> memref<1x128x128xf32, #tpu.memory_space<vmem>>
        %dma_wait3A_179 = tpu.memref_squeeze %dma_wait3A_178 : memref<1x128x128xf32, #tpu.memory_space<vmem>> -> memref<128x128xf32, #tpu.memory_space<vmem>>
        %dma_wait3A_180 = arith.constant 0 : i32
        %dma_wait3A_181 = tpu.memref_slice %arg2[%mul3A_165, %dma_wait3A_180] : memref<320000x128xf32, #tpu.memory_space<hbm>> -> memref<128x128xf32, #tpu.memory_space<hbm>>
        tpu.wait_dma2 semaphore(%dma_wait3A_175 : memref<!tpu.dma_semaphore, #tpu.memory_space<semaphore_mem>>) src(%dma_wait3A_181 : memref<128x128xf32, #tpu.memory_space<hbm>>) dst(%dma_wait3A_179 : memref<128x128xf32, #tpu.memory_space<vmem>>)
        %add3A_182 = arith.constant 2 : i32
        %add3A_183 = arith.addi %while3A_85, %add3A_182 : i32
        %lt3A_184 = arith.cmpi slt, %add3A_183, %add3A_33 : i32
        %convert_element_type3A_185 = arith.extui %lt3A_184 : i1 to i32
        %cond3A_186 = arith.constant 0 : i32
        %cond3A_187 = arith.cmpi ne, %convert_element_type3A_185, %cond3A_186 : i32
        scf.if %cond3A_187 {
          %add3A_190 = arith.constant 2 : i32
          %add3A_191 = arith.addi %while3A_85, %add3A_190 : i32
          %mul3A_192 = arith.constant 32 : i32
          %mul3A_193 = arith.muli %mul3A_192, %add3A_191 : i32
          %add3A_194 = arith.addi %add3A, %mul3A_193 : i32
          %mul3A_195 = arith.constant 128 : i32
          %mul3A_196 = arith.muli %add3A_194, %mul3A_195 : i32
          %dma_start3A_197 = arith.constant 2 : i32
          %dma_start3A_198 = arith.constant 2 : i32
          %dma_start3A_199 = arith.constant 0 : i32
          %dma_start3A_200 = tpu.memref_slice %arg5[%dma_start3A_197, %dma_start3A_199] : memref<3x128xi32, #tpu.memory_space<vmem>> -> memref<1x128xi32, #tpu.memory_space<vmem>>
          %dma_start3A_201 = tpu.memref_squeeze %dma_start3A_200 : memref<1x128xi32, #tpu.memory_space<vmem>> -> memref<128xi32, #tpu.memory_space<vmem>>
          %dma_start3A_202 = tpu.memref_slice %arg3[%mul3A_196] : memref<320000xi32, #tpu.memory_space<hbm>> -> memref<128xi32, #tpu.memory_space<hbm>>
          %dma_start3A_203 = tpu.memref_slice %arg8[%dma_start3A_198] : memref<3x!tpu.dma_semaphore, #tpu.memory_space<semaphore_mem>> -> memref<1x!tpu.dma_semaphore, #tpu.memory_space<semaphore_mem>>
          %dma_start3A_204 = tpu.memref_squeeze %dma_start3A_203 : memref<1x!tpu.dma_semaphore, #tpu.memory_space<semaphore_mem>> -> memref<!tpu.dma_semaphore, #tpu.memory_space<semaphore_mem>>
          %dma_start3A_205 = arith.constant 0 : i32
          %dma_start3A_206 = tpu.memref_slice %arg5[%dma_start3A_197, %dma_start3A_205] : memref<3x128xi32, #tpu.memory_space<vmem>> -> memref<1x128xi32, #tpu.memory_space<vmem>>
          %dma_start3A_207 = tpu.memref_squeeze %dma_start3A_206 : memref<1x128xi32, #tpu.memory_space<vmem>> -> memref<128xi32, #tpu.memory_space<vmem>>
          %dma_start3A_208 = tpu.memref_slice %arg3[%mul3A_196] : memref<320000xi32, #tpu.memory_space<hbm>> -> memref<128xi32, #tpu.memory_space<hbm>>
          tpu.enqueue_dma source(%dma_start3A_208 : memref<128xi32, #tpu.memory_space<hbm>>) target(%dma_start3A_207 : memref<128xi32, #tpu.memory_space<vmem>>) target_semaphore(%dma_start3A_204 : memref<!tpu.dma_semaphore, #tpu.memory_space<semaphore_mem>>)
          %mul3A_209 = arith.constant 32 : i32
          %mul3A_210 = arith.muli %mul3A_209, %add3A_191 : i32
          %add3A_211 = arith.addi %add3A, %mul3A_210 : i32
          %mul3A_212 = arith.constant 128 : i32
          %mul3A_213 = arith.muli %add3A_211, %mul3A_212 : i32
          %dma_start3A_214 = arith.constant 2 : i32
          %dma_start3A_215 = arith.constant 2 : i32
          %dma_start3A_216 = arith.constant 0 : i32
          %dma_start3A_217 = arith.constant 0 : i32
          %dma_start3A_218 = tpu.memref_slice %arg6[%dma_start3A_214, %dma_start3A_216, %dma_start3A_217] : memref<3x128x128xf32, #tpu.memory_space<vmem>> -> memref<1x128x128xf32, #tpu.memory_space<vmem>>
          %dma_start3A_219 = tpu.memref_squeeze %dma_start3A_218 : memref<1x128x128xf32, #tpu.memory_space<vmem>> -> memref<128x128xf32, #tpu.memory_space<vmem>>
          %dma_start3A_220 = arith.constant 0 : i32
          %dma_start3A_221 = tpu.memref_slice %arg2[%mul3A_213, %dma_start3A_220] : memref<320000x128xf32, #tpu.memory_space<hbm>> -> memref<128x128xf32, #tpu.memory_space<hbm>>
          %dma_start3A_222 = tpu.memref_slice %arg9[%dma_start3A_215] : memref<3x!tpu.dma_semaphore, #tpu.memory_space<semaphore_mem>> -> memref<1x!tpu.dma_semaphore, #tpu.memory_space<semaphore_mem>>
          %dma_start3A_223 = tpu.memref_squeeze %dma_start3A_222 : memref<1x!tpu.dma_semaphore, #tpu.memory_space<semaphore_mem>> -> memref<!tpu.dma_semaphore, #tpu.memory_space<semaphore_mem>>
          %dma_start3A_224 = arith.constant 0 : i32
          %dma_start3A_225 = arith.constant 0 : i32
          %dma_start3A_226 = tpu.memref_slice %arg6[%dma_start3A_214, %dma_start3A_224, %dma_start3A_225] : memref<3x128x128xf32, #tpu.memory_space<vmem>> -> memref<1x128x128xf32, #tpu.memory_space<vmem>>
          %dma_start3A_227 = tpu.memref_squeeze %dma_start3A_226 : memref<1x128x128xf32, #tpu.memory_space<vmem>> -> memref<128x128xf32, #tpu.memory_space<vmem>>
          %dma_start3A_228 = arith.constant 0 : i32
          %dma_start3A_229 = tpu.memref_slice %arg2[%mul3A_213, %dma_start3A_228] : memref<320000x128xf32, #tpu.memory_space<hbm>> -> memref<128x128xf32, #tpu.memory_space<hbm>>
          tpu.enqueue_dma source(%dma_start3A_229 : memref<128x128xf32, #tpu.memory_space<hbm>>) target(%dma_start3A_227 : memref<128x128xf32, #tpu.memory_space<vmem>>) target_semaphore(%dma_start3A_223 : memref<!tpu.dma_semaphore, #tpu.memory_space<semaphore_mem>>)
        } else {
        }
        %run_scoped3A_188 = arith.constant 0 : i32
        %run_scoped3A_189 = arith.constant 0 : i32
        "tpu.region"() ({
          %run_scoped3A_190 = tpu.sem_alloc : memref<!tpu.dma_semaphore, #tpu.memory_space<semaphore_mem>>
          %dma_start3A_191 = arith.constant 0 : i32
          %dma_start3A_192 = arith.constant 0 : i32
          %dma_start3A_193 = tpu.memref_slice %arg6[%run_scoped3A_188, %dma_start3A_191, %dma_start3A_192] : memref<3x128x128xf32, #tpu.memory_space<vmem>> -> memref<1x128x128xf32, #tpu.memory_space<vmem>>
          %dma_start3A_194 = tpu.memref_squeeze %dma_start3A_193 : memref<1x128x128xf32, #tpu.memory_space<vmem>> -> memref<128x128xf32, #tpu.memory_space<vmem>>
          %dma_start3A_195 = arith.constant 0 : i32
          %dma_start3A_196 = tpu.memref_slice %arg5[%run_scoped3A_189, %dma_start3A_195] : memref<3x128xi32, #tpu.memory_space<vmem>> -> memref<1x128xi32, #tpu.memory_space<vmem>>
          %dma_start3A_197 = tpu.memref_squeeze %dma_start3A_196 : memref<1x128xi32, #tpu.memory_space<vmem>> -> memref<128xi32, #tpu.memory_space<vmem>>
          %dma_start3A_198 = arith.constant 0 : i32
          %dma_start3A_199 = arith.constant 0 : i32
          %dma_start3A_200 = tpu.memref_slice %arg7[%dma_start3A_198, %dma_start3A_199] : memref<10112x128xf32, #tpu.memory_space<vmem_shared>> -> memref<10112x128xf32, #tpu.memory_space<vmem_shared>>
          tpu.enqueue_indirect_dma source(%dma_start3A_194 : memref<128x128xf32, #tpu.memory_space<vmem>>) target(%dma_start3A_200 : memref<10112x128xf32, #tpu.memory_space<vmem_shared>>) offsets(%dma_start3A_197 : memref<128xi32, #tpu.memory_space<vmem>>) semaphore(%run_scoped3A_190 : memref<!tpu.dma_semaphore, #tpu.memory_space<semaphore_mem>>) {add = true}
          %dma_wait3A_201 = arith.constant 0 : i32
          %dma_wait3A_202 = arith.constant 0 : i32
          %dma_wait3A_203 = tpu.memref_slice %arg6[%run_scoped3A_188, %dma_wait3A_201, %dma_wait3A_202] : memref<3x128x128xf32, #tpu.memory_space<vmem>> -> memref<1x128x128xf32, #tpu.memory_space<vmem>>
          %dma_wait3A_204 = tpu.memref_squeeze %dma_wait3A_203 : memref<1x128x128xf32, #tpu.memory_space<vmem>> -> memref<128x128xf32, #tpu.memory_space<vmem>>
          %dma_wait3A_205 = arith.constant 0 : i32
          %dma_wait3A_206 = tpu.memref_slice %arg5[%run_scoped3A_189, %dma_wait3A_205] : memref<3x128xi32, #tpu.memory_space<vmem>> -> memref<1x128xi32, #tpu.memory_space<vmem>>
          %dma_wait3A_207 = tpu.memref_squeeze %dma_wait3A_206 : memref<1x128xi32, #tpu.memory_space<vmem>> -> memref<128xi32, #tpu.memory_space<vmem>>
          %dma_wait3A_208 = arith.constant 0 : i32
          %dma_wait3A_209 = arith.constant 0 : i32
          %dma_wait3A_210 = tpu.memref_slice %arg7[%dma_wait3A_208, %dma_wait3A_209] : memref<10112x128xf32, #tpu.memory_space<vmem_shared>> -> memref<10112x128xf32, #tpu.memory_space<vmem_shared>>
          tpu.wait_indirect_dma semaphore(%run_scoped3A_190 : memref<!tpu.dma_semaphore, #tpu.memory_space<semaphore_mem>>) src(%dma_wait3A_204 : memref<128x128xf32, #tpu.memory_space<vmem>>) dst(%dma_wait3A_210 : memref<10112x128xf32, #tpu.memory_space<vmem_shared>>)
          tpu.yield
        }) : () -> ()
      } else {
      }
      %jit3A_103 = arith.constant 3 : i32
      %eq3A_104 = arith.constant 0 : i32
      %eq3A_105 = arith.cmpi eq, %jit3A_103, %eq3A_104 : i32
      %jit3A_106 = arith.constant 1 : i32
      %select_n3A_107 = arith.select %eq3A_105, %jit3A_106, %jit3A_103 : i32
      %rem3A_108 = arith.remsi %while3A_85, %select_n3A_107 : i32
      %ne3A_109 = arith.constant 0 : i32
      %ne3A_110 = arith.cmpi ne, %rem3A_108, %ne3A_109 : i32
      %lt3A_111 = arith.constant 0 : i32
      %lt3A_112 = arith.cmpi slt, %rem3A_108, %lt3A_111 : i32
      %lt3A_113 = arith.constant 0 : i32
      %lt3A_114 = arith.cmpi slt, %select_n3A_107, %lt3A_113 : i32
      %ne3A_115 = arith.xori %lt3A_112, %lt3A_114 : i1
      %and3A_116 = arith.andi %ne3A_115, %ne3A_110 : i1
      %add3A_117 = arith.addi %rem3A_108, %select_n3A_107 : i32
      %select_n3A_118 = arith.select %and3A_116, %add3A_117, %rem3A_108 : i32
      %eq3A_119 = arith.constant 1 : i32
      %eq3A_120 = arith.cmpi eq, %select_n3A_118, %eq3A_119 : i32
      %convert_element_type3A_121 = arith.extui %eq3A_120 : i1 to i32
      %cond3A_122 = arith.constant 0 : i32
      %cond3A_123 = arith.cmpi ne, %convert_element_type3A_121, %cond3A_122 : i32
      scf.if %cond3A_123 {
        %mul3A_145 = arith.constant 32 : i32
        %mul3A_146 = arith.muli %mul3A_145, %while3A_85 : i32
        %add3A_147 = arith.addi %add3A, %mul3A_146 : i32
        %mul3A_148 = arith.constant 128 : i32
        %mul3A_149 = arith.muli %add3A_147, %mul3A_148 : i32
        %dma_wait3A = arith.constant 1 : i32
        %dma_wait3A_150 = arith.constant 1 : i32
        %dma_wait3A_151 = arith.constant 0 : i32
        %dma_wait3A_152 = tpu.memref_slice %arg5[%dma_wait3A, %dma_wait3A_151] : memref<3x128xi32, #tpu.memory_space<vmem>> -> memref<1x128xi32, #tpu.memory_space<vmem>>
        %dma_wait3A_153 = tpu.memref_squeeze %dma_wait3A_152 : memref<1x128xi32, #tpu.memory_space<vmem>> -> memref<128xi32, #tpu.memory_space<vmem>>
        %dma_wait3A_154 = tpu.memref_slice %arg3[%mul3A_149] : memref<320000xi32, #tpu.memory_space<hbm>> -> memref<128xi32, #tpu.memory_space<hbm>>
        %dma_wait3A_155 = tpu.memref_slice %arg8[%dma_wait3A_150] : memref<3x!tpu.dma_semaphore, #tpu.memory_space<semaphore_mem>> -> memref<1x!tpu.dma_semaphore, #tpu.memory_space<semaphore_mem>>
        %dma_wait3A_156 = tpu.memref_squeeze %dma_wait3A_155 : memref<1x!tpu.dma_semaphore, #tpu.memory_space<semaphore_mem>> -> memref<!tpu.dma_semaphore, #tpu.memory_space<semaphore_mem>>
        %dma_wait3A_157 = arith.constant 0 : i32
        %dma_wait3A_158 = tpu.memref_slice %arg5[%dma_wait3A, %dma_wait3A_157] : memref<3x128xi32, #tpu.memory_space<vmem>> -> memref<1x128xi32, #tpu.memory_space<vmem>>
        %dma_wait3A_159 = tpu.memref_squeeze %dma_wait3A_158 : memref<1x128xi32, #tpu.memory_space<vmem>> -> memref<128xi32, #tpu.memory_space<vmem>>
        %dma_wait3A_160 = tpu.memref_slice %arg3[%mul3A_149] : memref<320000xi32, #tpu.memory_space<hbm>> -> memref<128xi32, #tpu.memory_space<hbm>>
        tpu.wait_dma2 semaphore(%dma_wait3A_156 : memref<!tpu.dma_semaphore, #tpu.memory_space<semaphore_mem>>) src(%dma_wait3A_160 : memref<128xi32, #tpu.memory_space<hbm>>) dst(%dma_wait3A_159 : memref<128xi32, #tpu.memory_space<vmem>>)
        %mul3A_161 = arith.constant 32 : i32
        %mul3A_162 = arith.muli %mul3A_161, %while3A_85 : i32
        %add3A_163 = arith.addi %add3A, %mul3A_162 : i32
        %mul3A_164 = arith.constant 128 : i32
        %mul3A_165 = arith.muli %add3A_163, %mul3A_164 : i32
        %dma_wait3A_166 = arith.constant 1 : i32
        %dma_wait3A_167 = arith.constant 1 : i32
        %dma_wait3A_168 = arith.constant 0 : i32
        %dma_wait3A_169 = arith.constant 0 : i32
        %dma_wait3A_170 = tpu.memref_slice %arg6[%dma_wait3A_166, %dma_wait3A_168, %dma_wait3A_169] : memref<3x128x128xf32, #tpu.memory_space<vmem>> -> memref<1x128x128xf32, #tpu.memory_space<vmem>>
        %dma_wait3A_171 = tpu.memref_squeeze %dma_wait3A_170 : memref<1x128x128xf32, #tpu.memory_space<vmem>> -> memref<128x128xf32, #tpu.memory_space<vmem>>
        %dma_wait3A_172 = arith.constant 0 : i32
        %dma_wait3A_173 = tpu.memref_slice %arg2[%mul3A_165, %dma_wait3A_172] : memref<320000x128xf32, #tpu.memory_space<hbm>> -> memref<128x128xf32, #tpu.memory_space<hbm>>
        %dma_wait3A_174 = tpu.memref_slice %arg9[%dma_wait3A_167] : memref<3x!tpu.dma_semaphore, #tpu.memory_space<semaphore_mem>> -> memref<1x!tpu.dma_semaphore, #tpu.memory_space<semaphore_mem>>
        %dma_wait3A_175 = tpu.memref_squeeze %dma_wait3A_174 : memref<1x!tpu.dma_semaphore, #tpu.memory_space<semaphore_mem>> -> memref<!tpu.dma_semaphore, #tpu.memory_space<semaphore_mem>>
        %dma_wait3A_176 = arith.constant 0 : i32
        %dma_wait3A_177 = arith.constant 0 : i32
        %dma_wait3A_178 = tpu.memref_slice %arg6[%dma_wait3A_166, %dma_wait3A_176, %dma_wait3A_177] : memref<3x128x128xf32, #tpu.memory_space<vmem>> -> memref<1x128x128xf32, #tpu.memory_space<vmem>>
        %dma_wait3A_179 = tpu.memref_squeeze %dma_wait3A_178 : memref<1x128x128xf32, #tpu.memory_space<vmem>> -> memref<128x128xf32, #tpu.memory_space<vmem>>
        %dma_wait3A_180 = arith.constant 0 : i32
        %dma_wait3A_181 = tpu.memref_slice %arg2[%mul3A_165, %dma_wait3A_180] : memref<320000x128xf32, #tpu.memory_space<hbm>> -> memref<128x128xf32, #tpu.memory_space<hbm>>
        tpu.wait_dma2 semaphore(%dma_wait3A_175 : memref<!tpu.dma_semaphore, #tpu.memory_space<semaphore_mem>>) src(%dma_wait3A_181 : memref<128x128xf32, #tpu.memory_space<hbm>>) dst(%dma_wait3A_179 : memref<128x128xf32, #tpu.memory_space<vmem>>)
        %add3A_182 = arith.constant 2 : i32
        %add3A_183 = arith.addi %while3A_85, %add3A_182 : i32
        %lt3A_184 = arith.cmpi slt, %add3A_183, %add3A_33 : i32
        %convert_element_type3A_185 = arith.extui %lt3A_184 : i1 to i32
        %cond3A_186 = arith.constant 0 : i32
        %cond3A_187 = arith.cmpi ne, %convert_element_type3A_185, %cond3A_186 : i32
        scf.if %cond3A_187 {
          %add3A_190 = arith.constant 2 : i32
          %add3A_191 = arith.addi %while3A_85, %add3A_190 : i32
          %mul3A_192 = arith.constant 32 : i32
          %mul3A_193 = arith.muli %mul3A_192, %add3A_191 : i32
          %add3A_194 = arith.addi %add3A, %mul3A_193 : i32
          %mul3A_195 = arith.constant 128 : i32
          %mul3A_196 = arith.muli %add3A_194, %mul3A_195 : i32
          %dma_start3A_197 = arith.constant 0 : i32
          %dma_start3A_198 = arith.constant 0 : i32
          %dma_start3A_199 = arith.constant 0 : i32
          %dma_start3A_200 = tpu.memref_slice %arg5[%dma_start3A_197, %dma_start3A_199] : memref<3x128xi32, #tpu.memory_space<vmem>> -> memref<1x128xi32, #tpu.memory_space<vmem>>
          %dma_start3A_201 = tpu.memref_squeeze %dma_start3A_200 : memref<1x128xi32, #tpu.memory_space<vmem>> -> memref<128xi32, #tpu.memory_space<vmem>>
          %dma_start3A_202 = tpu.memref_slice %arg3[%mul3A_196] : memref<320000xi32, #tpu.memory_space<hbm>> -> memref<128xi32, #tpu.memory_space<hbm>>
          %dma_start3A_203 = tpu.memref_slice %arg8[%dma_start3A_198] : memref<3x!tpu.dma_semaphore, #tpu.memory_space<semaphore_mem>> -> memref<1x!tpu.dma_semaphore, #tpu.memory_space<semaphore_mem>>
          %dma_start3A_204 = tpu.memref_squeeze %dma_start3A_203 : memref<1x!tpu.dma_semaphore, #tpu.memory_space<semaphore_mem>> -> memref<!tpu.dma_semaphore, #tpu.memory_space<semaphore_mem>>
          %dma_start3A_205 = arith.constant 0 : i32
          %dma_start3A_206 = tpu.memref_slice %arg5[%dma_start3A_197, %dma_start3A_205] : memref<3x128xi32, #tpu.memory_space<vmem>> -> memref<1x128xi32, #tpu.memory_space<vmem>>
          %dma_start3A_207 = tpu.memref_squeeze %dma_start3A_206 : memref<1x128xi32, #tpu.memory_space<vmem>> -> memref<128xi32, #tpu.memory_space<vmem>>
          %dma_start3A_208 = tpu.memref_slice %arg3[%mul3A_196] : memref<320000xi32, #tpu.memory_space<hbm>> -> memref<128xi32, #tpu.memory_space<hbm>>
          tpu.enqueue_dma source(%dma_start3A_208 : memref<128xi32, #tpu.memory_space<hbm>>) target(%dma_start3A_207 : memref<128xi32, #tpu.memory_space<vmem>>) target_semaphore(%dma_start3A_204 : memref<!tpu.dma_semaphore, #tpu.memory_space<semaphore_mem>>)
          %mul3A_209 = arith.constant 32 : i32
          %mul3A_210 = arith.muli %mul3A_209, %add3A_191 : i32
          %add3A_211 = arith.addi %add3A, %mul3A_210 : i32
          %mul3A_212 = arith.constant 128 : i32
          %mul3A_213 = arith.muli %add3A_211, %mul3A_212 : i32
          %dma_start3A_214 = arith.constant 0 : i32
          %dma_start3A_215 = arith.constant 0 : i32
          %dma_start3A_216 = arith.constant 0 : i32
          %dma_start3A_217 = arith.constant 0 : i32
          %dma_start3A_218 = tpu.memref_slice %arg6[%dma_start3A_214, %dma_start3A_216, %dma_start3A_217] : memref<3x128x128xf32, #tpu.memory_space<vmem>> -> memref<1x128x128xf32, #tpu.memory_space<vmem>>
          %dma_start3A_219 = tpu.memref_squeeze %dma_start3A_218 : memref<1x128x128xf32, #tpu.memory_space<vmem>> -> memref<128x128xf32, #tpu.memory_space<vmem>>
          %dma_start3A_220 = arith.constant 0 : i32
          %dma_start3A_221 = tpu.memref_slice %arg2[%mul3A_213, %dma_start3A_220] : memref<320000x128xf32, #tpu.memory_space<hbm>> -> memref<128x128xf32, #tpu.memory_space<hbm>>
          %dma_start3A_222 = tpu.memref_slice %arg9[%dma_start3A_215] : memref<3x!tpu.dma_semaphore, #tpu.memory_space<semaphore_mem>> -> memref<1x!tpu.dma_semaphore, #tpu.memory_space<semaphore_mem>>
          %dma_start3A_223 = tpu.memref_squeeze %dma_start3A_222 : memref<1x!tpu.dma_semaphore, #tpu.memory_space<semaphore_mem>> -> memref<!tpu.dma_semaphore, #tpu.memory_space<semaphore_mem>>
          %dma_start3A_224 = arith.constant 0 : i32
          %dma_start3A_225 = arith.constant 0 : i32
          %dma_start3A_226 = tpu.memref_slice %arg6[%dma_start3A_214, %dma_start3A_224, %dma_start3A_225] : memref<3x128x128xf32, #tpu.memory_space<vmem>> -> memref<1x128x128xf32, #tpu.memory_space<vmem>>
          %dma_start3A_227 = tpu.memref_squeeze %dma_start3A_226 : memref<1x128x128xf32, #tpu.memory_space<vmem>> -> memref<128x128xf32, #tpu.memory_space<vmem>>
          %dma_start3A_228 = arith.constant 0 : i32
          %dma_start3A_229 = tpu.memref_slice %arg2[%mul3A_213, %dma_start3A_228] : memref<320000x128xf32, #tpu.memory_space<hbm>> -> memref<128x128xf32, #tpu.memory_space<hbm>>
          tpu.enqueue_dma source(%dma_start3A_229 : memref<128x128xf32, #tpu.memory_space<hbm>>) target(%dma_start3A_227 : memref<128x128xf32, #tpu.memory_space<vmem>>) target_semaphore(%dma_start3A_223 : memref<!tpu.dma_semaphore, #tpu.memory_space<semaphore_mem>>)
        } else {
        }
        %run_scoped3A_188 = arith.constant 1 : i32
        %run_scoped3A_189 = arith.constant 1 : i32
        "tpu.region"() ({
          %run_scoped3A_190 = tpu.sem_alloc : memref<!tpu.dma_semaphore, #tpu.memory_space<semaphore_mem>>
          %dma_start3A_191 = arith.constant 0 : i32
          %dma_start3A_192 = arith.constant 0 : i32
          %dma_start3A_193 = tpu.memref_slice %arg6[%run_scoped3A_188, %dma_start3A_191, %dma_start3A_192] : memref<3x128x128xf32, #tpu.memory_space<vmem>> -> memref<1x128x128xf32, #tpu.memory_space<vmem>>
          %dma_start3A_194 = tpu.memref_squeeze %dma_start3A_193 : memref<1x128x128xf32, #tpu.memory_space<vmem>> -> memref<128x128xf32, #tpu.memory_space<vmem>>
          %dma_start3A_195 = arith.constant 0 : i32
          %dma_start3A_196 = tpu.memref_slice %arg5[%run_scoped3A_189, %dma_start3A_195] : memref<3x128xi32, #tpu.memory_space<vmem>> -> memref<1x128xi32, #tpu.memory_space<vmem>>
          %dma_start3A_197 = tpu.memref_squeeze %dma_start3A_196 : memref<1x128xi32, #tpu.memory_space<vmem>> -> memref<128xi32, #tpu.memory_space<vmem>>
          %dma_start3A_198 = arith.constant 0 : i32
          %dma_start3A_199 = arith.constant 0 : i32
          %dma_start3A_200 = tpu.memref_slice %arg7[%dma_start3A_198, %dma_start3A_199] : memref<10112x128xf32, #tpu.memory_space<vmem_shared>> -> memref<10112x128xf32, #tpu.memory_space<vmem_shared>>
          tpu.enqueue_indirect_dma source(%dma_start3A_194 : memref<128x128xf32, #tpu.memory_space<vmem>>) target(%dma_start3A_200 : memref<10112x128xf32, #tpu.memory_space<vmem_shared>>) offsets(%dma_start3A_197 : memref<128xi32, #tpu.memory_space<vmem>>) semaphore(%run_scoped3A_190 : memref<!tpu.dma_semaphore, #tpu.memory_space<semaphore_mem>>) {add = true}
          %dma_wait3A_201 = arith.constant 0 : i32
          %dma_wait3A_202 = arith.constant 0 : i32
          %dma_wait3A_203 = tpu.memref_slice %arg6[%run_scoped3A_188, %dma_wait3A_201, %dma_wait3A_202] : memref<3x128x128xf32, #tpu.memory_space<vmem>> -> memref<1x128x128xf32, #tpu.memory_space<vmem>>
          %dma_wait3A_204 = tpu.memref_squeeze %dma_wait3A_203 : memref<1x128x128xf32, #tpu.memory_space<vmem>> -> memref<128x128xf32, #tpu.memory_space<vmem>>
          %dma_wait3A_205 = arith.constant 0 : i32
          %dma_wait3A_206 = tpu.memref_slice %arg5[%run_scoped3A_189, %dma_wait3A_205] : memref<3x128xi32, #tpu.memory_space<vmem>> -> memref<1x128xi32, #tpu.memory_space<vmem>>
          %dma_wait3A_207 = tpu.memref_squeeze %dma_wait3A_206 : memref<1x128xi32, #tpu.memory_space<vmem>> -> memref<128xi32, #tpu.memory_space<vmem>>
          %dma_wait3A_208 = arith.constant 0 : i32
          %dma_wait3A_209 = arith.constant 0 : i32
          %dma_wait3A_210 = tpu.memref_slice %arg7[%dma_wait3A_208, %dma_wait3A_209] : memref<10112x128xf32, #tpu.memory_space<vmem_shared>> -> memref<10112x128xf32, #tpu.memory_space<vmem_shared>>
          tpu.wait_indirect_dma semaphore(%run_scoped3A_190 : memref<!tpu.dma_semaphore, #tpu.memory_space<semaphore_mem>>) src(%dma_wait3A_204 : memref<128x128xf32, #tpu.memory_space<vmem>>) dst(%dma_wait3A_210 : memref<10112x128xf32, #tpu.memory_space<vmem_shared>>)
          tpu.yield
        }) : () -> ()
      } else {
      }
      %jit3A_124 = arith.constant 3 : i32
      %eq3A_125 = arith.constant 0 : i32
      %eq3A_126 = arith.cmpi eq, %jit3A_124, %eq3A_125 : i32
      %jit3A_127 = arith.constant 1 : i32
      %select_n3A_128 = arith.select %eq3A_126, %jit3A_127, %jit3A_124 : i32
      %rem3A_129 = arith.remsi %while3A_85, %select_n3A_128 : i32
      %ne3A_130 = arith.constant 0 : i32
      %ne3A_131 = arith.cmpi ne, %rem3A_129, %ne3A_130 : i32
      %lt3A_132 = arith.constant 0 : i32
      %lt3A_133 = arith.cmpi slt, %rem3A_129, %lt3A_132 : i32
      %lt3A_134 = arith.constant 0 : i32
      %lt3A_135 = arith.cmpi slt, %select_n3A_128, %lt3A_134 : i32
      %ne3A_136 = arith.xori %lt3A_133, %lt3A_135 : i1
      %and3A_137 = arith.andi %ne3A_136, %ne3A_131 : i1
      %add3A_138 = arith.addi %rem3A_129, %select_n3A_128 : i32
      %select_n3A_139 = arith.select %and3A_137, %add3A_138, %rem3A_129 : i32
      %eq3A_140 = arith.constant 2 : i32
      %eq3A_141 = arith.cmpi eq, %select_n3A_139, %eq3A_140 : i32
      %convert_element_type3A_142 = arith.extui %eq3A_141 : i1 to i32
      %cond3A_143 = arith.constant 0 : i32
      %cond3A_144 = arith.cmpi ne, %convert_element_type3A_142, %cond3A_143 : i32
      scf.if %cond3A_144 {
        %mul3A_145 = arith.constant 32 : i32
        %mul3A_146 = arith.muli %mul3A_145, %while3A_85 : i32
        %add3A_147 = arith.addi %add3A, %mul3A_146 : i32
        %mul3A_148 = arith.constant 128 : i32
        %mul3A_149 = arith.muli %add3A_147, %mul3A_148 : i32
        %dma_wait3A = arith.constant 2 : i32
        %dma_wait3A_150 = arith.constant 2 : i32
        %dma_wait3A_151 = arith.constant 0 : i32
        %dma_wait3A_152 = tpu.memref_slice %arg5[%dma_wait3A, %dma_wait3A_151] : memref<3x128xi32, #tpu.memory_space<vmem>> -> memref<1x128xi32, #tpu.memory_space<vmem>>
        %dma_wait3A_153 = tpu.memref_squeeze %dma_wait3A_152 : memref<1x128xi32, #tpu.memory_space<vmem>> -> memref<128xi32, #tpu.memory_space<vmem>>
        %dma_wait3A_154 = tpu.memref_slice %arg3[%mul3A_149] : memref<320000xi32, #tpu.memory_space<hbm>> -> memref<128xi32, #tpu.memory_space<hbm>>
        %dma_wait3A_155 = tpu.memref_slice %arg8[%dma_wait3A_150] : memref<3x!tpu.dma_semaphore, #tpu.memory_space<semaphore_mem>> -> memref<1x!tpu.dma_semaphore, #tpu.memory_space<semaphore_mem>>
        %dma_wait3A_156 = tpu.memref_squeeze %dma_wait3A_155 : memref<1x!tpu.dma_semaphore, #tpu.memory_space<semaphore_mem>> -> memref<!tpu.dma_semaphore, #tpu.memory_space<semaphore_mem>>
        %dma_wait3A_157 = arith.constant 0 : i32
        %dma_wait3A_158 = tpu.memref_slice %arg5[%dma_wait3A, %dma_wait3A_157] : memref<3x128xi32, #tpu.memory_space<vmem>> -> memref<1x128xi32, #tpu.memory_space<vmem>>
        %dma_wait3A_159 = tpu.memref_squeeze %dma_wait3A_158 : memref<1x128xi32, #tpu.memory_space<vmem>> -> memref<128xi32, #tpu.memory_space<vmem>>
        %dma_wait3A_160 = tpu.memref_slice %arg3[%mul3A_149] : memref<320000xi32, #tpu.memory_space<hbm>> -> memref<128xi32, #tpu.memory_space<hbm>>
        tpu.wait_dma2 semaphore(%dma_wait3A_156 : memref<!tpu.dma_semaphore, #tpu.memory_space<semaphore_mem>>) src(%dma_wait3A_160 : memref<128xi32, #tpu.memory_space<hbm>>) dst(%dma_wait3A_159 : memref<128xi32, #tpu.memory_space<vmem>>)
        %mul3A_161 = arith.constant 32 : i32
        %mul3A_162 = arith.muli %mul3A_161, %while3A_85 : i32
        %add3A_163 = arith.addi %add3A, %mul3A_162 : i32
        %mul3A_164 = arith.constant 128 : i32
        %mul3A_165 = arith.muli %add3A_163, %mul3A_164 : i32
        %dma_wait3A_166 = arith.constant 2 : i32
        %dma_wait3A_167 = arith.constant 2 : i32
        %dma_wait3A_168 = arith.constant 0 : i32
        %dma_wait3A_169 = arith.constant 0 : i32
        %dma_wait3A_170 = tpu.memref_slice %arg6[%dma_wait3A_166, %dma_wait3A_168, %dma_wait3A_169] : memref<3x128x128xf32, #tpu.memory_space<vmem>> -> memref<1x128x128xf32, #tpu.memory_space<vmem>>
        %dma_wait3A_171 = tpu.memref_squeeze %dma_wait3A_170 : memref<1x128x128xf32, #tpu.memory_space<vmem>> -> memref<128x128xf32, #tpu.memory_space<vmem>>
        %dma_wait3A_172 = arith.constant 0 : i32
        %dma_wait3A_173 = tpu.memref_slice %arg2[%mul3A_165, %dma_wait3A_172] : memref<320000x128xf32, #tpu.memory_space<hbm>> -> memref<128x128xf32, #tpu.memory_space<hbm>>
        %dma_wait3A_174 = tpu.memref_slice %arg9[%dma_wait3A_167] : memref<3x!tpu.dma_semaphore, #tpu.memory_space<semaphore_mem>> -> memref<1x!tpu.dma_semaphore, #tpu.memory_space<semaphore_mem>>
        %dma_wait3A_175 = tpu.memref_squeeze %dma_wait3A_174 : memref<1x!tpu.dma_semaphore, #tpu.memory_space<semaphore_mem>> -> memref<!tpu.dma_semaphore, #tpu.memory_space<semaphore_mem>>
        %dma_wait3A_176 = arith.constant 0 : i32
        %dma_wait3A_177 = arith.constant 0 : i32
        %dma_wait3A_178 = tpu.memref_slice %arg6[%dma_wait3A_166, %dma_wait3A_176, %dma_wait3A_177] : memref<3x128x128xf32, #tpu.memory_space<vmem>> -> memref<1x128x128xf32, #tpu.memory_space<vmem>>
        %dma_wait3A_179 = tpu.memref_squeeze %dma_wait3A_178 : memref<1x128x128xf32, #tpu.memory_space<vmem>> -> memref<128x128xf32, #tpu.memory_space<vmem>>
        %dma_wait3A_180 = arith.constant 0 : i32
        %dma_wait3A_181 = tpu.memref_slice %arg2[%mul3A_165, %dma_wait3A_180] : memref<320000x128xf32, #tpu.memory_space<hbm>> -> memref<128x128xf32, #tpu.memory_space<hbm>>
        tpu.wait_dma2 semaphore(%dma_wait3A_175 : memref<!tpu.dma_semaphore, #tpu.memory_space<semaphore_mem>>) src(%dma_wait3A_181 : memref<128x128xf32, #tpu.memory_space<hbm>>) dst(%dma_wait3A_179 : memref<128x128xf32, #tpu.memory_space<vmem>>)
        %add3A_182 = arith.constant 2 : i32
        %add3A_183 = arith.addi %while3A_85, %add3A_182 : i32
        %lt3A_184 = arith.cmpi slt, %add3A_183, %add3A_33 : i32
        %convert_element_type3A_185 = arith.extui %lt3A_184 : i1 to i32
        %cond3A_186 = arith.constant 0 : i32
        %cond3A_187 = arith.cmpi ne, %convert_element_type3A_185, %cond3A_186 : i32
        scf.if %cond3A_187 {
          %add3A_190 = arith.constant 2 : i32
          %add3A_191 = arith.addi %while3A_85, %add3A_190 : i32
          %mul3A_192 = arith.constant 32 : i32
          %mul3A_193 = arith.muli %mul3A_192, %add3A_191 : i32
          %add3A_194 = arith.addi %add3A, %mul3A_193 : i32
          %mul3A_195 = arith.constant 128 : i32
          %mul3A_196 = arith.muli %add3A_194, %mul3A_195 : i32
          %dma_start3A_197 = arith.constant 1 : i32
          %dma_start3A_198 = arith.constant 1 : i32
          %dma_start3A_199 = arith.constant 0 : i32
          %dma_start3A_200 = tpu.memref_slice %arg5[%dma_start3A_197, %dma_start3A_199] : memref<3x128xi32, #tpu.memory_space<vmem>> -> memref<1x128xi32, #tpu.memory_space<vmem>>
          %dma_start3A_201 = tpu.memref_squeeze %dma_start3A_200 : memref<1x128xi32, #tpu.memory_space<vmem>> -> memref<128xi32, #tpu.memory_space<vmem>>
          %dma_start3A_202 = tpu.memref_slice %arg3[%mul3A_196] : memref<320000xi32, #tpu.memory_space<hbm>> -> memref<128xi32, #tpu.memory_space<hbm>>
          %dma_start3A_203 = tpu.memref_slice %arg8[%dma_start3A_198] : memref<3x!tpu.dma_semaphore, #tpu.memory_space<semaphore_mem>> -> memref<1x!tpu.dma_semaphore, #tpu.memory_space<semaphore_mem>>
          %dma_start3A_204 = tpu.memref_squeeze %dma_start3A_203 : memref<1x!tpu.dma_semaphore, #tpu.memory_space<semaphore_mem>> -> memref<!tpu.dma_semaphore, #tpu.memory_space<semaphore_mem>>
          %dma_start3A_205 = arith.constant 0 : i32
          %dma_start3A_206 = tpu.memref_slice %arg5[%dma_start3A_197, %dma_start3A_205] : memref<3x128xi32, #tpu.memory_space<vmem>> -> memref<1x128xi32, #tpu.memory_space<vmem>>
          %dma_start3A_207 = tpu.memref_squeeze %dma_start3A_206 : memref<1x128xi32, #tpu.memory_space<vmem>> -> memref<128xi32, #tpu.memory_space<vmem>>
          %dma_start3A_208 = tpu.memref_slice %arg3[%mul3A_196] : memref<320000xi32, #tpu.memory_space<hbm>> -> memref<128xi32, #tpu.memory_space<hbm>>
          tpu.enqueue_dma source(%dma_start3A_208 : memref<128xi32, #tpu.memory_space<hbm>>) target(%dma_start3A_207 : memref<128xi32, #tpu.memory_space<vmem>>) target_semaphore(%dma_start3A_204 : memref<!tpu.dma_semaphore, #tpu.memory_space<semaphore_mem>>)
          %mul3A_209 = arith.constant 32 : i32
          %mul3A_210 = arith.muli %mul3A_209, %add3A_191 : i32
          %add3A_211 = arith.addi %add3A, %mul3A_210 : i32
          %mul3A_212 = arith.constant 128 : i32
          %mul3A_213 = arith.muli %add3A_211, %mul3A_212 : i32
          %dma_start3A_214 = arith.constant 1 : i32
          %dma_start3A_215 = arith.constant 1 : i32
          %dma_start3A_216 = arith.constant 0 : i32
          %dma_start3A_217 = arith.constant 0 : i32
          %dma_start3A_218 = tpu.memref_slice %arg6[%dma_start3A_214, %dma_start3A_216, %dma_start3A_217] : memref<3x128x128xf32, #tpu.memory_space<vmem>> -> memref<1x128x128xf32, #tpu.memory_space<vmem>>
          %dma_start3A_219 = tpu.memref_squeeze %dma_start3A_218 : memref<1x128x128xf32, #tpu.memory_space<vmem>> -> memref<128x128xf32, #tpu.memory_space<vmem>>
          %dma_start3A_220 = arith.constant 0 : i32
          %dma_start3A_221 = tpu.memref_slice %arg2[%mul3A_213, %dma_start3A_220] : memref<320000x128xf32, #tpu.memory_space<hbm>> -> memref<128x128xf32, #tpu.memory_space<hbm>>
          %dma_start3A_222 = tpu.memref_slice %arg9[%dma_start3A_215] : memref<3x!tpu.dma_semaphore, #tpu.memory_space<semaphore_mem>> -> memref<1x!tpu.dma_semaphore, #tpu.memory_space<semaphore_mem>>
          %dma_start3A_223 = tpu.memref_squeeze %dma_start3A_222 : memref<1x!tpu.dma_semaphore, #tpu.memory_space<semaphore_mem>> -> memref<!tpu.dma_semaphore, #tpu.memory_space<semaphore_mem>>
          %dma_start3A_224 = arith.constant 0 : i32
          %dma_start3A_225 = arith.constant 0 : i32
          %dma_start3A_226 = tpu.memref_slice %arg6[%dma_start3A_214, %dma_start3A_224, %dma_start3A_225] : memref<3x128x128xf32, #tpu.memory_space<vmem>> -> memref<1x128x128xf32, #tpu.memory_space<vmem>>
          %dma_start3A_227 = tpu.memref_squeeze %dma_start3A_226 : memref<1x128x128xf32, #tpu.memory_space<vmem>> -> memref<128x128xf32, #tpu.memory_space<vmem>>
          %dma_start3A_228 = arith.constant 0 : i32
          %dma_start3A_229 = tpu.memref_slice %arg2[%mul3A_213, %dma_start3A_228] : memref<320000x128xf32, #tpu.memory_space<hbm>> -> memref<128x128xf32, #tpu.memory_space<hbm>>
          tpu.enqueue_dma source(%dma_start3A_229 : memref<128x128xf32, #tpu.memory_space<hbm>>) target(%dma_start3A_227 : memref<128x128xf32, #tpu.memory_space<vmem>>) target_semaphore(%dma_start3A_223 : memref<!tpu.dma_semaphore, #tpu.memory_space<semaphore_mem>>)
        } else {
        }
        %run_scoped3A_188 = arith.constant 2 : i32
        %run_scoped3A_189 = arith.constant 2 : i32
        "tpu.region"() ({
          %run_scoped3A_190 = tpu.sem_alloc : memref<!tpu.dma_semaphore, #tpu.memory_space<semaphore_mem>>
          %dma_start3A_191 = arith.constant 0 : i32
          %dma_start3A_192 = arith.constant 0 : i32
          %dma_start3A_193 = tpu.memref_slice %arg6[%run_scoped3A_188, %dma_start3A_191, %dma_start3A_192] : memref<3x128x128xf32, #tpu.memory_space<vmem>> -> memref<1x128x128xf32, #tpu.memory_space<vmem>>
          %dma_start3A_194 = tpu.memref_squeeze %dma_start3A_193 : memref<1x128x128xf32, #tpu.memory_space<vmem>> -> memref<128x128xf32, #tpu.memory_space<vmem>>
          %dma_start3A_195 = arith.constant 0 : i32
          %dma_start3A_196 = tpu.memref_slice %arg5[%run_scoped3A_189, %dma_start3A_195] : memref<3x128xi32, #tpu.memory_space<vmem>> -> memref<1x128xi32, #tpu.memory_space<vmem>>
          %dma_start3A_197 = tpu.memref_squeeze %dma_start3A_196 : memref<1x128xi32, #tpu.memory_space<vmem>> -> memref<128xi32, #tpu.memory_space<vmem>>
          %dma_start3A_198 = arith.constant 0 : i32
          %dma_start3A_199 = arith.constant 0 : i32
          %dma_start3A_200 = tpu.memref_slice %arg7[%dma_start3A_198, %dma_start3A_199] : memref<10112x128xf32, #tpu.memory_space<vmem_shared>> -> memref<10112x128xf32, #tpu.memory_space<vmem_shared>>
          tpu.enqueue_indirect_dma source(%dma_start3A_194 : memref<128x128xf32, #tpu.memory_space<vmem>>) target(%dma_start3A_200 : memref<10112x128xf32, #tpu.memory_space<vmem_shared>>) offsets(%dma_start3A_197 : memref<128xi32, #tpu.memory_space<vmem>>) semaphore(%run_scoped3A_190 : memref<!tpu.dma_semaphore, #tpu.memory_space<semaphore_mem>>) {add = true}
          %dma_wait3A_201 = arith.constant 0 : i32
          %dma_wait3A_202 = arith.constant 0 : i32
          %dma_wait3A_203 = tpu.memref_slice %arg6[%run_scoped3A_188, %dma_wait3A_201, %dma_wait3A_202] : memref<3x128x128xf32, #tpu.memory_space<vmem>> -> memref<1x128x128xf32, #tpu.memory_space<vmem>>
          %dma_wait3A_204 = tpu.memref_squeeze %dma_wait3A_203 : memref<1x128x128xf32, #tpu.memory_space<vmem>> -> memref<128x128xf32, #tpu.memory_space<vmem>>
          %dma_wait3A_205 = arith.constant 0 : i32
          %dma_wait3A_206 = tpu.memref_slice %arg5[%run_scoped3A_189, %dma_wait3A_205] : memref<3x128xi32, #tpu.memory_space<vmem>> -> memref<1x128xi32, #tpu.memory_space<vmem>>
          %dma_wait3A_207 = tpu.memref_squeeze %dma_wait3A_206 : memref<1x128xi32, #tpu.memory_space<vmem>> -> memref<128xi32, #tpu.memory_space<vmem>>
          %dma_wait3A_208 = arith.constant 0 : i32
          %dma_wait3A_209 = arith.constant 0 : i32
          %dma_wait3A_210 = tpu.memref_slice %arg7[%dma_wait3A_208, %dma_wait3A_209] : memref<10112x128xf32, #tpu.memory_space<vmem_shared>> -> memref<10112x128xf32, #tpu.memory_space<vmem_shared>>
          tpu.wait_indirect_dma semaphore(%run_scoped3A_190 : memref<!tpu.dma_semaphore, #tpu.memory_space<semaphore_mem>>) src(%dma_wait3A_204 : memref<128x128xf32, #tpu.memory_space<vmem>>) dst(%dma_wait3A_210 : memref<10112x128xf32, #tpu.memory_space<vmem_shared>>)
          tpu.yield
        }) : () -> ()
      } else {
      }
    }
    %barrier3A_80 = arith.constant 0 : index
    tpu.barrier barrier_id(%barrier3A_80)
    %mul3A_81 = arith.constant 632 : i32
    %mul3A_82 = arith.muli %arg1, %mul3A_81 : i32
    %mul3A_83 = arith.constant 632 : i32
    %mul3A_84 = arith.muli %arg1, %mul3A_83 : i32
    "tpu.region"() ({
      %run_scoped3A_85 = tpu.sem_alloc : memref<!tpu.dma_semaphore, #tpu.memory_space<semaphore_mem>>
      %dma_start3A_86 = arith.constant 0 : i32
      %dma_start3A_87 = tpu.memref_slice %arg4[%arg0, %mul3A_84, %dma_start3A_86] : memref<2x10112x128xf32, #tpu.memory_space<hbm>> -> memref<1x632x128xf32, #tpu.memory_space<hbm>>
      %dma_start3A_88 = tpu.memref_squeeze %dma_start3A_87 : memref<1x632x128xf32, #tpu.memory_space<hbm>> -> memref<632x128xf32, #tpu.memory_space<hbm>>
      %dma_start3A_89 = arith.constant 0 : i32
      %dma_start3A_90 = tpu.memref_slice %arg7[%mul3A_82, %dma_start3A_89] : memref<10112x128xf32, #tpu.memory_space<vmem_shared>> -> memref<632x128xf32, #tpu.memory_space<vmem_shared>>
      tpu.enqueue_dma source(%dma_start3A_90 : memref<632x128xf32, #tpu.memory_space<vmem_shared>>) target(%dma_start3A_88 : memref<632x128xf32, #tpu.memory_space<hbm>>) target_semaphore(%run_scoped3A_85 : memref<!tpu.dma_semaphore, #tpu.memory_space<semaphore_mem>>)
      %dma_wait3A = arith.constant 0 : i32
      %dma_wait3A_91 = tpu.memref_slice %arg4[%arg0, %mul3A_84, %dma_wait3A] : memref<2x10112x128xf32, #tpu.memory_space<hbm>> -> memref<1x632x128xf32, #tpu.memory_space<hbm>>
      %dma_wait3A_92 = tpu.memref_squeeze %dma_wait3A_91 : memref<1x632x128xf32, #tpu.memory_space<hbm>> -> memref<632x128xf32, #tpu.memory_space<hbm>>
      %dma_wait3A_93 = arith.constant 0 : i32
      %dma_wait3A_94 = tpu.memref_slice %arg7[%mul3A_82, %dma_wait3A_93] : memref<10112x128xf32, #tpu.memory_space<vmem_shared>> -> memref<632x128xf32, #tpu.memory_space<vmem_shared>>
      tpu.wait_dma2 semaphore(%run_scoped3A_85 : memref<!tpu.dma_semaphore, #tpu.memory_space<semaphore_mem>>) src(%dma_wait3A_94 : memref<632x128xf32, #tpu.memory_space<vmem_shared>>) dst(%dma_wait3A_92 : memref<632x128xf32, #tpu.memory_space<hbm>>)
      tpu.yield
    }) : () -> ()
    return
  }
}

module attributes {stable_mosaic.version = 14 : i64} {
  func.func @body(%arg0: i32, %arg1: memref<2000x128xf32, #tpu.memory_space<vmem>>, %arg2: memref<2x2000x128xf32, #tpu.memory_space<vmem>>, %arg3: memref<128x128xf32, #tpu.memory_space<vmem>>, %arg4: memref<128x128xf32, #tpu.memory_space<vmem>>, %arg5: memref<1x128xf32, #tpu.memory_space<vmem>>, %arg6: memref<1x128xf32, #tpu.memory_space<vmem>>, %arg7: memref<1x128xf32, #tpu.memory_space<vmem>>, %arg8: memref<128x128xf32, #tpu.memory_space<vmem>>, %arg9: memref<1x128xf32, #tpu.memory_space<vmem>>, %arg10: memref<1x128xf32, #tpu.memory_space<vmem>>, %arg11: memref<1x128xf32, #tpu.memory_space<vmem>>, %arg12: memref<128x128xf32, #tpu.memory_space<vmem>>, %arg13: memref<128x128xf32, #tpu.memory_space<vmem>>, %arg14: memref<2000x128xf32, #tpu.memory_space<vmem>>, %arg15: memref<2000x128xf32, #tpu.memory_space<vmem>>, %arg16: memref<2000x128xf32, #tpu.memory_space<vmem>>) attributes {dimension_semantics = [#tpu.dimension_semantics<arbitrary>], iteration_bounds = array<i64: 5>, scalar_prefetch = 0 : i64, scratch_operands = 0 : i64, tpu.core_type = #tpu.core_type<tc>, window_params = [{transform_indices = @transform_0, window_bounds = array<i64: 2000, 128>}, {transform_indices = @transform_1, window_bounds = array<i64: 2, 2000, 128>}, {pipeline_mode = #tpu.pipeline_mode<synchronous>, transform_indices = @transform_2, window_bounds = array<i64: 128, 128>}, {pipeline_mode = #tpu.pipeline_mode<synchronous>, transform_indices = @transform_3, window_bounds = array<i64: 128, 128>}, {pipeline_mode = #tpu.pipeline_mode<synchronous>, transform_indices = @transform_4, window_bounds = array<i64: 1, 128>}, {pipeline_mode = #tpu.pipeline_mode<synchronous>, transform_indices = @transform_5, window_bounds = array<i64: 1, 128>}, {pipeline_mode = #tpu.pipeline_mode<synchronous>, transform_indices = @transform_6, window_bounds = array<i64: 1, 128>}, {pipeline_mode = #tpu.pipeline_mode<synchronous>, transform_indices = @transform_7, window_bounds = array<i64: 128, 128>}, {pipeline_mode = #tpu.pipeline_mode<synchronous>, transform_indices = @transform_8, window_bounds = array<i64: 1, 128>}, {pipeline_mode = #tpu.pipeline_mode<synchronous>, transform_indices = @transform_9, window_bounds = array<i64: 1, 128>}, {pipeline_mode = #tpu.pipeline_mode<synchronous>, transform_indices = @transform_10, window_bounds = array<i64: 1, 128>}, {pipeline_mode = #tpu.pipeline_mode<synchronous>, transform_indices = @transform_11, window_bounds = array<i64: 128, 128>}, {pipeline_mode = #tpu.pipeline_mode<synchronous>, transform_indices = @transform_12, window_bounds = array<i64: 128, 128>}, {transform_indices = @transform_13, window_bounds = array<i64: 2000, 128>}, {transform_indices = @transform_14, window_bounds = array<i64: 2000, 128>}, {transform_indices = @transform_15, window_bounds = array<i64: 2000, 128>}]} {
    %get3A = arith.constant 0 : index
    %get3A_0 = arith.constant 0 : index
    %get3A_1 = vector.load %arg1[%get3A, %get3A_0] : memref<2000x128xf32, #tpu.memory_space<vmem>>, vector<2000x128xf32>
    %get3A_2 = arith.constant 0 : index
    %get3A_3 = arith.constant 0 : index
    %get3A_4 = arith.constant 0 : index
    %get3A_5 = vector.load %arg2[%get3A_2, %get3A_3, %get3A_4] : memref<2x2000x128xf32, #tpu.memory_space<vmem>>, vector<1x2000x128xf32>
    %get3A_6 = vector.shape_cast %get3A_5 : vector<1x2000x128xf32> to vector<2000x128xf32>
    %get3A_7 = arith.constant 1 : index
    %get3A_8 = arith.constant 0 : index
    %get3A_9 = arith.constant 0 : index
    %get3A_10 = vector.load %arg2[%get3A_7, %get3A_8, %get3A_9] : memref<2x2000x128xf32, #tpu.memory_space<vmem>>, vector<1x2000x128xf32>
    %get3A_11 = vector.shape_cast %get3A_10 : vector<1x2000x128xf32> to vector<2000x128xf32>
    %add3A = arith.addf %get3A_6, %get3A_11 : vector<2000x128xf32>
    %get3A_12 = arith.constant 0 : index
    %get3A_13 = arith.constant 0 : index
    %get3A_14 = vector.load %arg3[%get3A_12, %get3A_13] : memref<128x128xf32, #tpu.memory_space<vmem>>, vector<128x128xf32>
    %dot_general3A = arith.constant dense<0.000000e+00> : vector<2000x128xf32>
    %dot_general3A_15 = tpu.matmul %get3A_1, %get3A_14, %dot_general3A {dimension_numbers = #tpu.dot_dimension_numbers<[1], [0], [0], [1], [0, 0, 1, 1], [], []>, transpose_lhs_hint = false} : vector<2000x128xf32>, vector<128x128xf32>, vector<2000x128xf32> -> vector<2000x128xf32>
    %get3A_16 = arith.constant 0 : index
    %get3A_17 = arith.constant 0 : index
    %get3A_18 = vector.load %arg4[%get3A_16, %get3A_17] : memref<128x128xf32, #tpu.memory_space<vmem>>, vector<128x128xf32>
    %dot_general3A_19 = arith.constant dense<0.000000e+00> : vector<2000x128xf32>
    %dot_general3A_20 = tpu.matmul %add3A, %get3A_18, %dot_general3A_19 {dimension_numbers = #tpu.dot_dimension_numbers<[1], [0], [0], [1], [0, 0, 1, 1], [], []>, transpose_lhs_hint = false} : vector<2000x128xf32>, vector<128x128xf32>, vector<2000x128xf32> -> vector<2000x128xf32>
    %add3A_21 = arith.addf %dot_general3A_15, %dot_general3A_20 : vector<2000x128xf32>
    %get3A_22 = arith.constant 0 : index
    %get3A_23 = arith.constant 0 : index
    %get3A_24 = vector.load %arg5[%get3A_22, %get3A_23] : memref<1x128xf32, #tpu.memory_space<vmem>>, vector<1x128xf32>
    %add3A_25 = vector.broadcast %get3A_24 : vector<1x128xf32> to vector<2000x128xf32>
    %add3A_26 = arith.addf %add3A_21, %add3A_25 : vector<2000x128xf32>
    %get3A_27 = arith.constant 0 : index
    %get3A_28 = arith.constant 0 : index
    %get3A_29 = vector.load %arg6[%get3A_27, %get3A_28] : memref<1x128xf32, #tpu.memory_space<vmem>>, vector<1x128xf32>
    %get3A_30 = arith.constant 0 : index
    %get3A_31 = arith.constant 0 : index
    %get3A_32 = vector.load %arg7[%get3A_30, %get3A_31] : memref<1x128xf32, #tpu.memory_space<vmem>>, vector<1x128xf32>
    %reduce_sum3A = arith.constant dense<0.000000e+00> : vector<2000xf32>
    %reduce_sum3A_33 = vector.multi_reduction <add>, %add3A_26, %reduce_sum3A [1] : vector<2000x128xf32> to vector<2000xf32>
    %broadcast_in_dim3A = vector.shape_cast %reduce_sum3A_33 : vector<2000xf32> to vector<2000x1xf32>
    %div3A = arith.constant 1.280000e+02 : f32
    %div3A_34 = vector.broadcast %div3A : f32 to vector<2000x1xf32>
    %div3A_35 = arith.divf %broadcast_in_dim3A, %div3A_34 : vector<2000x1xf32>
    %sub3A = vector.broadcast %div3A_35 : vector<2000x1xf32> to vector<2000x128xf32>
    %sub3A_36 = arith.subf %add3A_26, %sub3A : vector<2000x128xf32>
    %integer_pow3A = arith.mulf %sub3A_36, %sub3A_36 : vector<2000x128xf32>
    %reduce_sum3A_37 = arith.constant dense<0.000000e+00> : vector<2000xf32>
    %reduce_sum3A_38 = vector.multi_reduction <add>, %integer_pow3A, %reduce_sum3A_37 [1] : vector<2000x128xf32> to vector<2000xf32>
    %broadcast_in_dim3A_39 = vector.shape_cast %reduce_sum3A_38 : vector<2000xf32> to vector<2000x1xf32>
    %div3A_40 = arith.constant 1.280000e+02 : f32
    %div3A_41 = vector.broadcast %div3A_40 : f32 to vector<2000x1xf32>
    %div3A_42 = arith.divf %broadcast_in_dim3A_39, %div3A_41 : vector<2000x1xf32>
    %sub3A_43 = vector.broadcast %div3A_35 : vector<2000x1xf32> to vector<2000x128xf32>
    %sub3A_44 = arith.subf %add3A_26, %sub3A_43 : vector<2000x128xf32>
    %add3A_45 = arith.constant 9.99999974E-6 : f32
    %add3A_46 = vector.broadcast %add3A_45 : f32 to vector<2000x1xf32>
    %add3A_47 = arith.addf %div3A_42, %add3A_46 : vector<2000x1xf32>
    %rsqrt3A = math.rsqrt %add3A_47 : vector<2000x1xf32>
    %mul3A = vector.broadcast %rsqrt3A : vector<2000x1xf32> to vector<2000x128xf32>
    %mul3A_48 = arith.mulf %sub3A_44, %mul3A : vector<2000x128xf32>
    %mul3A_49 = vector.broadcast %get3A_29 : vector<1x128xf32> to vector<2000x128xf32>
    %mul3A_50 = arith.mulf %mul3A_48, %mul3A_49 : vector<2000x128xf32>
    %add3A_51 = vector.broadcast %get3A_32 : vector<1x128xf32> to vector<2000x128xf32>
    %add3A_52 = arith.addf %mul3A_50, %add3A_51 : vector<2000x128xf32>
    %max3A = arith.constant 0.000000e+00 : f32
    %max3A_53 = vector.broadcast %max3A : f32 to vector<2000x128xf32>
    %max3A_54 = arith.maximumf %add3A_52, %max3A_53 : vector<2000x128xf32>
    %get3A_55 = arith.constant 0 : index
    %get3A_56 = arith.constant 0 : index
    %get3A_57 = vector.load %arg8[%get3A_55, %get3A_56] : memref<128x128xf32, #tpu.memory_space<vmem>>, vector<128x128xf32>
    %dot_general3A_58 = arith.constant dense<0.000000e+00> : vector<2000x128xf32>
    %dot_general3A_59 = tpu.matmul %max3A_54, %get3A_57, %dot_general3A_58 {dimension_numbers = #tpu.dot_dimension_numbers<[1], [0], [0], [1], [0, 0, 1, 1], [], []>, transpose_lhs_hint = false} : vector<2000x128xf32>, vector<128x128xf32>, vector<2000x128xf32> -> vector<2000x128xf32>
    %get3A_60 = arith.constant 0 : index
    %get3A_61 = arith.constant 0 : index
    %get3A_62 = vector.load %arg9[%get3A_60, %get3A_61] : memref<1x128xf32, #tpu.memory_space<vmem>>, vector<1x128xf32>
    %add3A_63 = vector.broadcast %get3A_62 : vector<1x128xf32> to vector<2000x128xf32>
    %add3A_64 = arith.addf %dot_general3A_59, %add3A_63 : vector<2000x128xf32>
    %get3A_65 = arith.constant 0 : index
    %get3A_66 = arith.constant 0 : index
    %get3A_67 = vector.load %arg10[%get3A_65, %get3A_66] : memref<1x128xf32, #tpu.memory_space<vmem>>, vector<1x128xf32>
    %get3A_68 = arith.constant 0 : index
    %get3A_69 = arith.constant 0 : index
    %get3A_70 = vector.load %arg11[%get3A_68, %get3A_69] : memref<1x128xf32, #tpu.memory_space<vmem>>, vector<1x128xf32>
    %reduce_sum3A_71 = arith.constant dense<0.000000e+00> : vector<2000xf32>
    %reduce_sum3A_72 = vector.multi_reduction <add>, %add3A_64, %reduce_sum3A_71 [1] : vector<2000x128xf32> to vector<2000xf32>
    %broadcast_in_dim3A_73 = vector.shape_cast %reduce_sum3A_72 : vector<2000xf32> to vector<2000x1xf32>
    %div3A_74 = arith.constant 1.280000e+02 : f32
    %div3A_75 = vector.broadcast %div3A_74 : f32 to vector<2000x1xf32>
    %div3A_76 = arith.divf %broadcast_in_dim3A_73, %div3A_75 : vector<2000x1xf32>
    %sub3A_77 = vector.broadcast %div3A_76 : vector<2000x1xf32> to vector<2000x128xf32>
    %sub3A_78 = arith.subf %add3A_64, %sub3A_77 : vector<2000x128xf32>
    %integer_pow3A_79 = arith.mulf %sub3A_78, %sub3A_78 : vector<2000x128xf32>
    %reduce_sum3A_80 = arith.constant dense<0.000000e+00> : vector<2000xf32>
    %reduce_sum3A_81 = vector.multi_reduction <add>, %integer_pow3A_79, %reduce_sum3A_80 [1] : vector<2000x128xf32> to vector<2000xf32>
    %broadcast_in_dim3A_82 = vector.shape_cast %reduce_sum3A_81 : vector<2000xf32> to vector<2000x1xf32>
    %div3A_83 = arith.constant 1.280000e+02 : f32
    %div3A_84 = vector.broadcast %div3A_83 : f32 to vector<2000x1xf32>
    %div3A_85 = arith.divf %broadcast_in_dim3A_82, %div3A_84 : vector<2000x1xf32>
    %sub3A_86 = vector.broadcast %div3A_76 : vector<2000x1xf32> to vector<2000x128xf32>
    %sub3A_87 = arith.subf %add3A_64, %sub3A_86 : vector<2000x128xf32>
    %add3A_88 = arith.constant 9.99999974E-6 : f32
    %add3A_89 = vector.broadcast %add3A_88 : f32 to vector<2000x1xf32>
    %add3A_90 = arith.addf %div3A_85, %add3A_89 : vector<2000x1xf32>
    %rsqrt3A_91 = math.rsqrt %add3A_90 : vector<2000x1xf32>
    %mul3A_92 = vector.broadcast %rsqrt3A_91 : vector<2000x1xf32> to vector<2000x128xf32>
    %mul3A_93 = arith.mulf %sub3A_87, %mul3A_92 : vector<2000x128xf32>
    %mul3A_94 = vector.broadcast %get3A_67 : vector<1x128xf32> to vector<2000x128xf32>
    %mul3A_95 = arith.mulf %mul3A_93, %mul3A_94 : vector<2000x128xf32>
    %add3A_96 = vector.broadcast %get3A_70 : vector<1x128xf32> to vector<2000x128xf32>
    %add3A_97 = arith.addf %mul3A_95, %add3A_96 : vector<2000x128xf32>
    %max3A_98 = arith.constant 0.000000e+00 : f32
    %max3A_99 = vector.broadcast %max3A_98 : f32 to vector<2000x128xf32>
    %max3A_100 = arith.maximumf %add3A_97, %max3A_99 : vector<2000x128xf32>
    %add3A_101 = arith.addf %max3A_100, %get3A_1 : vector<2000x128xf32>
    %swap3A = arith.constant 0 : index
    %swap3A_102 = arith.constant 0 : index
    %swap3A_103 = vector.load %arg14[%swap3A, %swap3A_102] : memref<2000x128xf32, #tpu.memory_space<vmem>>, vector<2000x128xf32>
    tpu.vector_store %arg14[%swap3A, %swap3A_102], %add3A_101 {strides = array<i32>} : memref<2000x128xf32, #tpu.memory_space<vmem>>, vector<2000x128xf32>,
    %get3A_104 = arith.constant 0 : index
    %get3A_105 = arith.constant 0 : index
    %get3A_106 = vector.load %arg12[%get3A_104, %get3A_105] : memref<128x128xf32, #tpu.memory_space<vmem>>, vector<128x128xf32>
    %dot_general3A_107 = arith.constant dense<0.000000e+00> : vector<2000x128xf32>
    %dot_general3A_108 = tpu.matmul %add3A_101, %get3A_106, %dot_general3A_107 {dimension_numbers = #tpu.dot_dimension_numbers<[1], [0], [0], [1], [0, 0, 1, 1], [], []>, transpose_lhs_hint = false} : vector<2000x128xf32>, vector<128x128xf32>, vector<2000x128xf32> -> vector<2000x128xf32>
    %swap3A_109 = arith.constant 0 : index
    %swap3A_110 = arith.constant 0 : index
    %swap3A_111 = vector.load %arg15[%swap3A_109, %swap3A_110] : memref<2000x128xf32, #tpu.memory_space<vmem>>, vector<2000x128xf32>
    tpu.vector_store %arg15[%swap3A_109, %swap3A_110], %dot_general3A_108 {strides = array<i32>} : memref<2000x128xf32, #tpu.memory_space<vmem>>, vector<2000x128xf32>,
    %get3A_112 = arith.constant 0 : index
    %get3A_113 = arith.constant 0 : index
    %get3A_114 = vector.load %arg13[%get3A_112, %get3A_113] : memref<128x128xf32, #tpu.memory_space<vmem>>, vector<128x128xf32>
    %dot_general3A_115 = arith.constant dense<0.000000e+00> : vector<2000x128xf32>
    %dot_general3A_116 = tpu.matmul %add3A_101, %get3A_114, %dot_general3A_115 {dimension_numbers = #tpu.dot_dimension_numbers<[1], [0], [0], [1], [0, 0, 1, 1], [], []>, transpose_lhs_hint = false} : vector<2000x128xf32>, vector<128x128xf32>, vector<2000x128xf32> -> vector<2000x128xf32>
    %swap3A_117 = arith.constant 0 : index
    %swap3A_118 = arith.constant 0 : index
    %swap3A_119 = vector.load %arg16[%swap3A_117, %swap3A_118] : memref<2000x128xf32, #tpu.memory_space<vmem>>, vector<2000x128xf32>
    tpu.vector_store %arg16[%swap3A_117, %swap3A_118], %dot_general3A_116 {strides = array<i32>} : memref<2000x128xf32, #tpu.memory_space<vmem>>, vector<2000x128xf32>,
    return
  }
  func.func @transform_0(%arg0: i32) -> (i32, i32) {
    %c0_i32 = arith.constant 0 : i32
    %c0_i32_0 = arith.constant 0 : i32
    return %arg0, %c0_i32 : i32, i32
  }
  func.func @transform_1(%arg0: i32) -> (i32, i32, i32) {
    %c0_i32 = arith.constant 0 : i32
    %c0_i32_0 = arith.constant 0 : i32
    %c0_i32_1 = arith.constant 0 : i32
    return %c0_i32, %arg0, %c0_i32_0 : i32, i32, i32
  }
  func.func @transform_2(%arg0: i32) -> (i32, i32) {
    %c0_i32 = arith.constant 0 : i32
    %c0_i32_0 = arith.constant 0 : i32
    %c0_i32_1 = arith.constant 0 : i32
    return %c0_i32, %c0_i32_0 : i32, i32
  }
  func.func @transform_3(%arg0: i32) -> (i32, i32) {
    %c0_i32 = arith.constant 0 : i32
    %c0_i32_0 = arith.constant 0 : i32
    %c0_i32_1 = arith.constant 0 : i32
    return %c0_i32, %c0_i32_0 : i32, i32
  }
  func.func @transform_4(%arg0: i32) -> (i32, i32) {
    %c0_i32 = arith.constant 0 : i32
    %c0_i32_0 = arith.constant 0 : i32
    %c0_i32_1 = arith.constant 0 : i32
    return %c0_i32, %c0_i32_0 : i32, i32
  }
  func.func @transform_5(%arg0: i32) -> (i32, i32) {
    %c0_i32 = arith.constant 0 : i32
    %c0_i32_0 = arith.constant 0 : i32
    %c0_i32_1 = arith.constant 0 : i32
    return %c0_i32, %c0_i32_0 : i32, i32
  }
  func.func @transform_6(%arg0: i32) -> (i32, i32) {
    %c0_i32 = arith.constant 0 : i32
    %c0_i32_0 = arith.constant 0 : i32
    %c0_i32_1 = arith.constant 0 : i32
    return %c0_i32, %c0_i32_0 : i32, i32
  }
  func.func @transform_7(%arg0: i32) -> (i32, i32) {
    %c0_i32 = arith.constant 0 : i32
    %c0_i32_0 = arith.constant 0 : i32
    %c0_i32_1 = arith.constant 0 : i32
    return %c0_i32, %c0_i32_0 : i32, i32
  }
  func.func @transform_8(%arg0: i32) -> (i32, i32) {
    %c0_i32 = arith.constant 0 : i32
    %c0_i32_0 = arith.constant 0 : i32
    %c0_i32_1 = arith.constant 0 : i32
    return %c0_i32, %c0_i32_0 : i32, i32
  }
  func.func @transform_9(%arg0: i32) -> (i32, i32) {
    %c0_i32 = arith.constant 0 : i32
    %c0_i32_0 = arith.constant 0 : i32
    %c0_i32_1 = arith.constant 0 : i32
    return %c0_i32, %c0_i32_0 : i32, i32
  }
  func.func @transform_10(%arg0: i32) -> (i32, i32) {
    %c0_i32 = arith.constant 0 : i32
    %c0_i32_0 = arith.constant 0 : i32
    %c0_i32_1 = arith.constant 0 : i32
    return %c0_i32, %c0_i32_0 : i32, i32
  }
  func.func @transform_11(%arg0: i32) -> (i32, i32) {
    %c0_i32 = arith.constant 0 : i32
    %c0_i32_0 = arith.constant 0 : i32
    %c0_i32_1 = arith.constant 0 : i32
    return %c0_i32, %c0_i32_0 : i32, i32
  }
  func.func @transform_12(%arg0: i32) -> (i32, i32) {
    %c0_i32 = arith.constant 0 : i32
    %c0_i32_0 = arith.constant 0 : i32
    %c0_i32_1 = arith.constant 0 : i32
    return %c0_i32, %c0_i32_0 : i32, i32
  }
  func.func @transform_13(%arg0: i32) -> (i32, i32) {
    %c0_i32 = arith.constant 0 : i32
    %c0_i32_0 = arith.constant 0 : i32
    return %arg0, %c0_i32 : i32, i32
  }
  func.func @transform_14(%arg0: i32) -> (i32, i32) {
    %c0_i32 = arith.constant 0 : i32
    %c0_i32_0 = arith.constant 0 : i32
    return %arg0, %c0_i32 : i32, i32
  }
  func.func @transform_15(%arg0: i32) -> (i32, i32) {
    %c0_i32 = arith.constant 0 : i32
    %c0_i32_0 = arith.constant 0 : i32
    return %arg0, %c0_i32 : i32, i32
  }
}

module attributes {stable_mosaic.version = 14 : i64} {
  func.func @body(%arg0: i32, %arg1: memref<8000x128xf32, #tpu.memory_space<vmem>>, %arg2: memref<8000x128xf32, #tpu.memory_space<vmem>>, %arg3: memref<128x128xbf16, #tpu.memory_space<vmem>>, %arg4: memref<1x128xf32, #tpu.memory_space<vmem>>, %arg5: memref<1x128xf32, #tpu.memory_space<vmem>>, %arg6: memref<1x128xf32, #tpu.memory_space<vmem>>, %arg7: memref<128x128xbf16, #tpu.memory_space<vmem>>, %arg8: memref<1x128xf32, #tpu.memory_space<vmem>>, %arg9: memref<1x128xf32, #tpu.memory_space<vmem>>, %arg10: memref<1x128xf32, #tpu.memory_space<vmem>>, %arg11: memref<8000x128xf32, #tpu.memory_space<vmem>>) attributes {dimension_semantics = [#tpu.dimension_semantics<arbitrary>], iteration_bounds = array<i64: 40>, scalar_prefetch = 0 : i64, scratch_operands = 0 : i64, tpu.core_type = #tpu.core_type<tc>, window_params = [{transform_indices = @transform_0, window_bounds = array<i64: 8000, 128>}, {transform_indices = @transform_1, window_bounds = array<i64: 8000, 128>}, {pipeline_mode = #tpu.pipeline_mode<synchronous>, transform_indices = @transform_2, window_bounds = array<i64: 128, 128>}, {pipeline_mode = #tpu.pipeline_mode<synchronous>, transform_indices = @transform_3, window_bounds = array<i64: 1, 128>}, {pipeline_mode = #tpu.pipeline_mode<synchronous>, transform_indices = @transform_4, window_bounds = array<i64: 1, 128>}, {pipeline_mode = #tpu.pipeline_mode<synchronous>, transform_indices = @transform_5, window_bounds = array<i64: 1, 128>}, {pipeline_mode = #tpu.pipeline_mode<synchronous>, transform_indices = @transform_6, window_bounds = array<i64: 128, 128>}, {pipeline_mode = #tpu.pipeline_mode<synchronous>, transform_indices = @transform_7, window_bounds = array<i64: 1, 128>}, {pipeline_mode = #tpu.pipeline_mode<synchronous>, transform_indices = @transform_8, window_bounds = array<i64: 1, 128>}, {pipeline_mode = #tpu.pipeline_mode<synchronous>, transform_indices = @transform_9, window_bounds = array<i64: 1, 128>}, {transform_indices = @transform_10, window_bounds = array<i64: 8000, 128>}]} {
    %get3A = arith.constant 0 : index
    %get3A_0 = arith.constant 0 : index
    %get3A_1 = vector.load %arg1[%get3A, %get3A_0] : memref<8000x128xf32, #tpu.memory_space<vmem>>, vector<8000x128xf32>
    %convert_element_type3A = arith.truncf %get3A_1 : vector<8000x128xf32> to vector<8000x128xbf16>
    %get3A_2 = arith.constant 0 : index
    %get3A_3 = arith.constant 0 : index
    %get3A_4 = vector.load %arg3[%get3A_2, %get3A_3] : memref<128x128xbf16, #tpu.memory_space<vmem>>, vector<128x128xbf16>
    %dot_general3A = arith.constant dense<0.000000e+00> : vector<8000x128xf32>
    %dot_general3A_5 = tpu.matmul %convert_element_type3A, %get3A_4, %dot_general3A {dimension_numbers = #tpu.dot_dimension_numbers<[1], [0], [0], [1], [0, 0, 1, 1], [], []>, transpose_lhs_hint = false} : vector<8000x128xbf16>, vector<128x128xbf16>, vector<8000x128xf32> -> vector<8000x128xf32>
    %get3A_6 = arith.constant 0 : index
    %get3A_7 = arith.constant 0 : index
    %get3A_8 = vector.load %arg2[%get3A_6, %get3A_7] : memref<8000x128xf32, #tpu.memory_space<vmem>>, vector<8000x128xf32>
    %add3A = arith.addf %dot_general3A_5, %get3A_8 : vector<8000x128xf32>
    %get3A_9 = arith.constant 0 : index
    %get3A_10 = arith.constant 0 : index
    %get3A_11 = vector.load %arg4[%get3A_9, %get3A_10] : memref<1x128xf32, #tpu.memory_space<vmem>>, vector<1x128xf32>
    %add3A_12 = vector.broadcast %get3A_11 : vector<1x128xf32> to vector<8000x128xf32>
    %add3A_13 = arith.addf %add3A, %add3A_12 : vector<8000x128xf32>
    %get3A_14 = arith.constant 0 : index
    %get3A_15 = arith.constant 0 : index
    %get3A_16 = vector.load %arg5[%get3A_14, %get3A_15] : memref<1x128xf32, #tpu.memory_space<vmem>>, vector<1x128xf32>
    %get3A_17 = arith.constant 0 : index
    %get3A_18 = arith.constant 0 : index
    %get3A_19 = vector.load %arg6[%get3A_17, %get3A_18] : memref<1x128xf32, #tpu.memory_space<vmem>>, vector<1x128xf32>
    %reduce_sum3A = arith.constant dense<0.000000e+00> : vector<8000xf32>
    %reduce_sum3A_20 = vector.multi_reduction <add>, %add3A_13, %reduce_sum3A [1] : vector<8000x128xf32> to vector<8000xf32>
    %broadcast_in_dim3A = vector.shape_cast %reduce_sum3A_20 : vector<8000xf32> to vector<8000x1xf32>
    %div3A = arith.constant 1.280000e+02 : f32
    %div3A_21 = vector.broadcast %div3A : f32 to vector<8000x1xf32>
    %div3A_22 = arith.divf %broadcast_in_dim3A, %div3A_21 : vector<8000x1xf32>
    %sub3A = vector.broadcast %div3A_22 : vector<8000x1xf32> to vector<8000x128xf32>
    %sub3A_23 = arith.subf %add3A_13, %sub3A : vector<8000x128xf32>
    %integer_pow3A = arith.mulf %sub3A_23, %sub3A_23 : vector<8000x128xf32>
    %reduce_sum3A_24 = arith.constant dense<0.000000e+00> : vector<8000xf32>
    %reduce_sum3A_25 = vector.multi_reduction <add>, %integer_pow3A, %reduce_sum3A_24 [1] : vector<8000x128xf32> to vector<8000xf32>
    %broadcast_in_dim3A_26 = vector.shape_cast %reduce_sum3A_25 : vector<8000xf32> to vector<8000x1xf32>
    %div3A_27 = arith.constant 1.280000e+02 : f32
    %div3A_28 = vector.broadcast %div3A_27 : f32 to vector<8000x1xf32>
    %div3A_29 = arith.divf %broadcast_in_dim3A_26, %div3A_28 : vector<8000x1xf32>
    %sub3A_30 = vector.broadcast %div3A_22 : vector<8000x1xf32> to vector<8000x128xf32>
    %sub3A_31 = arith.subf %add3A_13, %sub3A_30 : vector<8000x128xf32>
    %add3A_32 = arith.constant 9.99999974E-6 : f32
    %add3A_33 = vector.broadcast %add3A_32 : f32 to vector<8000x1xf32>
    %add3A_34 = arith.addf %div3A_29, %add3A_33 : vector<8000x1xf32>
    %rsqrt3A = math.rsqrt %add3A_34 : vector<8000x1xf32>
    %mul3A = vector.broadcast %rsqrt3A : vector<8000x1xf32> to vector<8000x128xf32>
    %mul3A_35 = arith.mulf %sub3A_31, %mul3A : vector<8000x128xf32>
    %mul3A_36 = vector.broadcast %get3A_16 : vector<1x128xf32> to vector<8000x128xf32>
    %mul3A_37 = arith.mulf %mul3A_35, %mul3A_36 : vector<8000x128xf32>
    %add3A_38 = vector.broadcast %get3A_19 : vector<1x128xf32> to vector<8000x128xf32>
    %add3A_39 = arith.addf %mul3A_37, %add3A_38 : vector<8000x128xf32>
    %max3A = arith.constant 0.000000e+00 : f32
    %max3A_40 = vector.broadcast %max3A : f32 to vector<8000x128xf32>
    %max3A_41 = arith.maximumf %add3A_39, %max3A_40 : vector<8000x128xf32>
    %convert_element_type3A_42 = arith.truncf %max3A_41 : vector<8000x128xf32> to vector<8000x128xbf16>
    %get3A_43 = arith.constant 0 : index
    %get3A_44 = arith.constant 0 : index
    %get3A_45 = vector.load %arg7[%get3A_43, %get3A_44] : memref<128x128xbf16, #tpu.memory_space<vmem>>, vector<128x128xbf16>
    %dot_general3A_46 = arith.constant dense<0.000000e+00> : vector<8000x128xf32>
    %dot_general3A_47 = tpu.matmul %convert_element_type3A_42, %get3A_45, %dot_general3A_46 {dimension_numbers = #tpu.dot_dimension_numbers<[1], [0], [0], [1], [0, 0, 1, 1], [], []>, transpose_lhs_hint = false} : vector<8000x128xbf16>, vector<128x128xbf16>, vector<8000x128xf32> -> vector<8000x128xf32>
    %get3A_48 = arith.constant 0 : index
    %get3A_49 = arith.constant 0 : index
    %get3A_50 = vector.load %arg8[%get3A_48, %get3A_49] : memref<1x128xf32, #tpu.memory_space<vmem>>, vector<1x128xf32>
    %add3A_51 = vector.broadcast %get3A_50 : vector<1x128xf32> to vector<8000x128xf32>
    %add3A_52 = arith.addf %dot_general3A_47, %add3A_51 : vector<8000x128xf32>
    %get3A_53 = arith.constant 0 : index
    %get3A_54 = arith.constant 0 : index
    %get3A_55 = vector.load %arg9[%get3A_53, %get3A_54] : memref<1x128xf32, #tpu.memory_space<vmem>>, vector<1x128xf32>
    %get3A_56 = arith.constant 0 : index
    %get3A_57 = arith.constant 0 : index
    %get3A_58 = vector.load %arg10[%get3A_56, %get3A_57] : memref<1x128xf32, #tpu.memory_space<vmem>>, vector<1x128xf32>
    %reduce_sum3A_59 = arith.constant dense<0.000000e+00> : vector<8000xf32>
    %reduce_sum3A_60 = vector.multi_reduction <add>, %add3A_52, %reduce_sum3A_59 [1] : vector<8000x128xf32> to vector<8000xf32>
    %broadcast_in_dim3A_61 = vector.shape_cast %reduce_sum3A_60 : vector<8000xf32> to vector<8000x1xf32>
    %div3A_62 = arith.constant 1.280000e+02 : f32
    %div3A_63 = vector.broadcast %div3A_62 : f32 to vector<8000x1xf32>
    %div3A_64 = arith.divf %broadcast_in_dim3A_61, %div3A_63 : vector<8000x1xf32>
    %sub3A_65 = vector.broadcast %div3A_64 : vector<8000x1xf32> to vector<8000x128xf32>
    %sub3A_66 = arith.subf %add3A_52, %sub3A_65 : vector<8000x128xf32>
    %integer_pow3A_67 = arith.mulf %sub3A_66, %sub3A_66 : vector<8000x128xf32>
    %reduce_sum3A_68 = arith.constant dense<0.000000e+00> : vector<8000xf32>
    %reduce_sum3A_69 = vector.multi_reduction <add>, %integer_pow3A_67, %reduce_sum3A_68 [1] : vector<8000x128xf32> to vector<8000xf32>
    %broadcast_in_dim3A_70 = vector.shape_cast %reduce_sum3A_69 : vector<8000xf32> to vector<8000x1xf32>
    %div3A_71 = arith.constant 1.280000e+02 : f32
    %div3A_72 = vector.broadcast %div3A_71 : f32 to vector<8000x1xf32>
    %div3A_73 = arith.divf %broadcast_in_dim3A_70, %div3A_72 : vector<8000x1xf32>
    %sub3A_74 = vector.broadcast %div3A_64 : vector<8000x1xf32> to vector<8000x128xf32>
    %sub3A_75 = arith.subf %add3A_52, %sub3A_74 : vector<8000x128xf32>
    %add3A_76 = arith.constant 9.99999974E-6 : f32
    %add3A_77 = vector.broadcast %add3A_76 : f32 to vector<8000x1xf32>
    %add3A_78 = arith.addf %div3A_73, %add3A_77 : vector<8000x1xf32>
    %rsqrt3A_79 = math.rsqrt %add3A_78 : vector<8000x1xf32>
    %mul3A_80 = vector.broadcast %rsqrt3A_79 : vector<8000x1xf32> to vector<8000x128xf32>
    %mul3A_81 = arith.mulf %sub3A_75, %mul3A_80 : vector<8000x128xf32>
    %mul3A_82 = vector.broadcast %get3A_55 : vector<1x128xf32> to vector<8000x128xf32>
    %mul3A_83 = arith.mulf %mul3A_81, %mul3A_82 : vector<8000x128xf32>
    %add3A_84 = vector.broadcast %get3A_58 : vector<1x128xf32> to vector<8000x128xf32>
    %add3A_85 = arith.addf %mul3A_83, %add3A_84 : vector<8000x128xf32>
    %tanh3A = math.tanh %add3A_85 : vector<8000x128xf32>
    %add3A_86 = arith.addf %tanh3A, %get3A_1 : vector<8000x128xf32>
    %swap3A = arith.constant 0 : index
    %swap3A_87 = arith.constant 0 : index
    %swap3A_88 = vector.load %arg11[%swap3A, %swap3A_87] : memref<8000x128xf32, #tpu.memory_space<vmem>>, vector<8000x128xf32>
    tpu.vector_store %arg11[%swap3A, %swap3A_87], %add3A_86 {strides = array<i32>} : memref<8000x128xf32, #tpu.memory_space<vmem>>, vector<8000x128xf32>,
    return
  }
  func.func @transform_0(%arg0: i32) -> (i32, i32) {
    %c0_i32 = arith.constant 0 : i32
    %c0_i32_0 = arith.constant 0 : i32
    return %arg0, %c0_i32 : i32, i32
  }
  func.func @transform_1(%arg0: i32) -> (i32, i32) {
    %c0_i32 = arith.constant 0 : i32
    %c0_i32_0 = arith.constant 0 : i32
    return %arg0, %c0_i32 : i32, i32
  }
  func.func @transform_2(%arg0: i32) -> (i32, i32) {
    %c0_i32 = arith.constant 0 : i32
    %c0_i32_0 = arith.constant 0 : i32
    %c0_i32_1 = arith.constant 0 : i32
    return %c0_i32, %c0_i32_0 : i32, i32
  }
  func.func @transform_3(%arg0: i32) -> (i32, i32) {
    %c0_i32 = arith.constant 0 : i32
    %c0_i32_0 = arith.constant 0 : i32
    %c0_i32_1 = arith.constant 0 : i32
    return %c0_i32, %c0_i32_0 : i32, i32
  }
  func.func @transform_4(%arg0: i32) -> (i32, i32) {
    %c0_i32 = arith.constant 0 : i32
    %c0_i32_0 = arith.constant 0 : i32
    %c0_i32_1 = arith.constant 0 : i32
    return %c0_i32, %c0_i32_0 : i32, i32
  }
  func.func @transform_5(%arg0: i32) -> (i32, i32) {
    %c0_i32 = arith.constant 0 : i32
    %c0_i32_0 = arith.constant 0 : i32
    %c0_i32_1 = arith.constant 0 : i32
    return %c0_i32, %c0_i32_0 : i32, i32
  }
  func.func @transform_6(%arg0: i32) -> (i32, i32) {
    %c0_i32 = arith.constant 0 : i32
    %c0_i32_0 = arith.constant 0 : i32
    %c0_i32_1 = arith.constant 0 : i32
    return %c0_i32, %c0_i32_0 : i32, i32
  }
  func.func @transform_7(%arg0: i32) -> (i32, i32) {
    %c0_i32 = arith.constant 0 : i32
    %c0_i32_0 = arith.constant 0 : i32
    %c0_i32_1 = arith.constant 0 : i32
    return %c0_i32, %c0_i32_0 : i32, i32
  }
  func.func @transform_8(%arg0: i32) -> (i32, i32) {
    %c0_i32 = arith.constant 0 : i32
    %c0_i32_0 = arith.constant 0 : i32
    %c0_i32_1 = arith.constant 0 : i32
    return %c0_i32, %c0_i32_0 : i32, i32
  }
  func.func @transform_9(%arg0: i32) -> (i32, i32) {
    %c0_i32 = arith.constant 0 : i32
    %c0_i32_0 = arith.constant 0 : i32
    %c0_i32_1 = arith.constant 0 : i32
    return %c0_i32, %c0_i32_0 : i32, i32
  }
  func.func @transform_10(%arg0: i32) -> (i32, i32) {
    %c0_i32 = arith.constant 0 : i32
    %c0_i32_0 = arith.constant 0 : i32
    return %arg0, %c0_i32 : i32, i32
  }
}

</mosaic_0001>

<sc_bundles>
// kernel: kernel.6.cloned.1.call-start
scs
__scs_entry_jumppad:
0x0: {  	(pc) =	sbr.rel $0x88, $3  }
0x1: {  	(tag) =	ssettag $0x0;
	lr =	simm.s32 $0x1  }
0x2: {  	[smem:$0x3F8E] =	sst lr;
	_ =	strace $0xD0000000  }
0x3: {  	_ = 	snop  }
0x4: {  	_ = 	snop  }
0x5: {  	_ = 	snop  }
0x6: {  	_ = 	snop  }
0x7: {  	_ = 	snop  }
__scs_overlays_trampoline_lowered:
0x8: {  	[smem:$0x3F9D] =	sst s0  }
0x9: {  	[smem:$0x3F9E] =	sst s1  }
0xa: {  	[smem:$0x3F9F] =	sst s2  }
0xb: {  	[smem:$0x3FA0] =	sst s3  }
0xc: {  	[smem:$0x3FA1] =	sst s4  }
0xd: {  	[smem:$0x3FA2] =	sst s5  }
0xe: {  	[smem:$0x3FA3] =	sst s6  }
0xf: {  	[smem:$0x3FA4] =	sst s7  }
0x10: {  	[smem:$0x3FA5] =	sst s8  }
0x11: {  	[smem:$0x3FA6] =	sst s9;
	s0 =	simm.s32 @!p0 $0x0  }
0x12: {  	s1 =	sld [smem:$0x3F8C];
	s0 =	simm.s32 @p0 $0x1  }
0x13: {  	[smem:$0x3FA7] =	sst s0;
	s0 =	simm.s32 @!p1 $0x0  }
0x14: {  	s2 =	sld [smem:$0x3F8B];
	s0 =	simm.s32 @p1 $0x1  }
0x15: {  	[smem:$0x3FA8] =	sst s0;
	s0 =	simm.s32 @!p2 $0x0  }
0x16: {  	s3 =	sld [smem:$0x3FDB];
	s0 =	simm.s32 @p2 $0x1  }
0x17: {  	s4 =	simm.s32 $0x1BF5;
	[smem:$0x3FAA] =	sst s0  }
0x18: {  	s0 =	sld [smem:$0x3F8D];
	_ =	swait.ge [sflag:s4], $0x0  }
0x19: {  	s7 =	sld [smem:$0x3F8E]  }
0x1a: {  	s8 =	sadd.s32 $0xFFFFE003, lr  }
0x1b: {  	s9 =	sadd.s32 $0xFFFFFEF7, lr;
	s5 =	simm.s32 $0xFFFFFFFF;
	p2 =	slt.u32 s8, $0xFFFFF086  }
0x1c: {  	p1 =	slt.u32 s9, $0xF7A;
	s5 =	simm.s32 @!p2 $0x0  }
0x1d: {  	s5 =	simm.s32 @p1 $0x1;
	p0 =	seq.s32 s7, s2  }
0x1e: {  	s7 =	smul.u32 @!p0 $0xF7A, s2;
	p2 =	seq.s32 @!p0 s5, $0x0  }
0x1f: {  	s9 =	smul.u32 $0xF7A, s1;
	s8 =	simm.s32 @!p0 $0x1BF5;
	p2 =	por !p2, p0  }
0x20: {  	[sflag:s8] =	ssyncset.s32 @!p0 $0xFFFFF086;
	s6 =	sadd.s32 @!p0 s3, s7;
	s7 =	simm.s32 @!p0 $0x108  }
0x21: {  	s3 =	sadd.s32 s3, s9;
	s6 =	sadd.s32 @!p0 $0x88, s6;
	s7 =	simm.s32 @p2 $0x1082  }
0x22: {  	[simem:s7], [sflag:s8] =	dma.local @!p0 [hbm:s6], $0xF7A  }
0x23: {  	s9 =	sor.u32 $0xD0000000, s2;
	s6 =	simm.s32 $0x108;
	_ =	swait.ge @!p0 [sflag:s8], $0x0  }
0x24: {  	s3 =	sadd.s32 $0x88, s3;
	s6 =	simm.s32 @!p1 $0x1082;
	[sflag:s4] =	ssyncset.s32 $0xFFFFF086  }
0x25: {  	[simem:s6], [sflag:s4] =	dma.local [hbm:s3], $0xF7A  }
0x26: {  	[smem:$0x3F8E] =	sst s1;
	(tag) =	ssettag s2;
	_ =	strace s9  }
0x27: {  	s1 =	sld [smem:$0x3F9E]  }
0x28: {  	s2 =	sld [smem:$0x3F9F]  }
0x29: {  	s4 =	sld [smem:$0x3FA1]  }
0x2a: {  	p0 =	seq.s32 s5, $0x0;
	s5 =	sld [smem:$0x3FA2]  }
0x2b: {  	s6 =	sld [smem:$0x3FA3]  }
0x2c: {  	s7 =	sld [smem:$0x3FA4]  }
0x2d: {  	s3 =	simm.s32 $0x108;
	s8 =	sld [smem:$0x3FA5]  }
0x2e: {  	s3 =	simm.s32 @!p0 $0x1082;
	s9 =	sld [smem:$0x3FA6]  }
0x2f: {  	lr =	sadd.s32 s0, s3;
	s0 =	sld [smem:$0x3F9D]  }
0x30: {  	s3 =	sld [smem:$0x3FA0]  }
0x31: {  	[smem:$0x3FA9] =	sst s10  }
0x32: {  	s10 =	sld [smem:$0x3FA7];
	_ =	sdelay $0x3  }
0x33: {  	p0 =	seq.s32 s10, $0x1;
	s10 =	sld [smem:$0x3FA9];
	_ =	sdelay $0x3  }
0x34: {  	[smem:$0x3FA9] =	sst s10  }
0x35: {  	s10 =	sld [smem:$0x3FA8];
	_ =	sdelay $0x3  }
0x36: {  	p1 =	seq.s32 s10, $0x1;
	s10 =	sld [smem:$0x3FA9];
	_ =	sdelay $0x3  }
0x37: {  	[smem:$0x3FA9] =	sst s10  }
0x38: {  	s10 =	sld [smem:$0x3FAA]  }
0x39: {  	_ = 	snop;
	(pc) =	sbr.ind lr, $3  }
0x3a: {  	_ = 	snop  }
0x3b: {  	_ = 	snop  }
0x3c: {  	p2 =	seq.s32 s10, $0x1;
	s10 =	sld [smem:$0x3FA9]  }
0x3d: {  	_ =	shalt  }
0x3e: {  	_ =	shalt  }
0x3f: {  	_ =	shalt  }
0x40: {  	_ =	shalt  }
0x41: {  	_ =	shalt  }
0x42: {  	_ =	shalt  }
0x43: {  	_ =	shalt  }
0x44: {  	_ =	shalt  }
0x45: {  	_ =	shalt  }
0x46: {  	_ =	shalt  }
0x47: {  	_ =	shalt  }
0x48: {  	_ =	shalt  }
0x49: {  	_ =	shalt  }
0x4a: {  	_ =	shalt  }
0x4b: {  	_ =	shalt  }
0x4c: {  	_ =	shalt  }
0x4d: {  	_ =	shalt  }
0x4e: {  	_ =	shalt  }
0x4f: {  	_ =	shalt  }
0x50: {  	_ =	shalt  }
0x51: {  	_ =	shalt  }
0x52: {  	_ =	shalt  }
0x53: {  	_ =	shalt  }
0x54: {  	_ =	shalt  }
0x55: {  	_ =	shalt  }
0x56: {  	_ =	shalt  }
0x57: {  	_ =	shalt  }
0x58: {  	_ =	shalt  }
0x59: {  	_ =	shalt  }
0x5a: {  	_ =	shalt  }
0x5b: {  	_ =	shalt  }
0x5c: {  	_ =	shalt  }
0x5d: {  	_ =	shalt  }
0x5e: {  	_ =	shalt  }
0x5f: {  	_ =	shalt  }
0x60: {  	_ =	shalt  }
0x61: {  	_ =	shalt  }
0x62: {  	_ =	shalt  }
0x63: {  	_ =	shalt  }
0x64: {  	_ =	shalt  }
0x65: {  	_ =	shalt  }
0x66: {  	_ =	shalt  }
0x67: {  	_ =	shalt  }
0x68: {  	_ =	shalt  }
0x69: {  	_ =	shalt  }
0x6a: {  	_ =	shalt  }
0x6b: {  	_ =	shalt  }
0x6c: {  	_ =	shalt  }
0x6d: {  	_ =	shalt  }
0x6e: {  	_ =	shalt  }
0x6f: {  	_ =	shalt  }
0x70: {  	_ =	shalt  }
0x71: {  	_ =	shalt  }
0x72: {  	_ =	shalt  }
0x73: {  	_ =	shalt  }
0x74: {  	_ =	shalt  }
0x75: {  	_ =	shalt  }
0x76: {  	_ =	shalt  }
0x77: {  	_ =	shalt  }
0x78: {  	_ =	shalt  }
0x79: {  	_ =	shalt  }
0x7a: {  	_ =	shalt  }
0x7b: {  	_ =	shalt  }
0x7c: {  	_ =	shalt  }
0x7d: {  	_ =	shalt  }
0x7e: {  	_ =	shalt  }
0x7f: {  	_ =	shalt  }
0x80: {  	_ =	shalt  }
0x81: {  	_ =	shalt  }
0x82: {  	_ =	shalt  }
0x83: {  	_ =	shalt  }
0x84: {  	_ =	shalt  }
0x85: {  	_ =	shalt  }
0x86: {  	_ =	shalt  }
0x87: {  	_ =	shalt  }
.Lfunc_end0:
.L_simem_size_0:
called_computation_lowered:
.L_overlay_start_0:
0x88: {  	s2 =	sld [smem:$0x3FD9]  }
0x89: {  	s3 =	sld [smem:$0x3FFE];
	_ =	sdelay $0x1  }
0x8a: {  	s1 =	srdreg.scid  }
0x8b: {  	s0 =	sand.u32 $0x1, s1  }
0x8c: {  	s14 =	sshll.u32 s0, $0xA;
	s2 =	sadd.s32 s3, s2  }
0x8d: {  	s2 =	sadd.s32 s2, s14  }
0x8e: {  	[smem:$0x3FB5] =	sst s2  }
0x8f: {  	_ = 	snop  }
0x90: {  	s2 =	sld [smem:$0x3FD0];
	_ =	sdelay $0x2  }
0x91: {  	s4 =	simm.s32 $0xA;
	s5 =	simm.s32 $0x10;
	s15 =	sld [smem:$0x3FC8]  }
0x92: {  	[smem:s5], [sflag:s4] =	dma.local [hbm:s2], $0x1  }
0x93: {  	_ =	swait.eq [sflag:s4], $0x1  }
0x94: {  	[sflag:s4] =	ssyncset.done $0x0  }
0x95: {  	[sflag:s4] =	ssyncadd.s32 $0xFFFFFFFF  }
0x96: {  	s16 =	sld [smem:$0x11];
	(tm) =	ssettm $0x1  }
0x97: {  	s17 =	sld [smem:$0x3FFB];
	_ =	sdelay $0x3  }
0x98: {  	_ =	strace s17  }
0x99: {  	s4 =	sld [smem:$0x3FFC];
	_ =	sdelay $0x3  }
0x9a: {  	_ =	strace s4  }
0x9b: {  	s4 =	sld [smem:$0x3FFD];
	_ =	sdelay $0x3  }
0x9c: {  	_ =	strace s4  }
0x9d: {  	_ =	strace $0x8FFFFFFF  }
0x9e: {  	s18 =	sld [smem:$0x3FDB];
	_ =	sdelay $0x1  }
0x9f: {  	s19 =	simm.s32 $_scs_section_size  }
0xa0: {  	s6 =	simm.s32 $_size__tile_overlayer_lowered;
	s7 =	simm.s32 $_tile_overlayer_lowered  }
0xa1: {  	s22 =	simm.s32 $0x1BFF;
	s21 =	sshll.u32 s7, $0x1;
	s4 =	sadd.s32 s19, s18  }
0xa2: {  	s8 =	simm.s32 $0x0;
	s20 =	sshll.u32 s6, $0x1;
	s6 =	sadd.s32 s21, s4  }
0xa3: {  	[timem:s8], [sflag:s22] =	dma.local [hbm:s6], s20  }
0xa4: {  	_ =	swait.ge [sflag:s22], s20  }
0xa5: {  	s5 =	ssub.s32 $0x0, s20;
	[sflag:s22] =	ssyncset.done $0x0  }
0xa6: {  	[sflag:s22] =	ssyncadd.s32 s5;
	_ =	sdelay $0x1  }
0xa7: {  	s23 =	simm.s32 $0x1B8B  }
0xa8: {  	_ =	swait.ge [sflag:s23], $0x1  }
0xa9: {  	[sflag:s23] =	ssyncset.done $0x0  }
0xaa: {  	s25 =	simm.s32 $0x1B8E;
	s24 =	sld [smem:$0x3FFE];
	[sflag:s23] =	ssyncadd.s32 $0xFFFFFFFF  }
0xab: {  	s26 =	simm.s32 $execute0_lowered;
	[smem:$0x3FD2] =	sst s25  }
0xac: {  	s6 =	sshll.u32 s26, $0x1;
	_ =	strace $0x80000046;
	[dreg:$0x1] =	wrdreg $0xFFFFFFFF  }
0xad: {  	s28 =	simm.s32 $_size_execute0_lowered;
	s4 =	sadd.s32 s4, s6;
	[dreg:$0x0] =	wrdreg $0x0  }
0xae: {  	s6 =	sshll.u32 s28, $0x1;
	[dreg:$0x2] =	wrdreg s4  }
0xaf: {  	[dreg:$0x3] =	wrdreg s6  }
0xb0: {  	[dreg:$0x4] =	wrdreg $0xC0  }
0xb1: {  	_ =	task [dreg:s8], $0x5FFFF  }
0xb2: {  	[dreg:$0x1] =	wrdreg $0xFFFFFFFF  }
0xb3: {  	[dreg:$0x0] =	wrdreg $0x60  }
0xb4: {  	[dreg:$0x2] =	wrdreg s15  }
0xb5: {  	[dreg:$0x3] =	wrdreg s24  }
0xb6: {  	[dreg:$0x4] =	wrdreg s16  }
0xb7: {  	[dreg:$0x5] =	wrdreg $0xC2000  }
0xb8: {  	[dreg:$0x6] =	wrdreg $0x9  }
0xb9: {  	_ =	task.clear_ibuf [dreg:s8], $0x7FFFF;
	_ =	strace $0x90000046  }
0xba: {  	s29 =	simm.s32 $0x9;
	_ =	strace $0x80000048  }
0xbb: {  	_ =	swait.ge [sflag:s29], $0x1  }
0xbc: {  	[sflag:s29] =	ssyncadd.s32 $0xFFFFFFFF  }
0xbd: {  	_ =	strace $0x90000048  }
0xbe: {  	_ =	sfence  }
0xbf: {  	s30 =	sld [smem:$0x0];
	_ =	sdelay $0x2  }
0xc0: {  	s31 =	sshll.u32 s1, $0xD;
	s1 =	sshrl.u32 s1, $0x2  }
0xc1: {  	s3 =	sand.u32 $0x4000, s31;
	s1 =	sadd.s32 s1, s30  }
0xc2: {  	s0 =	sor.u32 s3, s0;
	s1 =	sshll.u32 s1, $0x11  }
0xc3: {  	s0 =	sor.u32 s1, s0  }
0xc4: {  	s0 =	sadd.s32 $0x8F2B, s0  }
0xc5: {  	[sflag:s0] =	ssyncadd.remote.s32 $0x1  }
0xc6: {  	_ =	sfence.sel $0xFFFF  }
0xc7: {  	[dreg:$0x0] =	wrdreg $0xFFFFFFFF;
	(pc) =	sbr.abs _section_cstart, $3  }
0xc8: {  	[dreg:$0x1] =	wrdreg $0xFFFFFFFF  }
0xc9: {  	_ =	task.clear_ibuf [dreg:s8], $0x2FFFF;
	_ =	strace $0x9FFFFFFF  }
0xca: {  	(tm) =	ssettm $0x7FFFFFFF  }
0xcb: {  	_ =	shalt  }
tec
execute0_lowered:
.L_overlay_start_1:
0x0: {  	(tag) =	ssettag $0x1  }
0x1: {  	s0 =	rddreg [dreg:$0x0]  }
0x2: {  	s1 =	rddreg [dreg:$0x1]  }
0x3: {  	s5 =	rddreg [dreg:$0x2]  }
0x4: {  	s2 =	rddreg [dreg:$0x3]  }
0x5: {  	s3 =	simm.s32 $0x0;
	s4 =	srdreg.scid;
	s17 =	stileid.u32  }
0x6: {  	s28 =	simm.s32 $0x5;
	s29 =	simm.s32 $0x1;
	s30 =	simm.s32 $0x4  }
0x7: {  	s31 =	simm.s32 $0x0;
	[smem:$0x7FF] =	sst s3;
	s6 =	sand.u32 $0x1, s4  }
0x8: {  	s16 =	smul.u32 $0x4F000, s17;
	s1 =	sadd.s32 $0xC800, s1;
	s18 =	sshll.u32 s17, $0x1  }
0x9: {  	p0 =	slt.u32 s17, $0x2;
	s15 =	smul.u32 $0x13C00, s17;
	s22 =	sshll.u32 s17, $0x8  }
0xa: {  	s24 =	sshll.u32 s17, $0xC;
	_ =	strace $0x80000047;
	s7 =	ssub.s32 $0x2, s6  }
0xb: {  	s11 =	sor.u32 s6, s18;
	s14 =	smul.u32 $0x13C000, s6;
	s23 =	sshll.u32 s6, $0x7  }
0xc: {  	s25 =	sshll.u32 s6, $0xB;
	s18 =	simm.s32 $0x200;
	s8 =	sshrl.u32 s7, $0x1  }
0xd: {  	s4 =	sshrl.u32 s16, $0x2;
	s10 =	sshll.u32 s11, $0x4;
	s12 =	sshll.u32 s11, $0x7  }
0xe: {  	s11 =	sshll.u32 s11, $0xB;
	s7 =	ssub.s32 s7, s8;
	s4 =	sadd.s32 s4, s2  }
0xf: {  	s8 =	simm.s32 $0x4F;
	s10 =	sadd.s32 s1, s10;
	s12 =	sor.u32 $0x1000, s12  }
0x10: {  	s11 =	sadd.s32 s0, s11;
	s14 =	sadd.s32 s15, s14;
	s15 =	sor.u32 s23, s22  }
0x11: {  	s22 =	simm.s32 $0x3;
	s23 =	simm.s32 $0x6;
	s19 =	sadd.s32 $0x4000, s4  }
0x12: {  	s20 =	sadd.s32 $0x8000, s4;
	s21 =	sadd.s32 $0xC000, s4;
	s9 =	sadd.s32 $0x10000, s4  }
0x13: {  	s8 =	simm.s32 @!p0 $0x4E;
	s13 =	sshrl.u32 s12, $0x3;
	[dreg:$0x5] =	wrdreg s19  }
0x14: {  	s16 =	sshll.u32 s12, $0x4;
	s14 =	sshrl.u32 s14, $0x3;
	[dreg:$0x6] =	wrdreg s20  }
0x15: {  	s26 =	sor.u32 $0x2000, s15;
	s15 =	smax.u32 s7, $0x1;
	[dreg:$0x7] =	wrdreg s21  }
.Ltmp0:
0x16: {  	s12 =	sadd.s32 s1, s13;
	s13 =	sadd.s32 s0, s16;
	(pc) =	sbr.rel .LBB2_1-.Ltmp0, $4  }
0x17: {  	s14 =	sadd.s32 s5, s14;
	s0 =	sadd.s32 s24, s0;
	s6 =	sshrl.u32 s26, $0x3  }
0x18: {  	s19 =	simm.s32 $0x7;
	s20 =	simm.s32 $0x80;
	s21 =	simm.s32 $0x4200  }
0x19: {  	s24 =	simm.s32 $0x100;
	s26 =	simm.s32 $0x2;
	s0 =	sadd.s32 s25, s0  }
0x1a: {  	v0 =	vimm.f32 $0.0e+00;
	s1 =	sadd.s32 s6, s1;
	s25 =	simm.s32 $0x8200;
	s5 =	sadd.s32 $0x20000, s0  }
.LBB2_10:
0x1b: {  	s0 =	stileid.u32;
	s31 =	sadd.s32 $0x1, s31  }
0x1c: {  	[bflag:$0x0] =	sbarrier.arrive $0xFFFF;
	s0 =	sshll.u32 s0, $0x6;
	p0 =	sne.s32 s31, s15  }
.Ltmp1:
0x1d: {  	s6 =	sshrl.u32 s4, $0x3;
	s0 =	sor.u32 $0x1C07, s0;
	(pc) =	sbr.rel @!p0 .LBB2_11-.Ltmp1, $4  }
0x1e: {  	[hbm:s14], [sflag:s0] =	dma.local [spmem:s6], $0x2780  }
0x1f: {  	_ =	swait.ge [sflag:s19], $0x2780  }
0x20: {  	[sflag:s19] =	ssyncset.done $0x0  }
0x21: {  	[sflag:s19] =	ssyncadd.s32 $0xFFFFD880  }
.LBB2_1:
0x22: {  	s0 =	simm.s32 $0x0;
	s16 =	simm.s32 $0x200  }
.LBB2_2:
0x23: {  	p0 =	sne.s32 s16, $0xFE00;
	[tilespmem:s0+$0x270] =	vst v0  }
0x24: {  	[tilespmem:s0+$0x200] =	vst v0  }
0x25: {  	[tilespmem:s0+$0x210] =	vst v0  }
.Ltmp2:
0x26: {  	[tilespmem:s0+$0x220] =	vst v0;
	(pc) =	sbr.rel @p0 .LBB2_2-.Ltmp2, $4  }
0x27: {  	[tilespmem:s0+$0x230] =	vst v0  }
0x28: {  	[tilespmem:s0+$0x240] =	vst v0  }
0x29: {  	[tilespmem:s0+$0x250] =	vst v0  }
0x2a: {  	[tilespmem:s0+$0x260] =	vst v0;
	s0 =	sshra.s32 s16, $0x2;
	s16 =	sadd.s32 $0x200, s16  }
0x2b: {  	[tilespmem:s0+$0x270] =	vst v0  }
0x2c: {  	[tilespmem:s0+$0x200] =	vst v0  }
0x2d: {  	[tilespmem:s0+$0x210] =	vst v0  }
0x2e: {  	[tilespmem:s0+$0x220] =	vst v0  }
0x2f: {  	[tilespmem:s0+$0x230] =	vst v0  }
0x30: {  	[tilespmem:s0+$0x240] =	vst v0  }
0x31: {  	[tilespmem:s0+$0x250] =	vst v0  }
0x32: {  	[tilespmem:s0+$0x260] =	vst v0  }
0x33: {  	[spmem:s4] =	stream.linear.scatter [tilespmem:s18], [sflag:$0x7], $0x4000, $0x38;
	[tilespmem:$0x1FE00] =	vst v63  }
0x34: {  	_ =	swait.ge [sflag:s19], $0x4000  }
0x35: {  	[sflag:s19] =	ssyncset.done $0x0  }
0x36: {  	s7 =	rddreg [dreg:$0x5];
	[sflag:s19] =	ssyncadd.s32 $0xFFFFC000  }
0x37: {  	[spmem:s7] =	stream.linear.scatter [tilespmem:s18], [sflag:$0x7], $0x4000, $0x38;
	[tilespmem:$0x1FE00] =	vst v63  }
0x38: {  	_ =	swait.ge [sflag:s19], $0x4000  }
0x39: {  	[sflag:s19] =	ssyncset.done $0x0  }
0x3a: {  	s16 =	rddreg [dreg:$0x6];
	[sflag:s19] =	ssyncadd.s32 $0xFFFFC000  }
0x3b: {  	[spmem:s16] =	stream.linear.scatter [tilespmem:s18], [sflag:$0x7], $0x4000, $0x38;
	[tilespmem:$0x1FE00] =	vst v63  }
0x3c: {  	_ =	swait.ge [sflag:s19], $0x4000  }
0x3d: {  	[sflag:s19] =	ssyncset.done $0x0  }
0x3e: {  	s17 =	rddreg [dreg:$0x7];
	[sflag:s19] =	ssyncadd.s32 $0xFFFFC000  }
0x3f: {  	[spmem:s17] =	stream.linear.scatter [tilespmem:s18], [sflag:$0x7], $0x4000, $0x38;
	[tilespmem:$0x1FE00] =	vst v63  }
0x40: {  	_ =	swait.ge [sflag:s19], $0x4000  }
0x41: {  	[sflag:s19] =	ssyncset.done $0x0  }
0x42: {  	[sflag:s19] =	ssyncadd.s32 $0xFFFFC000  }
0x43: {  	[spmem:s9] =	stream.linear.scatter [tilespmem:s18], [sflag:$0x7], $0x3C00, $0x38;
	[tilespmem:$0x1FE00] =	vst v63  }
0x44: {  	_ =	swait.ge [sflag:s19], $0x3C00  }
0x45: {  	[sflag:s19] =	ssyncset.done $0x0  }
0x46: {  	[sflag:s19] =	ssyncadd.s32 $0xFFFFC400  }
0x47: {  	s0 =	simm.s32 $0x0;
	[bflag:$0x0] =	sbarrier.arrive $0xFFFF  }
0x48: {  	[tilespmem:s0], [sflag:$0x1] =	stream.linear.gather [hbm4b:s10+s0], $0x80, $0x38;
	[tilespmem:$0x1FE00] =	vst v63  }
0x49: {  	_ = 	snop  }
0x4a: {  	[tilespmem:s18], [sflag:$0x4] =	stream.linear.gather [hbm4b:s11+s0], $0x4000, $0x38;
	[tilespmem:$0x1FE00] =	vst v63  }
.Ltmp3:
0x4b: {  	_ = 	snop;
	(pc) =	sbr.rel .LBB2_4-.Ltmp3, $4  }
0x4c: {  	_ = 	snop  }
0x4d: {  	[tilespmem:s20], [sflag:$0x2] =	stream.linear.gather [hbm4b:s12+s0], $0x80, $0x38;
	[tilespmem:$0x1FE00] =	vst v63  }
0x4e: {  	s16 =	smov.u32 s5;
	s17 =	smov.u32 s1  }
0x4f: {  	[tilespmem:s21], [sflag:$0x5] =	stream.linear.gather [hbm4b:s13+s0], $0x4000, $0x38;
	[tilespmem:$0x1FE00] =	vst v63  }
.LBB2_8:
0x50: {  	_ =	swait.ge [sflag:s22], $0x80  }
0x51: {  	[sflag:s22] =	ssyncset.done $0x0  }
0x52: {  	[sflag:s22] =	ssyncadd.s32 $0xFFFFFF80  }
0x53: {  	_ =	swait.ge [sflag:s23], $0x4000  }
0x54: {  	p0 =	sge.u32 s6, s8;
	[sflag:s23] =	ssyncset.done $0x0  }
0x55: {  	s6 =	simm.s32 @!p0 $0x0;
	s7 =	simm.s32 @!p0 $0x80;
	[sflag:s23] =	ssyncadd.s32 $0xFFFFC000  }
0x56: {  	[tilespmem:s7], [sflag:$0x2] =	stream.linear.gather @!p0 [hbm4b:s17+s6], $0x80, $0x38;
	[tilespmem:$0x1FE00] =	vst v63  }
0x57: {  	s7 =	simm.s32 @!p0 $0x4200  }
0x58: {  	[tilespmem:s7], [sflag:$0x5] =	stream.linear.gather @!p0 [hbm4b:s16+s6], $0x4000, $0x38;
	[tilespmem:$0x1FE00] =	vst v63  }
0x59: {  	s6 =	simm.s32 $0x7  }
0x5a: {  	[spmem:s2] =	stream.indirect.scatter.add.f32 [tilespmem:s25], [sflag:$0x7], $0x80, s24, s20, $0xb8;
	[tilespmem:$0x1FE00] =	vst v63  }
.LBB2_9:
0x5b: {  	s0 =	sadd.s32 $0x1, s0  }
0x5c: {  	p0 =	sne.s32 s8, s0  }
.Ltmp4:
0x5d: {  	_ = 	snop;
	(pc) =	sbr.rel @!p0 .LBB2_10-.Ltmp4, $4  }
0x5e: {  	_ = 	snop  }
0x5f: {  	_ =	swait.ge [sflag:s6], $0x4000  }
0x60: {  	[sflag:s6] =	ssyncset.done $0x0  }
0x61: {  	s16 =	sadd.s32 $0x10000, s16;
	s17 =	sadd.s32 $0x200, s17;
	[sflag:s6] =	ssyncadd.s32 $0xFFFFC000  }
.LBB2_4:
0x62: {  	s6 =	smulhi.u32 $0xAAAAAAAB, s0;
	_ =	sdelay $0x1  }
0x63: {  	s6 =	sshrl.u32 s6, $0x1  }
0x64: {  	s6 =	smul.u32 $0xFFFFFFFD, s6;
	_ =	sdelay $0x1  }
0x65: {  	s7 =	sadd.s32 s6, s0  }
0x66: {  	p0 =	seq.s32 s7, $0x2  }
.Ltmp5:
0x67: {  	_ = 	snop;
	(pc) =	sbr.rel @p0 .LBB2_8-.Ltmp5, $2  }
0x68: {  	_ =	sdelay $0x2  }
0x69: {  	s6 =	sadd.s32 $0x2, s0  }
0x6a: {  	p0 =	seq.s32 s7, $0x1  }
.Ltmp6:
0x6b: {  	_ = 	snop;
	(pc) =	sbr.rel @!p0 .LBB2_6-.Ltmp6, $1  }
0x6c: {  	_ =	sdelay $0x3  }
0x6d: {  	_ =	swait.ge [sflag:s26], $0x80  }
0x6e: {  	[sflag:s26] =	ssyncset.done $0x0  }
0x6f: {  	[sflag:s26] =	ssyncadd.s32 $0xFFFFFF80  }
0x70: {  	_ =	swait.ge [sflag:s28], $0x4000  }
0x71: {  	p0 =	sge.u32 s6, s8;
	[sflag:s28] =	ssyncset.done $0x0  }
0x72: {  	s6 =	simm.s32 @!p0 $0x0;
	[sflag:s28] =	ssyncadd.s32 $0xFFFFC000  }
0x73: {  	[tilespmem:s6], [sflag:$0x1] =	stream.linear.gather @!p0 [hbm4b:s17+s6], $0x80, $0x38;
	[tilespmem:$0x1FE00] =	vst v63  }
.Ltmp7:
0x74: {  	_ = 	snop;
	(pc) =	sbr.rel .LBB2_9-.Ltmp7, $4  }
0x75: {  	s7 =	simm.s32 @!p0 $0x200  }
0x76: {  	[tilespmem:s7], [sflag:$0x4] =	stream.linear.gather @!p0 [hbm4b:s16+s6], $0x4000, $0x38;
	[tilespmem:$0x1FE00] =	vst v63  }
0x77: {  	s6 =	simm.s32 $0x8  }
0x78: {  	[spmem:s2] =	stream.indirect.scatter.add.f32 [tilespmem:s21], [sflag:$0x8], $0x80, s20, s20, $0xb8;
	[tilespmem:$0x1FE00] =	vst v63  }
.LBB2_6:
0x79: {  	_ =	swait.ge [sflag:s29], $0x80  }
0x7a: {  	[sflag:s29] =	ssyncset.done $0x0  }
0x7b: {  	[sflag:s29] =	ssyncadd.s32 $0xFFFFFF80  }
0x7c: {  	_ =	swait.ge [sflag:s30], $0x4000  }
0x7d: {  	p0 =	sge.u32 s6, s8;
	[sflag:s30] =	ssyncset.done $0x0  }
0x7e: {  	s6 =	simm.s32 @!p0 $0x0;
	s7 =	simm.s32 @!p0 $0x100;
	[sflag:s30] =	ssyncadd.s32 $0xFFFFC000  }
0x7f: {  	[tilespmem:s7], [sflag:$0x3] =	stream.linear.gather @!p0 [hbm4b:s17+s6], $0x80, $0x38;
	[tilespmem:$0x1FE00] =	vst v63  }
.Ltmp8:
0x80: {  	_ = 	snop;
	(pc) =	sbr.rel .LBB2_9-.Ltmp8, $4  }
0x81: {  	s7 =	simm.s32 @!p0 $0x8200  }
0x82: {  	[tilespmem:s7], [sflag:$0x6] =	stream.linear.gather @!p0 [hbm4b:s16+s6], $0x4000, $0x38;
	[tilespmem:$0x1FE00] =	vst v63  }
0x83: {  	s6 =	simm.s32 $0x8  }
0x84: {  	[spmem:s2] =	stream.indirect.scatter.add.f32 [tilespmem:s18], [sflag:$0x8], $0x80, s3, s20, $0xb8;
	[tilespmem:$0x1FE00] =	vst v63  }
.LBB2_11:
0x85: {  	_ =	sfence.sel $0x180000  }
0x86: {  	[bflag:$0x0] =	sbarrier.arrive $0xFFFF  }
0x87: {  	_ =	strace $0x90000047  }
0x88: {  	s0 =	stileid.u32;
	[bflag:$0x2] =	sbarrier.arrive $0xFFFF  }
0x89: {  	p0 =	sne.s32 s0, $0x0;
	s0 =	rddreg [dreg:$0x4]  }
0x8a: {  	s0 =	sadd.s32 @!p0 $0x100000, s0  }
0x8b: {  	[sflag:s0] =	ssyncadd.tile.s32 @!p0 $0x1;
	_ =	shalt  }
.Lfunc_end2:
_tile_overlayer_lowered:
.L_overlay_start_2:
0x8c: {  	(tag) =	ssettag $0x2  }
0x8d: {  	s0 =	rddreg [dreg:$0x0];
	s2 =	stileid.u32  }
0x8e: {  	s1 =	rddreg [dreg:$0x1];
	p0 =	sne.s32 s2, $0x0  }
0x8f: {  	s3 =	rddreg [dreg:$0x2];
	[bflag:$0x3] =	sbarrier.arrive $0xFFFF;
	s2 =	simm.s32 @!p0 $0x1C07  }
0x90: {  	[timem:s3], [sflag:s2] =	dma.local @!p0 [hbm:s0], s1  }
0x91: {  	s0 =	simm.s32 @!p0 $0x7  }
0x92: {  	_ =	swait.ge @!p0 [sflag:s0], s1  }
0x93: {  	s1 =	ssub.s32 @!p0 $0x0, s1;
	[sflag:s0] =	ssyncset.done @!p0 $0x0  }
0x94: {  	[sflag:s0] =	ssyncadd.s32 @!p0 s1  }
0x95: {  	[bflag:$0x3] =	sbarrier.arrive $0xFFFF  }
0x96: {  	_ =	shalt  }

// kernel: kernel.9.cloned.1.call-start
scs
__scs_entry_jumppad:
0x0: {  	(pc) =	sbr.rel $0x88, $3  }
0x1: {  	(tag) =	ssettag $0x0;
	lr =	simm.s32 $0x1  }
0x2: {  	[smem:$0x3F8E] =	sst lr;
	_ =	strace $0xD0000000  }
0x3: {  	_ = 	snop  }
0x4: {  	_ = 	snop  }
0x5: {  	_ = 	snop  }
0x6: {  	_ = 	snop  }
0x7: {  	_ = 	snop  }
__scs_overlays_trampoline_lowered:
0x8: {  	[smem:$0x3F9D] =	sst s0  }
0x9: {  	[smem:$0x3F9E] =	sst s1  }
0xa: {  	[smem:$0x3F9F] =	sst s2  }
0xb: {  	[smem:$0x3FA0] =	sst s3  }
0xc: {  	[smem:$0x3FA1] =	sst s4  }
0xd: {  	[smem:$0x3FA2] =	sst s5  }
0xe: {  	[smem:$0x3FA3] =	sst s6  }
0xf: {  	[smem:$0x3FA4] =	sst s7  }
0x10: {  	[smem:$0x3FA5] =	sst s8  }
0x11: {  	[smem:$0x3FA6] =	sst s9;
	s0 =	simm.s32 @!p0 $0x0  }
0x12: {  	s1 =	sld [smem:$0x3F8C];
	s0 =	simm.s32 @p0 $0x1  }
0x13: {  	[smem:$0x3FA7] =	sst s0;
	s0 =	simm.s32 @!p1 $0x0  }
0x14: {  	s2 =	sld [smem:$0x3F8B];
	s0 =	simm.s32 @p1 $0x1  }
0x15: {  	[smem:$0x3FA8] =	sst s0;
	s0 =	simm.s32 @!p2 $0x0  }
0x16: {  	s3 =	sld [smem:$0x3FDB];
	s0 =	simm.s32 @p2 $0x1  }
0x17: {  	s4 =	simm.s32 $0x1BF5;
	[smem:$0x3FAA] =	sst s0  }
0x18: {  	s0 =	sld [smem:$0x3F8D];
	_ =	swait.ge [sflag:s4], $0x0  }
0x19: {  	s7 =	sld [smem:$0x3F8E]  }
0x1a: {  	s8 =	sadd.s32 $0xFFFFE003, lr  }
0x1b: {  	s9 =	sadd.s32 $0xFFFFFEF7, lr;
	s5 =	simm.s32 $0xFFFFFFFF;
	p2 =	slt.u32 s8, $0xFFFFF086  }
0x1c: {  	p1 =	slt.u32 s9, $0xF7A;
	s5 =	simm.s32 @!p2 $0x0  }
0x1d: {  	s5 =	simm.s32 @p1 $0x1;
	p0 =	seq.s32 s7, s2  }
0x1e: {  	s7 =	smul.u32 @!p0 $0xF7A, s2;
	p2 =	seq.s32 @!p0 s5, $0x0  }
0x1f: {  	s9 =	smul.u32 $0xF7A, s1;
	s8 =	simm.s32 @!p0 $0x1BF5;
	p2 =	por !p2, p0  }
0x20: {  	[sflag:s8] =	ssyncset.s32 @!p0 $0xFFFFF086;
	s6 =	sadd.s32 @!p0 s3, s7;
	s7 =	simm.s32 @!p0 $0x108  }
0x21: {  	s3 =	sadd.s32 s3, s9;
	s6 =	sadd.s32 @!p0 $0x88, s6;
	s7 =	simm.s32 @p2 $0x1082  }
0x22: {  	[simem:s7], [sflag:s8] =	dma.local @!p0 [hbm:s6], $0xF7A  }
0x23: {  	s9 =	sor.u32 $0xD0000000, s2;
	s6 =	simm.s32 $0x108;
	_ =	swait.ge @!p0 [sflag:s8], $0x0  }
0x24: {  	s3 =	sadd.s32 $0x88, s3;
	s6 =	simm.s32 @!p1 $0x1082;
	[sflag:s4] =	ssyncset.s32 $0xFFFFF086  }
0x25: {  	[simem:s6], [sflag:s4] =	dma.local [hbm:s3], $0xF7A  }
0x26: {  	[smem:$0x3F8E] =	sst s1;
	(tag) =	ssettag s2;
	_ =	strace s9  }
0x27: {  	s1 =	sld [smem:$0x3F9E]  }
0x28: {  	s2 =	sld [smem:$0x3F9F]  }
0x29: {  	s4 =	sld [smem:$0x3FA1]  }
0x2a: {  	p0 =	seq.s32 s5, $0x0;
	s5 =	sld [smem:$0x3FA2]  }
0x2b: {  	s6 =	sld [smem:$0x3FA3]  }
0x2c: {  	s7 =	sld [smem:$0x3FA4]  }
0x2d: {  	s3 =	simm.s32 $0x108;
	s8 =	sld [smem:$0x3FA5]  }
0x2e: {  	s3 =	simm.s32 @!p0 $0x1082;
	s9 =	sld [smem:$0x3FA6]  }
0x2f: {  	lr =	sadd.s32 s0, s3;
	s0 =	sld [smem:$0x3F9D]  }
0x30: {  	s3 =	sld [smem:$0x3FA0]  }
0x31: {  	[smem:$0x3FA9] =	sst s10  }
0x32: {  	s10 =	sld [smem:$0x3FA7];
	_ =	sdelay $0x3  }
0x33: {  	p0 =	seq.s32 s10, $0x1;
	s10 =	sld [smem:$0x3FA9];
	_ =	sdelay $0x3  }
0x34: {  	[smem:$0x3FA9] =	sst s10  }
0x35: {  	s10 =	sld [smem:$0x3FA8];
	_ =	sdelay $0x3  }
0x36: {  	p1 =	seq.s32 s10, $0x1;
	s10 =	sld [smem:$0x3FA9];
	_ =	sdelay $0x3  }
0x37: {  	[smem:$0x3FA9] =	sst s10  }
0x38: {  	s10 =	sld [smem:$0x3FAA]  }
0x39: {  	_ = 	snop;
	(pc) =	sbr.ind lr, $3  }
0x3a: {  	_ = 	snop  }
0x3b: {  	_ = 	snop  }
0x3c: {  	p2 =	seq.s32 s10, $0x1;
	s10 =	sld [smem:$0x3FA9]  }
0x3d: {  	_ =	shalt  }
0x3e: {  	_ =	shalt  }
0x3f: {  	_ =	shalt  }
0x40: {  	_ =	shalt  }
0x41: {  	_ =	shalt  }
0x42: {  	_ =	shalt  }
0x43: {  	_ =	shalt  }
0x44: {  	_ =	shalt  }
0x45: {  	_ =	shalt  }
0x46: {  	_ =	shalt  }
0x47: {  	_ =	shalt  }
0x48: {  	_ =	shalt  }
0x49: {  	_ =	shalt  }
0x4a: {  	_ =	shalt  }
0x4b: {  	_ =	shalt  }
0x4c: {  	_ =	shalt  }
0x4d: {  	_ =	shalt  }
0x4e: {  	_ =	shalt  }
0x4f: {  	_ =	shalt  }
0x50: {  	_ =	shalt  }
0x51: {  	_ =	shalt  }
0x52: {  	_ =	shalt  }
0x53: {  	_ =	shalt  }
0x54: {  	_ =	shalt  }
0x55: {  	_ =	shalt  }
0x56: {  	_ =	shalt  }
0x57: {  	_ =	shalt  }
0x58: {  	_ =	shalt  }
0x59: {  	_ =	shalt  }
0x5a: {  	_ =	shalt  }
0x5b: {  	_ =	shalt  }
0x5c: {  	_ =	shalt  }
0x5d: {  	_ =	shalt  }
0x5e: {  	_ =	shalt  }
0x5f: {  	_ =	shalt  }
0x60: {  	_ =	shalt  }
0x61: {  	_ =	shalt  }
0x62: {  	_ =	shalt  }
0x63: {  	_ =	shalt  }
0x64: {  	_ =	shalt  }
0x65: {  	_ =	shalt  }
0x66: {  	_ =	shalt  }
0x67: {  	_ =	shalt  }
0x68: {  	_ =	shalt  }
0x69: {  	_ =	shalt  }
0x6a: {  	_ =	shalt  }
0x6b: {  	_ =	shalt  }
0x6c: {  	_ =	shalt  }
0x6d: {  	_ =	shalt  }
0x6e: {  	_ =	shalt  }
0x6f: {  	_ =	shalt  }
0x70: {  	_ =	shalt  }
0x71: {  	_ =	shalt  }
0x72: {  	_ =	shalt  }
0x73: {  	_ =	shalt  }
0x74: {  	_ =	shalt  }
0x75: {  	_ =	shalt  }
0x76: {  	_ =	shalt  }
0x77: {  	_ =	shalt  }
0x78: {  	_ =	shalt  }
0x79: {  	_ =	shalt  }
0x7a: {  	_ =	shalt  }
0x7b: {  	_ =	shalt  }
0x7c: {  	_ =	shalt  }
0x7d: {  	_ =	shalt  }
0x7e: {  	_ =	shalt  }
0x7f: {  	_ =	shalt  }
0x80: {  	_ =	shalt  }
0x81: {  	_ =	shalt  }
0x82: {  	_ =	shalt  }
0x83: {  	_ =	shalt  }
0x84: {  	_ =	shalt  }
0x85: {  	_ =	shalt  }
0x86: {  	_ =	shalt  }
0x87: {  	_ =	shalt  }
.Lfunc_end0:
.L_simem_size_0:
called_computation.1_lowered:
.L_overlay_start_0:
0x88: {  	s2 =	sld [smem:$0x3FD9]  }
0x89: {  	s3 =	sld [smem:$0x3FFE];
	_ =	sdelay $0x1  }
0x8a: {  	s1 =	srdreg.scid  }
0x8b: {  	s0 =	sand.u32 $0x1, s1  }
0x8c: {  	s14 =	sshll.u32 s0, $0xA;
	s2 =	sadd.s32 s3, s2  }
0x8d: {  	s2 =	sadd.s32 s2, s14  }
0x8e: {  	[smem:$0x3FB5] =	sst s2  }
0x8f: {  	_ = 	snop  }
0x90: {  	s2 =	sld [smem:$0x3FD0];
	_ =	sdelay $0x2  }
0x91: {  	s15 =	simm.s32 $0xA;
	s4 =	simm.s32 $0x10  }
0x92: {  	[smem:s4], [sflag:s15] =	dma.local [hbm:s2], $0x1  }
0x93: {  	_ =	swait.eq [sflag:s15], $0x1  }
0x94: {  	[sflag:s15] =	ssyncset.done $0x0  }
0x95: {  	[sflag:s15] =	ssyncadd.s32 $0xFFFFFFFF  }
0x96: {  	s16 =	sld [smem:$0x11];
	(tm) =	ssettm $0x1  }
0x97: {  	s17 =	sld [smem:$0x3FFB];
	_ =	sdelay $0x3  }
0x98: {  	_ =	strace s17  }
0x99: {  	s3 =	sld [smem:$0x3FFC];
	_ =	sdelay $0x3  }
0x9a: {  	_ =	strace s3  }
0x9b: {  	s3 =	sld [smem:$0x3FFD];
	_ =	sdelay $0x3  }
0x9c: {  	_ =	strace s3  }
0x9d: {  	_ =	strace $0x8FFFFFFF  }
0x9e: {  	s18 =	sld [smem:$0x3FDB];
	_ =	sdelay $0x1  }
0x9f: {  	s19 =	simm.s32 $_scs_section_size  }
0xa0: {  	s5 =	simm.s32 $_size__tile_overlayer_lowered;
	s6 =	simm.s32 $_tile_overlayer_lowered  }
0xa1: {  	s22 =	simm.s32 $0x1BFF;
	s21 =	sshll.u32 s6, $0x1;
	s3 =	sadd.s32 s19, s18  }
0xa2: {  	s7 =	simm.s32 $0x0;
	s20 =	sshll.u32 s5, $0x1;
	s5 =	sadd.s32 s21, s3  }
0xa3: {  	[timem:s7], [sflag:s22] =	dma.local [hbm:s5], s20  }
0xa4: {  	_ =	swait.ge [sflag:s22], s20  }
0xa5: {  	s4 =	ssub.s32 $0x0, s20;
	[sflag:s22] =	ssyncset.done $0x0  }
0xa6: {  	[sflag:s22] =	ssyncadd.s32 s4;
	_ =	sdelay $0x1  }
0xa7: {  	s23 =	simm.s32 $0x1B8B  }
0xa8: {  	_ =	swait.ge [sflag:s23], $0x1  }
0xa9: {  	[sflag:s23] =	ssyncset.done $0x0  }
0xaa: {  	s25 =	simm.s32 $0x1B8E;
	s24 =	sld [smem:$0x3FFE];
	[sflag:s23] =	ssyncadd.s32 $0xFFFFFFFF  }
0xab: {  	s26 =	simm.s32 $execute0_lowered;
	[smem:$0x3FD2] =	sst s25  }
0xac: {  	s5 =	sshll.u32 s26, $0x1;
	_ =	strace $0x80000049;
	[dreg:$0x1] =	wrdreg $0xFFFFFFFF  }
0xad: {  	s28 =	simm.s32 $_size_execute0_lowered;
	s3 =	sadd.s32 s3, s5;
	[dreg:$0x0] =	wrdreg $0x0  }
0xae: {  	s5 =	sshll.u32 s28, $0x1;
	[dreg:$0x2] =	wrdreg s3  }
0xaf: {  	[dreg:$0x3] =	wrdreg s5  }
0xb0: {  	[dreg:$0x4] =	wrdreg $0xC0  }
0xb1: {  	_ =	task [dreg:s7], $0x5FFFF  }
0xb2: {  	[dreg:$0x1] =	wrdreg $0xFFFFFFFF  }
0xb3: {  	[dreg:$0x0] =	wrdreg $0x60  }
0xb4: {  	[dreg:$0x2] =	wrdreg s16  }
0xb5: {  	[dreg:$0x3] =	wrdreg s24  }
0xb6: {  	[dreg:$0x4] =	wrdreg $0x9  }
0xb7: {  	_ =	task.clear_ibuf [dreg:s7], $0x5FFFF;
	_ =	strace $0x90000049  }
0xb8: {  	s29 =	simm.s32 $0x9;
	_ =	strace $0x8000004B  }
0xb9: {  	_ =	swait.ge [sflag:s29], $0x1  }
0xba: {  	[sflag:s29] =	ssyncadd.s32 $0xFFFFFFFF  }
0xbb: {  	_ =	strace $0x9000004B  }
0xbc: {  	_ =	sfence  }
0xbd: {  	s30 =	sld [smem:$0x0];
	_ =	sdelay $0x2  }
0xbe: {  	s31 =	sshll.u32 s1, $0xD;
	s1 =	sshrl.u32 s1, $0x2  }
0xbf: {  	s3 =	sand.u32 $0x4000, s31;
	s1 =	sadd.s32 s1, s30  }
0xc0: {  	s0 =	sor.u32 s3, s0;
	s1 =	sshll.u32 s1, $0x11  }
0xc1: {  	s0 =	sor.u32 s1, s0  }
0xc2: {  	s0 =	sadd.s32 $0x8F2B, s0  }
0xc3: {  	[sflag:s0] =	ssyncadd.remote.s32 $0x1  }
0xc4: {  	_ =	sfence.sel $0xFFFF  }
0xc5: {  	[dreg:$0x0] =	wrdreg $0xFFFFFFFF;
	(pc) =	sbr.abs _section_cstart, $3  }
0xc6: {  	[dreg:$0x1] =	wrdreg $0xFFFFFFFF  }
0xc7: {  	_ =	task.clear_ibuf [dreg:s7], $0x2FFFF;
	_ =	strace $0x9FFFFFFF  }
0xc8: {  	(tm) =	ssettm $0x7FFFFFFF  }
0xc9: {  	_ =	shalt  }
tec
execute0_lowered:
.L_overlay_start_1:
0x0: {  	(tag) =	ssettag $0x1  }
0x1: {  	s1 =	rddreg [dreg:$0x0]  }
0x2: {  	s0 =	rddreg [dreg:$0x1];
	s2 =	simm.s32 $0x0  }
0x3: {  	s3 =	srdreg.scid;
	s7 =	stileid.u32;
	s9 =	simm.s32 $0x4E  }
0x4: {  	s15 =	simm.s32 $0x200;
	s16 =	simm.s32 $0x3;
	s17 =	simm.s32 $0x6  }
0x5: {  	s18 =	simm.s32 $0x80;
	s28 =	simm.s32 $0x400;
	s29 =	simm.s32 $0x2  }
0x6: {  	s30 =	simm.s32 $0x5;
	[smem:$0x7FF] =	sst s2;
	s4 =	sadd.s32 $0x16600, s0  }
0x7: {  	s5 =	sadd.s32 $0x2A00, s0;
	s3 =	sand.u32 $0x1, s3;
	p0 =	slt.u32 s7, $0x2  }
0x8: {  	s6 =	sadd.s32 $0xC800, s0;
	s11 =	sshll.u32 s7, $0x1;
	s7 =	sadd.s32 $0x3D800, s0  }
0x9: {  	_ =	strace $0x8000004A;
	s8 =	ssub.s32 $0x2, s3;
	s9 =	simm.s32 @!p0 $0x4D  }
0xa: {  	s3 =	sor.u32 s3, s11;
	s10 =	sshrl.u32 s8, $0x1;
	s12 =	smul.u32 $0x56, s9  }
0xb: {  	s21 =	sshll.u32 s3, $0x4;
	s11 =	sshll.u32 s3, $0x7;
	s3 =	sshll.u32 s3, $0xB  }
0xc: {  	s20 =	ssub.s32 s8, s10;
	s8 =	simm.s32 $0x4F;
	s23 =	sadd.s32 s5, s21  }
0xd: {  	s10 =	sadd.s32 s6, s21;
	s26 =	sadd.s32 s7, s3;
	s14 =	sor.u32 $0x1FFF0000, s3  }
0xe: {  	s3 =	simm.s32 $0x1;
	s22 =	sshrl.u32 s12, $0x8;
	[dreg:$0x3] =	wrdreg s23  }
0xf: {  	s8 =	simm.s32 @!p0 $0x4E;
	[dreg:$0x4] =	wrdreg s10;
	s0 =	smax.u32 s20, $0x1  }
0x10: {  	s20 =	simm.s32 $0x8400;
	s23 =	simm.s32 $0x8;
	s24 =	smul.u32 $0x3, s22  }
.Ltmp0:
0x11: {  	s10 =	simm.s32 $0xC400;
	s12 =	simm.s32 $0x0;
	(pc) =	sbr.rel .LBB2_1-.Ltmp0, $4  }
0x12: {  	[dreg:$0x6] =	wrdreg s0;
	s25 =	ssub.s32 s9, s24;
	s9 =	sshll.u32 s9, $0x10  }
0x13: {  	s24 =	simm.s32 $0x4400;
	s9 =	sadd.s32 s9, s26;
	s31 =	sand.u32 $0xFF, s25  }
0x14: {  	s25 =	simm.s32 $0x9;
	s26 =	simm.s32 $0x7;
	[dreg:$0x5] =	wrdreg s9  }
0x15: {  	p0 =	seq.s32 s31, $0x2;
	p1 =	seq.s32 s31, $0x1;
	s9 =	simm.s32 $0x4  }
.LBB2_29:
0x16: {  	_ =	swait.ge [sflag:s21], $0x4000  }
0x17: {  	[sflag:s21] =	ssyncset.done $0x0  }
0x18: {  	[sflag:s21] =	ssyncadd.s32 $0xFFFFC000  }
0x19: {  	_ =	swait.ge [sflag:s19], $0x4000  }
0x1a: {  	[sflag:s19] =	ssyncset.done $0x0  }
0x1b: {  	[sflag:s19] =	ssyncadd.s32 $0xFFFFC000  }
0x1c: {  	_ =	swait.ge [sflag:s13], $0x4000  }
0x1d: {  	s12 =	sadd.s32 $0x1, s12;
	s0 =	rddreg [dreg:$0x6]  }
0x1e: {  	p2 =	sne.s32 s12, s0  }
.Ltmp1:
0x1f: {  	_ = 	snop;
	(pc) =	sbr.rel @!p2 .LBB2_30-.Ltmp1, $3  }
0x20: {  	_ =	sdelay $0x1  }
0x21: {  	[sflag:s13] =	ssyncset.done $0x0  }
0x22: {  	[sflag:s13] =	ssyncadd.s32 $0xFFFFC000  }
.LBB2_1:
.Ltmp2:
0x23: {  	(pc) =	sbr.rel .LBB2_2-.Ltmp2, $4  }
0x24: {  	s0 =	rddreg [dreg:$0x3]  }
0x25: {  	[tilespmem:s2], [sflag:$0x1] =	stream.linear.gather [hbm4b:s0+s2], $0x80, $0x38;
	[tilespmem:$0x18400] =	vst v63  }
0x26: {  	s31 =	rddreg [dreg:$0x4];
	s13 =	simm.s32 $0x0  }
0x27: {  	[tilespmem:s15], [sflag:$0x4] =	stream.linear.gather [hbm4b:s31+s2], $0x80, $0x38;
	[tilespmem:$0x18400] =	vst v63  }
.LBB2_13:
0x28: {  	s19 =	simm.s32 $0x1  }
.LBB2_17:
0x29: {  	p2 =	sne.s32 s19, s8  }
.Ltmp3:
0x2a: {  	_ = 	snop;
	(pc) =	sbr.rel @!p2 .LBB2_18-.Ltmp3, $2  }
0x2b: {  	_ =	sdelay $0x2  }
0x2c: {  	s13 =	smov.u32 s19  }
.LBB2_2:
0x2d: {  	s19 =	smulhi.u32 $0xAAAAAAAB, s13;
	_ =	sdelay $0x1  }
0x2e: {  	s19 =	sshrl.u32 s19, $0x1  }
0x2f: {  	s19 =	smul.u32 $0x3, s19;
	_ =	sdelay $0x1  }
0x30: {  	s19 =	ssub.s32 s13, s19  }
0x31: {  	p3 =	seq.s32 s19, $0x2  }
.Ltmp4:
0x32: {  	_ = 	snop;
	(pc) =	sbr.rel @p3 .LBB2_12-.Ltmp4, $2  }
0x33: {  	_ =	sdelay $0x2  }
0x34: {  	p2 =	slt.u32 s13, $0x3  }
0x35: {  	p3 =	seq.s32 s19, $0x1  }
.Ltmp5:
0x36: {  	_ = 	snop;
	(pc) =	sbr.rel @!p3 .LBB2_4-.Ltmp5, $1  }
0x37: {  	_ =	sdelay $0x3  }
0x38: {  	_ =	swait.ge [sflag:s29], $0x80  }
0x39: {  	[sflag:s29] =	ssyncset.done $0x0  }
0x3a: {  	[sflag:s29] =	ssyncadd.s32 $0xFFFFFF80  }
0x3b: {  	_ =	swait.ge [sflag:s30], $0x80  }
0x3c: {  	[sflag:s30] =	ssyncset.done $0x0  }
0x3d: {  	s0 =	simm.s32 @!p2 $0xB;
	[sflag:s30] =	ssyncadd.s32 $0xFFFFFF80  }
0x3e: {  	_ =	swait.ge @!p2 [sflag:s0], $0x4000  }
0x3f: {  	[sflag:s0] =	ssyncset.done @!p2 $0x0  }
0x40: {  	[sflag:s0] =	ssyncadd.s32 @!p2 $0xFFFFC000  }
0x41: {  	[tilespmem:s24], [sflag:$0x8] =	stream.indirect.gather [hbm4b:s1+s18], $0x80, s18, s18, $0xb8;
	[tilespmem:$0x18400] =	vst v63  }
0x42: {  	s31 =	simm.s32 $0x280;
	s19 =	simm.s32 $0x10400  }
0x43: {  	[tilespmem:s19], [sflag:$0x8] =	stream.indirect.gather [hbm4b:s4+s18], $0x80, s31, s18, $0xb8;
	[tilespmem:$0x18400] =	vst v63  }
0x44: {  	s19 =	sadd.s32 $0x1, s13  }
0x45: {  	p2 =	sge.u32 s19, s8  }
0x46: {  	s0 =	sshll.u32 @!p2 s19, $0xC  }
0x47: {  	s0 =	sor.u32 @!p2 s11, s0  }
0x48: {  	s0 =	sshrl.u32 @!p2 s0, $0x3  }
0x49: {  	s22 =	simm.s32 @!p2 $0x0;
	s31 =	simm.s32 @!p2 $0x100;
	s21 =	sadd.s32 @!p2 s5, s0  }
0x4a: {  	[tilespmem:s31], [sflag:$0x3] =	stream.linear.gather @!p2 [hbm4b:s21+s22], $0x80, $0x38;
	[tilespmem:$0x18400] =	vst v63  }
0x4b: {  	s0 =	sadd.s32 @!p2 s6, s0;
	s21 =	simm.s32 @!p2 $0x300  }
0x4c: {  	[tilespmem:s21], [sflag:$0x6] =	stream.linear.gather @!p2 [hbm4b:s0+s22], $0x80, $0x38;
	[tilespmem:$0x18400] =	vst v63  }
0x4d: {  	_ =	swait.ge [sflag:s26], $0x4000  }
0x4e: {  	[sflag:s26] =	ssyncset.done $0x0  }
0x4f: {  	[sflag:s26] =	ssyncadd.s32 $0xFFFFC000  }
0x50: {  	_ =	swait.ge [sflag:s26], $0x4000  }
0x51: {  	[sflag:s26] =	ssyncset.done $0x0  }
0x52: {  	s21 =	simm.s32 $0x0;
	[sflag:s26] =	ssyncadd.s32 $0xFFFFC000  }
0x53: {  	v7 =	vld [tilespmem:s21+$0xC400]  }
0x54: {  	v11 =	vld [tilespmem:s21+$0xC410]  }
0x55: {  	v5 =	vld [tilespmem:s21+$0xC420]  }
0x56: {  	v4 =	vld [tilespmem:s21+$0xC430]  }
0x57: {  	v3 =	vld [tilespmem:s21+$0xC440]  }
0x58: {  	v2 =	vld [tilespmem:s21+$0xC450]  }
0x59: {  	v1 =	vld [tilespmem:s21+$0xC460]  }
0x5a: {  	v0 =	vld [tilespmem:s21+$0xC470]  }
0x5b: {  	v12 =	vld [tilespmem:s21+$0x400]  }
0x5c: {  	v13 =	vld [tilespmem:s21+$0x410]  }
0x5d: {  	v10 =	vld [tilespmem:s21+$0x420]  }
0x5e: {  	v9 =	vld [tilespmem:s21+$0x430]  }
0x5f: {  	v8 =	vld [tilespmem:s21+$0x440]  }
0x60: {  	v6 =	vld [tilespmem:s21+$0x450];
	v12 =	vadd.f32 v7, v12  }
0x61: {  	s22 =	simm.s32 $0x200;
	v11 =	vadd.f32 v11, v13;
	v7 =	vld [tilespmem:s21+$0x460]  }
.LBB2_10:
0x62: {  	s0 =	sshra.s32 s22, $0x2;
	p2 =	sne.s32 s22, $0xFE00;
	[tilespmem:s21+$0x400] =	vst v12;
	v5 =	vadd.f32 v5, v10;
	v10 =	vld [tilespmem:s21+$0x470]  }
0x63: {  	v12 =	vld [tilespmem:s0+$0xC400];
	[tilespmem:s21+$0x410] =	vst v11;
	v4 =	vadd.f32 v4, v9  }
0x64: {  	v11 =	vld [tilespmem:s0+$0xC410];
	[tilespmem:s21+$0x420] =	vst v5;
	v3 =	vadd.f32 v3, v8  }
0x65: {  	v5 =	vld [tilespmem:s0+$0xC420];
	[tilespmem:s21+$0x430] =	vst v4;
	v2 =	vadd.f32 v2, v6  }
0x66: {  	v4 =	vld [tilespmem:s0+$0xC430];
	[tilespmem:s21+$0x440] =	vst v3;
	v1 =	vadd.f32 v1, v7  }
0x67: {  	v3 =	vld [tilespmem:s0+$0xC440];
	[tilespmem:s21+$0x450] =	vst v2;
	v0 =	vadd.f32 v0, v10  }
0x68: {  	v2 =	vld [tilespmem:s0+$0xC450];
	[tilespmem:s21+$0x460] =	vst v1  }
0x69: {  	v1 =	vld [tilespmem:s0+$0xC460];
	[tilespmem:s21+$0x470] =	vst v0;
	s21 =	smov.u32 s0  }
0x6a: {  	v0 =	vld [tilespmem:s21+$0xC470]  }
0x6b: {  	v6 =	vld [tilespmem:s21+$0x400]  }
0x6c: {  	v7 =	vld [tilespmem:s21+$0x410]  }
.Ltmp6:
0x6d: {  	v10 =	vld [tilespmem:s21+$0x420];
	(pc) =	sbr.rel @p2 .LBB2_10-.Ltmp6, $4  }
0x6e: {  	v9 =	vld [tilespmem:s21+$0x430]  }
0x6f: {  	v8 =	vld [tilespmem:s21+$0x440]  }
0x70: {  	v12 =	vadd.f32 v12, v6;
	v6 =	vld [tilespmem:s21+$0x450]  }
0x71: {  	s22 =	sadd.s32 $0x200, s22;
	v11 =	vadd.f32 v11, v7;
	v7 =	vld [tilespmem:s21+$0x460]  }
0x72: {  	[tilespmem:s21+$0x400] =	vst v12;
	v5 =	vadd.f32 v5, v10;
	v63 =	vld [tilespmem:s21+$0x470]  }
0x73: {  	[tilespmem:s21+$0x410] =	vst v11;
	v4 =	vadd.f32 v4, v9  }
0x74: {  	[tilespmem:s21+$0x420] =	vst v5;
	v3 =	vadd.f32 v3, v8  }
0x75: {  	[tilespmem:s21+$0x430] =	vst v4;
	v2 =	vadd.f32 v2, v6  }
.Ltmp7:
0x76: {  	s0 =	sshll.u32 s13, $0x10;
	[tilespmem:s21+$0x440] =	vst v3;
	v1 =	vadd.f32 v1, v7;
	(pc) =	sbr.rel .LBB2_17-.Ltmp7, $4  }
0x77: {  	s0 =	sadd.s32 s14, s0;
	[tilespmem:s21+$0x450] =	vst v2;
	v0 =	vadd.f32 v0, v63  }
0x78: {  	s0 =	sand.u32 $0x1FFFF800, s0;
	[tilespmem:s21+$0x460] =	vst v1  }
0x79: {  	s0 =	sadd.s32 s7, s0;
	[tilespmem:s21+$0x470] =	vst v0  }
0x7a: {  	[hbm4b:s0+s2] =	stream.linear.scatter [tilespmem:s28], [sflag:$0xA], $0x4000, $0x38;
	[tilespmem:$0x18400] =	vst v63  }
.LBB2_12:
0x7b: {  	_ =	swait.ge [sflag:s16], $0x80  }
0x7c: {  	[sflag:s16] =	ssyncset.done $0x0  }
0x7d: {  	[sflag:s16] =	ssyncadd.s32 $0xFFFFFF80  }
0x7e: {  	_ =	swait.ge [sflag:s17], $0x80  }
0x7f: {  	[sflag:s17] =	ssyncset.done $0x0  }
0x80: {  	s0 =	simm.s32 @!p2 $0xC;
	[sflag:s17] =	ssyncadd.s32 $0xFFFFFF80  }
0x81: {  	_ =	swait.ge @!p2 [sflag:s0], $0x4000  }
0x82: {  	[sflag:s0] =	ssyncset.done @!p2 $0x0  }
0x83: {  	s22 =	simm.s32 $0x100;
	[sflag:s0] =	ssyncadd.s32 @!p2 $0xFFFFC000  }
0x84: {  	[tilespmem:s20], [sflag:$0x9] =	stream.indirect.gather [hbm4b:s1+s18], $0x80, s22, s18, $0xb8;
	[tilespmem:$0x18400] =	vst v63  }
0x85: {  	s31 =	simm.s32 $0x300;
	s19 =	simm.s32 $0x14400  }
0x86: {  	[tilespmem:s19], [sflag:$0x9] =	stream.indirect.gather [hbm4b:s4+s18], $0x80, s31, s18, $0xb8;
	[tilespmem:$0x18400] =	vst v63  }
0x87: {  	s19 =	sadd.s32 $0x1, s13  }
0x88: {  	p2 =	sge.u32 s19, s8  }
0x89: {  	s0 =	sshll.u32 @!p2 s19, $0xC  }
0x8a: {  	s0 =	sor.u32 @!p2 s11, s0  }
0x8b: {  	s0 =	sshrl.u32 @!p2 s0, $0x3  }
0x8c: {  	s22 =	simm.s32 @!p2 $0x0;
	s21 =	sadd.s32 @!p2 s5, s0  }
0x8d: {  	[tilespmem:s22], [sflag:$0x1] =	stream.linear.gather @!p2 [hbm4b:s21+s22], $0x80, $0x38;
	[tilespmem:$0x18400] =	vst v63  }
0x8e: {  	s0 =	sadd.s32 @!p2 s6, s0;
	s21 =	simm.s32 @!p2 $0x200  }
0x8f: {  	[tilespmem:s21], [sflag:$0x4] =	stream.linear.gather @!p2 [hbm4b:s0+s22], $0x80, $0x38;
	[tilespmem:$0x18400] =	vst v63  }
0x90: {  	p2 =	seq.s32 s13, $0x0  }
.Ltmp8:
0x91: {  	_ = 	snop;
	(pc) =	sbr.rel @p2 .LBB2_13-.Ltmp8, $1  }
0x92: {  	_ =	sdelay $0x3  }
0x93: {  	_ =	swait.ge [sflag:s23], $0x4000  }
0x94: {  	[sflag:s23] =	ssyncset.done $0x0  }
0x95: {  	[sflag:s23] =	ssyncadd.s32 $0xFFFFC000  }
0x96: {  	_ =	swait.ge [sflag:s23], $0x4000  }
0x97: {  	[sflag:s23] =	ssyncset.done $0x0  }
0x98: {  	s21 =	simm.s32 $0x0;
	[sflag:s23] =	ssyncadd.s32 $0xFFFFC000  }
0x99: {  	v7 =	vld [tilespmem:s21+$0x10400]  }
0x9a: {  	v11 =	vld [tilespmem:s21+$0x10410]  }
0x9b: {  	v5 =	vld [tilespmem:s21+$0x10420]  }
0x9c: {  	v4 =	vld [tilespmem:s21+$0x10430]  }
0x9d: {  	v3 =	vld [tilespmem:s21+$0x10440]  }
0x9e: {  	v2 =	vld [tilespmem:s21+$0x10450]  }
0x9f: {  	v1 =	vld [tilespmem:s21+$0x10460]  }
0xa0: {  	v0 =	vld [tilespmem:s21+$0x10470]  }
0xa1: {  	v12 =	vld [tilespmem:s21+$0x4400]  }
0xa2: {  	v13 =	vld [tilespmem:s21+$0x4410]  }
0xa3: {  	v10 =	vld [tilespmem:s21+$0x4420]  }
0xa4: {  	v9 =	vld [tilespmem:s21+$0x4430]  }
0xa5: {  	v8 =	vld [tilespmem:s21+$0x4440]  }
0xa6: {  	v6 =	vld [tilespmem:s21+$0x4450];
	v12 =	vadd.f32 v7, v12  }
0xa7: {  	s22 =	simm.s32 $0x200;
	v11 =	vadd.f32 v11, v13;
	v7 =	vld [tilespmem:s21+$0x4460]  }
.LBB2_15:
0xa8: {  	s0 =	sshra.s32 s22, $0x2;
	p2 =	sne.s32 s22, $0xFE00;
	[tilespmem:s21+$0x4400] =	vst v12;
	v5 =	vadd.f32 v5, v10;
	v10 =	vld [tilespmem:s21+$0x4470]  }
0xa9: {  	v12 =	vld [tilespmem:s0+$0x10400];
	[tilespmem:s21+$0x4410] =	vst v11;
	v4 =	vadd.f32 v4, v9  }
0xaa: {  	v11 =	vld [tilespmem:s0+$0x10410];
	[tilespmem:s21+$0x4420] =	vst v5;
	v3 =	vadd.f32 v3, v8  }
0xab: {  	v5 =	vld [tilespmem:s0+$0x10420];
	[tilespmem:s21+$0x4430] =	vst v4;
	v2 =	vadd.f32 v2, v6  }
0xac: {  	v4 =	vld [tilespmem:s0+$0x10430];
	[tilespmem:s21+$0x4440] =	vst v3;
	v1 =	vadd.f32 v1, v7  }
0xad: {  	v3 =	vld [tilespmem:s0+$0x10440];
	[tilespmem:s21+$0x4450] =	vst v2;
	v0 =	vadd.f32 v0, v10  }
0xae: {  	v2 =	vld [tilespmem:s0+$0x10450];
	[tilespmem:s21+$0x4460] =	vst v1  }
0xaf: {  	v1 =	vld [tilespmem:s0+$0x10460];
	[tilespmem:s21+$0x4470] =	vst v0;
	s21 =	smov.u32 s0  }
0xb0: {  	v0 =	vld [tilespmem:s21+$0x10470]  }
0xb1: {  	v6 =	vld [tilespmem:s21+$0x4400]  }
0xb2: {  	v7 =	vld [tilespmem:s21+$0x4410]  }
.Ltmp9:
0xb3: {  	v10 =	vld [tilespmem:s21+$0x4420];
	(pc) =	sbr.rel @p2 .LBB2_15-.Ltmp9, $4  }
0xb4: {  	v9 =	vld [tilespmem:s21+$0x4430]  }
0xb5: {  	v8 =	vld [tilespmem:s21+$0x4440]  }
0xb6: {  	v12 =	vadd.f32 v12, v6;
	v6 =	vld [tilespmem:s21+$0x4450]  }
0xb7: {  	s22 =	sadd.s32 $0x200, s22;
	v11 =	vadd.f32 v11, v7;
	v7 =	vld [tilespmem:s21+$0x4460]  }
0xb8: {  	[tilespmem:s21+$0x4400] =	vst v12;
	v5 =	vadd.f32 v5, v10;
	v63 =	vld [tilespmem:s21+$0x4470]  }
0xb9: {  	[tilespmem:s21+$0x4410] =	vst v11;
	v4 =	vadd.f32 v4, v9  }
0xba: {  	[tilespmem:s21+$0x4420] =	vst v5;
	v3 =	vadd.f32 v3, v8  }
0xbb: {  	[tilespmem:s21+$0x4430] =	vst v4;
	v2 =	vadd.f32 v2, v6  }
.Ltmp10:
0xbc: {  	s0 =	sshll.u32 s13, $0x10;
	[tilespmem:s21+$0x4440] =	vst v3;
	v1 =	vadd.f32 v1, v7;
	(pc) =	sbr.rel .LBB2_17-.Ltmp10, $4  }
0xbd: {  	s0 =	sadd.s32 s14, s0;
	[tilespmem:s21+$0x4450] =	vst v2;
	v0 =	vadd.f32 v0, v63  }
0xbe: {  	s0 =	sand.u32 $0x1FFFF800, s0;
	[tilespmem:s21+$0x4460] =	vst v1  }
0xbf: {  	s0 =	sadd.s32 s7, s0;
	[tilespmem:s21+$0x4470] =	vst v0  }
0xc0: {  	[hbm4b:s0+s2] =	stream.linear.scatter [tilespmem:s24], [sflag:$0xB], $0x4000, $0x38;
	[tilespmem:$0x18400] =	vst v63  }
.LBB2_4:
0xc1: {  	_ =	swait.ge [sflag:s3], $0x80  }
0xc2: {  	[sflag:s3] =	ssyncset.done $0x0  }
0xc3: {  	[sflag:s3] =	ssyncadd.s32 $0xFFFFFF80  }
0xc4: {  	_ =	swait.ge [sflag:s9], $0x80  }
0xc5: {  	[sflag:s9] =	ssyncset.done $0x0  }
0xc6: {  	s19 =	simm.s32 @!p2 $0xA;
	[sflag:s9] =	ssyncadd.s32 $0xFFFFFF80  }
0xc7: {  	_ =	swait.ge @!p2 [sflag:s19], $0x4000  }
0xc8: {  	[sflag:s19] =	ssyncset.done @!p2 $0x0  }
0xc9: {  	[sflag:s19] =	ssyncadd.s32 @!p2 $0xFFFFC000;
	s19 =	sadd.s32 $0x1, s13  }
0xca: {  	[tilespmem:s28], [sflag:$0x7] =	stream.indirect.gather [hbm4b:s1+s18], $0x80, s2, s18, $0xb8;
	[tilespmem:$0x18400] =	vst v63  }
0xcb: {  	p2 =	sge.u32 s19, s8  }
0xcc: {  	s21 =	sshll.u32 @!p2 s19, $0xC  }
0xcd: {  	[tilespmem:s10], [sflag:$0x7] =	stream.indirect.gather [hbm4b:s4+s18], $0x80, s15, s18, $0xb8;
	[tilespmem:$0x18400] =	vst v63  }
0xce: {  	s21 =	sor.u32 @!p2 s11, s21  }
0xcf: {  	s21 =	sshrl.u32 @!p2 s21, $0x3  }
0xd0: {  	s31 =	simm.s32 @!p2 $0x0;
	s0 =	simm.s32 @!p2 $0x80;
	s22 =	sadd.s32 @!p2 s5, s21  }
0xd1: {  	[tilespmem:s0], [sflag:$0x2] =	stream.linear.gather @!p2 [hbm4b:s22+s31], $0x80, $0x38;
	[tilespmem:$0x18400] =	vst v63  }
0xd2: {  	s0 =	sadd.s32 @!p2 s6, s21;
	s21 =	simm.s32 @!p2 $0x280  }
0xd3: {  	[tilespmem:s21], [sflag:$0x5] =	stream.linear.gather @!p2 [hbm4b:s0+s31], $0x80, $0x38;
	[tilespmem:$0x18400] =	vst v63  }
0xd4: {  	p2 =	seq.s32 s13, $0x0  }
.Ltmp11:
0xd5: {  	_ = 	snop;
	(pc) =	sbr.rel @p2 .LBB2_5-.Ltmp11, $1  }
0xd6: {  	_ =	sdelay $0x3  }
0xd7: {  	_ =	swait.ge [sflag:s25], $0x4000  }
0xd8: {  	[sflag:s25] =	ssyncset.done $0x0  }
0xd9: {  	[sflag:s25] =	ssyncadd.s32 $0xFFFFC000  }
0xda: {  	_ =	swait.ge [sflag:s25], $0x4000  }
0xdb: {  	[sflag:s25] =	ssyncset.done $0x0  }
0xdc: {  	s21 =	simm.s32 $0x0;
	[sflag:s25] =	ssyncadd.s32 $0xFFFFC000  }
0xdd: {  	v7 =	vld [tilespmem:s21+$0x14400]  }
0xde: {  	v11 =	vld [tilespmem:s21+$0x14410]  }
0xdf: {  	v5 =	vld [tilespmem:s21+$0x14420]  }
0xe0: {  	v4 =	vld [tilespmem:s21+$0x14430]  }
0xe1: {  	v3 =	vld [tilespmem:s21+$0x14440]  }
0xe2: {  	v2 =	vld [tilespmem:s21+$0x14450]  }
0xe3: {  	v1 =	vld [tilespmem:s21+$0x14460]  }
0xe4: {  	v0 =	vld [tilespmem:s21+$0x14470]  }
0xe5: {  	v12 =	vld [tilespmem:s21+$0x8400]  }
0xe6: {  	v13 =	vld [tilespmem:s21+$0x8410]  }
0xe7: {  	v10 =	vld [tilespmem:s21+$0x8420]  }
0xe8: {  	v9 =	vld [tilespmem:s21+$0x8430]  }
0xe9: {  	v8 =	vld [tilespmem:s21+$0x8440]  }
0xea: {  	v6 =	vld [tilespmem:s21+$0x8450];
	v12 =	vadd.f32 v7, v12  }
0xeb: {  	s22 =	simm.s32 $0x200;
	v11 =	vadd.f32 v11, v13;
	v7 =	vld [tilespmem:s21+$0x8460]  }
.LBB2_7:
0xec: {  	s0 =	sshra.s32 s22, $0x2;
	p2 =	sne.s32 s22, $0xFE00;
	[tilespmem:s21+$0x8400] =	vst v12;
	v5 =	vadd.f32 v5, v10;
	v10 =	vld [tilespmem:s21+$0x8470]  }
0xed: {  	v12 =	vld [tilespmem:s0+$0x14400];
	[tilespmem:s21+$0x8410] =	vst v11;
	v4 =	vadd.f32 v4, v9  }
0xee: {  	v11 =	vld [tilespmem:s0+$0x14410];
	[tilespmem:s21+$0x8420] =	vst v5;
	v3 =	vadd.f32 v3, v8  }
0xef: {  	v5 =	vld [tilespmem:s0+$0x14420];
	[tilespmem:s21+$0x8430] =	vst v4;
	v2 =	vadd.f32 v2, v6  }
0xf0: {  	v4 =	vld [tilespmem:s0+$0x14430];
	[tilespmem:s21+$0x8440] =	vst v3;
	v1 =	vadd.f32 v1, v7  }
0xf1: {  	v3 =	vld [tilespmem:s0+$0x14440];
	[tilespmem:s21+$0x8450] =	vst v2;
	v0 =	vadd.f32 v0, v10  }
0xf2: {  	v2 =	vld [tilespmem:s0+$0x14450];
	[tilespmem:s21+$0x8460] =	vst v1  }
0xf3: {  	v1 =	vld [tilespmem:s0+$0x14460];
	[tilespmem:s21+$0x8470] =	vst v0;
	s21 =	smov.u32 s0  }
0xf4: {  	v0 =	vld [tilespmem:s21+$0x14470]  }
0xf5: {  	v6 =	vld [tilespmem:s21+$0x8400]  }
0xf6: {  	v7 =	vld [tilespmem:s21+$0x8410]  }
.Ltmp12:
0xf7: {  	v10 =	vld [tilespmem:s21+$0x8420];
	(pc) =	sbr.rel @p2 .LBB2_7-.Ltmp12, $4  }
0xf8: {  	v9 =	vld [tilespmem:s21+$0x8430]  }
0xf9: {  	v8 =	vld [tilespmem:s21+$0x8440]  }
0xfa: {  	v12 =	vadd.f32 v12, v6;
	v6 =	vld [tilespmem:s21+$0x8450]  }
0xfb: {  	s22 =	sadd.s32 $0x200, s22;
	v11 =	vadd.f32 v11, v7;
	v7 =	vld [tilespmem:s21+$0x8460]  }
0xfc: {  	[tilespmem:s21+$0x8400] =	vst v12;
	v5 =	vadd.f32 v5, v10;
	v63 =	vld [tilespmem:s21+$0x8470]  }
0xfd: {  	[tilespmem:s21+$0x8410] =	vst v11;
	v4 =	vadd.f32 v4, v9  }
0xfe: {  	[tilespmem:s21+$0x8420] =	vst v5;
	v3 =	vadd.f32 v3, v8  }
0xff: {  	[tilespmem:s21+$0x8430] =	vst v4;
	v2 =	vadd.f32 v2, v6  }
.Ltmp13:
0x100: {  	s0 =	sshll.u32 s13, $0x10;
	[tilespmem:s21+$0x8440] =	vst v3;
	v1 =	vadd.f32 v1, v7;
	(pc) =	sbr.rel .LBB2_17-.Ltmp13, $4  }
0x101: {  	s0 =	sadd.s32 s14, s0;
	[tilespmem:s21+$0x8450] =	vst v2;
	v0 =	vadd.f32 v0, v63  }
0x102: {  	s0 =	sand.u32 $0x1FFFF800, s0;
	[tilespmem:s21+$0x8460] =	vst v1  }
0x103: {  	s0 =	sadd.s32 s7, s0;
	[tilespmem:s21+$0x8470] =	vst v0  }
0x104: {  	[hbm4b:s0+s2] =	stream.linear.scatter [tilespmem:s20], [sflag:$0xC], $0x4000, $0x38;
	[tilespmem:$0x18400] =	vst v63  }
.LBB2_5:
.Ltmp14:
0x105: {  	(pc) =	sbr.rel .LBB2_17-.Ltmp14, $2  }
0x106: {  	_ =	sdelay $0x2  }
0x107: {  	s19 =	simm.s32 $0x1  }
.LBB2_18:
.Ltmp15:
0x108: {  	(pc) =	sbr.rel @p0 .LBB2_26-.Ltmp15, $1  }
0x109: {  	_ =	sdelay $0x3  }
.Ltmp16:
0x10a: {  	(pc) =	sbr.rel @!p1 .LBB2_20-.Ltmp16, $1  }
0x10b: {  	_ =	sdelay $0x3  }
0x10c: {  	_ =	swait.ge [sflag:s23], $0x4000  }
0x10d: {  	[sflag:s23] =	ssyncset.done $0x0  }
0x10e: {  	[sflag:s23] =	ssyncadd.s32 $0xFFFFC000  }
0x10f: {  	_ =	swait.ge [sflag:s23], $0x4000  }
0x110: {  	[sflag:s23] =	ssyncset.done $0x0  }
0x111: {  	s13 =	simm.s32 $0x0;
	[sflag:s23] =	ssyncadd.s32 $0xFFFFC000  }
0x112: {  	v7 =	vld [tilespmem:s13+$0x10400]  }
0x113: {  	v11 =	vld [tilespmem:s13+$0x10410]  }
0x114: {  	v5 =	vld [tilespmem:s13+$0x10420]  }
0x115: {  	v4 =	vld [tilespmem:s13+$0x10430]  }
0x116: {  	v3 =	vld [tilespmem:s13+$0x10440]  }
0x117: {  	v2 =	vld [tilespmem:s13+$0x10450]  }
0x118: {  	v1 =	vld [tilespmem:s13+$0x10460]  }
0x119: {  	v0 =	vld [tilespmem:s13+$0x10470]  }
0x11a: {  	v12 =	vld [tilespmem:s13+$0x4400]  }
0x11b: {  	v13 =	vld [tilespmem:s13+$0x4410]  }
0x11c: {  	v10 =	vld [tilespmem:s13+$0x4420]  }
0x11d: {  	v9 =	vld [tilespmem:s13+$0x4430]  }
0x11e: {  	v8 =	vld [tilespmem:s13+$0x4440]  }
0x11f: {  	v6 =	vld [tilespmem:s13+$0x4450];
	v12 =	vadd.f32 v7, v12  }
0x120: {  	s19 =	simm.s32 $0x200;
	v11 =	vadd.f32 v11, v13;
	v7 =	vld [tilespmem:s13+$0x4460]  }
.LBB2_24:
0x121: {  	s0 =	sshra.s32 s19, $0x2;
	p2 =	sne.s32 s19, $0xFE00;
	[tilespmem:s13+$0x4400] =	vst v12;
	v5 =	vadd.f32 v5, v10;
	v10 =	vld [tilespmem:s13+$0x4470]  }
0x122: {  	v12 =	vld [tilespmem:s0+$0x10400];
	[tilespmem:s13+$0x4410] =	vst v11;
	v4 =	vadd.f32 v4, v9  }
0x123: {  	v11 =	vld [tilespmem:s0+$0x10410];
	[tilespmem:s13+$0x4420] =	vst v5;
	v3 =	vadd.f32 v3, v8  }
0x124: {  	v5 =	vld [tilespmem:s0+$0x10420];
	[tilespmem:s13+$0x4430] =	vst v4;
	v2 =	vadd.f32 v2, v6  }
0x125: {  	v4 =	vld [tilespmem:s0+$0x10430];
	[tilespmem:s13+$0x4440] =	vst v3;
	v1 =	vadd.f32 v1, v7  }
0x126: {  	v3 =	vld [tilespmem:s0+$0x10440];
	[tilespmem:s13+$0x4450] =	vst v2;
	v0 =	vadd.f32 v0, v10  }
0x127: {  	v2 =	vld [tilespmem:s0+$0x10450];
	[tilespmem:s13+$0x4460] =	vst v1  }
0x128: {  	v1 =	vld [tilespmem:s0+$0x10460];
	[tilespmem:s13+$0x4470] =	vst v0;
	s13 =	smov.u32 s0  }
0x129: {  	v0 =	vld [tilespmem:s13+$0x10470]  }
0x12a: {  	v6 =	vld [tilespmem:s13+$0x4400]  }
0x12b: {  	v7 =	vld [tilespmem:s13+$0x4410]  }
.Ltmp17:
0x12c: {  	v10 =	vld [tilespmem:s13+$0x4420];
	(pc) =	sbr.rel @p2 .LBB2_24-.Ltmp17, $4  }
0x12d: {  	v9 =	vld [tilespmem:s13+$0x4430]  }
0x12e: {  	v8 =	vld [tilespmem:s13+$0x4440]  }
0x12f: {  	v12 =	vadd.f32 v12, v6;
	v6 =	vld [tilespmem:s13+$0x4450]  }
0x130: {  	s19 =	sadd.s32 $0x200, s19;
	v11 =	vadd.f32 v11, v7;
	v7 =	vld [tilespmem:s13+$0x4460]  }
0x131: {  	[tilespmem:s13+$0x4400] =	vst v12;
	v5 =	vadd.f32 v5, v10;
	v63 =	vld [tilespmem:s13+$0x4470]  }
0x132: {  	[tilespmem:s13+$0x4410] =	vst v11;
	v4 =	vadd.f32 v4, v9  }
0x133: {  	[tilespmem:s13+$0x4420] =	vst v5;
	v3 =	vadd.f32 v3, v8  }
0x134: {  	[tilespmem:s13+$0x4430] =	vst v4;
	v2 =	vadd.f32 v2, v6  }
.Ltmp18:
0x135: {  	[tilespmem:s13+$0x4440] =	vst v3;
	v1 =	vadd.f32 v1, v7;
	(pc) =	sbr.rel .LBB2_29-.Ltmp18, $4  }
0x136: {  	[tilespmem:s13+$0x4450] =	vst v2;
	v0 =	vadd.f32 v0, v63  }
0x137: {  	s0 =	rddreg [dreg:$0x5];
	[tilespmem:s13+$0x4460] =	vst v1  }
0x138: {  	s19 =	simm.s32 $0xA;
	s21 =	simm.s32 $0xC;
	[tilespmem:s13+$0x4470] =	vst v0;
	s13 =	simm.s32 $0xB  }
0x139: {  	[hbm4b:s0+s2] =	stream.linear.scatter [tilespmem:s24], [sflag:$0xB], $0x4000, $0x38;
	[tilespmem:$0x18400] =	vst v63  }
.LBB2_26:
0x13a: {  	_ =	swait.ge [sflag:s25], $0x4000  }
0x13b: {  	[sflag:s25] =	ssyncset.done $0x0  }
0x13c: {  	[sflag:s25] =	ssyncadd.s32 $0xFFFFC000  }
0x13d: {  	_ =	swait.ge [sflag:s25], $0x4000  }
0x13e: {  	[sflag:s25] =	ssyncset.done $0x0  }
0x13f: {  	s13 =	simm.s32 $0x0;
	[sflag:s25] =	ssyncadd.s32 $0xFFFFC000  }
0x140: {  	v7 =	vld [tilespmem:s13+$0x14400]  }
0x141: {  	v11 =	vld [tilespmem:s13+$0x14410]  }
0x142: {  	v5 =	vld [tilespmem:s13+$0x14420]  }
0x143: {  	v4 =	vld [tilespmem:s13+$0x14430]  }
0x144: {  	v3 =	vld [tilespmem:s13+$0x14440]  }
0x145: {  	v2 =	vld [tilespmem:s13+$0x14450]  }
0x146: {  	v1 =	vld [tilespmem:s13+$0x14460]  }
0x147: {  	v0 =	vld [tilespmem:s13+$0x14470]  }
0x148: {  	v12 =	vld [tilespmem:s13+$0x8400]  }
0x149: {  	v13 =	vld [tilespmem:s13+$0x8410]  }
0x14a: {  	v10 =	vld [tilespmem:s13+$0x8420]  }
0x14b: {  	v9 =	vld [tilespmem:s13+$0x8430]  }
0x14c: {  	v8 =	vld [tilespmem:s13+$0x8440]  }
0x14d: {  	v6 =	vld [tilespmem:s13+$0x8450];
	v12 =	vadd.f32 v7, v12  }
0x14e: {  	s19 =	simm.s32 $0x200;
	v11 =	vadd.f32 v11, v13;
	v7 =	vld [tilespmem:s13+$0x8460]  }
.LBB2_27:
0x14f: {  	s0 =	sshra.s32 s19, $0x2;
	p2 =	sne.s32 s19, $0xFE00;
	[tilespmem:s13+$0x8400] =	vst v12;
	v5 =	vadd.f32 v5, v10;
	v10 =	vld [tilespmem:s13+$0x8470]  }
0x150: {  	v12 =	vld [tilespmem:s0+$0x14400];
	[tilespmem:s13+$0x8410] =	vst v11;
	v4 =	vadd.f32 v4, v9  }
0x151: {  	v11 =	vld [tilespmem:s0+$0x14410];
	[tilespmem:s13+$0x8420] =	vst v5;
	v3 =	vadd.f32 v3, v8  }
0x152: {  	v5 =	vld [tilespmem:s0+$0x14420];
	[tilespmem:s13+$0x8430] =	vst v4;
	v2 =	vadd.f32 v2, v6  }
0x153: {  	v4 =	vld [tilespmem:s0+$0x14430];
	[tilespmem:s13+$0x8440] =	vst v3;
	v1 =	vadd.f32 v1, v7  }
0x154: {  	v3 =	vld [tilespmem:s0+$0x14440];
	[tilespmem:s13+$0x8450] =	vst v2;
	v0 =	vadd.f32 v0, v10  }
0x155: {  	v2 =	vld [tilespmem:s0+$0x14450];
	[tilespmem:s13+$0x8460] =	vst v1  }
0x156: {  	v1 =	vld [tilespmem:s0+$0x14460];
	[tilespmem:s13+$0x8470] =	vst v0;
	s13 =	smov.u32 s0  }
0x157: {  	v0 =	vld [tilespmem:s13+$0x14470]  }
0x158: {  	v6 =	vld [tilespmem:s13+$0x8400]  }
0x159: {  	v7 =	vld [tilespmem:s13+$0x8410]  }
.Ltmp19:
0x15a: {  	v10 =	vld [tilespmem:s13+$0x8420];
	(pc) =	sbr.rel @p2 .LBB2_27-.Ltmp19, $4  }
0x15b: {  	v9 =	vld [tilespmem:s13+$0x8430]  }
0x15c: {  	v8 =	vld [tilespmem:s13+$0x8440]  }
0x15d: {  	v12 =	vadd.f32 v12, v6;
	v6 =	vld [tilespmem:s13+$0x8450]  }
0x15e: {  	s19 =	sadd.s32 $0x200, s19;
	v11 =	vadd.f32 v11, v7;
	v7 =	vld [tilespmem:s13+$0x8460]  }
0x15f: {  	[tilespmem:s13+$0x8400] =	vst v12;
	v5 =	vadd.f32 v5, v10;
	v63 =	vld [tilespmem:s13+$0x8470]  }
0x160: {  	[tilespmem:s13+$0x8410] =	vst v11;
	v4 =	vadd.f32 v4, v9  }
0x161: {  	[tilespmem:s13+$0x8420] =	vst v5;
	v3 =	vadd.f32 v3, v8  }
0x162: {  	[tilespmem:s13+$0x8430] =	vst v4;
	v2 =	vadd.f32 v2, v6  }
.Ltmp20:
0x163: {  	[tilespmem:s13+$0x8440] =	vst v3;
	v1 =	vadd.f32 v1, v7;
	(pc) =	sbr.rel .LBB2_29-.Ltmp20, $4  }
0x164: {  	[tilespmem:s13+$0x8450] =	vst v2;
	v0 =	vadd.f32 v0, v63  }
0x165: {  	s0 =	rddreg [dreg:$0x5];
	[tilespmem:s13+$0x8460] =	vst v1  }
0x166: {  	s19 =	simm.s32 $0xB;
	s21 =	simm.s32 $0xA;
	[tilespmem:s13+$0x8470] =	vst v0;
	s13 =	simm.s32 $0xC  }
0x167: {  	[hbm4b:s0+s2] =	stream.linear.scatter [tilespmem:s20], [sflag:$0xC], $0x4000, $0x38;
	[tilespmem:$0x18400] =	vst v63  }
.LBB2_20:
0x168: {  	_ =	swait.ge [sflag:s26], $0x4000  }
0x169: {  	[sflag:s26] =	ssyncset.done $0x0  }
0x16a: {  	[sflag:s26] =	ssyncadd.s32 $0xFFFFC000  }
0x16b: {  	_ =	swait.ge [sflag:s26], $0x4000  }
0x16c: {  	[sflag:s26] =	ssyncset.done $0x0  }
0x16d: {  	s13 =	simm.s32 $0x0;
	[sflag:s26] =	ssyncadd.s32 $0xFFFFC000  }
0x16e: {  	v7 =	vld [tilespmem:s13+$0xC400]  }
0x16f: {  	v11 =	vld [tilespmem:s13+$0xC410]  }
0x170: {  	v5 =	vld [tilespmem:s13+$0xC420]  }
0x171: {  	v4 =	vld [tilespmem:s13+$0xC430]  }
0x172: {  	v3 =	vld [tilespmem:s13+$0xC440]  }
0x173: {  	v2 =	vld [tilespmem:s13+$0xC450]  }
0x174: {  	v1 =	vld [tilespmem:s13+$0xC460]  }
0x175: {  	v0 =	vld [tilespmem:s13+$0xC470]  }
0x176: {  	v12 =	vld [tilespmem:s13+$0x400]  }
0x177: {  	v13 =	vld [tilespmem:s13+$0x410]  }
0x178: {  	v10 =	vld [tilespmem:s13+$0x420]  }
0x179: {  	v9 =	vld [tilespmem:s13+$0x430]  }
0x17a: {  	v8 =	vld [tilespmem:s13+$0x440]  }
0x17b: {  	v6 =	vld [tilespmem:s13+$0x450];
	v12 =	vadd.f32 v7, v12  }
0x17c: {  	s19 =	simm.s32 $0x200;
	v11 =	vadd.f32 v11, v13;
	v7 =	vld [tilespmem:s13+$0x460]  }
.LBB2_21:
0x17d: {  	s0 =	sshra.s32 s19, $0x2;
	p2 =	sne.s32 s19, $0xFE00;
	[tilespmem:s13+$0x400] =	vst v12;
	v5 =	vadd.f32 v5, v10;
	v10 =	vld [tilespmem:s13+$0x470]  }
0x17e: {  	v12 =	vld [tilespmem:s0+$0xC400];
	[tilespmem:s13+$0x410] =	vst v11;
	v4 =	vadd.f32 v4, v9  }
0x17f: {  	v11 =	vld [tilespmem:s0+$0xC410];
	[tilespmem:s13+$0x420] =	vst v5;
	v3 =	vadd.f32 v3, v8  }
0x180: {  	v5 =	vld [tilespmem:s0+$0xC420];
	[tilespmem:s13+$0x430] =	vst v4;
	v2 =	vadd.f32 v2, v6  }
0x181: {  	v4 =	vld [tilespmem:s0+$0xC430];
	[tilespmem:s13+$0x440] =	vst v3;
	v1 =	vadd.f32 v1, v7  }
0x182: {  	v3 =	vld [tilespmem:s0+$0xC440];
	[tilespmem:s13+$0x450] =	vst v2;
	v0 =	vadd.f32 v0, v10  }
0x183: {  	v2 =	vld [tilespmem:s0+$0xC450];
	[tilespmem:s13+$0x460] =	vst v1  }
0x184: {  	v1 =	vld [tilespmem:s0+$0xC460];
	[tilespmem:s13+$0x470] =	vst v0;
	s13 =	smov.u32 s0  }
0x185: {  	v0 =	vld [tilespmem:s13+$0xC470]  }
0x186: {  	v6 =	vld [tilespmem:s13+$0x400]  }
0x187: {  	v7 =	vld [tilespmem:s13+$0x410]  }
.Ltmp21:
0x188: {  	v10 =	vld [tilespmem:s13+$0x420];
	(pc) =	sbr.rel @p2 .LBB2_21-.Ltmp21, $4  }
0x189: {  	v9 =	vld [tilespmem:s13+$0x430]  }
0x18a: {  	v8 =	vld [tilespmem:s13+$0x440]  }
0x18b: {  	v12 =	vadd.f32 v12, v6;
	v6 =	vld [tilespmem:s13+$0x450]  }
0x18c: {  	s19 =	sadd.s32 $0x200, s19;
	v11 =	vadd.f32 v11, v7;
	v7 =	vld [tilespmem:s13+$0x460]  }
0x18d: {  	[tilespmem:s13+$0x400] =	vst v12;
	v5 =	vadd.f32 v5, v10;
	v63 =	vld [tilespmem:s13+$0x470]  }
0x18e: {  	[tilespmem:s13+$0x410] =	vst v11;
	v4 =	vadd.f32 v4, v9  }
0x18f: {  	[tilespmem:s13+$0x420] =	vst v5;
	v3 =	vadd.f32 v3, v8  }
0x190: {  	[tilespmem:s13+$0x430] =	vst v4;
	v2 =	vadd.f32 v2, v6  }
.Ltmp22:
0x191: {  	[tilespmem:s13+$0x440] =	vst v3;
	v1 =	vadd.f32 v1, v7;
	(pc) =	sbr.rel .LBB2_29-.Ltmp22, $4  }
0x192: {  	[tilespmem:s13+$0x450] =	vst v2;
	v0 =	vadd.f32 v0, v63  }
0x193: {  	s0 =	rddreg [dreg:$0x5];
	[tilespmem:s13+$0x460] =	vst v1  }
0x194: {  	s19 =	simm.s32 $0xC;
	s21 =	simm.s32 $0xB;
	[tilespmem:s13+$0x470] =	vst v0;
	s13 =	simm.s32 $0xA  }
0x195: {  	[hbm4b:s0+s2] =	stream.linear.scatter [tilespmem:s28], [sflag:$0xA], $0x4000, $0x38;
	[tilespmem:$0x18400] =	vst v63  }
.LBB2_30:
0x196: {  	_ =	sfence.sel $0x180000  }
0x197: {  	[bflag:$0x0] =	sbarrier.arrive $0xFFFF  }
0x198: {  	_ =	strace $0x9000004A  }
0x199: {  	s0 =	stileid.u32;
	[bflag:$0x2] =	sbarrier.arrive $0xFFFF  }
0x19a: {  	p0 =	sne.s32 s0, $0x0;
	s0 =	rddreg [dreg:$0x2]  }
0x19b: {  	s0 =	sadd.s32 @!p0 $0x100000, s0  }
0x19c: {  	[sflag:s0] =	ssyncadd.tile.s32 @!p0 $0x1;
	_ =	shalt  }
.Lfunc_end2:
_tile_overlayer_lowered:
.L_overlay_start_2:
0x19d: {  	(tag) =	ssettag $0x2  }
0x19e: {  	s0 =	rddreg [dreg:$0x0];
	s2 =	stileid.u32  }
0x19f: {  	s1 =	rddreg [dreg:$0x1];
	p0 =	sne.s32 s2, $0x0  }
0x1a0: {  	s3 =	rddreg [dreg:$0x2];
	[bflag:$0x3] =	sbarrier.arrive $0xFFFF;
	s2 =	simm.s32 @!p0 $0x1C0D  }
0x1a1: {  	[timem:s3], [sflag:s2] =	dma.local @!p0 [hbm:s0], s1  }
0x1a2: {  	s0 =	simm.s32 @!p0 $0xD  }
0x1a3: {  	_ =	swait.ge @!p0 [sflag:s0], s1  }
0x1a4: {  	s1 =	ssub.s32 @!p0 $0x0, s1;
	[sflag:s0] =	ssyncset.done @!p0 $0x0  }
0x1a5: {  	[sflag:s0] =	ssyncadd.s32 @!p0 s1  }
0x1a6: {  	[bflag:$0x3] =	sbarrier.arrive $0xFFFF  }
0x1a7: {  	_ =	shalt  }

</sc_bundles>
